<compile_context>
chip_gen: v7x
topology: tpu7x:2x2x1
jax: 0.10.2.dev20260603
libtpu: 0.0.44.dev20260713+nightly
codegen_flags: <defaults>
</compile_context>

<pallas_src>
import jax
import jax.numpy as jnp
from jax import lax
from jax.experimental import pallas as pl
from jax.experimental.pallas import tpu as pltpu
from jax.experimental.pallas import tpu_sc as plsc

NC = 2
NS = 16
L = 16
NW = NC * NS

D = 128
HD = D // 2
CHUNK = 64
NBUF = 4
UNROLL = 4


def _sc_body(h_hbm, r_hbm, t_hbm, ent_hbm, rel_hbm, out_hbm,
             hidx, ridx, tidx, bufrows, partials, outv, sem_idx,
             sem0, sem1, sem2, sem3):
    sems = (sem0, sem1, sem2, sem3)
    rows_per_w = out_hbm.shape[0] // NW
    n_chunks = rows_per_w // CHUNK
    wid = lax.axis_index("s") * NC + lax.axis_index("c")
    base = wid * rows_per_w

    for src, dst in ((h_hbm, hidx), (r_hbm, ridx), (t_hbm, tidx)):
        pltpu.async_copy(src.at[pl.ds(base, rows_per_w)], dst, sem_idx)
    for dst in (hidx, ridx, tidx):
        pltpu.make_async_copy(h_hbm.at[pl.ds(0, rows_per_w)], dst, sem_idx).wait()

    def chunk_srcs(ci):
        sl = pl.ds(ci * CHUNK, CHUNK)
        return ((ent_hbm, hidx.at[sl]), (rel_hbm, ridx.at[sl]),
                (ent_hbm, tidx.at[sl]))

    def buf_ref(s, k):
        return bufrows.at[pl.ds((s * 3 + k) * CHUNK, CHUNK), :]

    def fire(ci, s):
        for k, (table, idx) in enumerate(chunk_srcs(ci)):
            pltpu.async_copy(table.at[idx], buf_ref(s, k), sems[s])

    def wait_bufs(ci, s):
        for k, (table, idx) in enumerate(chunk_srcs(ci)):
            pltpu.make_async_copy(table.at[idx], buf_ref(s, k),
                                  sems[s]).wait()

    def compute_chunk(ci, s):
        hb = buf_ref(s, 0)
        rb = buf_ref(s, 1)
        tb = buf_ref(s, 2)

        def row_score(b):
            acc = None
            for j in range(HD // L):
                hr = hb[b, pl.ds(j * L, L)]
                hi = hb[b, pl.ds(HD + j * L, L)]
                rr = rb[b, pl.ds(j * L, L)]
                ri = rb[b, pl.ds(HD + j * L, L)]
                tr = tb[b, pl.ds(j * L, L)]
                ti = tb[b, pl.ds(HD + j * L, L)]
                part = tr * (hr * rr - hi * ri) + ti * (hr * ri + hi * rr)
                acc = part if acc is None else acc + part
            return jnp.cumsum(acc)

        def group_body(g, carry):
            b0 = g * UNROLL
            for u in range(UNROLL):
                partials[b0 + u, :] = row_score(b0 + u)
            return carry

        lax.fori_loop(0, CHUNK // UNROLL, group_body, 0)

        last = jnp.full((L,), L - 1, jnp.int32)

        def extract_body(g, carry):
            rowv = g * L + lax.iota(jnp.int32, L)
            outv[pl.ds(ci * CHUNK + g * L, L)] = plsc.load_gather(
                partials, [rowv, last])
            return carry

        lax.fori_loop(0, CHUNK // L, extract_body, 0)

    for ci in range(NBUF - 1):
        fire(ci, ci)

    def ring_body(i, carry):
        for s in range(NBUF):
            ci = i * NBUF + s
            wait_bufs(ci, s)

            @pl.when(ci + (NBUF - 1) < n_chunks)
            def _prefetch():
                fire(ci + (NBUF - 1), (s + NBUF - 1) % NBUF)

            compute_chunk(ci, s)
        return carry

    lax.fori_loop(0, n_chunks // NBUF, ring_body, 0)
    pltpu.sync_copy(outv, out_hbm.at[pl.ds(base, rows_per_w)])


def kernel(h, r, t, ent_table, rel_table):
    B = h.shape[0]
    rows_per_w = B // NW
    mesh = plsc.VectorSubcoreMesh(
        core_axis_name="c", subcore_axis_name="s",
        num_cores=NC, num_subcores=NS)
    run = pl.kernel(
        _sc_body,
        out_type=jax.ShapeDtypeStruct((B,), jnp.float32),
        mesh=mesh,
        scratch_types=[
            pltpu.VMEM((rows_per_w,), jnp.int32),
            pltpu.VMEM((rows_per_w,), jnp.int32),
            pltpu.VMEM((rows_per_w,), jnp.int32),
            pltpu.VMEM((NBUF * 3 * CHUNK, D), jnp.float32),
            pltpu.VMEM((CHUNK, L), jnp.float32),
            pltpu.VMEM((rows_per_w,), jnp.float32),
            pltpu.SemaphoreType.DMA,
            pltpu.SemaphoreType.DMA,
            pltpu.SemaphoreType.DMA,
            pltpu.SemaphoreType.DMA,
            pltpu.SemaphoreType.DMA,
        ],
        compiler_params=pltpu.CompilerParams(needs_layout_passes=False),
    )
    return run(h, r, t, ent_table, rel_table)[:, None]

# --- scband reference (transcript-rebuilt; emitter-appended) ---
"""Pipeline reference for scband-ins-model-compl-ex-16552803959074 (READ-ONLY COPY).

The authoritative reference and input builder live on the scoring server;
editing this copy changes nothing except your own understanding.
"""

import jax, jax.numpy as jnp
import numpy as np

N_ENT = 1000000
N_REL = 1000
D = 128
B = 16384

def setup_inputs(seed: int = 0) -> dict:
    key = jax.random.key(seed)
    k1, k2, k3, k4, k5 = jax.random.split(key, 5)
    ent_table = jax.random.normal(k1, (N_ENT, D), dtype=jnp.float32) * 0.05
    rel_table = jax.random.normal(k2, (N_REL, D), dtype=jnp.float32) * 0.05
    h = jax.random.randint(k3, (B,), 0, N_ENT, dtype=jnp.int32)
    r = jax.random.randint(k4, (B,), 0, N_REL, dtype=jnp.int32)
    t = jax.random.randint(k5, (B,), 0, N_ENT, dtype=jnp.int32)
    return {"h": h, "r": r, "t": t, "ent_table": ent_table, "rel_table": rel_table}

def _split_complex(emb):
    d = emb.shape[-1] // 2
    return emb[..., :d], emb[..., d:]

def reference(h, r, t, ent_table, rel_table):
    # BatchType.SINGLE path: gather then unsqueeze(1) -> [B, 1, D]
    h_emb = jnp.take(ent_table, h, axis=0)[:, None, :]
    r_emb = jnp.take(rel_table, r, axis=0)[:, None, :]
    t_emb = jnp.take(ent_table, t, axis=0)[:, None, :]
    h_real, h_imag = _split_complex(h_emb)
    r_real, r_imag = _split_complex(r_emb)
    t_real, t_imag = _split_complex(t_emb)
    score_real = (h_real * r_real * t_real
                  + h_real * r_imag * t_imag
                  + h_imag * r_real * t_imag
                  - h_imag * r_imag * t_real)
    score = jnp.sum(score_real, axis=-1)  # [B, 1]
    return score

if __name__ == "__main__":
    import jax
    _d = setup_inputs()
    print(jax.jit(kernel)(*tuple(_d.values())))

</pallas_src>

<mosaic_0001>
#map = affine_map<(d0, d1) -> (0)>
#map1 = affine_map<(d0, d1) -> (0, 0)>
module attributes {stable_mosaic.version = 14 : i64} {
  func.func @_sc_body(%arg0: i32, %arg1: i32, %arg2: memref<16384xi32, #tpu.memory_space<hbm>>, %arg3: memref<16384xi32, #tpu.memory_space<hbm>>, %arg4: memref<16384xi32, #tpu.memory_space<hbm>>, %arg5: memref<1000000x128xf32, #tpu.memory_space<hbm>>, %arg6: memref<1000x128xf32, #tpu.memory_space<hbm>>, %arg7: memref<16384xf32, #tpu.memory_space<hbm>>, %arg8: memref<512xi32, #tpu.memory_space<vmem>>, %arg9: memref<512xi32, #tpu.memory_space<vmem>>, %arg10: memref<512xi32, #tpu.memory_space<vmem>>, %arg11: memref<768x128xf32, #tpu.memory_space<vmem>>, %arg12: memref<64x16xf32, #tpu.memory_space<vmem>>, %arg13: memref<512xf32, #tpu.memory_space<vmem>>, %arg14: memref<!tpu.dma_semaphore, #tpu.memory_space<semaphore_mem>>, %arg15: memref<!tpu.dma_semaphore, #tpu.memory_space<semaphore_mem>>, %arg16: memref<!tpu.dma_semaphore, #tpu.memory_space<semaphore_mem>>, %arg17: memref<!tpu.dma_semaphore, #tpu.memory_space<semaphore_mem>>, %arg18: memref<!tpu.dma_semaphore, #tpu.memory_space<semaphore_mem>>) attributes {dimension_semantics = [#tpu.dimension_semantics<core_parallel>, #tpu.dimension_semantics<subcore_parallel>], iteration_bounds = array<i64: 2, 16>, scalar_prefetch = 0 : i64, scratch_operands = 11 : i64, tpu.core_type = #tpu.core_type<sc_vector_subcore>, window_params = [{transform_indices = #map}, {transform_indices = #map}, {transform_indices = #map}, {transform_indices = #map1}, {transform_indices = #map1}, {transform_indices = #map}]} {
    %mul3A = arith.constant 2 : i32
    %mul3A_0 = arith.muli %arg1, %mul3A : i32
    %add3A = arith.addi %mul3A_0, %arg0 : i32
    %mul3A_1 = arith.constant 512 : i32
    %mul3A_2 = arith.muli %add3A, %mul3A_1 : i32
    %dma_start3A = tpu.memref_slice %arg2[%mul3A_2] : memref<16384xi32, #tpu.memory_space<hbm>> -> memref<512xi32, #tpu.memory_space<hbm>>
    %dma_start3A_3 = tpu.memref_slice %arg2[%mul3A_2] : memref<16384xi32, #tpu.memory_space<hbm>> -> memref<512xi32, #tpu.memory_space<hbm>>
    tpu.enqueue_dma source(%dma_start3A_3 : memref<512xi32, #tpu.memory_space<hbm>>) target(%arg8 : memref<512xi32, #tpu.memory_space<vmem>>) target_semaphore(%arg14 : memref<!tpu.dma_semaphore, #tpu.memory_space<semaphore_mem>>)
    %dma_start3A_4 = tpu.memref_slice %arg3[%mul3A_2] : memref<16384xi32, #tpu.memory_space<hbm>> -> memref<512xi32, #tpu.memory_space<hbm>>
    %dma_start3A_5 = tpu.memref_slice %arg3[%mul3A_2] : memref<16384xi32, #tpu.memory_space<hbm>> -> memref<512xi32, #tpu.memory_space<hbm>>
    tpu.enqueue_dma source(%dma_start3A_5 : memref<512xi32, #tpu.memory_space<hbm>>) target(%arg9 : memref<512xi32, #tpu.memory_space<vmem>>) target_semaphore(%arg14 : memref<!tpu.dma_semaphore, #tpu.memory_space<semaphore_mem>>)
    %dma_start3A_6 = tpu.memref_slice %arg4[%mul3A_2] : memref<16384xi32, #tpu.memory_space<hbm>> -> memref<512xi32, #tpu.memory_space<hbm>>
    %dma_start3A_7 = tpu.memref_slice %arg4[%mul3A_2] : memref<16384xi32, #tpu.memory_space<hbm>> -> memref<512xi32, #tpu.memory_space<hbm>>
    tpu.enqueue_dma source(%dma_start3A_7 : memref<512xi32, #tpu.memory_space<hbm>>) target(%arg10 : memref<512xi32, #tpu.memory_space<vmem>>) target_semaphore(%arg14 : memref<!tpu.dma_semaphore, #tpu.memory_space<semaphore_mem>>)
    %dma_wait3A = arith.constant 0 : i32
    %dma_wait3A_8 = tpu.memref_slice %arg2[%dma_wait3A] : memref<16384xi32, #tpu.memory_space<hbm>> -> memref<512xi32, #tpu.memory_space<hbm>>
    %dma_wait3A_9 = arith.constant 0 : i32
    %dma_wait3A_10 = tpu.memref_slice %arg2[%dma_wait3A_9] : memref<16384xi32, #tpu.memory_space<hbm>> -> memref<512xi32, #tpu.memory_space<hbm>>
    tpu.wait_dma2 semaphore(%arg14 : memref<!tpu.dma_semaphore, #tpu.memory_space<semaphore_mem>>) src(%dma_wait3A_10 : memref<512xi32, #tpu.memory_space<hbm>>) dst(%arg8 : memref<512xi32, #tpu.memory_space<vmem>>)
    %dma_wait3A_11 = arith.constant 0 : i32
    %dma_wait3A_12 = tpu.memref_slice %arg2[%dma_wait3A_11] : memref<16384xi32, #tpu.memory_space<hbm>> -> memref<512xi32, #tpu.memory_space<hbm>>
    %dma_wait3A_13 = arith.constant 0 : i32
    %dma_wait3A_14 = tpu.memref_slice %arg2[%dma_wait3A_13] : memref<16384xi32, #tpu.memory_space<hbm>> -> memref<512xi32, #tpu.memory_space<hbm>>
    tpu.wait_dma2 semaphore(%arg14 : memref<!tpu.dma_semaphore, #tpu.memory_space<semaphore_mem>>) src(%dma_wait3A_14 : memref<512xi32, #tpu.memory_space<hbm>>) dst(%arg9 : memref<512xi32, #tpu.memory_space<vmem>>)
    %dma_wait3A_15 = arith.constant 0 : i32
    %dma_wait3A_16 = tpu.memref_slice %arg2[%dma_wait3A_15] : memref<16384xi32, #tpu.memory_space<hbm>> -> memref<512xi32, #tpu.memory_space<hbm>>
    %dma_wait3A_17 = arith.constant 0 : i32
    %dma_wait3A_18 = tpu.memref_slice %arg2[%dma_wait3A_17] : memref<16384xi32, #tpu.memory_space<hbm>> -> memref<512xi32, #tpu.memory_space<hbm>>
    tpu.wait_dma2 semaphore(%arg14 : memref<!tpu.dma_semaphore, #tpu.memory_space<semaphore_mem>>) src(%dma_wait3A_18 : memref<512xi32, #tpu.memory_space<hbm>>) dst(%arg10 : memref<512xi32, #tpu.memory_space<vmem>>)
    %dma_start3A_19 = arith.constant 0 : i32
    %dma_start3A_20 = arith.constant 0 : i32
    %dma_start3A_21 = tpu.memref_slice %arg11[%dma_start3A_19, %dma_start3A_20] : memref<768x128xf32, #tpu.memory_space<vmem>> -> memref<64x128xf32, #tpu.memory_space<vmem>>
    %dma_start3A_22 = arith.constant 0 : i32
    %dma_start3A_23 = tpu.memref_slice %arg8[%dma_start3A_22] : memref<512xi32, #tpu.memory_space<vmem>> -> memref<64xi32, #tpu.memory_space<vmem>>
    %dma_start3A_24 = arith.constant 0 : i32
    %dma_start3A_25 = arith.constant 0 : i32
    %dma_start3A_26 = tpu.memref_slice %arg5[%dma_start3A_24, %dma_start3A_25] : memref<1000000x128xf32, #tpu.memory_space<hbm>> -> memref<1000000x128xf32, #tpu.memory_space<hbm>>
    tpu.enqueue_indirect_dma source(%dma_start3A_26 : memref<1000000x128xf32, #tpu.memory_space<hbm>>) target(%dma_start3A_21 : memref<64x128xf32, #tpu.memory_space<vmem>>) offsets(%dma_start3A_23 : memref<64xi32, #tpu.memory_space<vmem>>) semaphore(%arg15 : memref<!tpu.dma_semaphore, #tpu.memory_space<semaphore_mem>>)
    %dma_start3A_27 = arith.constant 64 : i32
    %dma_start3A_28 = arith.constant 0 : i32
    %dma_start3A_29 = tpu.memref_slice %arg11[%dma_start3A_27, %dma_start3A_28] : memref<768x128xf32, #tpu.memory_space<vmem>> -> memref<64x128xf32, #tpu.memory_space<vmem>>
    %dma_start3A_30 = arith.constant 0 : i32
    %dma_start3A_31 = tpu.memref_slice %arg9[%dma_start3A_30] : memref<512xi32, #tpu.memory_space<vmem>> -> memref<64xi32, #tpu.memory_space<vmem>>
    %dma_start3A_32 = arith.constant 0 : i32
    %dma_start3A_33 = arith.constant 0 : i32
    %dma_start3A_34 = tpu.memref_slice %arg6[%dma_start3A_32, %dma_start3A_33] : memref<1000x128xf32, #tpu.memory_space<hbm>> -> memref<1000x128xf32, #tpu.memory_space<hbm>>
    tpu.enqueue_indirect_dma source(%dma_start3A_34 : memref<1000x128xf32, #tpu.memory_space<hbm>>) target(%dma_start3A_29 : memref<64x128xf32, #tpu.memory_space<vmem>>) offsets(%dma_start3A_31 : memref<64xi32, #tpu.memory_space<vmem>>) semaphore(%arg15 : memref<!tpu.dma_semaphore, #tpu.memory_space<semaphore_mem>>)
    %dma_start3A_35 = arith.constant 128 : i32
    %dma_start3A_36 = arith.constant 0 : i32
    %dma_start3A_37 = tpu.memref_slice %arg11[%dma_start3A_35, %dma_start3A_36] : memref<768x128xf32, #tpu.memory_space<vmem>> -> memref<64x128xf32, #tpu.memory_space<vmem>>
    %dma_start3A_38 = arith.constant 0 : i32
    %dma_start3A_39 = tpu.memref_slice %arg10[%dma_start3A_38] : memref<512xi32, #tpu.memory_space<vmem>> -> memref<64xi32, #tpu.memory_space<vmem>>
    %dma_start3A_40 = arith.constant 0 : i32
    %dma_start3A_41 = arith.constant 0 : i32
    %dma_start3A_42 = tpu.memref_slice %arg5[%dma_start3A_40, %dma_start3A_41] : memref<1000000x128xf32, #tpu.memory_space<hbm>> -> memref<1000000x128xf32, #tpu.memory_space<hbm>>
    tpu.enqueue_indirect_dma source(%dma_start3A_42 : memref<1000000x128xf32, #tpu.memory_space<hbm>>) target(%dma_start3A_37 : memref<64x128xf32, #tpu.memory_space<vmem>>) offsets(%dma_start3A_39 : memref<64xi32, #tpu.memory_space<vmem>>) semaphore(%arg15 : memref<!tpu.dma_semaphore, #tpu.memory_space<semaphore_mem>>)
    %dma_start3A_43 = arith.constant 192 : i32
    %dma_start3A_44 = arith.constant 0 : i32
    %dma_start3A_45 = tpu.memref_slice %arg11[%dma_start3A_43, %dma_start3A_44] : memref<768x128xf32, #tpu.memory_space<vmem>> -> memref<64x128xf32, #tpu.memory_space<vmem>>
    %dma_start3A_46 = arith.constant 64 : i32
    %dma_start3A_47 = tpu.memref_slice %arg8[%dma_start3A_46] : memref<512xi32, #tpu.memory_space<vmem>> -> memref<64xi32, #tpu.memory_space<vmem>>
    %dma_start3A_48 = arith.constant 0 : i32
    %dma_start3A_49 = arith.constant 0 : i32
    %dma_start3A_50 = tpu.memref_slice %arg5[%dma_start3A_48, %dma_start3A_49] : memref<1000000x128xf32, #tpu.memory_space<hbm>> -> memref<1000000x128xf32, #tpu.memory_space<hbm>>
    tpu.enqueue_indirect_dma source(%dma_start3A_50 : memref<1000000x128xf32, #tpu.memory_space<hbm>>) target(%dma_start3A_45 : memref<64x128xf32, #tpu.memory_space<vmem>>) offsets(%dma_start3A_47 : memref<64xi32, #tpu.memory_space<vmem>>) semaphore(%arg16 : memref<!tpu.dma_semaphore, #tpu.memory_space<semaphore_mem>>)
    %dma_start3A_51 = arith.constant 256 : i32
    %dma_start3A_52 = arith.constant 0 : i32
    %dma_start3A_53 = tpu.memref_slice %arg11[%dma_start3A_51, %dma_start3A_52] : memref<768x128xf32, #tpu.memory_space<vmem>> -> memref<64x128xf32, #tpu.memory_space<vmem>>
    %dma_start3A_54 = arith.constant 64 : i32
    %dma_start3A_55 = tpu.memref_slice %arg9[%dma_start3A_54] : memref<512xi32, #tpu.memory_space<vmem>> -> memref<64xi32, #tpu.memory_space<vmem>>
    %dma_start3A_56 = arith.constant 0 : i32
    %dma_start3A_57 = arith.constant 0 : i32
    %dma_start3A_58 = tpu.memref_slice %arg6[%dma_start3A_56, %dma_start3A_57] : memref<1000x128xf32, #tpu.memory_space<hbm>> -> memref<1000x128xf32, #tpu.memory_space<hbm>>
    tpu.enqueue_indirect_dma source(%dma_start3A_58 : memref<1000x128xf32, #tpu.memory_space<hbm>>) target(%dma_start3A_53 : memref<64x128xf32, #tpu.memory_space<vmem>>) offsets(%dma_start3A_55 : memref<64xi32, #tpu.memory_space<vmem>>) semaphore(%arg16 : memref<!tpu.dma_semaphore, #tpu.memory_space<semaphore_mem>>)
    %dma_start3A_59 = arith.constant 320 : i32
    %dma_start3A_60 = arith.constant 0 : i32
    %dma_start3A_61 = tpu.memref_slice %arg11[%dma_start3A_59, %dma_start3A_60] : memref<768x128xf32, #tpu.memory_space<vmem>> -> memref<64x128xf32, #tpu.memory_space<vmem>>
    %dma_start3A_62 = arith.constant 64 : i32
    %dma_start3A_63 = tpu.memref_slice %arg10[%dma_start3A_62] : memref<512xi32, #tpu.memory_space<vmem>> -> memref<64xi32, #tpu.memory_space<vmem>>
    %dma_start3A_64 = arith.constant 0 : i32
    %dma_start3A_65 = arith.constant 0 : i32
    %dma_start3A_66 = tpu.memref_slice %arg5[%dma_start3A_64, %dma_start3A_65] : memref<1000000x128xf32, #tpu.memory_space<hbm>> -> memref<1000000x128xf32, #tpu.memory_space<hbm>>
    tpu.enqueue_indirect_dma source(%dma_start3A_66 : memref<1000000x128xf32, #tpu.memory_space<hbm>>) target(%dma_start3A_61 : memref<64x128xf32, #tpu.memory_space<vmem>>) offsets(%dma_start3A_63 : memref<64xi32, #tpu.memory_space<vmem>>) semaphore(%arg16 : memref<!tpu.dma_semaphore, #tpu.memory_space<semaphore_mem>>)
    %dma_start3A_67 = arith.constant 384 : i32
    %dma_start3A_68 = arith.constant 0 : i32
    %dma_start3A_69 = tpu.memref_slice %arg11[%dma_start3A_67, %dma_start3A_68] : memref<768x128xf32, #tpu.memory_space<vmem>> -> memref<64x128xf32, #tpu.memory_space<vmem>>
    %dma_start3A_70 = arith.constant 128 : i32
    %dma_start3A_71 = tpu.memref_slice %arg8[%dma_start3A_70] : memref<512xi32, #tpu.memory_space<vmem>> -> memref<64xi32, #tpu.memory_space<vmem>>
    %dma_start3A_72 = arith.constant 0 : i32
    %dma_start3A_73 = arith.constant 0 : i32
    %dma_start3A_74 = tpu.memref_slice %arg5[%dma_start3A_72, %dma_start3A_73] : memref<1000000x128xf32, #tpu.memory_space<hbm>> -> memref<1000000x128xf32, #tpu.memory_space<hbm>>
    tpu.enqueue_indirect_dma source(%dma_start3A_74 : memref<1000000x128xf32, #tpu.memory_space<hbm>>) target(%dma_start3A_69 : memref<64x128xf32, #tpu.memory_space<vmem>>) offsets(%dma_start3A_71 : memref<64xi32, #tpu.memory_space<vmem>>) semaphore(%arg17 : memref<!tpu.dma_semaphore, #tpu.memory_space<semaphore_mem>>)
    %dma_start3A_75 = arith.constant 448 : i32
    %dma_start3A_76 = arith.constant 0 : i32
    %dma_start3A_77 = tpu.memref_slice %arg11[%dma_start3A_75, %dma_start3A_76] : memref<768x128xf32, #tpu.memory_space<vmem>> -> memref<64x128xf32, #tpu.memory_space<vmem>>
    %dma_start3A_78 = arith.constant 128 : i32
    %dma_start3A_79 = tpu.memref_slice %arg9[%dma_start3A_78] : memref<512xi32, #tpu.memory_space<vmem>> -> memref<64xi32, #tpu.memory_space<vmem>>
    %dma_start3A_80 = arith.constant 0 : i32
    %dma_start3A_81 = arith.constant 0 : i32
    %dma_start3A_82 = tpu.memref_slice %arg6[%dma_start3A_80, %dma_start3A_81] : memref<1000x128xf32, #tpu.memory_space<hbm>> -> memref<1000x128xf32, #tpu.memory_space<hbm>>
    tpu.enqueue_indirect_dma source(%dma_start3A_82 : memref<1000x128xf32, #tpu.memory_space<hbm>>) target(%dma_start3A_77 : memref<64x128xf32, #tpu.memory_space<vmem>>) offsets(%dma_start3A_79 : memref<64xi32, #tpu.memory_space<vmem>>) semaphore(%arg17 : memref<!tpu.dma_semaphore, #tpu.memory_space<semaphore_mem>>)
    %dma_start3A_83 = arith.constant 512 : i32
    %dma_start3A_84 = arith.constant 0 : i32
    %dma_start3A_85 = tpu.memref_slice %arg11[%dma_start3A_83, %dma_start3A_84] : memref<768x128xf32, #tpu.memory_space<vmem>> -> memref<64x128xf32, #tpu.memory_space<vmem>>
    %dma_start3A_86 = arith.constant 128 : i32
    %dma_start3A_87 = tpu.memref_slice %arg10[%dma_start3A_86] : memref<512xi32, #tpu.memory_space<vmem>> -> memref<64xi32, #tpu.memory_space<vmem>>
    %dma_start3A_88 = arith.constant 0 : i32
    %dma_start3A_89 = arith.constant 0 : i32
    %dma_start3A_90 = tpu.memref_slice %arg5[%dma_start3A_88, %dma_start3A_89] : memref<1000000x128xf32, #tpu.memory_space<hbm>> -> memref<1000000x128xf32, #tpu.memory_space<hbm>>
    tpu.enqueue_indirect_dma source(%dma_start3A_90 : memref<1000000x128xf32, #tpu.memory_space<hbm>>) target(%dma_start3A_85 : memref<64x128xf32, #tpu.memory_space<vmem>>) offsets(%dma_start3A_87 : memref<64xi32, #tpu.memory_space<vmem>>) semaphore(%arg17 : memref<!tpu.dma_semaphore, #tpu.memory_space<semaphore_mem>>)
    %scan3A = arith.constant 0 : i32
    %scan3A_91 = arith.constant 0 : i32
    %scan3A_92 = arith.constant 2 : i32
    %scan3A_93 = arith.addi %scan3A_91, %scan3A_92 : i32
    %scan3A_94 = arith.constant 1 : i32
    scf.for %scan3A_96 = %scan3A_91 to %scan3A_93 step %scan3A_94  : i32 {
      %mul3A_97 = arith.constant 4 : i32
      %mul3A_98 = arith.muli %scan3A_96, %mul3A_97 : i32
      %add3A_99 = arith.constant 0 : i32
      %add3A_100 = arith.addi %mul3A_98, %add3A_99 : i32
      %mul3A_101 = arith.constant 64 : i32
      %mul3A_102 = arith.muli %add3A_100, %mul3A_101 : i32
      %dma_wait3A_103 = arith.constant 0 : i32
      %dma_wait3A_104 = arith.constant 0 : i32
      %dma_wait3A_105 = tpu.memref_slice %arg11[%dma_wait3A_103, %dma_wait3A_104] : memref<768x128xf32, #tpu.memory_space<vmem>> -> memref<64x128xf32, #tpu.memory_space<vmem>>
      %dma_wait3A_106 = tpu.memref_slice %arg8[%mul3A_102] : memref<512xi32, #tpu.memory_space<vmem>> -> memref<64xi32, #tpu.memory_space<vmem>>
      %dma_wait3A_107 = arith.constant 0 : i32
      %dma_wait3A_108 = arith.constant 0 : i32
      %dma_wait3A_109 = tpu.memref_slice %arg5[%dma_wait3A_107, %dma_wait3A_108] : memref<1000000x128xf32, #tpu.memory_space<hbm>> -> memref<1000000x128xf32, #tpu.memory_space<hbm>>
      tpu.wait_indirect_dma semaphore(%arg15 : memref<!tpu.dma_semaphore, #tpu.memory_space<semaphore_mem>>) src(%dma_wait3A_109 : memref<1000000x128xf32, #tpu.memory_space<hbm>>) dst(%dma_wait3A_105 : memref<64x128xf32, #tpu.memory_space<vmem>>)
      %dma_wait3A_110 = arith.constant 64 : i32
      %dma_wait3A_111 = arith.constant 0 : i32
      %dma_wait3A_112 = tpu.memref_slice %arg11[%dma_wait3A_110, %dma_wait3A_111] : memref<768x128xf32, #tpu.memory_space<vmem>> -> memref<64x128xf32, #tpu.memory_space<vmem>>
      %dma_wait3A_113 = tpu.memref_slice %arg9[%mul3A_102] : memref<512xi32, #tpu.memory_space<vmem>> -> memref<64xi32, #tpu.memory_space<vmem>>
      %dma_wait3A_114 = arith.constant 0 : i32
      %dma_wait3A_115 = arith.constant 0 : i32
      %dma_wait3A_116 = tpu.memref_slice %arg6[%dma_wait3A_114, %dma_wait3A_115] : memref<1000x128xf32, #tpu.memory_space<hbm>> -> memref<1000x128xf32, #tpu.memory_space<hbm>>
      tpu.wait_indirect_dma semaphore(%arg15 : memref<!tpu.dma_semaphore, #tpu.memory_space<semaphore_mem>>) src(%dma_wait3A_116 : memref<1000x128xf32, #tpu.memory_space<hbm>>) dst(%dma_wait3A_112 : memref<64x128xf32, #tpu.memory_space<vmem>>)
      %dma_wait3A_117 = arith.constant 128 : i32
      %dma_wait3A_118 = arith.constant 0 : i32
      %dma_wait3A_119 = tpu.memref_slice %arg11[%dma_wait3A_117, %dma_wait3A_118] : memref<768x128xf32, #tpu.memory_space<vmem>> -> memref<64x128xf32, #tpu.memory_space<vmem>>
      %dma_wait3A_120 = tpu.memref_slice %arg10[%mul3A_102] : memref<512xi32, #tpu.memory_space<vmem>> -> memref<64xi32, #tpu.memory_space<vmem>>
      %dma_wait3A_121 = arith.constant 0 : i32
      %dma_wait3A_122 = arith.constant 0 : i32
      %dma_wait3A_123 = tpu.memref_slice %arg5[%dma_wait3A_121, %dma_wait3A_122] : memref<1000000x128xf32, #tpu.memory_space<hbm>> -> memref<1000000x128xf32, #tpu.memory_space<hbm>>
      tpu.wait_indirect_dma semaphore(%arg15 : memref<!tpu.dma_semaphore, #tpu.memory_space<semaphore_mem>>) src(%dma_wait3A_123 : memref<1000000x128xf32, #tpu.memory_space<hbm>>) dst(%dma_wait3A_119 : memref<64x128xf32, #tpu.memory_space<vmem>>)
      %add3A_124 = arith.constant 3 : i32
      %add3A_125 = arith.addi %add3A_100, %add3A_124 : i32
      %lt3A = arith.constant 8 : i32
      %lt3A_126 = arith.cmpi slt, %add3A_125, %lt3A : i32
      %convert_element_type3A = arith.extui %lt3A_126 : i1 to i32
      %cond3A = arith.constant 0 : i32
      %cond3A_127 = arith.cmpi ne, %convert_element_type3A, %cond3A : i32
      scf.if %cond3A_127 {
        %add3A_285 = arith.constant 3 : i32
        %add3A_286 = arith.addi %add3A_100, %add3A_285 : i32
        %mul3A_287 = arith.constant 64 : i32
        %mul3A_288 = arith.muli %add3A_286, %mul3A_287 : i32
        %dma_start3A_289 = arith.constant 576 : i32
        %dma_start3A_290 = arith.constant 0 : i32
        %dma_start3A_291 = tpu.memref_slice %arg11[%dma_start3A_289, %dma_start3A_290] : memref<768x128xf32, #tpu.memory_space<vmem>> -> memref<64x128xf32, #tpu.memory_space<vmem>>
        %dma_start3A_292 = tpu.memref_slice %arg8[%mul3A_288] : memref<512xi32, #tpu.memory_space<vmem>> -> memref<64xi32, #tpu.memory_space<vmem>>
        %dma_start3A_293 = arith.constant 0 : i32
        %dma_start3A_294 = arith.constant 0 : i32
        %dma_start3A_295 = tpu.memref_slice %arg5[%dma_start3A_293, %dma_start3A_294] : memref<1000000x128xf32, #tpu.memory_space<hbm>> -> memref<1000000x128xf32, #tpu.memory_space<hbm>>
        tpu.enqueue_indirect_dma source(%dma_start3A_295 : memref<1000000x128xf32, #tpu.memory_space<hbm>>) target(%dma_start3A_291 : memref<64x128xf32, #tpu.memory_space<vmem>>) offsets(%dma_start3A_292 : memref<64xi32, #tpu.memory_space<vmem>>) semaphore(%arg18 : memref<!tpu.dma_semaphore, #tpu.memory_space<semaphore_mem>>)
        %dma_start3A_296 = arith.constant 640 : i32
        %dma_start3A_297 = arith.constant 0 : i32
        %dma_start3A_298 = tpu.memref_slice %arg11[%dma_start3A_296, %dma_start3A_297] : memref<768x128xf32, #tpu.memory_space<vmem>> -> memref<64x128xf32, #tpu.memory_space<vmem>>
        %dma_start3A_299 = tpu.memref_slice %arg9[%mul3A_288] : memref<512xi32, #tpu.memory_space<vmem>> -> memref<64xi32, #tpu.memory_space<vmem>>
        %dma_start3A_300 = arith.constant 0 : i32
        %dma_start3A_301 = arith.constant 0 : i32
        %dma_start3A_302 = tpu.memref_slice %arg6[%dma_start3A_300, %dma_start3A_301] : memref<1000x128xf32, #tpu.memory_space<hbm>> -> memref<1000x128xf32, #tpu.memory_space<hbm>>
        tpu.enqueue_indirect_dma source(%dma_start3A_302 : memref<1000x128xf32, #tpu.memory_space<hbm>>) target(%dma_start3A_298 : memref<64x128xf32, #tpu.memory_space<vmem>>) offsets(%dma_start3A_299 : memref<64xi32, #tpu.memory_space<vmem>>) semaphore(%arg18 : memref<!tpu.dma_semaphore, #tpu.memory_space<semaphore_mem>>)
        %dma_start3A_303 = arith.constant 704 : i32
        %dma_start3A_304 = arith.constant 0 : i32
        %dma_start3A_305 = tpu.memref_slice %arg11[%dma_start3A_303, %dma_start3A_304] : memref<768x128xf32, #tpu.memory_space<vmem>> -> memref<64x128xf32, #tpu.memory_space<vmem>>
        %dma_start3A_306 = tpu.memref_slice %arg10[%mul3A_288] : memref<512xi32, #tpu.memory_space<vmem>> -> memref<64xi32, #tpu.memory_space<vmem>>
        %dma_start3A_307 = arith.constant 0 : i32
        %dma_start3A_308 = arith.constant 0 : i32
        %dma_start3A_309 = tpu.memref_slice %arg5[%dma_start3A_307, %dma_start3A_308] : memref<1000000x128xf32, #tpu.memory_space<hbm>> -> memref<1000000x128xf32, #tpu.memory_space<hbm>>
        tpu.enqueue_indirect_dma source(%dma_start3A_309 : memref<1000000x128xf32, #tpu.memory_space<hbm>>) target(%dma_start3A_305 : memref<64x128xf32, #tpu.memory_space<vmem>>) offsets(%dma_start3A_306 : memref<64xi32, #tpu.memory_space<vmem>>) semaphore(%arg18 : memref<!tpu.dma_semaphore, #tpu.memory_space<semaphore_mem>>)
      } else {
      }
      %scan3A_128 = arith.constant 0 : i32
      %scan3A_129 = arith.constant 0 : i32
      %scan3A_130 = arith.constant 16 : i32
      %scan3A_131 = arith.addi %scan3A_129, %scan3A_130 : i32
      %scan3A_132 = arith.constant 1 : i32
      scf.for %scan3A_285 = %scan3A_129 to %scan3A_131 step %scan3A_132  : i32 {
        %mul3A_286 = arith.constant 4 : i32
        %mul3A_287 = arith.muli %scan3A_285, %mul3A_286 : i32
        %add3A_288 = arith.constant 0 : i32
        %add3A_289 = arith.addi %mul3A_287, %add3A_288 : i32
        %get3A = arith.constant 0 : i32
        %get3A_290 = arith.constant 0 : i32
        %get3A_291 = tpu.memref_slice %arg11[%get3A, %get3A_290] : memref<768x128xf32, #tpu.memory_space<vmem>> -> memref<64x128xf32, #tpu.memory_space<vmem>>
        %get3A_292 = arith.index_cast %add3A_289 : i32 to index
        %get3A_293 = arith.constant 0 : index
        %get3A_294 = tpu.vector_load %get3A_291[%get3A_292, %get3A_293] {strides = array<i32>} : memref<64x128xf32, #tpu.memory_space<vmem>>, vector<16xf32>,
        %get3A_295 = arith.constant 0 : i32
        %get3A_296 = arith.constant 0 : i32
        %get3A_297 = tpu.memref_slice %arg11[%get3A_295, %get3A_296] : memref<768x128xf32, #tpu.memory_space<vmem>> -> memref<64x128xf32, #tpu.memory_space<vmem>>
        %get3A_298 = arith.index_cast %add3A_289 : i32 to index
        %get3A_299 = arith.constant 64 : index
        %get3A_300 = tpu.vector_load %get3A_297[%get3A_298, %get3A_299] {strides = array<i32>} : memref<64x128xf32, #tpu.memory_space<vmem>>, vector<16xf32>,
        %get3A_301 = arith.constant 64 : i32
        %get3A_302 = arith.constant 0 : i32
        %get3A_303 = tpu.memref_slice %arg11[%get3A_301, %get3A_302] : memref<768x128xf32, #tpu.memory_space<vmem>> -> memref<64x128xf32, #tpu.memory_space<vmem>>
        %get3A_304 = arith.index_cast %add3A_289 : i32 to index
        %get3A_305 = arith.constant 0 : index
        %get3A_306 = tpu.vector_load %get3A_303[%get3A_304, %get3A_305] {strides = array<i32>} : memref<64x128xf32, #tpu.memory_space<vmem>>, vector<16xf32>,
        %get3A_307 = arith.constant 64 : i32
        %get3A_308 = arith.constant 0 : i32
        %get3A_309 = tpu.memref_slice %arg11[%get3A_307, %get3A_308] : memref<768x128xf32, #tpu.memory_space<vmem>> -> memref<64x128xf32, #tpu.memory_space<vmem>>
        %get3A_310 = arith.index_cast %add3A_289 : i32 to index
        %get3A_311 = arith.constant 64 : index
        %get3A_312 = tpu.vector_load %get3A_309[%get3A_310, %get3A_311] {strides = array<i32>} : memref<64x128xf32, #tpu.memory_space<vmem>>, vector<16xf32>,
        %get3A_313 = arith.constant 128 : i32
        %get3A_314 = arith.constant 0 : i32
        %get3A_315 = tpu.memref_slice %arg11[%get3A_313, %get3A_314] : memref<768x128xf32, #tpu.memory_space<vmem>> -> memref<64x128xf32, #tpu.memory_space<vmem>>
        %get3A_316 = arith.index_cast %add3A_289 : i32 to index
        %get3A_317 = arith.constant 0 : index
        %get3A_318 = tpu.vector_load %get3A_315[%get3A_316, %get3A_317] {strides = array<i32>} : memref<64x128xf32, #tpu.memory_space<vmem>>, vector<16xf32>,
        %get3A_319 = arith.constant 128 : i32
        %get3A_320 = arith.constant 0 : i32
        %get3A_321 = tpu.memref_slice %arg11[%get3A_319, %get3A_320] : memref<768x128xf32, #tpu.memory_space<vmem>> -> memref<64x128xf32, #tpu.memory_space<vmem>>
        %get3A_322 = arith.index_cast %add3A_289 : i32 to index
        %get3A_323 = arith.constant 64 : index
        %get3A_324 = tpu.vector_load %get3A_321[%get3A_322, %get3A_323] {strides = array<i32>} : memref<64x128xf32, #tpu.memory_space<vmem>>, vector<16xf32>,
        %mul3A_325 = arith.mulf %get3A_294, %get3A_306 : vector<16xf32>
        %mul3A_326 = arith.mulf %get3A_300, %get3A_312 : vector<16xf32>
        %sub3A = arith.subf %mul3A_325, %mul3A_326 : vector<16xf32>
        %mul3A_327 = arith.mulf %get3A_318, %sub3A : vector<16xf32>
        %mul3A_328 = arith.mulf %get3A_294, %get3A_312 : vector<16xf32>
        %mul3A_329 = arith.mulf %get3A_300, %get3A_306 : vector<16xf32>
        %add3A_330 = arith.addf %mul3A_328, %mul3A_329 : vector<16xf32>
        %mul3A_331 = arith.mulf %get3A_324, %add3A_330 : vector<16xf32>
        %add3A_332 = arith.addf %mul3A_327, %mul3A_331 : vector<16xf32>
        %get3A_333 = arith.constant 0 : i32
        %get3A_334 = arith.constant 0 : i32
        %get3A_335 = tpu.memref_slice %arg11[%get3A_333, %get3A_334] : memref<768x128xf32, #tpu.memory_space<vmem>> -> memref<64x128xf32, #tpu.memory_space<vmem>>
        %get3A_336 = arith.index_cast %add3A_289 : i32 to index
        %get3A_337 = arith.constant 16 : index
        %get3A_338 = tpu.vector_load %get3A_335[%get3A_336, %get3A_337] {strides = array<i32>} : memref<64x128xf32, #tpu.memory_space<vmem>>, vector<16xf32>,
        %get3A_339 = arith.constant 0 : i32
        %get3A_340 = arith.constant 0 : i32
        %get3A_341 = tpu.memref_slice %arg11[%get3A_339, %get3A_340] : memref<768x128xf32, #tpu.memory_space<vmem>> -> memref<64x128xf32, #tpu.memory_space<vmem>>
        %get3A_342 = arith.index_cast %add3A_289 : i32 to index
        %get3A_343 = arith.constant 80 : index
        %get3A_344 = tpu.vector_load %get3A_341[%get3A_342, %get3A_343] {strides = array<i32>} : memref<64x128xf32, #tpu.memory_space<vmem>>, vector<16xf32>,
        %get3A_345 = arith.constant 64 : i32
        %get3A_346 = arith.constant 0 : i32
        %get3A_347 = tpu.memref_slice %arg11[%get3A_345, %get3A_346] : memref<768x128xf32, #tpu.memory_space<vmem>> -> memref<64x128xf32, #tpu.memory_space<vmem>>
        %get3A_348 = arith.index_cast %add3A_289 : i32 to index
        %get3A_349 = arith.constant 16 : index
        %get3A_350 = tpu.vector_load %get3A_347[%get3A_348, %get3A_349] {strides = array<i32>} : memref<64x128xf32, #tpu.memory_space<vmem>>, vector<16xf32>,
        %get3A_351 = arith.constant 64 : i32
        %get3A_352 = arith.constant 0 : i32
        %get3A_353 = tpu.memref_slice %arg11[%get3A_351, %get3A_352] : memref<768x128xf32, #tpu.memory_space<vmem>> -> memref<64x128xf32, #tpu.memory_space<vmem>>
        %get3A_354 = arith.index_cast %add3A_289 : i32 to index
        %get3A_355 = arith.constant 80 : index
        %get3A_356 = tpu.vector_load %get3A_353[%get3A_354, %get3A_355] {strides = array<i32>} : memref<64x128xf32, #tpu.memory_space<vmem>>, vector<16xf32>,
        %get3A_357 = arith.constant 128 : i32
        %get3A_358 = arith.constant 0 : i32
        %get3A_359 = tpu.memref_slice %arg11[%get3A_357, %get3A_358] : memref<768x128xf32, #tpu.memory_space<vmem>> -> memref<64x128xf32, #tpu.memory_space<vmem>>
        %get3A_360 = arith.index_cast %add3A_289 : i32 to index
        %get3A_361 = arith.constant 16 : index
        %get3A_362 = tpu.vector_load %get3A_359[%get3A_360, %get3A_361] {strides = array<i32>} : memref<64x128xf32, #tpu.memory_space<vmem>>, vector<16xf32>,
        %get3A_363 = arith.constant 128 : i32
        %get3A_364 = arith.constant 0 : i32
        %get3A_365 = tpu.memref_slice %arg11[%get3A_363, %get3A_364] : memref<768x128xf32, #tpu.memory_space<vmem>> -> memref<64x128xf32, #tpu.memory_space<vmem>>
        %get3A_366 = arith.index_cast %add3A_289 : i32 to index
        %get3A_367 = arith.constant 80 : index
        %get3A_368 = tpu.vector_load %get3A_365[%get3A_366, %get3A_367] {strides = array<i32>} : memref<64x128xf32, #tpu.memory_space<vmem>>, vector<16xf32>,
        %mul3A_369 = arith.mulf %get3A_338, %get3A_350 : vector<16xf32>
        %mul3A_370 = arith.mulf %get3A_344, %get3A_356 : vector<16xf32>
        %sub3A_371 = arith.subf %mul3A_369, %mul3A_370 : vector<16xf32>
        %mul3A_372 = arith.mulf %get3A_362, %sub3A_371 : vector<16xf32>
        %mul3A_373 = arith.mulf %get3A_338, %get3A_356 : vector<16xf32>
        %mul3A_374 = arith.mulf %get3A_344, %get3A_350 : vector<16xf32>
        %add3A_375 = arith.addf %mul3A_373, %mul3A_374 : vector<16xf32>
        %mul3A_376 = arith.mulf %get3A_368, %add3A_375 : vector<16xf32>
        %add3A_377 = arith.addf %mul3A_372, %mul3A_376 : vector<16xf32>
        %add3A_378 = arith.addf %add3A_332, %add3A_377 : vector<16xf32>
        %get3A_379 = arith.constant 0 : i32
        %get3A_380 = arith.constant 0 : i32
        %get3A_381 = tpu.memref_slice %arg11[%get3A_379, %get3A_380] : memref<768x128xf32, #tpu.memory_space<vmem>> -> memref<64x128xf32, #tpu.memory_space<vmem>>
        %get3A_382 = arith.index_cast %add3A_289 : i32 to index
        %get3A_383 = arith.constant 32 : index
        %get3A_384 = tpu.vector_load %get3A_381[%get3A_382, %get3A_383] {strides = array<i32>} : memref<64x128xf32, #tpu.memory_space<vmem>>, vector<16xf32>,
        %get3A_385 = arith.constant 0 : i32
        %get3A_386 = arith.constant 0 : i32
        %get3A_387 = tpu.memref_slice %arg11[%get3A_385, %get3A_386] : memref<768x128xf32, #tpu.memory_space<vmem>> -> memref<64x128xf32, #tpu.memory_space<vmem>>
        %get3A_388 = arith.index_cast %add3A_289 : i32 to index
        %get3A_389 = arith.constant 96 : index
        %get3A_390 = tpu.vector_load %get3A_387[%get3A_388, %get3A_389] {strides = array<i32>} : memref<64x128xf32, #tpu.memory_space<vmem>>, vector<16xf32>,
        %get3A_391 = arith.constant 64 : i32
        %get3A_392 = arith.constant 0 : i32
        %get3A_393 = tpu.memref_slice %arg11[%get3A_391, %get3A_392] : memref<768x128xf32, #tpu.memory_space<vmem>> -> memref<64x128xf32, #tpu.memory_space<vmem>>
        %get3A_394 = arith.index_cast %add3A_289 : i32 to index
        %get3A_395 = arith.constant 32 : index
        %get3A_396 = tpu.vector_load %get3A_393[%get3A_394, %get3A_395] {strides = array<i32>} : memref<64x128xf32, #tpu.memory_space<vmem>>, vector<16xf32>,
        %get3A_397 = arith.constant 64 : i32
        %get3A_398 = arith.constant 0 : i32
        %get3A_399 = tpu.memref_slice %arg11[%get3A_397, %get3A_398] : memref<768x128xf32, #tpu.memory_space<vmem>> -> memref<64x128xf32, #tpu.memory_space<vmem>>
        %get3A_400 = arith.index_cast %add3A_289 : i32 to index
        %get3A_401 = arith.constant 96 : index
        %get3A_402 = tpu.vector_load %get3A_399[%get3A_400, %get3A_401] {strides = array<i32>} : memref<64x128xf32, #tpu.memory_space<vmem>>, vector<16xf32>,
        %get3A_403 = arith.constant 128 : i32
        %get3A_404 = arith.constant 0 : i32
        %get3A_405 = tpu.memref_slice %arg11[%get3A_403, %get3A_404] : memref<768x128xf32, #tpu.memory_space<vmem>> -> memref<64x128xf32, #tpu.memory_space<vmem>>
        %get3A_406 = arith.index_cast %add3A_289 : i32 to index
        %get3A_407 = arith.constant 32 : index
        %get3A_408 = tpu.vector_load %get3A_405[%get3A_406, %get3A_407] {strides = array<i32>} : memref<64x128xf32, #tpu.memory_space<vmem>>, vector<16xf32>,
        %get3A_409 = arith.constant 128 : i32
        %get3A_410 = arith.constant 0 : i32
        %get3A_411 = tpu.memref_slice %arg11[%get3A_409, %get3A_410] : memref<768x128xf32, #tpu.memory_space<vmem>> -> memref<64x128xf32, #tpu.memory_space<vmem>>
        %get3A_412 = arith.index_cast %add3A_289 : i32 to index
        %get3A_413 = arith.constant 96 : index
        %get3A_414 = tpu.vector_load %get3A_411[%get3A_412, %get3A_413] {strides = array<i32>} : memref<64x128xf32, #tpu.memory_space<vmem>>, vector<16xf32>,
        %mul3A_415 = arith.mulf %get3A_384, %get3A_396 : vector<16xf32>
        %mul3A_416 = arith.mulf %get3A_390, %get3A_402 : vector<16xf32>
        %sub3A_417 = arith.subf %mul3A_415, %mul3A_416 : vector<16xf32>
        %mul3A_418 = arith.mulf %get3A_408, %sub3A_417 : vector<16xf32>
        %mul3A_419 = arith.mulf %get3A_384, %get3A_402 : vector<16xf32>
        %mul3A_420 = arith.mulf %get3A_390, %get3A_396 : vector<16xf32>
        %add3A_421 = arith.addf %mul3A_419, %mul3A_420 : vector<16xf32>
        %mul3A_422 = arith.mulf %get3A_414, %add3A_421 : vector<16xf32>
        %add3A_423 = arith.addf %mul3A_418, %mul3A_422 : vector<16xf32>
        %add3A_424 = arith.addf %add3A_378, %add3A_423 : vector<16xf32>
        %get3A_425 = arith.constant 0 : i32
        %get3A_426 = arith.constant 0 : i32
        %get3A_427 = tpu.memref_slice %arg11[%get3A_425, %get3A_426] : memref<768x128xf32, #tpu.memory_space<vmem>> -> memref<64x128xf32, #tpu.memory_space<vmem>>
        %get3A_428 = arith.index_cast %add3A_289 : i32 to index
        %get3A_429 = arith.constant 48 : index
        %get3A_430 = tpu.vector_load %get3A_427[%get3A_428, %get3A_429] {strides = array<i32>} : memref<64x128xf32, #tpu.memory_space<vmem>>, vector<16xf32>,
        %get3A_431 = arith.constant 0 : i32
        %get3A_432 = arith.constant 0 : i32
        %get3A_433 = tpu.memref_slice %arg11[%get3A_431, %get3A_432] : memref<768x128xf32, #tpu.memory_space<vmem>> -> memref<64x128xf32, #tpu.memory_space<vmem>>
        %get3A_434 = arith.index_cast %add3A_289 : i32 to index
        %get3A_435 = arith.constant 112 : index
        %get3A_436 = tpu.vector_load %get3A_433[%get3A_434, %get3A_435] {strides = array<i32>} : memref<64x128xf32, #tpu.memory_space<vmem>>, vector<16xf32>,
        %get3A_437 = arith.constant 64 : i32
        %get3A_438 = arith.constant 0 : i32
        %get3A_439 = tpu.memref_slice %arg11[%get3A_437, %get3A_438] : memref<768x128xf32, #tpu.memory_space<vmem>> -> memref<64x128xf32, #tpu.memory_space<vmem>>
        %get3A_440 = arith.index_cast %add3A_289 : i32 to index
        %get3A_441 = arith.constant 48 : index
        %get3A_442 = tpu.vector_load %get3A_439[%get3A_440, %get3A_441] {strides = array<i32>} : memref<64x128xf32, #tpu.memory_space<vmem>>, vector<16xf32>,
        %get3A_443 = arith.constant 64 : i32
        %get3A_444 = arith.constant 0 : i32
        %get3A_445 = tpu.memref_slice %arg11[%get3A_443, %get3A_444] : memref<768x128xf32, #tpu.memory_space<vmem>> -> memref<64x128xf32, #tpu.memory_space<vmem>>
        %get3A_446 = arith.index_cast %add3A_289 : i32 to index
        %get3A_447 = arith.constant 112 : index
        %get3A_448 = tpu.vector_load %get3A_445[%get3A_446, %get3A_447] {strides = array<i32>} : memref<64x128xf32, #tpu.memory_space<vmem>>, vector<16xf32>,
        %get3A_449 = arith.constant 128 : i32
        %get3A_450 = arith.constant 0 : i32
        %get3A_451 = tpu.memref_slice %arg11[%get3A_449, %get3A_450] : memref<768x128xf32, #tpu.memory_space<vmem>> -> memref<64x128xf32, #tpu.memory_space<vmem>>
        %get3A_452 = arith.index_cast %add3A_289 : i32 to index
        %get3A_453 = arith.constant 48 : index
        %get3A_454 = tpu.vector_load %get3A_451[%get3A_452, %get3A_453] {strides = array<i32>} : memref<64x128xf32, #tpu.memory_space<vmem>>, vector<16xf32>,
        %get3A_455 = arith.constant 128 : i32
        %get3A_456 = arith.constant 0 : i32
        %get3A_457 = tpu.memref_slice %arg11[%get3A_455, %get3A_456] : memref<768x128xf32, #tpu.memory_space<vmem>> -> memref<64x128xf32, #tpu.memory_space<vmem>>
        %get3A_458 = arith.index_cast %add3A_289 : i32 to index
        %get3A_459 = arith.constant 112 : index
        %get3A_460 = tpu.vector_load %get3A_457[%get3A_458, %get3A_459] {strides = array<i32>} : memref<64x128xf32, #tpu.memory_space<vmem>>, vector<16xf32>,
        %mul3A_461 = arith.mulf %get3A_430, %get3A_442 : vector<16xf32>
        %mul3A_462 = arith.mulf %get3A_436, %get3A_448 : vector<16xf32>
        %sub3A_463 = arith.subf %mul3A_461, %mul3A_462 : vector<16xf32>
        %mul3A_464 = arith.mulf %get3A_454, %sub3A_463 : vector<16xf32>
        %mul3A_465 = arith.mulf %get3A_430, %get3A_448 : vector<16xf32>
        %mul3A_466 = arith.mulf %get3A_436, %get3A_442 : vector<16xf32>
        %add3A_467 = arith.addf %mul3A_465, %mul3A_466 : vector<16xf32>
        %mul3A_468 = arith.mulf %get3A_460, %add3A_467 : vector<16xf32>
        %add3A_469 = arith.addf %mul3A_464, %mul3A_468 : vector<16xf32>
        %add3A_470 = arith.addf %add3A_424, %add3A_469 : vector<16xf32>
        %cumsum3A = arith.constant true
        %cumsum3A_471 = vector.broadcast %cumsum3A : i1 to vector<16xi1>
        %cumsum3A_472 = tpu.scan <sum>, %add3A_470 masked %cumsum3A_471 : vector<16xf32>, vector<16xi1> -> vector<16xf32>
        %add3A_473 = arith.constant 0 : i32
        %add3A_474 = arith.addi %mul3A_287, %add3A_473 : i32
        %swap3A = arith.index_cast %add3A_474 : i32 to index
        %swap3A_475 = arith.constant 0 : index
        %swap3A_476 = tpu.vector_load %arg12[%swap3A, %swap3A_475] {strides = array<i32>} : memref<64x16xf32, #tpu.memory_space<vmem>>, vector<16xf32>,
        tpu.vector_store %arg12[%swap3A, %swap3A_475], %cumsum3A_472 {strides = array<i32>} : memref<64x16xf32, #tpu.memory_space<vmem>>, vector<16xf32>,
        %add3A_477 = arith.constant 1 : i32
        %add3A_478 = arith.addi %mul3A_287, %add3A_477 : i32
        %get3A_479 = arith.constant 0 : i32
        %get3A_480 = arith.constant 0 : i32
        %get3A_481 = tpu.memref_slice %arg11[%get3A_479, %get3A_480] : memref<768x128xf32, #tpu.memory_space<vmem>> -> memref<64x128xf32, #tpu.memory_space<vmem>>
        %get3A_482 = arith.index_cast %add3A_478 : i32 to index
        %get3A_483 = arith.constant 0 : index
        %get3A_484 = tpu.vector_load %get3A_481[%get3A_482, %get3A_483] {strides = array<i32>} : memref<64x128xf32, #tpu.memory_space<vmem>>, vector<16xf32>,
        %get3A_485 = arith.constant 0 : i32
        %get3A_486 = arith.constant 0 : i32
        %get3A_487 = tpu.memref_slice %arg11[%get3A_485, %get3A_486] : memref<768x128xf32, #tpu.memory_space<vmem>> -> memref<64x128xf32, #tpu.memory_space<vmem>>
        %get3A_488 = arith.index_cast %add3A_478 : i32 to index
        %get3A_489 = arith.constant 64 : index
        %get3A_490 = tpu.vector_load %get3A_487[%get3A_488, %get3A_489] {strides = array<i32>} : memref<64x128xf32, #tpu.memory_space<vmem>>, vector<16xf32>,
        %get3A_491 = arith.constant 64 : i32
        %get3A_492 = arith.constant 0 : i32
        %get3A_493 = tpu.memref_slice %arg11[%get3A_491, %get3A_492] : memref<768x128xf32, #tpu.memory_space<vmem>> -> memref<64x128xf32, #tpu.memory_space<vmem>>
        %get3A_494 = arith.index_cast %add3A_478 : i32 to index
        %get3A_495 = arith.constant 0 : index
        %get3A_496 = tpu.vector_load %get3A_493[%get3A_494, %get3A_495] {strides = array<i32>} : memref<64x128xf32, #tpu.memory_space<vmem>>, vector<16xf32>,
        %get3A_497 = arith.constant 64 : i32
        %get3A_498 = arith.constant 0 : i32
        %get3A_499 = tpu.memref_slice %arg11[%get3A_497, %get3A_498] : memref<768x128xf32, #tpu.memory_space<vmem>> -> memref<64x128xf32, #tpu.memory_space<vmem>>
        %get3A_500 = arith.index_cast %add3A_478 : i32 to index
        %get3A_501 = arith.constant 64 : index
        %get3A_502 = tpu.vector_load %get3A_499[%get3A_500, %get3A_501] {strides = array<i32>} : memref<64x128xf32, #tpu.memory_space<vmem>>, vector<16xf32>,
        %get3A_503 = arith.constant 128 : i32
        %get3A_504 = arith.constant 0 : i32
        %get3A_505 = tpu.memref_slice %arg11[%get3A_503, %get3A_504] : memref<768x128xf32, #tpu.memory_space<vmem>> -> memref<64x128xf32, #tpu.memory_space<vmem>>
        %get3A_506 = arith.index_cast %add3A_478 : i32 to index
        %get3A_507 = arith.constant 0 : index
        %get3A_508 = tpu.vector_load %get3A_505[%get3A_506, %get3A_507] {strides = array<i32>} : memref<64x128xf32, #tpu.memory_space<vmem>>, vector<16xf32>,
        %get3A_509 = arith.constant 128 : i32
        %get3A_510 = arith.constant 0 : i32
        %get3A_511 = tpu.memref_slice %arg11[%get3A_509, %get3A_510] : memref<768x128xf32, #tpu.memory_space<vmem>> -> memref<64x128xf32, #tpu.memory_space<vmem>>
        %get3A_512 = arith.index_cast %add3A_478 : i32 to index
        %get3A_513 = arith.constant 64 : index
        %get3A_514 = tpu.vector_load %get3A_511[%get3A_512, %get3A_513] {strides = array<i32>} : memref<64x128xf32, #tpu.memory_space<vmem>>, vector<16xf32>,
        %mul3A_515 = arith.mulf %get3A_484, %get3A_496 : vector<16xf32>
        %mul3A_516 = arith.mulf %get3A_490, %get3A_502 : vector<16xf32>
        %sub3A_517 = arith.subf %mul3A_515, %mul3A_516 : vector<16xf32>
        %mul3A_518 = arith.mulf %get3A_508, %sub3A_517 : vector<16xf32>
        %mul3A_519 = arith.mulf %get3A_484, %get3A_502 : vector<16xf32>
        %mul3A_520 = arith.mulf %get3A_490, %get3A_496 : vector<16xf32>
        %add3A_521 = arith.addf %mul3A_519, %mul3A_520 : vector<16xf32>
        %mul3A_522 = arith.mulf %get3A_514, %add3A_521 : vector<16xf32>
        %add3A_523 = arith.addf %mul3A_518, %mul3A_522 : vector<16xf32>
        %get3A_524 = arith.constant 0 : i32
        %get3A_525 = arith.constant 0 : i32
        %get3A_526 = tpu.memref_slice %arg11[%get3A_524, %get3A_525] : memref<768x128xf32, #tpu.memory_space<vmem>> -> memref<64x128xf32, #tpu.memory_space<vmem>>
        %get3A_527 = arith.index_cast %add3A_478 : i32 to index
        %get3A_528 = arith.constant 16 : index
        %get3A_529 = tpu.vector_load %get3A_526[%get3A_527, %get3A_528] {strides = array<i32>} : memref<64x128xf32, #tpu.memory_space<vmem>>, vector<16xf32>,
        %get3A_530 = arith.constant 0 : i32
        %get3A_531 = arith.constant 0 : i32
        %get3A_532 = tpu.memref_slice %arg11[%get3A_530, %get3A_531] : memref<768x128xf32, #tpu.memory_space<vmem>> -> memref<64x128xf32, #tpu.memory_space<vmem>>
        %get3A_533 = arith.index_cast %add3A_478 : i32 to index
        %get3A_534 = arith.constant 80 : index
        %get3A_535 = tpu.vector_load %get3A_532[%get3A_533, %get3A_534] {strides = array<i32>} : memref<64x128xf32, #tpu.memory_space<vmem>>, vector<16xf32>,
        %get3A_536 = arith.constant 64 : i32
        %get3A_537 = arith.constant 0 : i32
        %get3A_538 = tpu.memref_slice %arg11[%get3A_536, %get3A_537] : memref<768x128xf32, #tpu.memory_space<vmem>> -> memref<64x128xf32, #tpu.memory_space<vmem>>
        %get3A_539 = arith.index_cast %add3A_478 : i32 to index
        %get3A_540 = arith.constant 16 : index
        %get3A_541 = tpu.vector_load %get3A_538[%get3A_539, %get3A_540] {strides = array<i32>} : memref<64x128xf32, #tpu.memory_space<vmem>>, vector<16xf32>,
        %get3A_542 = arith.constant 64 : i32
        %get3A_543 = arith.constant 0 : i32
        %get3A_544 = tpu.memref_slice %arg11[%get3A_542, %get3A_543] : memref<768x128xf32, #tpu.memory_space<vmem>> -> memref<64x128xf32, #tpu.memory_space<vmem>>
        %get3A_545 = arith.index_cast %add3A_478 : i32 to index
        %get3A_546 = arith.constant 80 : index
        %get3A_547 = tpu.vector_load %get3A_544[%get3A_545, %get3A_546] {strides = array<i32>} : memref<64x128xf32, #tpu.memory_space<vmem>>, vector<16xf32>,
        %get3A_548 = arith.constant 128 : i32
        %get3A_549 = arith.constant 0 : i32
        %get3A_550 = tpu.memref_slice %arg11[%get3A_548, %get3A_549] : memref<768x128xf32, #tpu.memory_space<vmem>> -> memref<64x128xf32, #tpu.memory_space<vmem>>
        %get3A_551 = arith.index_cast %add3A_478 : i32 to index
        %get3A_552 = arith.constant 16 : index
        %get3A_553 = tpu.vector_load %get3A_550[%get3A_551, %get3A_552] {strides = array<i32>} : memref<64x128xf32, #tpu.memory_space<vmem>>, vector<16xf32>,
        %get3A_554 = arith.constant 128 : i32
        %get3A_555 = arith.constant 0 : i32
        %get3A_556 = tpu.memref_slice %arg11[%get3A_554, %get3A_555] : memref<768x128xf32, #tpu.memory_space<vmem>> -> memref<64x128xf32, #tpu.memory_space<vmem>>
        %get3A_557 = arith.index_cast %add3A_478 : i32 to index
        %get3A_558 = arith.constant 80 : index
        %get3A_559 = tpu.vector_load %get3A_556[%get3A_557, %get3A_558] {strides = array<i32>} : memref<64x128xf32, #tpu.memory_space<vmem>>, vector<16xf32>,
        %mul3A_560 = arith.mulf %get3A_529, %get3A_541 : vector<16xf32>
        %mul3A_561 = arith.mulf %get3A_535, %get3A_547 : vector<16xf32>
        %sub3A_562 = arith.subf %mul3A_560, %mul3A_561 : vector<16xf32>
        %mul3A_563 = arith.mulf %get3A_553, %sub3A_562 : vector<16xf32>
        %mul3A_564 = arith.mulf %get3A_529, %get3A_547 : vector<16xf32>
        %mul3A_565 = arith.mulf %get3A_535, %get3A_541 : vector<16xf32>
        %add3A_566 = arith.addf %mul3A_564, %mul3A_565 : vector<16xf32>
        %mul3A_567 = arith.mulf %get3A_559, %add3A_566 : vector<16xf32>
        %add3A_568 = arith.addf %mul3A_563, %mul3A_567 : vector<16xf32>
        %add3A_569 = arith.addf %add3A_523, %add3A_568 : vector<16xf32>
        %get3A_570 = arith.constant 0 : i32
        %get3A_571 = arith.constant 0 : i32
        %get3A_572 = tpu.memref_slice %arg11[%get3A_570, %get3A_571] : memref<768x128xf32, #tpu.memory_space<vmem>> -> memref<64x128xf32, #tpu.memory_space<vmem>>
        %get3A_573 = arith.index_cast %add3A_478 : i32 to index
        %get3A_574 = arith.constant 32 : index
        %get3A_575 = tpu.vector_load %get3A_572[%get3A_573, %get3A_574] {strides = array<i32>} : memref<64x128xf32, #tpu.memory_space<vmem>>, vector<16xf32>,
        %get3A_576 = arith.constant 0 : i32
        %get3A_577 = arith.constant 0 : i32
        %get3A_578 = tpu.memref_slice %arg11[%get3A_576, %get3A_577] : memref<768x128xf32, #tpu.memory_space<vmem>> -> memref<64x128xf32, #tpu.memory_space<vmem>>
        %get3A_579 = arith.index_cast %add3A_478 : i32 to index
        %get3A_580 = arith.constant 96 : index
        %get3A_581 = tpu.vector_load %get3A_578[%get3A_579, %get3A_580] {strides = array<i32>} : memref<64x128xf32, #tpu.memory_space<vmem>>, vector<16xf32>,
        %get3A_582 = arith.constant 64 : i32
        %get3A_583 = arith.constant 0 : i32
        %get3A_584 = tpu.memref_slice %arg11[%get3A_582, %get3A_583] : memref<768x128xf32, #tpu.memory_space<vmem>> -> memref<64x128xf32, #tpu.memory_space<vmem>>
        %get3A_585 = arith.index_cast %add3A_478 : i32 to index
        %get3A_586 = arith.constant 32 : index
        %get3A_587 = tpu.vector_load %get3A_584[%get3A_585, %get3A_586] {strides = array<i32>} : memref<64x128xf32, #tpu.memory_space<vmem>>, vector<16xf32>,
        %get3A_588 = arith.constant 64 : i32
        %get3A_589 = arith.constant 0 : i32
        %get3A_590 = tpu.memref_slice %arg11[%get3A_588, %get3A_589] : memref<768x128xf32, #tpu.memory_space<vmem>> -> memref<64x128xf32, #tpu.memory_space<vmem>>
        %get3A_591 = arith.index_cast %add3A_478 : i32 to index
        %get3A_592 = arith.constant 96 : index
        %get3A_593 = tpu.vector_load %get3A_590[%get3A_591, %get3A_592] {strides = array<i32>} : memref<64x128xf32, #tpu.memory_space<vmem>>, vector<16xf32>,
        %get3A_594 = arith.constant 128 : i32
        %get3A_595 = arith.constant 0 : i32
        %get3A_596 = tpu.memref_slice %arg11[%get3A_594, %get3A_595] : memref<768x128xf32, #tpu.memory_space<vmem>> -> memref<64x128xf32, #tpu.memory_space<vmem>>
        %get3A_597 = arith.index_cast %add3A_478 : i32 to index
        %get3A_598 = arith.constant 32 : index
        %get3A_599 = tpu.vector_load %get3A_596[%get3A_597, %get3A_598] {strides = array<i32>} : memref<64x128xf32, #tpu.memory_space<vmem>>, vector<16xf32>,
        %get3A_600 = arith.constant 128 : i32
        %get3A_601 = arith.constant 0 : i32
        %get3A_602 = tpu.memref_slice %arg11[%get3A_600, %get3A_601] : memref<768x128xf32, #tpu.memory_space<vmem>> -> memref<64x128xf32, #tpu.memory_space<vmem>>
        %get3A_603 = arith.index_cast %add3A_478 : i32 to index
        %get3A_604 = arith.constant 96 : index
        %get3A_605 = tpu.vector_load %get3A_602[%get3A_603, %get3A_604] {strides = array<i32>} : memref<64x128xf32, #tpu.memory_space<vmem>>, vector<16xf32>,
        %mul3A_606 = arith.mulf %get3A_575, %get3A_587 : vector<16xf32>
        %mul3A_607 = arith.mulf %get3A_581, %get3A_593 : vector<16xf32>
        %sub3A_608 = arith.subf %mul3A_606, %mul3A_607 : vector<16xf32>
        %mul3A_609 = arith.mulf %get3A_599, %sub3A_608 : vector<16xf32>
        %mul3A_610 = arith.mulf %get3A_575, %get3A_593 : vector<16xf32>
        %mul3A_611 = arith.mulf %get3A_581, %get3A_587 : vector<16xf32>
        %add3A_612 = arith.addf %mul3A_610, %mul3A_611 : vector<16xf32>
        %mul3A_613 = arith.mulf %get3A_605, %add3A_612 : vector<16xf32>
        %add3A_614 = arith.addf %mul3A_609, %mul3A_613 : vector<16xf32>
        %add3A_615 = arith.addf %add3A_569, %add3A_614 : vector<16xf32>
        %get3A_616 = arith.constant 0 : i32
        %get3A_617 = arith.constant 0 : i32
        %get3A_618 = tpu.memref_slice %arg11[%get3A_616, %get3A_617] : memref<768x128xf32, #tpu.memory_space<vmem>> -> memref<64x128xf32, #tpu.memory_space<vmem>>
        %get3A_619 = arith.index_cast %add3A_478 : i32 to index
        %get3A_620 = arith.constant 48 : index
        %get3A_621 = tpu.vector_load %get3A_618[%get3A_619, %get3A_620] {strides = array<i32>} : memref<64x128xf32, #tpu.memory_space<vmem>>, vector<16xf32>,
        %get3A_622 = arith.constant 0 : i32
        %get3A_623 = arith.constant 0 : i32
        %get3A_624 = tpu.memref_slice %arg11[%get3A_622, %get3A_623] : memref<768x128xf32, #tpu.memory_space<vmem>> -> memref<64x128xf32, #tpu.memory_space<vmem>>
        %get3A_625 = arith.index_cast %add3A_478 : i32 to index
        %get3A_626 = arith.constant 112 : index
        %get3A_627 = tpu.vector_load %get3A_624[%get3A_625, %get3A_626] {strides = array<i32>} : memref<64x128xf32, #tpu.memory_space<vmem>>, vector<16xf32>,
        %get3A_628 = arith.constant 64 : i32
        %get3A_629 = arith.constant 0 : i32
        %get3A_630 = tpu.memref_slice %arg11[%get3A_628, %get3A_629] : memref<768x128xf32, #tpu.memory_space<vmem>> -> memref<64x128xf32, #tpu.memory_space<vmem>>
        %get3A_631 = arith.index_cast %add3A_478 : i32 to index
        %get3A_632 = arith.constant 48 : index
        %get3A_633 = tpu.vector_load %get3A_630[%get3A_631, %get3A_632] {strides = array<i32>} : memref<64x128xf32, #tpu.memory_space<vmem>>, vector<16xf32>,
        %get3A_634 = arith.constant 64 : i32
        %get3A_635 = arith.constant 0 : i32
        %get3A_636 = tpu.memref_slice %arg11[%get3A_634, %get3A_635] : memref<768x128xf32, #tpu.memory_space<vmem>> -> memref<64x128xf32, #tpu.memory_space<vmem>>
        %get3A_637 = arith.index_cast %add3A_478 : i32 to index
        %get3A_638 = arith.constant 112 : index
        %get3A_639 = tpu.vector_load %get3A_636[%get3A_637, %get3A_638] {strides = array<i32>} : memref<64x128xf32, #tpu.memory_space<vmem>>, vector<16xf32>,
        %get3A_640 = arith.constant 128 : i32
        %get3A_641 = arith.constant 0 : i32
        %get3A_642 = tpu.memref_slice %arg11[%get3A_640, %get3A_641] : memref<768x128xf32, #tpu.memory_space<vmem>> -> memref<64x128xf32, #tpu.memory_space<vmem>>
        %get3A_643 = arith.index_cast %add3A_478 : i32 to index
        %get3A_644 = arith.constant 48 : index
        %get3A_645 = tpu.vector_load %get3A_642[%get3A_643, %get3A_644] {strides = array<i32>} : memref<64x128xf32, #tpu.memory_space<vmem>>, vector<16xf32>,
        %get3A_646 = arith.constant 128 : i32
        %get3A_647 = arith.constant 0 : i32
        %get3A_648 = tpu.memref_slice %arg11[%get3A_646, %get3A_647] : memref<768x128xf32, #tpu.memory_space<vmem>> -> memref<64x128xf32, #tpu.memory_space<vmem>>
        %get3A_649 = arith.index_cast %add3A_478 : i32 to index
        %get3A_650 = arith.constant 112 : index
        %get3A_651 = tpu.vector_load %get3A_648[%get3A_649, %get3A_650] {strides = array<i32>} : memref<64x128xf32, #tpu.memory_space<vmem>>, vector<16xf32>,
        %mul3A_652 = arith.mulf %get3A_621, %get3A_633 : vector<16xf32>
        %mul3A_653 = arith.mulf %get3A_627, %get3A_639 : vector<16xf32>
        %sub3A_654 = arith.subf %mul3A_652, %mul3A_653 : vector<16xf32>
        %mul3A_655 = arith.mulf %get3A_645, %sub3A_654 : vector<16xf32>
        %mul3A_656 = arith.mulf %get3A_621, %get3A_639 : vector<16xf32>
        %mul3A_657 = arith.mulf %get3A_627, %get3A_633 : vector<16xf32>
        %add3A_658 = arith.addf %mul3A_656, %mul3A_657 : vector<16xf32>
        %mul3A_659 = arith.mulf %get3A_651, %add3A_658 : vector<16xf32>
        %add3A_660 = arith.addf %mul3A_655, %mul3A_659 : vector<16xf32>
        %add3A_661 = arith.addf %add3A_615, %add3A_660 : vector<16xf32>
        %cumsum3A_662 = arith.constant true
        %cumsum3A_663 = vector.broadcast %cumsum3A_662 : i1 to vector<16xi1>
        %cumsum3A_664 = tpu.scan <sum>, %add3A_661 masked %cumsum3A_663 : vector<16xf32>, vector<16xi1> -> vector<16xf32>
        %add3A_665 = arith.constant 1 : i32
        %add3A_666 = arith.addi %mul3A_287, %add3A_665 : i32
        %swap3A_667 = arith.index_cast %add3A_666 : i32 to index
        %swap3A_668 = arith.constant 0 : index
        %swap3A_669 = tpu.vector_load %arg12[%swap3A_667, %swap3A_668] {strides = array<i32>} : memref<64x16xf32, #tpu.memory_space<vmem>>, vector<16xf32>,
        tpu.vector_store %arg12[%swap3A_667, %swap3A_668], %cumsum3A_664 {strides = array<i32>} : memref<64x16xf32, #tpu.memory_space<vmem>>, vector<16xf32>,
        %add3A_670 = arith.constant 2 : i32
        %add3A_671 = arith.addi %mul3A_287, %add3A_670 : i32
        %get3A_672 = arith.constant 0 : i32
        %get3A_673 = arith.constant 0 : i32
        %get3A_674 = tpu.memref_slice %arg11[%get3A_672, %get3A_673] : memref<768x128xf32, #tpu.memory_space<vmem>> -> memref<64x128xf32, #tpu.memory_space<vmem>>
        %get3A_675 = arith.index_cast %add3A_671 : i32 to index
        %get3A_676 = arith.constant 0 : index
        %get3A_677 = tpu.vector_load %get3A_674[%get3A_675, %get3A_676] {strides = array<i32>} : memref<64x128xf32, #tpu.memory_space<vmem>>, vector<16xf32>,
        %get3A_678 = arith.constant 0 : i32
        %get3A_679 = arith.constant 0 : i32
        %get3A_680 = tpu.memref_slice %arg11[%get3A_678, %get3A_679] : memref<768x128xf32, #tpu.memory_space<vmem>> -> memref<64x128xf32, #tpu.memory_space<vmem>>
        %get3A_681 = arith.index_cast %add3A_671 : i32 to index
        %get3A_682 = arith.constant 64 : index
        %get3A_683 = tpu.vector_load %get3A_680[%get3A_681, %get3A_682] {strides = array<i32>} : memref<64x128xf32, #tpu.memory_space<vmem>>, vector<16xf32>,
        %get3A_684 = arith.constant 64 : i32
        %get3A_685 = arith.constant 0 : i32
        %get3A_686 = tpu.memref_slice %arg11[%get3A_684, %get3A_685] : memref<768x128xf32, #tpu.memory_space<vmem>> -> memref<64x128xf32, #tpu.memory_space<vmem>>
        %get3A_687 = arith.index_cast %add3A_671 : i32 to index
        %get3A_688 = arith.constant 0 : index
        %get3A_689 = tpu.vector_load %get3A_686[%get3A_687, %get3A_688] {strides = array<i32>} : memref<64x128xf32, #tpu.memory_space<vmem>>, vector<16xf32>,
        %get3A_690 = arith.constant 64 : i32
        %get3A_691 = arith.constant 0 : i32
        %get3A_692 = tpu.memref_slice %arg11[%get3A_690, %get3A_691] : memref<768x128xf32, #tpu.memory_space<vmem>> -> memref<64x128xf32, #tpu.memory_space<vmem>>
        %get3A_693 = arith.index_cast %add3A_671 : i32 to index
        %get3A_694 = arith.constant 64 : index
        %get3A_695 = tpu.vector_load %get3A_692[%get3A_693, %get3A_694] {strides = array<i32>} : memref<64x128xf32, #tpu.memory_space<vmem>>, vector<16xf32>,
        %get3A_696 = arith.constant 128 : i32
        %get3A_697 = arith.constant 0 : i32
        %get3A_698 = tpu.memref_slice %arg11[%get3A_696, %get3A_697] : memref<768x128xf32, #tpu.memory_space<vmem>> -> memref<64x128xf32, #tpu.memory_space<vmem>>
        %get3A_699 = arith.index_cast %add3A_671 : i32 to index
        %get3A_700 = arith.constant 0 : index
        %get3A_701 = tpu.vector_load %get3A_698[%get3A_699, %get3A_700] {strides = array<i32>} : memref<64x128xf32, #tpu.memory_space<vmem>>, vector<16xf32>,
        %get3A_702 = arith.constant 128 : i32
        %get3A_703 = arith.constant 0 : i32
        %get3A_704 = tpu.memref_slice %arg11[%get3A_702, %get3A_703] : memref<768x128xf32, #tpu.memory_space<vmem>> -> memref<64x128xf32, #tpu.memory_space<vmem>>
        %get3A_705 = arith.index_cast %add3A_671 : i32 to index
        %get3A_706 = arith.constant 64 : index
        %get3A_707 = tpu.vector_load %get3A_704[%get3A_705, %get3A_706] {strides = array<i32>} : memref<64x128xf32, #tpu.memory_space<vmem>>, vector<16xf32>,
        %mul3A_708 = arith.mulf %get3A_677, %get3A_689 : vector<16xf32>
        %mul3A_709 = arith.mulf %get3A_683, %get3A_695 : vector<16xf32>
        %sub3A_710 = arith.subf %mul3A_708, %mul3A_709 : vector<16xf32>
        %mul3A_711 = arith.mulf %get3A_701, %sub3A_710 : vector<16xf32>
        %mul3A_712 = arith.mulf %get3A_677, %get3A_695 : vector<16xf32>
        %mul3A_713 = arith.mulf %get3A_683, %get3A_689 : vector<16xf32>
        %add3A_714 = arith.addf %mul3A_712, %mul3A_713 : vector<16xf32>
        %mul3A_715 = arith.mulf %get3A_707, %add3A_714 : vector<16xf32>
        %add3A_716 = arith.addf %mul3A_711, %mul3A_715 : vector<16xf32>
        %get3A_717 = arith.constant 0 : i32
        %get3A_718 = arith.constant 0 : i32
        %get3A_719 = tpu.memref_slice %arg11[%get3A_717, %get3A_718] : memref<768x128xf32, #tpu.memory_space<vmem>> -> memref<64x128xf32, #tpu.memory_space<vmem>>
        %get3A_720 = arith.index_cast %add3A_671 : i32 to index
        %get3A_721 = arith.constant 16 : index
        %get3A_722 = tpu.vector_load %get3A_719[%get3A_720, %get3A_721] {strides = array<i32>} : memref<64x128xf32, #tpu.memory_space<vmem>>, vector<16xf32>,
        %get3A_723 = arith.constant 0 : i32
        %get3A_724 = arith.constant 0 : i32
        %get3A_725 = tpu.memref_slice %arg11[%get3A_723, %get3A_724] : memref<768x128xf32, #tpu.memory_space<vmem>> -> memref<64x128xf32, #tpu.memory_space<vmem>>
        %get3A_726 = arith.index_cast %add3A_671 : i32 to index
        %get3A_727 = arith.constant 80 : index
        %get3A_728 = tpu.vector_load %get3A_725[%get3A_726, %get3A_727] {strides = array<i32>} : memref<64x128xf32, #tpu.memory_space<vmem>>, vector<16xf32>,
        %get3A_729 = arith.constant 64 : i32
        %get3A_730 = arith.constant 0 : i32
        %get3A_731 = tpu.memref_slice %arg11[%get3A_729, %get3A_730] : memref<768x128xf32, #tpu.memory_space<vmem>> -> memref<64x128xf32, #tpu.memory_space<vmem>>
        %get3A_732 = arith.index_cast %add3A_671 : i32 to index
        %get3A_733 = arith.constant 16 : index
        %get3A_734 = tpu.vector_load %get3A_731[%get3A_732, %get3A_733] {strides = array<i32>} : memref<64x128xf32, #tpu.memory_space<vmem>>, vector<16xf32>,
        %get3A_735 = arith.constant 64 : i32
        %get3A_736 = arith.constant 0 : i32
        %get3A_737 = tpu.memref_slice %arg11[%get3A_735, %get3A_736] : memref<768x128xf32, #tpu.memory_space<vmem>> -> memref<64x128xf32, #tpu.memory_space<vmem>>
        %get3A_738 = arith.index_cast %add3A_671 : i32 to index
        %get3A_739 = arith.constant 80 : index
        %get3A_740 = tpu.vector_load %get3A_737[%get3A_738, %get3A_739] {strides = array<i32>} : memref<64x128xf32, #tpu.memory_space<vmem>>, vector<16xf32>,
        %get3A_741 = arith.constant 128 : i32
        %get3A_742 = arith.constant 0 : i32
        %get3A_743 = tpu.memref_slice %arg11[%get3A_741, %get3A_742] : memref<768x128xf32, #tpu.memory_space<vmem>> -> memref<64x128xf32, #tpu.memory_space<vmem>>
        %get3A_744 = arith.index_cast %add3A_671 : i32 to index
        %get3A_745 = arith.constant 16 : index
        %get3A_746 = tpu.vector_load %get3A_743[%get3A_744, %get3A_745] {strides = array<i32>} : memref<64x128xf32, #tpu.memory_space<vmem>>, vector<16xf32>,
        %get3A_747 = arith.constant 128 : i32
        %get3A_748 = arith.constant 0 : i32
        %get3A_749 = tpu.memref_slice %arg11[%get3A_747, %get3A_748] : memref<768x128xf32, #tpu.memory_space<vmem>> -> memref<64x128xf32, #tpu.memory_space<vmem>>
        %get3A_750 = arith.index_cast %add3A_671 : i32 to index
        %get3A_751 = arith.constant 80 : index
        %get3A_752 = tpu.vector_load %get3A_749[%get3A_750, %get3A_751] {strides = array<i32>} : memref<64x128xf32, #tpu.memory_space<vmem>>, vector<16xf32>,
        %mul3A_753 = arith.mulf %get3A_722, %get3A_734 : vector<16xf32>
        %mul3A_754 = arith.mulf %get3A_728, %get3A_740 : vector<16xf32>
        %sub3A_755 = arith.subf %mul3A_753, %mul3A_754 : vector<16xf32>
        %mul3A_756 = arith.mulf %get3A_746, %sub3A_755 : vector<16xf32>
        %mul3A_757 = arith.mulf %get3A_722, %get3A_740 : vector<16xf32>
        %mul3A_758 = arith.mulf %get3A_728, %get3A_734 : vector<16xf32>
        %add3A_759 = arith.addf %mul3A_757, %mul3A_758 : vector<16xf32>
        %mul3A_760 = arith.mulf %get3A_752, %add3A_759 : vector<16xf32>
        %add3A_761 = arith.addf %mul3A_756, %mul3A_760 : vector<16xf32>
        %add3A_762 = arith.addf %add3A_716, %add3A_761 : vector<16xf32>
        %get3A_763 = arith.constant 0 : i32
        %get3A_764 = arith.constant 0 : i32
        %get3A_765 = tpu.memref_slice %arg11[%get3A_763, %get3A_764] : memref<768x128xf32, #tpu.memory_space<vmem>> -> memref<64x128xf32, #tpu.memory_space<vmem>>
        %get3A_766 = arith.index_cast %add3A_671 : i32 to index
        %get3A_767 = arith.constant 32 : index
        %get3A_768 = tpu.vector_load %get3A_765[%get3A_766, %get3A_767] {strides = array<i32>} : memref<64x128xf32, #tpu.memory_space<vmem>>, vector<16xf32>,
        %get3A_769 = arith.constant 0 : i32
        %get3A_770 = arith.constant 0 : i32
        %get3A_771 = tpu.memref_slice %arg11[%get3A_769, %get3A_770] : memref<768x128xf32, #tpu.memory_space<vmem>> -> memref<64x128xf32, #tpu.memory_space<vmem>>
        %get3A_772 = arith.index_cast %add3A_671 : i32 to index
        %get3A_773 = arith.constant 96 : index
        %get3A_774 = tpu.vector_load %get3A_771[%get3A_772, %get3A_773] {strides = array<i32>} : memref<64x128xf32, #tpu.memory_space<vmem>>, vector<16xf32>,
        %get3A_775 = arith.constant 64 : i32
        %get3A_776 = arith.constant 0 : i32
        %get3A_777 = tpu.memref_slice %arg11[%get3A_775, %get3A_776] : memref<768x128xf32, #tpu.memory_space<vmem>> -> memref<64x128xf32, #tpu.memory_space<vmem>>
        %get3A_778 = arith.index_cast %add3A_671 : i32 to index
        %get3A_779 = arith.constant 32 : index
        %get3A_780 = tpu.vector_load %get3A_777[%get3A_778, %get3A_779] {strides = array<i32>} : memref<64x128xf32, #tpu.memory_space<vmem>>, vector<16xf32>,
        %get3A_781 = arith.constant 64 : i32
        %get3A_782 = arith.constant 0 : i32
        %get3A_783 = tpu.memref_slice %arg11[%get3A_781, %get3A_782] : memref<768x128xf32, #tpu.memory_space<vmem>> -> memref<64x128xf32, #tpu.memory_space<vmem>>
        %get3A_784 = arith.index_cast %add3A_671 : i32 to index
        %get3A_785 = arith.constant 96 : index
        %get3A_786 = tpu.vector_load %get3A_783[%get3A_784, %get3A_785] {strides = array<i32>} : memref<64x128xf32, #tpu.memory_space<vmem>>, vector<16xf32>,
        %get3A_787 = arith.constant 128 : i32
        %get3A_788 = arith.constant 0 : i32
        %get3A_789 = tpu.memref_slice %arg11[%get3A_787, %get3A_788] : memref<768x128xf32, #tpu.memory_space<vmem>> -> memref<64x128xf32, #tpu.memory_space<vmem>>
        %get3A_790 = arith.index_cast %add3A_671 : i32 to index
        %get3A_791 = arith.constant 32 : index
        %get3A_792 = tpu.vector_load %get3A_789[%get3A_790, %get3A_791] {strides = array<i32>} : memref<64x128xf32, #tpu.memory_space<vmem>>, vector<16xf32>,
        %get3A_793 = arith.constant 128 : i32
        %get3A_794 = arith.constant 0 : i32
        %get3A_795 = tpu.memref_slice %arg11[%get3A_793, %get3A_794] : memref<768x128xf32, #tpu.memory_space<vmem>> -> memref<64x128xf32, #tpu.memory_space<vmem>>
        %get3A_796 = arith.index_cast %add3A_671 : i32 to index
        %get3A_797 = arith.constant 96 : index
        %get3A_798 = tpu.vector_load %get3A_795[%get3A_796, %get3A_797] {strides = array<i32>} : memref<64x128xf32, #tpu.memory_space<vmem>>, vector<16xf32>,
        %mul3A_799 = arith.mulf %get3A_768, %get3A_780 : vector<16xf32>
        %mul3A_800 = arith.mulf %get3A_774, %get3A_786 : vector<16xf32>
        %sub3A_801 = arith.subf %mul3A_799, %mul3A_800 : vector<16xf32>
        %mul3A_802 = arith.mulf %get3A_792, %sub3A_801 : vector<16xf32>
        %mul3A_803 = arith.mulf %get3A_768, %get3A_786 : vector<16xf32>
        %mul3A_804 = arith.mulf %get3A_774, %get3A_780 : vector<16xf32>
        %add3A_805 = arith.addf %mul3A_803, %mul3A_804 : vector<16xf32>
        %mul3A_806 = arith.mulf %get3A_798, %add3A_805 : vector<16xf32>
        %add3A_807 = arith.addf %mul3A_802, %mul3A_806 : vector<16xf32>
        %add3A_808 = arith.addf %add3A_762, %add3A_807 : vector<16xf32>
        %get3A_809 = arith.constant 0 : i32
        %get3A_810 = arith.constant 0 : i32
        %get3A_811 = tpu.memref_slice %arg11[%get3A_809, %get3A_810] : memref<768x128xf32, #tpu.memory_space<vmem>> -> memref<64x128xf32, #tpu.memory_space<vmem>>
        %get3A_812 = arith.index_cast %add3A_671 : i32 to index
        %get3A_813 = arith.constant 48 : index
        %get3A_814 = tpu.vector_load %get3A_811[%get3A_812, %get3A_813] {strides = array<i32>} : memref<64x128xf32, #tpu.memory_space<vmem>>, vector<16xf32>,
        %get3A_815 = arith.constant 0 : i32
        %get3A_816 = arith.constant 0 : i32
        %get3A_817 = tpu.memref_slice %arg11[%get3A_815, %get3A_816] : memref<768x128xf32, #tpu.memory_space<vmem>> -> memref<64x128xf32, #tpu.memory_space<vmem>>
        %get3A_818 = arith.index_cast %add3A_671 : i32 to index
        %get3A_819 = arith.constant 112 : index
        %get3A_820 = tpu.vector_load %get3A_817[%get3A_818, %get3A_819] {strides = array<i32>} : memref<64x128xf32, #tpu.memory_space<vmem>>, vector<16xf32>,
        %get3A_821 = arith.constant 64 : i32
        %get3A_822 = arith.constant 0 : i32
        %get3A_823 = tpu.memref_slice %arg11[%get3A_821, %get3A_822] : memref<768x128xf32, #tpu.memory_space<vmem>> -> memref<64x128xf32, #tpu.memory_space<vmem>>
        %get3A_824 = arith.index_cast %add3A_671 : i32 to index
        %get3A_825 = arith.constant 48 : index
        %get3A_826 = tpu.vector_load %get3A_823[%get3A_824, %get3A_825] {strides = array<i32>} : memref<64x128xf32, #tpu.memory_space<vmem>>, vector<16xf32>,
        %get3A_827 = arith.constant 64 : i32
        %get3A_828 = arith.constant 0 : i32
        %get3A_829 = tpu.memref_slice %arg11[%get3A_827, %get3A_828] : memref<768x128xf32, #tpu.memory_space<vmem>> -> memref<64x128xf32, #tpu.memory_space<vmem>>
        %get3A_830 = arith.index_cast %add3A_671 : i32 to index
        %get3A_831 = arith.constant 112 : index
        %get3A_832 = tpu.vector_load %get3A_829[%get3A_830, %get3A_831] {strides = array<i32>} : memref<64x128xf32, #tpu.memory_space<vmem>>, vector<16xf32>,
        %get3A_833 = arith.constant 128 : i32
        %get3A_834 = arith.constant 0 : i32
        %get3A_835 = tpu.memref_slice %arg11[%get3A_833, %get3A_834] : memref<768x128xf32, #tpu.memory_space<vmem>> -> memref<64x128xf32, #tpu.memory_space<vmem>>
        %get3A_836 = arith.index_cast %add3A_671 : i32 to index
        %get3A_837 = arith.constant 48 : index
        %get3A_838 = tpu.vector_load %get3A_835[%get3A_836, %get3A_837] {strides = array<i32>} : memref<64x128xf32, #tpu.memory_space<vmem>>, vector<16xf32>,
        %get3A_839 = arith.constant 128 : i32
        %get3A_840 = arith.constant 0 : i32
        %get3A_841 = tpu.memref_slice %arg11[%get3A_839, %get3A_840] : memref<768x128xf32, #tpu.memory_space<vmem>> -> memref<64x128xf32, #tpu.memory_space<vmem>>
        %get3A_842 = arith.index_cast %add3A_671 : i32 to index
        %get3A_843 = arith.constant 112 : index
        %get3A_844 = tpu.vector_load %get3A_841[%get3A_842, %get3A_843] {strides = array<i32>} : memref<64x128xf32, #tpu.memory_space<vmem>>, vector<16xf32>,
        %mul3A_845 = arith.mulf %get3A_814, %get3A_826 : vector<16xf32>
        %mul3A_846 = arith.mulf %get3A_820, %get3A_832 : vector<16xf32>
        %sub3A_847 = arith.subf %mul3A_845, %mul3A_846 : vector<16xf32>
        %mul3A_848 = arith.mulf %get3A_838, %sub3A_847 : vector<16xf32>
        %mul3A_849 = arith.mulf %get3A_814, %get3A_832 : vector<16xf32>
        %mul3A_850 = arith.mulf %get3A_820, %get3A_826 : vector<16xf32>
        %add3A_851 = arith.addf %mul3A_849, %mul3A_850 : vector<16xf32>
        %mul3A_852 = arith.mulf %get3A_844, %add3A_851 : vector<16xf32>
        %add3A_853 = arith.addf %mul3A_848, %mul3A_852 : vector<16xf32>
        %add3A_854 = arith.addf %add3A_808, %add3A_853 : vector<16xf32>
        %cumsum3A_855 = arith.constant true
        %cumsum3A_856 = vector.broadcast %cumsum3A_855 : i1 to vector<16xi1>
        %cumsum3A_857 = tpu.scan <sum>, %add3A_854 masked %cumsum3A_856 : vector<16xf32>, vector<16xi1> -> vector<16xf32>
        %add3A_858 = arith.constant 2 : i32
        %add3A_859 = arith.addi %mul3A_287, %add3A_858 : i32
        %swap3A_860 = arith.index_cast %add3A_859 : i32 to index
        %swap3A_861 = arith.constant 0 : index
        %swap3A_862 = tpu.vector_load %arg12[%swap3A_860, %swap3A_861] {strides = array<i32>} : memref<64x16xf32, #tpu.memory_space<vmem>>, vector<16xf32>,
        tpu.vector_store %arg12[%swap3A_860, %swap3A_861], %cumsum3A_857 {strides = array<i32>} : memref<64x16xf32, #tpu.memory_space<vmem>>, vector<16xf32>,
        %add3A_863 = arith.constant 3 : i32
        %add3A_864 = arith.addi %mul3A_287, %add3A_863 : i32
        %get3A_865 = arith.constant 0 : i32
        %get3A_866 = arith.constant 0 : i32
        %get3A_867 = tpu.memref_slice %arg11[%get3A_865, %get3A_866] : memref<768x128xf32, #tpu.memory_space<vmem>> -> memref<64x128xf32, #tpu.memory_space<vmem>>
        %get3A_868 = arith.index_cast %add3A_864 : i32 to index
        %get3A_869 = arith.constant 0 : index
        %get3A_870 = tpu.vector_load %get3A_867[%get3A_868, %get3A_869] {strides = array<i32>} : memref<64x128xf32, #tpu.memory_space<vmem>>, vector<16xf32>,
        %get3A_871 = arith.constant 0 : i32
        %get3A_872 = arith.constant 0 : i32
        %get3A_873 = tpu.memref_slice %arg11[%get3A_871, %get3A_872] : memref<768x128xf32, #tpu.memory_space<vmem>> -> memref<64x128xf32, #tpu.memory_space<vmem>>
        %get3A_874 = arith.index_cast %add3A_864 : i32 to index
        %get3A_875 = arith.constant 64 : index
        %get3A_876 = tpu.vector_load %get3A_873[%get3A_874, %get3A_875] {strides = array<i32>} : memref<64x128xf32, #tpu.memory_space<vmem>>, vector<16xf32>,
        %get3A_877 = arith.constant 64 : i32
        %get3A_878 = arith.constant 0 : i32
        %get3A_879 = tpu.memref_slice %arg11[%get3A_877, %get3A_878] : memref<768x128xf32, #tpu.memory_space<vmem>> -> memref<64x128xf32, #tpu.memory_space<vmem>>
        %get3A_880 = arith.index_cast %add3A_864 : i32 to index
        %get3A_881 = arith.constant 0 : index
        %get3A_882 = tpu.vector_load %get3A_879[%get3A_880, %get3A_881] {strides = array<i32>} : memref<64x128xf32, #tpu.memory_space<vmem>>, vector<16xf32>,
        %get3A_883 = arith.constant 64 : i32
        %get3A_884 = arith.constant 0 : i32
        %get3A_885 = tpu.memref_slice %arg11[%get3A_883, %get3A_884] : memref<768x128xf32, #tpu.memory_space<vmem>> -> memref<64x128xf32, #tpu.memory_space<vmem>>
        %get3A_886 = arith.index_cast %add3A_864 : i32 to index
        %get3A_887 = arith.constant 64 : index
        %get3A_888 = tpu.vector_load %get3A_885[%get3A_886, %get3A_887] {strides = array<i32>} : memref<64x128xf32, #tpu.memory_space<vmem>>, vector<16xf32>,
        %get3A_889 = arith.constant 128 : i32
        %get3A_890 = arith.constant 0 : i32
        %get3A_891 = tpu.memref_slice %arg11[%get3A_889, %get3A_890] : memref<768x128xf32, #tpu.memory_space<vmem>> -> memref<64x128xf32, #tpu.memory_space<vmem>>
        %get3A_892 = arith.index_cast %add3A_864 : i32 to index
        %get3A_893 = arith.constant 0 : index
        %get3A_894 = tpu.vector_load %get3A_891[%get3A_892, %get3A_893] {strides = array<i32>} : memref<64x128xf32, #tpu.memory_space<vmem>>, vector<16xf32>,
        %get3A_895 = arith.constant 128 : i32
        %get3A_896 = arith.constant 0 : i32
        %get3A_897 = tpu.memref_slice %arg11[%get3A_895, %get3A_896] : memref<768x128xf32, #tpu.memory_space<vmem>> -> memref<64x128xf32, #tpu.memory_space<vmem>>
        %get3A_898 = arith.index_cast %add3A_864 : i32 to index
        %get3A_899 = arith.constant 64 : index
        %get3A_900 = tpu.vector_load %get3A_897[%get3A_898, %get3A_899] {strides = array<i32>} : memref<64x128xf32, #tpu.memory_space<vmem>>, vector<16xf32>,
        %mul3A_901 = arith.mulf %get3A_870, %get3A_882 : vector<16xf32>
        %mul3A_902 = arith.mulf %get3A_876, %get3A_888 : vector<16xf32>
        %sub3A_903 = arith.subf %mul3A_901, %mul3A_902 : vector<16xf32>
        %mul3A_904 = arith.mulf %get3A_894, %sub3A_903 : vector<16xf32>
        %mul3A_905 = arith.mulf %get3A_870, %get3A_888 : vector<16xf32>
        %mul3A_906 = arith.mulf %get3A_876, %get3A_882 : vector<16xf32>
        %add3A_907 = arith.addf %mul3A_905, %mul3A_906 : vector<16xf32>
        %mul3A_908 = arith.mulf %get3A_900, %add3A_907 : vector<16xf32>
        %add3A_909 = arith.addf %mul3A_904, %mul3A_908 : vector<16xf32>
        %get3A_910 = arith.constant 0 : i32
        %get3A_911 = arith.constant 0 : i32
        %get3A_912 = tpu.memref_slice %arg11[%get3A_910, %get3A_911] : memref<768x128xf32, #tpu.memory_space<vmem>> -> memref<64x128xf32, #tpu.memory_space<vmem>>
        %get3A_913 = arith.index_cast %add3A_864 : i32 to index
        %get3A_914 = arith.constant 16 : index
        %get3A_915 = tpu.vector_load %get3A_912[%get3A_913, %get3A_914] {strides = array<i32>} : memref<64x128xf32, #tpu.memory_space<vmem>>, vector<16xf32>,
        %get3A_916 = arith.constant 0 : i32
        %get3A_917 = arith.constant 0 : i32
        %get3A_918 = tpu.memref_slice %arg11[%get3A_916, %get3A_917] : memref<768x128xf32, #tpu.memory_space<vmem>> -> memref<64x128xf32, #tpu.memory_space<vmem>>
        %get3A_919 = arith.index_cast %add3A_864 : i32 to index
        %get3A_920 = arith.constant 80 : index
        %get3A_921 = tpu.vector_load %get3A_918[%get3A_919, %get3A_920] {strides = array<i32>} : memref<64x128xf32, #tpu.memory_space<vmem>>, vector<16xf32>,
        %get3A_922 = arith.constant 64 : i32
        %get3A_923 = arith.constant 0 : i32
        %get3A_924 = tpu.memref_slice %arg11[%get3A_922, %get3A_923] : memref<768x128xf32, #tpu.memory_space<vmem>> -> memref<64x128xf32, #tpu.memory_space<vmem>>
        %get3A_925 = arith.index_cast %add3A_864 : i32 to index
        %get3A_926 = arith.constant 16 : index
        %get3A_927 = tpu.vector_load %get3A_924[%get3A_925, %get3A_926] {strides = array<i32>} : memref<64x128xf32, #tpu.memory_space<vmem>>, vector<16xf32>,
        %get3A_928 = arith.constant 64 : i32
        %get3A_929 = arith.constant 0 : i32
        %get3A_930 = tpu.memref_slice %arg11[%get3A_928, %get3A_929] : memref<768x128xf32, #tpu.memory_space<vmem>> -> memref<64x128xf32, #tpu.memory_space<vmem>>
        %get3A_931 = arith.index_cast %add3A_864 : i32 to index
        %get3A_932 = arith.constant 80 : index
        %get3A_933 = tpu.vector_load %get3A_930[%get3A_931, %get3A_932] {strides = array<i32>} : memref<64x128xf32, #tpu.memory_space<vmem>>, vector<16xf32>,
        %get3A_934 = arith.constant 128 : i32
        %get3A_935 = arith.constant 0 : i32
        %get3A_936 = tpu.memref_slice %arg11[%get3A_934, %get3A_935] : memref<768x128xf32, #tpu.memory_space<vmem>> -> memref<64x128xf32, #tpu.memory_space<vmem>>
        %get3A_937 = arith.index_cast %add3A_864 : i32 to index
        %get3A_938 = arith.constant 16 : index
        %get3A_939 = tpu.vector_load %get3A_936[%get3A_937, %get3A_938] {strides = array<i32>} : memref<64x128xf32, #tpu.memory_space<vmem>>, vector<16xf32>,
        %get3A_940 = arith.constant 128 : i32
        %get3A_941 = arith.constant 0 : i32
        %get3A_942 = tpu.memref_slice %arg11[%get3A_940, %get3A_941] : memref<768x128xf32, #tpu.memory_space<vmem>> -> memref<64x128xf32, #tpu.memory_space<vmem>>
        %get3A_943 = arith.index_cast %add3A_864 : i32 to index
        %get3A_944 = arith.constant 80 : index
        %get3A_945 = tpu.vector_load %get3A_942[%get3A_943, %get3A_944] {strides = array<i32>} : memref<64x128xf32, #tpu.memory_space<vmem>>, vector<16xf32>,
        %mul3A_946 = arith.mulf %get3A_915, %get3A_927 : vector<16xf32>
        %mul3A_947 = arith.mulf %get3A_921, %get3A_933 : vector<16xf32>
        %sub3A_948 = arith.subf %mul3A_946, %mul3A_947 : vector<16xf32>
        %mul3A_949 = arith.mulf %get3A_939, %sub3A_948 : vector<16xf32>
        %mul3A_950 = arith.mulf %get3A_915, %get3A_933 : vector<16xf32>
        %mul3A_951 = arith.mulf %get3A_921, %get3A_927 : vector<16xf32>
        %add3A_952 = arith.addf %mul3A_950, %mul3A_951 : vector<16xf32>
        %mul3A_953 = arith.mulf %get3A_945, %add3A_952 : vector<16xf32>
        %add3A_954 = arith.addf %mul3A_949, %mul3A_953 : vector<16xf32>
        %add3A_955 = arith.addf %add3A_909, %add3A_954 : vector<16xf32>
        %get3A_956 = arith.constant 0 : i32
        %get3A_957 = arith.constant 0 : i32
        %get3A_958 = tpu.memref_slice %arg11[%get3A_956, %get3A_957] : memref<768x128xf32, #tpu.memory_space<vmem>> -> memref<64x128xf32, #tpu.memory_space<vmem>>
        %get3A_959 = arith.index_cast %add3A_864 : i32 to index
        %get3A_960 = arith.constant 32 : index
        %get3A_961 = tpu.vector_load %get3A_958[%get3A_959, %get3A_960] {strides = array<i32>} : memref<64x128xf32, #tpu.memory_space<vmem>>, vector<16xf32>,
        %get3A_962 = arith.constant 0 : i32
        %get3A_963 = arith.constant 0 : i32
        %get3A_964 = tpu.memref_slice %arg11[%get3A_962, %get3A_963] : memref<768x128xf32, #tpu.memory_space<vmem>> -> memref<64x128xf32, #tpu.memory_space<vmem>>
        %get3A_965 = arith.index_cast %add3A_864 : i32 to index
        %get3A_966 = arith.constant 96 : index
        %get3A_967 = tpu.vector_load %get3A_964[%get3A_965, %get3A_966] {strides = array<i32>} : memref<64x128xf32, #tpu.memory_space<vmem>>, vector<16xf32>,
        %get3A_968 = arith.constant 64 : i32
        %get3A_969 = arith.constant 0 : i32
        %get3A_970 = tpu.memref_slice %arg11[%get3A_968, %get3A_969] : memref<768x128xf32, #tpu.memory_space<vmem>> -> memref<64x128xf32, #tpu.memory_space<vmem>>
        %get3A_971 = arith.index_cast %add3A_864 : i32 to index
        %get3A_972 = arith.constant 32 : index
        %get3A_973 = tpu.vector_load %get3A_970[%get3A_971, %get3A_972] {strides = array<i32>} : memref<64x128xf32, #tpu.memory_space<vmem>>, vector<16xf32>,
        %get3A_974 = arith.constant 64 : i32
        %get3A_975 = arith.constant 0 : i32
        %get3A_976 = tpu.memref_slice %arg11[%get3A_974, %get3A_975] : memref<768x128xf32, #tpu.memory_space<vmem>> -> memref<64x128xf32, #tpu.memory_space<vmem>>
        %get3A_977 = arith.index_cast %add3A_864 : i32 to index
        %get3A_978 = arith.constant 96 : index
        %get3A_979 = tpu.vector_load %get3A_976[%get3A_977, %get3A_978] {strides = array<i32>} : memref<64x128xf32, #tpu.memory_space<vmem>>, vector<16xf32>,
        %get3A_980 = arith.constant 128 : i32
        %get3A_981 = arith.constant 0 : i32
        %get3A_982 = tpu.memref_slice %arg11[%get3A_980, %get3A_981] : memref<768x128xf32, #tpu.memory_space<vmem>> -> memref<64x128xf32, #tpu.memory_space<vmem>>
        %get3A_983 = arith.index_cast %add3A_864 : i32 to index
        %get3A_984 = arith.constant 32 : index
        %get3A_985 = tpu.vector_load %get3A_982[%get3A_983, %get3A_984] {strides = array<i32>} : memref<64x128xf32, #tpu.memory_space<vmem>>, vector<16xf32>,
        %get3A_986 = arith.constant 128 : i32
        %get3A_987 = arith.constant 0 : i32
        %get3A_988 = tpu.memref_slice %arg11[%get3A_986, %get3A_987] : memref<768x128xf32, #tpu.memory_space<vmem>> -> memref<64x128xf32, #tpu.memory_space<vmem>>
        %get3A_989 = arith.index_cast %add3A_864 : i32 to index
        %get3A_990 = arith.constant 96 : index
        %get3A_991 = tpu.vector_load %get3A_988[%get3A_989, %get3A_990] {strides = array<i32>} : memref<64x128xf32, #tpu.memory_space<vmem>>, vector<16xf32>,
        %mul3A_992 = arith.mulf %get3A_961, %get3A_973 : vector<16xf32>
        %mul3A_993 = arith.mulf %get3A_967, %get3A_979 : vector<16xf32>
        %sub3A_994 = arith.subf %mul3A_992, %mul3A_993 : vector<16xf32>
        %mul3A_995 = arith.mulf %get3A_985, %sub3A_994 : vector<16xf32>
        %mul3A_996 = arith.mulf %get3A_961, %get3A_979 : vector<16xf32>
        %mul3A_997 = arith.mulf %get3A_967, %get3A_973 : vector<16xf32>
        %add3A_998 = arith.addf %mul3A_996, %mul3A_997 : vector<16xf32>
        %mul3A_999 = arith.mulf %get3A_991, %add3A_998 : vector<16xf32>
        %add3A_1000 = arith.addf %mul3A_995, %mul3A_999 : vector<16xf32>
        %add3A_1001 = arith.addf %add3A_955, %add3A_1000 : vector<16xf32>
        %get3A_1002 = arith.constant 0 : i32
        %get3A_1003 = arith.constant 0 : i32
        %get3A_1004 = tpu.memref_slice %arg11[%get3A_1002, %get3A_1003] : memref<768x128xf32, #tpu.memory_space<vmem>> -> memref<64x128xf32, #tpu.memory_space<vmem>>
        %get3A_1005 = arith.index_cast %add3A_864 : i32 to index
        %get3A_1006 = arith.constant 48 : index
        %get3A_1007 = tpu.vector_load %get3A_1004[%get3A_1005, %get3A_1006] {strides = array<i32>} : memref<64x128xf32, #tpu.memory_space<vmem>>, vector<16xf32>,
        %get3A_1008 = arith.constant 0 : i32
        %get3A_1009 = arith.constant 0 : i32
        %get3A_1010 = tpu.memref_slice %arg11[%get3A_1008, %get3A_1009] : memref<768x128xf32, #tpu.memory_space<vmem>> -> memref<64x128xf32, #tpu.memory_space<vmem>>
        %get3A_1011 = arith.index_cast %add3A_864 : i32 to index
        %get3A_1012 = arith.constant 112 : index
        %get3A_1013 = tpu.vector_load %get3A_1010[%get3A_1011, %get3A_1012] {strides = array<i32>} : memref<64x128xf32, #tpu.memory_space<vmem>>, vector<16xf32>,
        %get3A_1014 = arith.constant 64 : i32
        %get3A_1015 = arith.constant 0 : i32
        %get3A_1016 = tpu.memref_slice %arg11[%get3A_1014, %get3A_1015] : memref<768x128xf32, #tpu.memory_space<vmem>> -> memref<64x128xf32, #tpu.memory_space<vmem>>
        %get3A_1017 = arith.index_cast %add3A_864 : i32 to index
        %get3A_1018 = arith.constant 48 : index
        %get3A_1019 = tpu.vector_load %get3A_1016[%get3A_1017, %get3A_1018] {strides = array<i32>} : memref<64x128xf32, #tpu.memory_space<vmem>>, vector<16xf32>,
        %get3A_1020 = arith.constant 64 : i32
        %get3A_1021 = arith.constant 0 : i32
        %get3A_1022 = tpu.memref_slice %arg11[%get3A_1020, %get3A_1021] : memref<768x128xf32, #tpu.memory_space<vmem>> -> memref<64x128xf32, #tpu.memory_space<vmem>>
        %get3A_1023 = arith.index_cast %add3A_864 : i32 to index
        %get3A_1024 = arith.constant 112 : index
        %get3A_1025 = tpu.vector_load %get3A_1022[%get3A_1023, %get3A_1024] {strides = array<i32>} : memref<64x128xf32, #tpu.memory_space<vmem>>, vector<16xf32>,
        %get3A_1026 = arith.constant 128 : i32
        %get3A_1027 = arith.constant 0 : i32
        %get3A_1028 = tpu.memref_slice %arg11[%get3A_1026, %get3A_1027] : memref<768x128xf32, #tpu.memory_space<vmem>> -> memref<64x128xf32, #tpu.memory_space<vmem>>
        %get3A_1029 = arith.index_cast %add3A_864 : i32 to index
        %get3A_1030 = arith.constant 48 : index
        %get3A_1031 = tpu.vector_load %get3A_1028[%get3A_1029, %get3A_1030] {strides = array<i32>} : memref<64x128xf32, #tpu.memory_space<vmem>>, vector<16xf32>,
        %get3A_1032 = arith.constant 128 : i32
        %get3A_1033 = arith.constant 0 : i32
        %get3A_1034 = tpu.memref_slice %arg11[%get3A_1032, %get3A_1033] : memref<768x128xf32, #tpu.memory_space<vmem>> -> memref<64x128xf32, #tpu.memory_space<vmem>>
        %get3A_1035 = arith.index_cast %add3A_864 : i32 to index
        %get3A_1036 = arith.constant 112 : index
        %get3A_1037 = tpu.vector_load %get3A_1034[%get3A_1035, %get3A_1036] {strides = array<i32>} : memref<64x128xf32, #tpu.memory_space<vmem>>, vector<16xf32>,
        %mul3A_1038 = arith.mulf %get3A_1007, %get3A_1019 : vector<16xf32>
        %mul3A_1039 = arith.mulf %get3A_1013, %get3A_1025 : vector<16xf32>
        %sub3A_1040 = arith.subf %mul3A_1038, %mul3A_1039 : vector<16xf32>
        %mul3A_1041 = arith.mulf %get3A_1031, %sub3A_1040 : vector<16xf32>
        %mul3A_1042 = arith.mulf %get3A_1007, %get3A_1025 : vector<16xf32>
        %mul3A_1043 = arith.mulf %get3A_1013, %get3A_1019 : vector<16xf32>
        %add3A_1044 = arith.addf %mul3A_1042, %mul3A_1043 : vector<16xf32>
        %mul3A_1045 = arith.mulf %get3A_1037, %add3A_1044 : vector<16xf32>
        %add3A_1046 = arith.addf %mul3A_1041, %mul3A_1045 : vector<16xf32>
        %add3A_1047 = arith.addf %add3A_1001, %add3A_1046 : vector<16xf32>
        %cumsum3A_1048 = arith.constant true
        %cumsum3A_1049 = vector.broadcast %cumsum3A_1048 : i1 to vector<16xi1>
        %cumsum3A_1050 = tpu.scan <sum>, %add3A_1047 masked %cumsum3A_1049 : vector<16xf32>, vector<16xi1> -> vector<16xf32>
        %add3A_1051 = arith.constant 3 : i32
        %add3A_1052 = arith.addi %mul3A_287, %add3A_1051 : i32
        %swap3A_1053 = arith.index_cast %add3A_1052 : i32 to index
        %swap3A_1054 = arith.constant 0 : index
        %swap3A_1055 = tpu.vector_load %arg12[%swap3A_1053, %swap3A_1054] {strides = array<i32>} : memref<64x16xf32, #tpu.memory_space<vmem>>, vector<16xf32>,
        tpu.vector_store %arg12[%swap3A_1053, %swap3A_1054], %cumsum3A_1050 {strides = array<i32>} : memref<64x16xf32, #tpu.memory_space<vmem>>, vector<16xf32>,
      }
      %scan3A_133 = arith.constant 16 : i32
      %broadcast_in_dim3A = arith.constant 15 : i32
      %broadcast_in_dim3A_134 = vector.broadcast %broadcast_in_dim3A : i32 to vector<16xi32>
      %scan3A_135 = arith.constant 0 : i32
      %scan3A_136 = arith.constant 0 : i32
      %scan3A_137 = arith.constant 4 : i32
      %scan3A_138 = arith.addi %scan3A_136, %scan3A_137 : i32
      %scan3A_139 = arith.constant 1 : i32
      scf.for %scan3A_285 = %scan3A_136 to %scan3A_138 step %scan3A_139  : i32 {
        %mul3A_286 = arith.constant 16 : i32
        %mul3A_287 = arith.muli %scan3A_285, %mul3A_286 : i32
        %iota3A = tpu.iota {dimensions = array<i32: 0>} : vector<16xi32>
        %add3A_288 = vector.broadcast %mul3A_287 : i32 to vector<16xi32>
        %add3A_289 = arith.addi %add3A_288, %iota3A : vector<16xi32>
        %gather3A = tpu.vector_load_idx %arg12[%add3A_289, %broadcast_in_dim3A_134] : memref<64x16xf32, #tpu.memory_space<vmem>>[vector<16xi32>, vector<16xi32>], vector<16xf32>,
        %mul3A_290 = arith.constant 64 : i32
        %mul3A_291 = arith.muli %add3A_100, %mul3A_290 : i32
        %mul3A_292 = arith.constant 16 : i32
        %mul3A_293 = arith.muli %scan3A_285, %mul3A_292 : i32
        %add3A_294 = arith.addi %mul3A_291, %mul3A_293 : i32
        %swap3A = arith.index_cast %add3A_294 : i32 to index
        %swap3A_295 = tpu.vector_load %arg13[%swap3A] {strides = array<i32>} : memref<512xf32, #tpu.memory_space<vmem>>, vector<16xf32>,
        tpu.vector_store %arg13[%swap3A], %gather3A {strides = array<i32>} : memref<512xf32, #tpu.memory_space<vmem>>, vector<16xf32>,
      }
      %scan3A_140 = arith.constant 4 : i32
      %mul3A_141 = arith.constant 4 : i32
      %mul3A_142 = arith.muli %scan3A_96, %mul3A_141 : i32
      %add3A_143 = arith.constant 1 : i32
      %add3A_144 = arith.addi %mul3A_142, %add3A_143 : i32
      %mul3A_145 = arith.constant 64 : i32
      %mul3A_146 = arith.muli %add3A_144, %mul3A_145 : i32
      %dma_wait3A_147 = arith.constant 192 : i32
      %dma_wait3A_148 = arith.constant 0 : i32
      %dma_wait3A_149 = tpu.memref_slice %arg11[%dma_wait3A_147, %dma_wait3A_148] : memref<768x128xf32, #tpu.memory_space<vmem>> -> memref<64x128xf32, #tpu.memory_space<vmem>>
      %dma_wait3A_150 = tpu.memref_slice %arg8[%mul3A_146] : memref<512xi32, #tpu.memory_space<vmem>> -> memref<64xi32, #tpu.memory_space<vmem>>
      %dma_wait3A_151 = arith.constant 0 : i32
      %dma_wait3A_152 = arith.constant 0 : i32
      %dma_wait3A_153 = tpu.memref_slice %arg5[%dma_wait3A_151, %dma_wait3A_152] : memref<1000000x128xf32, #tpu.memory_space<hbm>> -> memref<1000000x128xf32, #tpu.memory_space<hbm>>
      tpu.wait_indirect_dma semaphore(%arg16 : memref<!tpu.dma_semaphore, #tpu.memory_space<semaphore_mem>>) src(%dma_wait3A_153 : memref<1000000x128xf32, #tpu.memory_space<hbm>>) dst(%dma_wait3A_149 : memref<64x128xf32, #tpu.memory_space<vmem>>)
      %dma_wait3A_154 = arith.constant 256 : i32
      %dma_wait3A_155 = arith.constant 0 : i32
      %dma_wait3A_156 = tpu.memref_slice %arg11[%dma_wait3A_154, %dma_wait3A_155] : memref<768x128xf32, #tpu.memory_space<vmem>> -> memref<64x128xf32, #tpu.memory_space<vmem>>
      %dma_wait3A_157 = tpu.memref_slice %arg9[%mul3A_146] : memref<512xi32, #tpu.memory_space<vmem>> -> memref<64xi32, #tpu.memory_space<vmem>>
      %dma_wait3A_158 = arith.constant 0 : i32
      %dma_wait3A_159 = arith.constant 0 : i32
      %dma_wait3A_160 = tpu.memref_slice %arg6[%dma_wait3A_158, %dma_wait3A_159] : memref<1000x128xf32, #tpu.memory_space<hbm>> -> memref<1000x128xf32, #tpu.memory_space<hbm>>
      tpu.wait_indirect_dma semaphore(%arg16 : memref<!tpu.dma_semaphore, #tpu.memory_space<semaphore_mem>>) src(%dma_wait3A_160 : memref<1000x128xf32, #tpu.memory_space<hbm>>) dst(%dma_wait3A_156 : memref<64x128xf32, #tpu.memory_space<vmem>>)
      %dma_wait3A_161 = arith.constant 320 : i32
      %dma_wait3A_162 = arith.constant 0 : i32
      %dma_wait3A_163 = tpu.memref_slice %arg11[%dma_wait3A_161, %dma_wait3A_162] : memref<768x128xf32, #tpu.memory_space<vmem>> -> memref<64x128xf32, #tpu.memory_space<vmem>>
      %dma_wait3A_164 = tpu.memref_slice %arg10[%mul3A_146] : memref<512xi32, #tpu.memory_space<vmem>> -> memref<64xi32, #tpu.memory_space<vmem>>
      %dma_wait3A_165 = arith.constant 0 : i32
      %dma_wait3A_166 = arith.constant 0 : i32
      %dma_wait3A_167 = tpu.memref_slice %arg5[%dma_wait3A_165, %dma_wait3A_166] : memref<1000000x128xf32, #tpu.memory_space<hbm>> -> memref<1000000x128xf32, #tpu.memory_space<hbm>>
      tpu.wait_indirect_dma semaphore(%arg16 : memref<!tpu.dma_semaphore, #tpu.memory_space<semaphore_mem>>) src(%dma_wait3A_167 : memref<1000000x128xf32, #tpu.memory_space<hbm>>) dst(%dma_wait3A_163 : memref<64x128xf32, #tpu.memory_space<vmem>>)
      %add3A_168 = arith.constant 3 : i32
      %add3A_169 = arith.addi %add3A_144, %add3A_168 : i32
      %lt3A_170 = arith.constant 8 : i32
      %lt3A_171 = arith.cmpi slt, %add3A_169, %lt3A_170 : i32
      %convert_element_type3A_172 = arith.extui %lt3A_171 : i1 to i32
      %cond3A_173 = arith.constant 0 : i32
      %cond3A_174 = arith.cmpi ne, %convert_element_type3A_172, %cond3A_173 : i32
      scf.if %cond3A_174 {
        %add3A_285 = arith.constant 3 : i32
        %add3A_286 = arith.addi %add3A_144, %add3A_285 : i32
        %mul3A_287 = arith.constant 64 : i32
        %mul3A_288 = arith.muli %add3A_286, %mul3A_287 : i32
        %dma_start3A_289 = arith.constant 0 : i32
        %dma_start3A_290 = arith.constant 0 : i32
        %dma_start3A_291 = tpu.memref_slice %arg11[%dma_start3A_289, %dma_start3A_290] : memref<768x128xf32, #tpu.memory_space<vmem>> -> memref<64x128xf32, #tpu.memory_space<vmem>>
        %dma_start3A_292 = tpu.memref_slice %arg8[%mul3A_288] : memref<512xi32, #tpu.memory_space<vmem>> -> memref<64xi32, #tpu.memory_space<vmem>>
        %dma_start3A_293 = arith.constant 0 : i32
        %dma_start3A_294 = arith.constant 0 : i32
        %dma_start3A_295 = tpu.memref_slice %arg5[%dma_start3A_293, %dma_start3A_294] : memref<1000000x128xf32, #tpu.memory_space<hbm>> -> memref<1000000x128xf32, #tpu.memory_space<hbm>>
        tpu.enqueue_indirect_dma source(%dma_start3A_295 : memref<1000000x128xf32, #tpu.memory_space<hbm>>) target(%dma_start3A_291 : memref<64x128xf32, #tpu.memory_space<vmem>>) offsets(%dma_start3A_292 : memref<64xi32, #tpu.memory_space<vmem>>) semaphore(%arg15 : memref<!tpu.dma_semaphore, #tpu.memory_space<semaphore_mem>>)
        %dma_start3A_296 = arith.constant 64 : i32
        %dma_start3A_297 = arith.constant 0 : i32
        %dma_start3A_298 = tpu.memref_slice %arg11[%dma_start3A_296, %dma_start3A_297] : memref<768x128xf32, #tpu.memory_space<vmem>> -> memref<64x128xf32, #tpu.memory_space<vmem>>
        %dma_start3A_299 = tpu.memref_slice %arg9[%mul3A_288] : memref<512xi32, #tpu.memory_space<vmem>> -> memref<64xi32, #tpu.memory_space<vmem>>
        %dma_start3A_300 = arith.constant 0 : i32
        %dma_start3A_301 = arith.constant 0 : i32
        %dma_start3A_302 = tpu.memref_slice %arg6[%dma_start3A_300, %dma_start3A_301] : memref<1000x128xf32, #tpu.memory_space<hbm>> -> memref<1000x128xf32, #tpu.memory_space<hbm>>
        tpu.enqueue_indirect_dma source(%dma_start3A_302 : memref<1000x128xf32, #tpu.memory_space<hbm>>) target(%dma_start3A_298 : memref<64x128xf32, #tpu.memory_space<vmem>>) offsets(%dma_start3A_299 : memref<64xi32, #tpu.memory_space<vmem>>) semaphore(%arg15 : memref<!tpu.dma_semaphore, #tpu.memory_space<semaphore_mem>>)
        %dma_start3A_303 = arith.constant 128 : i32
        %dma_start3A_304 = arith.constant 0 : i32
        %dma_start3A_305 = tpu.memref_slice %arg11[%dma_start3A_303, %dma_start3A_304] : memref<768x128xf32, #tpu.memory_space<vmem>> -> memref<64x128xf32, #tpu.memory_space<vmem>>
        %dma_start3A_306 = tpu.memref_slice %arg10[%mul3A_288] : memref<512xi32, #tpu.memory_space<vmem>> -> memref<64xi32, #tpu.memory_space<vmem>>
        %dma_start3A_307 = arith.constant 0 : i32
        %dma_start3A_308 = arith.constant 0 : i32
        %dma_start3A_309 = tpu.memref_slice %arg5[%dma_start3A_307, %dma_start3A_308] : memref<1000000x128xf32, #tpu.memory_space<hbm>> -> memref<1000000x128xf32, #tpu.memory_space<hbm>>
        tpu.enqueue_indirect_dma source(%dma_start3A_309 : memref<1000000x128xf32, #tpu.memory_space<hbm>>) target(%dma_start3A_305 : memref<64x128xf32, #tpu.memory_space<vmem>>) offsets(%dma_start3A_306 : memref<64xi32, #tpu.memory_space<vmem>>) semaphore(%arg15 : memref<!tpu.dma_semaphore, #tpu.memory_space<semaphore_mem>>)
      } else {
      }
      %scan3A_175 = arith.constant 0 : i32
      %scan3A_176 = arith.constant 0 : i32
      %scan3A_177 = arith.constant 16 : i32
      %scan3A_178 = arith.addi %scan3A_176, %scan3A_177 : i32
      %scan3A_179 = arith.constant 1 : i32
      scf.for %scan3A_285 = %scan3A_176 to %scan3A_178 step %scan3A_179  : i32 {
        %mul3A_286 = arith.constant 4 : i32
        %mul3A_287 = arith.muli %scan3A_285, %mul3A_286 : i32
        %add3A_288 = arith.constant 0 : i32
        %add3A_289 = arith.addi %mul3A_287, %add3A_288 : i32
        %get3A = arith.constant 192 : i32
        %get3A_290 = arith.constant 0 : i32
        %get3A_291 = tpu.memref_slice %arg11[%get3A, %get3A_290] : memref<768x128xf32, #tpu.memory_space<vmem>> -> memref<64x128xf32, #tpu.memory_space<vmem>>
        %get3A_292 = arith.index_cast %add3A_289 : i32 to index
        %get3A_293 = arith.constant 0 : index
        %get3A_294 = tpu.vector_load %get3A_291[%get3A_292, %get3A_293] {strides = array<i32>} : memref<64x128xf32, #tpu.memory_space<vmem>>, vector<16xf32>,
        %get3A_295 = arith.constant 192 : i32
        %get3A_296 = arith.constant 0 : i32
        %get3A_297 = tpu.memref_slice %arg11[%get3A_295, %get3A_296] : memref<768x128xf32, #tpu.memory_space<vmem>> -> memref<64x128xf32, #tpu.memory_space<vmem>>
        %get3A_298 = arith.index_cast %add3A_289 : i32 to index
        %get3A_299 = arith.constant 64 : index
        %get3A_300 = tpu.vector_load %get3A_297[%get3A_298, %get3A_299] {strides = array<i32>} : memref<64x128xf32, #tpu.memory_space<vmem>>, vector<16xf32>,
        %get3A_301 = arith.constant 256 : i32
        %get3A_302 = arith.constant 0 : i32
        %get3A_303 = tpu.memref_slice %arg11[%get3A_301, %get3A_302] : memref<768x128xf32, #tpu.memory_space<vmem>> -> memref<64x128xf32, #tpu.memory_space<vmem>>
        %get3A_304 = arith.index_cast %add3A_289 : i32 to index
        %get3A_305 = arith.constant 0 : index
        %get3A_306 = tpu.vector_load %get3A_303[%get3A_304, %get3A_305] {strides = array<i32>} : memref<64x128xf32, #tpu.memory_space<vmem>>, vector<16xf32>,
        %get3A_307 = arith.constant 256 : i32
        %get3A_308 = arith.constant 0 : i32
        %get3A_309 = tpu.memref_slice %arg11[%get3A_307, %get3A_308] : memref<768x128xf32, #tpu.memory_space<vmem>> -> memref<64x128xf32, #tpu.memory_space<vmem>>
        %get3A_310 = arith.index_cast %add3A_289 : i32 to index
        %get3A_311 = arith.constant 64 : index
        %get3A_312 = tpu.vector_load %get3A_309[%get3A_310, %get3A_311] {strides = array<i32>} : memref<64x128xf32, #tpu.memory_space<vmem>>, vector<16xf32>,
        %get3A_313 = arith.constant 320 : i32
        %get3A_314 = arith.constant 0 : i32
        %get3A_315 = tpu.memref_slice %arg11[%get3A_313, %get3A_314] : memref<768x128xf32, #tpu.memory_space<vmem>> -> memref<64x128xf32, #tpu.memory_space<vmem>>
        %get3A_316 = arith.index_cast %add3A_289 : i32 to index
        %get3A_317 = arith.constant 0 : index
        %get3A_318 = tpu.vector_load %get3A_315[%get3A_316, %get3A_317] {strides = array<i32>} : memref<64x128xf32, #tpu.memory_space<vmem>>, vector<16xf32>,
        %get3A_319 = arith.constant 320 : i32
        %get3A_320 = arith.constant 0 : i32
        %get3A_321 = tpu.memref_slice %arg11[%get3A_319, %get3A_320] : memref<768x128xf32, #tpu.memory_space<vmem>> -> memref<64x128xf32, #tpu.memory_space<vmem>>
        %get3A_322 = arith.index_cast %add3A_289 : i32 to index
        %get3A_323 = arith.constant 64 : index
        %get3A_324 = tpu.vector_load %get3A_321[%get3A_322, %get3A_323] {strides = array<i32>} : memref<64x128xf32, #tpu.memory_space<vmem>>, vector<16xf32>,
        %mul3A_325 = arith.mulf %get3A_294, %get3A_306 : vector<16xf32>
        %mul3A_326 = arith.mulf %get3A_300, %get3A_312 : vector<16xf32>
        %sub3A = arith.subf %mul3A_325, %mul3A_326 : vector<16xf32>
        %mul3A_327 = arith.mulf %get3A_318, %sub3A : vector<16xf32>
        %mul3A_328 = arith.mulf %get3A_294, %get3A_312 : vector<16xf32>
        %mul3A_329 = arith.mulf %get3A_300, %get3A_306 : vector<16xf32>
        %add3A_330 = arith.addf %mul3A_328, %mul3A_329 : vector<16xf32>
        %mul3A_331 = arith.mulf %get3A_324, %add3A_330 : vector<16xf32>
        %add3A_332 = arith.addf %mul3A_327, %mul3A_331 : vector<16xf32>
        %get3A_333 = arith.constant 192 : i32
        %get3A_334 = arith.constant 0 : i32
        %get3A_335 = tpu.memref_slice %arg11[%get3A_333, %get3A_334] : memref<768x128xf32, #tpu.memory_space<vmem>> -> memref<64x128xf32, #tpu.memory_space<vmem>>
        %get3A_336 = arith.index_cast %add3A_289 : i32 to index
        %get3A_337 = arith.constant 16 : index
        %get3A_338 = tpu.vector_load %get3A_335[%get3A_336, %get3A_337] {strides = array<i32>} : memref<64x128xf32, #tpu.memory_space<vmem>>, vector<16xf32>,
        %get3A_339 = arith.constant 192 : i32
        %get3A_340 = arith.constant 0 : i32
        %get3A_341 = tpu.memref_slice %arg11[%get3A_339, %get3A_340] : memref<768x128xf32, #tpu.memory_space<vmem>> -> memref<64x128xf32, #tpu.memory_space<vmem>>
        %get3A_342 = arith.index_cast %add3A_289 : i32 to index
        %get3A_343 = arith.constant 80 : index
        %get3A_344 = tpu.vector_load %get3A_341[%get3A_342, %get3A_343] {strides = array<i32>} : memref<64x128xf32, #tpu.memory_space<vmem>>, vector<16xf32>,
        %get3A_345 = arith.constant 256 : i32
        %get3A_346 = arith.constant 0 : i32
        %get3A_347 = tpu.memref_slice %arg11[%get3A_345, %get3A_346] : memref<768x128xf32, #tpu.memory_space<vmem>> -> memref<64x128xf32, #tpu.memory_space<vmem>>
        %get3A_348 = arith.index_cast %add3A_289 : i32 to index
        %get3A_349 = arith.constant 16 : index
        %get3A_350 = tpu.vector_load %get3A_347[%get3A_348, %get3A_349] {strides = array<i32>} : memref<64x128xf32, #tpu.memory_space<vmem>>, vector<16xf32>,
        %get3A_351 = arith.constant 256 : i32
        %get3A_352 = arith.constant 0 : i32
        %get3A_353 = tpu.memref_slice %arg11[%get3A_351, %get3A_352] : memref<768x128xf32, #tpu.memory_space<vmem>> -> memref<64x128xf32, #tpu.memory_space<vmem>>
        %get3A_354 = arith.index_cast %add3A_289 : i32 to index
        %get3A_355 = arith.constant 80 : index
        %get3A_356 = tpu.vector_load %get3A_353[%get3A_354, %get3A_355] {strides = array<i32>} : memref<64x128xf32, #tpu.memory_space<vmem>>, vector<16xf32>,
        %get3A_357 = arith.constant 320 : i32
        %get3A_358 = arith.constant 0 : i32
        %get3A_359 = tpu.memref_slice %arg11[%get3A_357, %get3A_358] : memref<768x128xf32, #tpu.memory_space<vmem>> -> memref<64x128xf32, #tpu.memory_space<vmem>>
        %get3A_360 = arith.index_cast %add3A_289 : i32 to index
        %get3A_361 = arith.constant 16 : index
        %get3A_362 = tpu.vector_load %get3A_359[%get3A_360, %get3A_361] {strides = array<i32>} : memref<64x128xf32, #tpu.memory_space<vmem>>, vector<16xf32>,
        %get3A_363 = arith.constant 320 : i32
        %get3A_364 = arith.constant 0 : i32
        %get3A_365 = tpu.memref_slice %arg11[%get3A_363, %get3A_364] : memref<768x128xf32, #tpu.memory_space<vmem>> -> memref<64x128xf32, #tpu.memory_space<vmem>>
        %get3A_366 = arith.index_cast %add3A_289 : i32 to index
        %get3A_367 = arith.constant 80 : index
        %get3A_368 = tpu.vector_load %get3A_365[%get3A_366, %get3A_367] {strides = array<i32>} : memref<64x128xf32, #tpu.memory_space<vmem>>, vector<16xf32>,
        %mul3A_369 = arith.mulf %get3A_338, %get3A_350 : vector<16xf32>
        %mul3A_370 = arith.mulf %get3A_344, %get3A_356 : vector<16xf32>
        %sub3A_371 = arith.subf %mul3A_369, %mul3A_370 : vector<16xf32>
        %mul3A_372 = arith.mulf %get3A_362, %sub3A_371 : vector<16xf32>
        %mul3A_373 = arith.mulf %get3A_338, %get3A_356 : vector<16xf32>
        %mul3A_374 = arith.mulf %get3A_344, %get3A_350 : vector<16xf32>
        %add3A_375 = arith.addf %mul3A_373, %mul3A_374 : vector<16xf32>
        %mul3A_376 = arith.mulf %get3A_368, %add3A_375 : vector<16xf32>
        %add3A_377 = arith.addf %mul3A_372, %mul3A_376 : vector<16xf32>
        %add3A_378 = arith.addf %add3A_332, %add3A_377 : vector<16xf32>
        %get3A_379 = arith.constant 192 : i32
        %get3A_380 = arith.constant 0 : i32
        %get3A_381 = tpu.memref_slice %arg11[%get3A_379, %get3A_380] : memref<768x128xf32, #tpu.memory_space<vmem>> -> memref<64x128xf32, #tpu.memory_space<vmem>>
        %get3A_382 = arith.index_cast %add3A_289 : i32 to index
        %get3A_383 = arith.constant 32 : index
        %get3A_384 = tpu.vector_load %get3A_381[%get3A_382, %get3A_383] {strides = array<i32>} : memref<64x128xf32, #tpu.memory_space<vmem>>, vector<16xf32>,
        %get3A_385 = arith.constant 192 : i32
        %get3A_386 = arith.constant 0 : i32
        %get3A_387 = tpu.memref_slice %arg11[%get3A_385, %get3A_386] : memref<768x128xf32, #tpu.memory_space<vmem>> -> memref<64x128xf32, #tpu.memory_space<vmem>>
        %get3A_388 = arith.index_cast %add3A_289 : i32 to index
        %get3A_389 = arith.constant 96 : index
        %get3A_390 = tpu.vector_load %get3A_387[%get3A_388, %get3A_389] {strides = array<i32>} : memref<64x128xf32, #tpu.memory_space<vmem>>, vector<16xf32>,
        %get3A_391 = arith.constant 256 : i32
        %get3A_392 = arith.constant 0 : i32
        %get3A_393 = tpu.memref_slice %arg11[%get3A_391, %get3A_392] : memref<768x128xf32, #tpu.memory_space<vmem>> -> memref<64x128xf32, #tpu.memory_space<vmem>>
        %get3A_394 = arith.index_cast %add3A_289 : i32 to index
        %get3A_395 = arith.constant 32 : index
        %get3A_396 = tpu.vector_load %get3A_393[%get3A_394, %get3A_395] {strides = array<i32>} : memref<64x128xf32, #tpu.memory_space<vmem>>, vector<16xf32>,
        %get3A_397 = arith.constant 256 : i32
        %get3A_398 = arith.constant 0 : i32
        %get3A_399 = tpu.memref_slice %arg11[%get3A_397, %get3A_398] : memref<768x128xf32, #tpu.memory_space<vmem>> -> memref<64x128xf32, #tpu.memory_space<vmem>>
        %get3A_400 = arith.index_cast %add3A_289 : i32 to index
        %get3A_401 = arith.constant 96 : index
        %get3A_402 = tpu.vector_load %get3A_399[%get3A_400, %get3A_401] {strides = array<i32>} : memref<64x128xf32, #tpu.memory_space<vmem>>, vector<16xf32>,
        %get3A_403 = arith.constant 320 : i32
        %get3A_404 = arith.constant 0 : i32
        %get3A_405 = tpu.memref_slice %arg11[%get3A_403, %get3A_404] : memref<768x128xf32, #tpu.memory_space<vmem>> -> memref<64x128xf32, #tpu.memory_space<vmem>>
        %get3A_406 = arith.index_cast %add3A_289 : i32 to index
        %get3A_407 = arith.constant 32 : index
        %get3A_408 = tpu.vector_load %get3A_405[%get3A_406, %get3A_407] {strides = array<i32>} : memref<64x128xf32, #tpu.memory_space<vmem>>, vector<16xf32>,
        %get3A_409 = arith.constant 320 : i32
        %get3A_410 = arith.constant 0 : i32
        %get3A_411 = tpu.memref_slice %arg11[%get3A_409, %get3A_410] : memref<768x128xf32, #tpu.memory_space<vmem>> -> memref<64x128xf32, #tpu.memory_space<vmem>>
        %get3A_412 = arith.index_cast %add3A_289 : i32 to index
        %get3A_413 = arith.constant 96 : index
        %get3A_414 = tpu.vector_load %get3A_411[%get3A_412, %get3A_413] {strides = array<i32>} : memref<64x128xf32, #tpu.memory_space<vmem>>, vector<16xf32>,
        %mul3A_415 = arith.mulf %get3A_384, %get3A_396 : vector<16xf32>
        %mul3A_416 = arith.mulf %get3A_390, %get3A_402 : vector<16xf32>
        %sub3A_417 = arith.subf %mul3A_415, %mul3A_416 : vector<16xf32>
        %mul3A_418 = arith.mulf %get3A_408, %sub3A_417 : vector<16xf32>
        %mul3A_419 = arith.mulf %get3A_384, %get3A_402 : vector<16xf32>
        %mul3A_420 = arith.mulf %get3A_390, %get3A_396 : vector<16xf32>
        %add3A_421 = arith.addf %mul3A_419, %mul3A_420 : vector<16xf32>
        %mul3A_422 = arith.mulf %get3A_414, %add3A_421 : vector<16xf32>
        %add3A_423 = arith.addf %mul3A_418, %mul3A_422 : vector<16xf32>
        %add3A_424 = arith.addf %add3A_378, %add3A_423 : vector<16xf32>
        %get3A_425 = arith.constant 192 : i32
        %get3A_426 = arith.constant 0 : i32
        %get3A_427 = tpu.memref_slice %arg11[%get3A_425, %get3A_426] : memref<768x128xf32, #tpu.memory_space<vmem>> -> memref<64x128xf32, #tpu.memory_space<vmem>>
        %get3A_428 = arith.index_cast %add3A_289 : i32 to index
        %get3A_429 = arith.constant 48 : index
        %get3A_430 = tpu.vector_load %get3A_427[%get3A_428, %get3A_429] {strides = array<i32>} : memref<64x128xf32, #tpu.memory_space<vmem>>, vector<16xf32>,
        %get3A_431 = arith.constant 192 : i32
        %get3A_432 = arith.constant 0 : i32
        %get3A_433 = tpu.memref_slice %arg11[%get3A_431, %get3A_432] : memref<768x128xf32, #tpu.memory_space<vmem>> -> memref<64x128xf32, #tpu.memory_space<vmem>>
        %get3A_434 = arith.index_cast %add3A_289 : i32 to index
        %get3A_435 = arith.constant 112 : index
        %get3A_436 = tpu.vector_load %get3A_433[%get3A_434, %get3A_435] {strides = array<i32>} : memref<64x128xf32, #tpu.memory_space<vmem>>, vector<16xf32>,
        %get3A_437 = arith.constant 256 : i32
        %get3A_438 = arith.constant 0 : i32
        %get3A_439 = tpu.memref_slice %arg11[%get3A_437, %get3A_438] : memref<768x128xf32, #tpu.memory_space<vmem>> -> memref<64x128xf32, #tpu.memory_space<vmem>>
        %get3A_440 = arith.index_cast %add3A_289 : i32 to index
        %get3A_441 = arith.constant 48 : index
        %get3A_442 = tpu.vector_load %get3A_439[%get3A_440, %get3A_441] {strides = array<i32>} : memref<64x128xf32, #tpu.memory_space<vmem>>, vector<16xf32>,
        %get3A_443 = arith.constant 256 : i32
        %get3A_444 = arith.constant 0 : i32
        %get3A_445 = tpu.memref_slice %arg11[%get3A_443, %get3A_444] : memref<768x128xf32, #tpu.memory_space<vmem>> -> memref<64x128xf32, #tpu.memory_space<vmem>>
        %get3A_446 = arith.index_cast %add3A_289 : i32 to index
        %get3A_447 = arith.constant 112 : index
        %get3A_448 = tpu.vector_load %get3A_445[%get3A_446, %get3A_447] {strides = array<i32>} : memref<64x128xf32, #tpu.memory_space<vmem>>, vector<16xf32>,
        %get3A_449 = arith.constant 320 : i32
        %get3A_450 = arith.constant 0 : i32
        %get3A_451 = tpu.memref_slice %arg11[%get3A_449, %get3A_450] : memref<768x128xf32, #tpu.memory_space<vmem>> -> memref<64x128xf32, #tpu.memory_space<vmem>>
        %get3A_452 = arith.index_cast %add3A_289 : i32 to index
        %get3A_453 = arith.constant 48 : index
        %get3A_454 = tpu.vector_load %get3A_451[%get3A_452, %get3A_453] {strides = array<i32>} : memref<64x128xf32, #tpu.memory_space<vmem>>, vector<16xf32>,
        %get3A_455 = arith.constant 320 : i32
        %get3A_456 = arith.constant 0 : i32
        %get3A_457 = tpu.memref_slice %arg11[%get3A_455, %get3A_456] : memref<768x128xf32, #tpu.memory_space<vmem>> -> memref<64x128xf32, #tpu.memory_space<vmem>>
        %get3A_458 = arith.index_cast %add3A_289 : i32 to index
        %get3A_459 = arith.constant 112 : index
        %get3A_460 = tpu.vector_load %get3A_457[%get3A_458, %get3A_459] {strides = array<i32>} : memref<64x128xf32, #tpu.memory_space<vmem>>, vector<16xf32>,
        %mul3A_461 = arith.mulf %get3A_430, %get3A_442 : vector<16xf32>
        %mul3A_462 = arith.mulf %get3A_436, %get3A_448 : vector<16xf32>
        %sub3A_463 = arith.subf %mul3A_461, %mul3A_462 : vector<16xf32>
        %mul3A_464 = arith.mulf %get3A_454, %sub3A_463 : vector<16xf32>
        %mul3A_465 = arith.mulf %get3A_430, %get3A_448 : vector<16xf32>
        %mul3A_466 = arith.mulf %get3A_436, %get3A_442 : vector<16xf32>
        %add3A_467 = arith.addf %mul3A_465, %mul3A_466 : vector<16xf32>
        %mul3A_468 = arith.mulf %get3A_460, %add3A_467 : vector<16xf32>
        %add3A_469 = arith.addf %mul3A_464, %mul3A_468 : vector<16xf32>
        %add3A_470 = arith.addf %add3A_424, %add3A_469 : vector<16xf32>
        %cumsum3A = arith.constant true
        %cumsum3A_471 = vector.broadcast %cumsum3A : i1 to vector<16xi1>
        %cumsum3A_472 = tpu.scan <sum>, %add3A_470 masked %cumsum3A_471 : vector<16xf32>, vector<16xi1> -> vector<16xf32>
        %add3A_473 = arith.constant 0 : i32
        %add3A_474 = arith.addi %mul3A_287, %add3A_473 : i32
        %swap3A = arith.index_cast %add3A_474 : i32 to index
        %swap3A_475 = arith.constant 0 : index
        %swap3A_476 = tpu.vector_load %arg12[%swap3A, %swap3A_475] {strides = array<i32>} : memref<64x16xf32, #tpu.memory_space<vmem>>, vector<16xf32>,
        tpu.vector_store %arg12[%swap3A, %swap3A_475], %cumsum3A_472 {strides = array<i32>} : memref<64x16xf32, #tpu.memory_space<vmem>>, vector<16xf32>,
        %add3A_477 = arith.constant 1 : i32
        %add3A_478 = arith.addi %mul3A_287, %add3A_477 : i32
        %get3A_479 = arith.constant 192 : i32
        %get3A_480 = arith.constant 0 : i32
        %get3A_481 = tpu.memref_slice %arg11[%get3A_479, %get3A_480] : memref<768x128xf32, #tpu.memory_space<vmem>> -> memref<64x128xf32, #tpu.memory_space<vmem>>
        %get3A_482 = arith.index_cast %add3A_478 : i32 to index
        %get3A_483 = arith.constant 0 : index
        %get3A_484 = tpu.vector_load %get3A_481[%get3A_482, %get3A_483] {strides = array<i32>} : memref<64x128xf32, #tpu.memory_space<vmem>>, vector<16xf32>,
        %get3A_485 = arith.constant 192 : i32
        %get3A_486 = arith.constant 0 : i32
        %get3A_487 = tpu.memref_slice %arg11[%get3A_485, %get3A_486] : memref<768x128xf32, #tpu.memory_space<vmem>> -> memref<64x128xf32, #tpu.memory_space<vmem>>
        %get3A_488 = arith.index_cast %add3A_478 : i32 to index
        %get3A_489 = arith.constant 64 : index
        %get3A_490 = tpu.vector_load %get3A_487[%get3A_488, %get3A_489] {strides = array<i32>} : memref<64x128xf32, #tpu.memory_space<vmem>>, vector<16xf32>,
        %get3A_491 = arith.constant 256 : i32
        %get3A_492 = arith.constant 0 : i32
        %get3A_493 = tpu.memref_slice %arg11[%get3A_491, %get3A_492] : memref<768x128xf32, #tpu.memory_space<vmem>> -> memref<64x128xf32, #tpu.memory_space<vmem>>
        %get3A_494 = arith.index_cast %add3A_478 : i32 to index
        %get3A_495 = arith.constant 0 : index
        %get3A_496 = tpu.vector_load %get3A_493[%get3A_494, %get3A_495] {strides = array<i32>} : memref<64x128xf32, #tpu.memory_space<vmem>>, vector<16xf32>,
        %get3A_497 = arith.constant 256 : i32
        %get3A_498 = arith.constant 0 : i32
        %get3A_499 = tpu.memref_slice %arg11[%get3A_497, %get3A_498] : memref<768x128xf32, #tpu.memory_space<vmem>> -> memref<64x128xf32, #tpu.memory_space<vmem>>
        %get3A_500 = arith.index_cast %add3A_478 : i32 to index
        %get3A_501 = arith.constant 64 : index
        %get3A_502 = tpu.vector_load %get3A_499[%get3A_500, %get3A_501] {strides = array<i32>} : memref<64x128xf32, #tpu.memory_space<vmem>>, vector<16xf32>,
        %get3A_503 = arith.constant 320 : i32
        %get3A_504 = arith.constant 0 : i32
        %get3A_505 = tpu.memref_slice %arg11[%get3A_503, %get3A_504] : memref<768x128xf32, #tpu.memory_space<vmem>> -> memref<64x128xf32, #tpu.memory_space<vmem>>
        %get3A_506 = arith.index_cast %add3A_478 : i32 to index
        %get3A_507 = arith.constant 0 : index
        %get3A_508 = tpu.vector_load %get3A_505[%get3A_506, %get3A_507] {strides = array<i32>} : memref<64x128xf32, #tpu.memory_space<vmem>>, vector<16xf32>,
        %get3A_509 = arith.constant 320 : i32
        %get3A_510 = arith.constant 0 : i32
        %get3A_511 = tpu.memref_slice %arg11[%get3A_509, %get3A_510] : memref<768x128xf32, #tpu.memory_space<vmem>> -> memref<64x128xf32, #tpu.memory_space<vmem>>
        %get3A_512 = arith.index_cast %add3A_478 : i32 to index
        %get3A_513 = arith.constant 64 : index
        %get3A_514 = tpu.vector_load %get3A_511[%get3A_512, %get3A_513] {strides = array<i32>} : memref<64x128xf32, #tpu.memory_space<vmem>>, vector<16xf32>,
        %mul3A_515 = arith.mulf %get3A_484, %get3A_496 : vector<16xf32>
        %mul3A_516 = arith.mulf %get3A_490, %get3A_502 : vector<16xf32>
        %sub3A_517 = arith.subf %mul3A_515, %mul3A_516 : vector<16xf32>
        %mul3A_518 = arith.mulf %get3A_508, %sub3A_517 : vector<16xf32>
        %mul3A_519 = arith.mulf %get3A_484, %get3A_502 : vector<16xf32>
        %mul3A_520 = arith.mulf %get3A_490, %get3A_496 : vector<16xf32>
        %add3A_521 = arith.addf %mul3A_519, %mul3A_520 : vector<16xf32>
        %mul3A_522 = arith.mulf %get3A_514, %add3A_521 : vector<16xf32>
        %add3A_523 = arith.addf %mul3A_518, %mul3A_522 : vector<16xf32>
        %get3A_524 = arith.constant 192 : i32
        %get3A_525 = arith.constant 0 : i32
        %get3A_526 = tpu.memref_slice %arg11[%get3A_524, %get3A_525] : memref<768x128xf32, #tpu.memory_space<vmem>> -> memref<64x128xf32, #tpu.memory_space<vmem>>
        %get3A_527 = arith.index_cast %add3A_478 : i32 to index
        %get3A_528 = arith.constant 16 : index
        %get3A_529 = tpu.vector_load %get3A_526[%get3A_527, %get3A_528] {strides = array<i32>} : memref<64x128xf32, #tpu.memory_space<vmem>>, vector<16xf32>,
        %get3A_530 = arith.constant 192 : i32
        %get3A_531 = arith.constant 0 : i32
        %get3A_532 = tpu.memref_slice %arg11[%get3A_530, %get3A_531] : memref<768x128xf32, #tpu.memory_space<vmem>> -> memref<64x128xf32, #tpu.memory_space<vmem>>
        %get3A_533 = arith.index_cast %add3A_478 : i32 to index
        %get3A_534 = arith.constant 80 : index
        %get3A_535 = tpu.vector_load %get3A_532[%get3A_533, %get3A_534] {strides = array<i32>} : memref<64x128xf32, #tpu.memory_space<vmem>>, vector<16xf32>,
        %get3A_536 = arith.constant 256 : i32
        %get3A_537 = arith.constant 0 : i32
        %get3A_538 = tpu.memref_slice %arg11[%get3A_536, %get3A_537] : memref<768x128xf32, #tpu.memory_space<vmem>> -> memref<64x128xf32, #tpu.memory_space<vmem>>
        %get3A_539 = arith.index_cast %add3A_478 : i32 to index
        %get3A_540 = arith.constant 16 : index
        %get3A_541 = tpu.vector_load %get3A_538[%get3A_539, %get3A_540] {strides = array<i32>} : memref<64x128xf32, #tpu.memory_space<vmem>>, vector<16xf32>,
        %get3A_542 = arith.constant 256 : i32
        %get3A_543 = arith.constant 0 : i32
        %get3A_544 = tpu.memref_slice %arg11[%get3A_542, %get3A_543] : memref<768x128xf32, #tpu.memory_space<vmem>> -> memref<64x128xf32, #tpu.memory_space<vmem>>
        %get3A_545 = arith.index_cast %add3A_478 : i32 to index
        %get3A_546 = arith.constant 80 : index
        %get3A_547 = tpu.vector_load %get3A_544[%get3A_545, %get3A_546] {strides = array<i32>} : memref<64x128xf32, #tpu.memory_space<vmem>>, vector<16xf32>,
        %get3A_548 = arith.constant 320 : i32
        %get3A_549 = arith.constant 0 : i32
        %get3A_550 = tpu.memref_slice %arg11[%get3A_548, %get3A_549] : memref<768x128xf32, #tpu.memory_space<vmem>> -> memref<64x128xf32, #tpu.memory_space<vmem>>
        %get3A_551 = arith.index_cast %add3A_478 : i32 to index
        %get3A_552 = arith.constant 16 : index
        %get3A_553 = tpu.vector_load %get3A_550[%get3A_551, %get3A_552] {strides = array<i32>} : memref<64x128xf32, #tpu.memory_space<vmem>>, vector<16xf32>,
        %get3A_554 = arith.constant 320 : i32
        %get3A_555 = arith.constant 0 : i32
        %get3A_556 = tpu.memref_slice %arg11[%get3A_554, %get3A_555] : memref<768x128xf32, #tpu.memory_space<vmem>> -> memref<64x128xf32, #tpu.memory_space<vmem>>
        %get3A_557 = arith.index_cast %add3A_478 : i32 to index
        %get3A_558 = arith.constant 80 : index
        %get3A_559 = tpu.vector_load %get3A_556[%get3A_557, %get3A_558] {strides = array<i32>} : memref<64x128xf32, #tpu.memory_space<vmem>>, vector<16xf32>,
        %mul3A_560 = arith.mulf %get3A_529, %get3A_541 : vector<16xf32>
        %mul3A_561 = arith.mulf %get3A_535, %get3A_547 : vector<16xf32>
        %sub3A_562 = arith.subf %mul3A_560, %mul3A_561 : vector<16xf32>
        %mul3A_563 = arith.mulf %get3A_553, %sub3A_562 : vector<16xf32>
        %mul3A_564 = arith.mulf %get3A_529, %get3A_547 : vector<16xf32>
        %mul3A_565 = arith.mulf %get3A_535, %get3A_541 : vector<16xf32>
        %add3A_566 = arith.addf %mul3A_564, %mul3A_565 : vector<16xf32>
        %mul3A_567 = arith.mulf %get3A_559, %add3A_566 : vector<16xf32>
        %add3A_568 = arith.addf %mul3A_563, %mul3A_567 : vector<16xf32>
        %add3A_569 = arith.addf %add3A_523, %add3A_568 : vector<16xf32>
        %get3A_570 = arith.constant 192 : i32
        %get3A_571 = arith.constant 0 : i32
        %get3A_572 = tpu.memref_slice %arg11[%get3A_570, %get3A_571] : memref<768x128xf32, #tpu.memory_space<vmem>> -> memref<64x128xf32, #tpu.memory_space<vmem>>
        %get3A_573 = arith.index_cast %add3A_478 : i32 to index
        %get3A_574 = arith.constant 32 : index
        %get3A_575 = tpu.vector_load %get3A_572[%get3A_573, %get3A_574] {strides = array<i32>} : memref<64x128xf32, #tpu.memory_space<vmem>>, vector<16xf32>,
        %get3A_576 = arith.constant 192 : i32
        %get3A_577 = arith.constant 0 : i32
        %get3A_578 = tpu.memref_slice %arg11[%get3A_576, %get3A_577] : memref<768x128xf32, #tpu.memory_space<vmem>> -> memref<64x128xf32, #tpu.memory_space<vmem>>
        %get3A_579 = arith.index_cast %add3A_478 : i32 to index
        %get3A_580 = arith.constant 96 : index
        %get3A_581 = tpu.vector_load %get3A_578[%get3A_579, %get3A_580] {strides = array<i32>} : memref<64x128xf32, #tpu.memory_space<vmem>>, vector<16xf32>,
        %get3A_582 = arith.constant 256 : i32
        %get3A_583 = arith.constant 0 : i32
        %get3A_584 = tpu.memref_slice %arg11[%get3A_582, %get3A_583] : memref<768x128xf32, #tpu.memory_space<vmem>> -> memref<64x128xf32, #tpu.memory_space<vmem>>
        %get3A_585 = arith.index_cast %add3A_478 : i32 to index
        %get3A_586 = arith.constant 32 : index
        %get3A_587 = tpu.vector_load %get3A_584[%get3A_585, %get3A_586] {strides = array<i32>} : memref<64x128xf32, #tpu.memory_space<vmem>>, vector<16xf32>,
        %get3A_588 = arith.constant 256 : i32
        %get3A_589 = arith.constant 0 : i32
        %get3A_590 = tpu.memref_slice %arg11[%get3A_588, %get3A_589] : memref<768x128xf32, #tpu.memory_space<vmem>> -> memref<64x128xf32, #tpu.memory_space<vmem>>
        %get3A_591 = arith.index_cast %add3A_478 : i32 to index
        %get3A_592 = arith.constant 96 : index
        %get3A_593 = tpu.vector_load %get3A_590[%get3A_591, %get3A_592] {strides = array<i32>} : memref<64x128xf32, #tpu.memory_space<vmem>>, vector<16xf32>,
        %get3A_594 = arith.constant 320 : i32
        %get3A_595 = arith.constant 0 : i32
        %get3A_596 = tpu.memref_slice %arg11[%get3A_594, %get3A_595] : memref<768x128xf32, #tpu.memory_space<vmem>> -> memref<64x128xf32, #tpu.memory_space<vmem>>
        %get3A_597 = arith.index_cast %add3A_478 : i32 to index
        %get3A_598 = arith.constant 32 : index
        %get3A_599 = tpu.vector_load %get3A_596[%get3A_597, %get3A_598] {strides = array<i32>} : memref<64x128xf32, #tpu.memory_space<vmem>>, vector<16xf32>,
        %get3A_600 = arith.constant 320 : i32
        %get3A_601 = arith.constant 0 : i32
        %get3A_602 = tpu.memref_slice %arg11[%get3A_600, %get3A_601] : memref<768x128xf32, #tpu.memory_space<vmem>> -> memref<64x128xf32, #tpu.memory_space<vmem>>
        %get3A_603 = arith.index_cast %add3A_478 : i32 to index
        %get3A_604 = arith.constant 96 : index
        %get3A_605 = tpu.vector_load %get3A_602[%get3A_603, %get3A_604] {strides = array<i32>} : memref<64x128xf32, #tpu.memory_space<vmem>>, vector<16xf32>,
        %mul3A_606 = arith.mulf %get3A_575, %get3A_587 : vector<16xf32>
        %mul3A_607 = arith.mulf %get3A_581, %get3A_593 : vector<16xf32>
        %sub3A_608 = arith.subf %mul3A_606, %mul3A_607 : vector<16xf32>
        %mul3A_609 = arith.mulf %get3A_599, %sub3A_608 : vector<16xf32>
        %mul3A_610 = arith.mulf %get3A_575, %get3A_593 : vector<16xf32>
        %mul3A_611 = arith.mulf %get3A_581, %get3A_587 : vector<16xf32>
        %add3A_612 = arith.addf %mul3A_610, %mul3A_611 : vector<16xf32>
        %mul3A_613 = arith.mulf %get3A_605, %add3A_612 : vector<16xf32>
        %add3A_614 = arith.addf %mul3A_609, %mul3A_613 : vector<16xf32>
        %add3A_615 = arith.addf %add3A_569, %add3A_614 : vector<16xf32>
        %get3A_616 = arith.constant 192 : i32
        %get3A_617 = arith.constant 0 : i32
        %get3A_618 = tpu.memref_slice %arg11[%get3A_616, %get3A_617] : memref<768x128xf32, #tpu.memory_space<vmem>> -> memref<64x128xf32, #tpu.memory_space<vmem>>
        %get3A_619 = arith.index_cast %add3A_478 : i32 to index
        %get3A_620 = arith.constant 48 : index
        %get3A_621 = tpu.vector_load %get3A_618[%get3A_619, %get3A_620] {strides = array<i32>} : memref<64x128xf32, #tpu.memory_space<vmem>>, vector<16xf32>,
        %get3A_622 = arith.constant 192 : i32
        %get3A_623 = arith.constant 0 : i32
        %get3A_624 = tpu.memref_slice %arg11[%get3A_622, %get3A_623] : memref<768x128xf32, #tpu.memory_space<vmem>> -> memref<64x128xf32, #tpu.memory_space<vmem>>
        %get3A_625 = arith.index_cast %add3A_478 : i32 to index
        %get3A_626 = arith.constant 112 : index
        %get3A_627 = tpu.vector_load %get3A_624[%get3A_625, %get3A_626] {strides = array<i32>} : memref<64x128xf32, #tpu.memory_space<vmem>>, vector<16xf32>,
        %get3A_628 = arith.constant 256 : i32
        %get3A_629 = arith.constant 0 : i32
        %get3A_630 = tpu.memref_slice %arg11[%get3A_628, %get3A_629] : memref<768x128xf32, #tpu.memory_space<vmem>> -> memref<64x128xf32, #tpu.memory_space<vmem>>
        %get3A_631 = arith.index_cast %add3A_478 : i32 to index
        %get3A_632 = arith.constant 48 : index
        %get3A_633 = tpu.vector_load %get3A_630[%get3A_631, %get3A_632] {strides = array<i32>} : memref<64x128xf32, #tpu.memory_space<vmem>>, vector<16xf32>,
        %get3A_634 = arith.constant 256 : i32
        %get3A_635 = arith.constant 0 : i32
        %get3A_636 = tpu.memref_slice %arg11[%get3A_634, %get3A_635] : memref<768x128xf32, #tpu.memory_space<vmem>> -> memref<64x128xf32, #tpu.memory_space<vmem>>
        %get3A_637 = arith.index_cast %add3A_478 : i32 to index
        %get3A_638 = arith.constant 112 : index
        %get3A_639 = tpu.vector_load %get3A_636[%get3A_637, %get3A_638] {strides = array<i32>} : memref<64x128xf32, #tpu.memory_space<vmem>>, vector<16xf32>,
        %get3A_640 = arith.constant 320 : i32
        %get3A_641 = arith.constant 0 : i32
        %get3A_642 = tpu.memref_slice %arg11[%get3A_640, %get3A_641] : memref<768x128xf32, #tpu.memory_space<vmem>> -> memref<64x128xf32, #tpu.memory_space<vmem>>
        %get3A_643 = arith.index_cast %add3A_478 : i32 to index
        %get3A_644 = arith.constant 48 : index
        %get3A_645 = tpu.vector_load %get3A_642[%get3A_643, %get3A_644] {strides = array<i32>} : memref<64x128xf32, #tpu.memory_space<vmem>>, vector<16xf32>,
        %get3A_646 = arith.constant 320 : i32
        %get3A_647 = arith.constant 0 : i32
        %get3A_648 = tpu.memref_slice %arg11[%get3A_646, %get3A_647] : memref<768x128xf32, #tpu.memory_space<vmem>> -> memref<64x128xf32, #tpu.memory_space<vmem>>
        %get3A_649 = arith.index_cast %add3A_478 : i32 to index
        %get3A_650 = arith.constant 112 : index
        %get3A_651 = tpu.vector_load %get3A_648[%get3A_649, %get3A_650] {strides = array<i32>} : memref<64x128xf32, #tpu.memory_space<vmem>>, vector<16xf32>,
        %mul3A_652 = arith.mulf %get3A_621, %get3A_633 : vector<16xf32>
        %mul3A_653 = arith.mulf %get3A_627, %get3A_639 : vector<16xf32>
        %sub3A_654 = arith.subf %mul3A_652, %mul3A_653 : vector<16xf32>
        %mul3A_655 = arith.mulf %get3A_645, %sub3A_654 : vector<16xf32>
        %mul3A_656 = arith.mulf %get3A_621, %get3A_639 : vector<16xf32>
        %mul3A_657 = arith.mulf %get3A_627, %get3A_633 : vector<16xf32>
        %add3A_658 = arith.addf %mul3A_656, %mul3A_657 : vector<16xf32>
        %mul3A_659 = arith.mulf %get3A_651, %add3A_658 : vector<16xf32>
        %add3A_660 = arith.addf %mul3A_655, %mul3A_659 : vector<16xf32>
        %add3A_661 = arith.addf %add3A_615, %add3A_660 : vector<16xf32>
        %cumsum3A_662 = arith.constant true
        %cumsum3A_663 = vector.broadcast %cumsum3A_662 : i1 to vector<16xi1>
        %cumsum3A_664 = tpu.scan <sum>, %add3A_661 masked %cumsum3A_663 : vector<16xf32>, vector<16xi1> -> vector<16xf32>
        %add3A_665 = arith.constant 1 : i32
        %add3A_666 = arith.addi %mul3A_287, %add3A_665 : i32
        %swap3A_667 = arith.index_cast %add3A_666 : i32 to index
        %swap3A_668 = arith.constant 0 : index
        %swap3A_669 = tpu.vector_load %arg12[%swap3A_667, %swap3A_668] {strides = array<i32>} : memref<64x16xf32, #tpu.memory_space<vmem>>, vector<16xf32>,
        tpu.vector_store %arg12[%swap3A_667, %swap3A_668], %cumsum3A_664 {strides = array<i32>} : memref<64x16xf32, #tpu.memory_space<vmem>>, vector<16xf32>,
        %add3A_670 = arith.constant 2 : i32
        %add3A_671 = arith.addi %mul3A_287, %add3A_670 : i32
        %get3A_672 = arith.constant 192 : i32
        %get3A_673 = arith.constant 0 : i32
        %get3A_674 = tpu.memref_slice %arg11[%get3A_672, %get3A_673] : memref<768x128xf32, #tpu.memory_space<vmem>> -> memref<64x128xf32, #tpu.memory_space<vmem>>
        %get3A_675 = arith.index_cast %add3A_671 : i32 to index
        %get3A_676 = arith.constant 0 : index
        %get3A_677 = tpu.vector_load %get3A_674[%get3A_675, %get3A_676] {strides = array<i32>} : memref<64x128xf32, #tpu.memory_space<vmem>>, vector<16xf32>,
        %get3A_678 = arith.constant 192 : i32
        %get3A_679 = arith.constant 0 : i32
        %get3A_680 = tpu.memref_slice %arg11[%get3A_678, %get3A_679] : memref<768x128xf32, #tpu.memory_space<vmem>> -> memref<64x128xf32, #tpu.memory_space<vmem>>
        %get3A_681 = arith.index_cast %add3A_671 : i32 to index
        %get3A_682 = arith.constant 64 : index
        %get3A_683 = tpu.vector_load %get3A_680[%get3A_681, %get3A_682] {strides = array<i32>} : memref<64x128xf32, #tpu.memory_space<vmem>>, vector<16xf32>,
        %get3A_684 = arith.constant 256 : i32
        %get3A_685 = arith.constant 0 : i32
        %get3A_686 = tpu.memref_slice %arg11[%get3A_684, %get3A_685] : memref<768x128xf32, #tpu.memory_space<vmem>> -> memref<64x128xf32, #tpu.memory_space<vmem>>
        %get3A_687 = arith.index_cast %add3A_671 : i32 to index
        %get3A_688 = arith.constant 0 : index
        %get3A_689 = tpu.vector_load %get3A_686[%get3A_687, %get3A_688] {strides = array<i32>} : memref<64x128xf32, #tpu.memory_space<vmem>>, vector<16xf32>,
        %get3A_690 = arith.constant 256 : i32
        %get3A_691 = arith.constant 0 : i32
        %get3A_692 = tpu.memref_slice %arg11[%get3A_690, %get3A_691] : memref<768x128xf32, #tpu.memory_space<vmem>> -> memref<64x128xf32, #tpu.memory_space<vmem>>
        %get3A_693 = arith.index_cast %add3A_671 : i32 to index
        %get3A_694 = arith.constant 64 : index
        %get3A_695 = tpu.vector_load %get3A_692[%get3A_693, %get3A_694] {strides = array<i32>} : memref<64x128xf32, #tpu.memory_space<vmem>>, vector<16xf32>,
        %get3A_696 = arith.constant 320 : i32
        %get3A_697 = arith.constant 0 : i32
        %get3A_698 = tpu.memref_slice %arg11[%get3A_696, %get3A_697] : memref<768x128xf32, #tpu.memory_space<vmem>> -> memref<64x128xf32, #tpu.memory_space<vmem>>
        %get3A_699 = arith.index_cast %add3A_671 : i32 to index
        %get3A_700 = arith.constant 0 : index
        %get3A_701 = tpu.vector_load %get3A_698[%get3A_699, %get3A_700] {strides = array<i32>} : memref<64x128xf32, #tpu.memory_space<vmem>>, vector<16xf32>,
        %get3A_702 = arith.constant 320 : i32
        %get3A_703 = arith.constant 0 : i32
        %get3A_704 = tpu.memref_slice %arg11[%get3A_702, %get3A_703] : memref<768x128xf32, #tpu.memory_space<vmem>> -> memref<64x128xf32, #tpu.memory_space<vmem>>
        %get3A_705 = arith.index_cast %add3A_671 : i32 to index
        %get3A_706 = arith.constant 64 : index
        %get3A_707 = tpu.vector_load %get3A_704[%get3A_705, %get3A_706] {strides = array<i32>} : memref<64x128xf32, #tpu.memory_space<vmem>>, vector<16xf32>,
        %mul3A_708 = arith.mulf %get3A_677, %get3A_689 : vector<16xf32>
        %mul3A_709 = arith.mulf %get3A_683, %get3A_695 : vector<16xf32>
        %sub3A_710 = arith.subf %mul3A_708, %mul3A_709 : vector<16xf32>
        %mul3A_711 = arith.mulf %get3A_701, %sub3A_710 : vector<16xf32>
        %mul3A_712 = arith.mulf %get3A_677, %get3A_695 : vector<16xf32>
        %mul3A_713 = arith.mulf %get3A_683, %get3A_689 : vector<16xf32>
        %add3A_714 = arith.addf %mul3A_712, %mul3A_713 : vector<16xf32>
        %mul3A_715 = arith.mulf %get3A_707, %add3A_714 : vector<16xf32>
        %add3A_716 = arith.addf %mul3A_711, %mul3A_715 : vector<16xf32>
        %get3A_717 = arith.constant 192 : i32
        %get3A_718 = arith.constant 0 : i32
        %get3A_719 = tpu.memref_slice %arg11[%get3A_717, %get3A_718] : memref<768x128xf32, #tpu.memory_space<vmem>> -> memref<64x128xf32, #tpu.memory_space<vmem>>
        %get3A_720 = arith.index_cast %add3A_671 : i32 to index
        %get3A_721 = arith.constant 16 : index
        %get3A_722 = tpu.vector_load %get3A_719[%get3A_720, %get3A_721] {strides = array<i32>} : memref<64x128xf32, #tpu.memory_space<vmem>>, vector<16xf32>,
        %get3A_723 = arith.constant 192 : i32
        %get3A_724 = arith.constant 0 : i32
        %get3A_725 = tpu.memref_slice %arg11[%get3A_723, %get3A_724] : memref<768x128xf32, #tpu.memory_space<vmem>> -> memref<64x128xf32, #tpu.memory_space<vmem>>
        %get3A_726 = arith.index_cast %add3A_671 : i32 to index
        %get3A_727 = arith.constant 80 : index
        %get3A_728 = tpu.vector_load %get3A_725[%get3A_726, %get3A_727] {strides = array<i32>} : memref<64x128xf32, #tpu.memory_space<vmem>>, vector<16xf32>,
        %get3A_729 = arith.constant 256 : i32
        %get3A_730 = arith.constant 0 : i32
        %get3A_731 = tpu.memref_slice %arg11[%get3A_729, %get3A_730] : memref<768x128xf32, #tpu.memory_space<vmem>> -> memref<64x128xf32, #tpu.memory_space<vmem>>
        %get3A_732 = arith.index_cast %add3A_671 : i32 to index
        %get3A_733 = arith.constant 16 : index
        %get3A_734 = tpu.vector_load %get3A_731[%get3A_732, %get3A_733] {strides = array<i32>} : memref<64x128xf32, #tpu.memory_space<vmem>>, vector<16xf32>,
        %get3A_735 = arith.constant 256 : i32
        %get3A_736 = arith.constant 0 : i32
        %get3A_737 = tpu.memref_slice %arg11[%get3A_735, %get3A_736] : memref<768x128xf32, #tpu.memory_space<vmem>> -> memref<64x128xf32, #tpu.memory_space<vmem>>
        %get3A_738 = arith.index_cast %add3A_671 : i32 to index
        %get3A_739 = arith.constant 80 : index
        %get3A_740 = tpu.vector_load %get3A_737[%get3A_738, %get3A_739] {strides = array<i32>} : memref<64x128xf32, #tpu.memory_space<vmem>>, vector<16xf32>,
        %get3A_741 = arith.constant 320 : i32
        %get3A_742 = arith.constant 0 : i32
        %get3A_743 = tpu.memref_slice %arg11[%get3A_741, %get3A_742] : memref<768x128xf32, #tpu.memory_space<vmem>> -> memref<64x128xf32, #tpu.memory_space<vmem>>
        %get3A_744 = arith.index_cast %add3A_671 : i32 to index
        %get3A_745 = arith.constant 16 : index
        %get3A_746 = tpu.vector_load %get3A_743[%get3A_744, %get3A_745] {strides = array<i32>} : memref<64x128xf32, #tpu.memory_space<vmem>>, vector<16xf32>,
        %get3A_747 = arith.constant 320 : i32
        %get3A_748 = arith.constant 0 : i32
        %get3A_749 = tpu.memref_slice %arg11[%get3A_747, %get3A_748] : memref<768x128xf32, #tpu.memory_space<vmem>> -> memref<64x128xf32, #tpu.memory_space<vmem>>
        %get3A_750 = arith.index_cast %add3A_671 : i32 to index
        %get3A_751 = arith.constant 80 : index
        %get3A_752 = tpu.vector_load %get3A_749[%get3A_750, %get3A_751] {strides = array<i32>} : memref<64x128xf32, #tpu.memory_space<vmem>>, vector<16xf32>,
        %mul3A_753 = arith.mulf %get3A_722, %get3A_734 : vector<16xf32>
        %mul3A_754 = arith.mulf %get3A_728, %get3A_740 : vector<16xf32>
        %sub3A_755 = arith.subf %mul3A_753, %mul3A_754 : vector<16xf32>
        %mul3A_756 = arith.mulf %get3A_746, %sub3A_755 : vector<16xf32>
        %mul3A_757 = arith.mulf %get3A_722, %get3A_740 : vector<16xf32>
        %mul3A_758 = arith.mulf %get3A_728, %get3A_734 : vector<16xf32>
        %add3A_759 = arith.addf %mul3A_757, %mul3A_758 : vector<16xf32>
        %mul3A_760 = arith.mulf %get3A_752, %add3A_759 : vector<16xf32>
        %add3A_761 = arith.addf %mul3A_756, %mul3A_760 : vector<16xf32>
        %add3A_762 = arith.addf %add3A_716, %add3A_761 : vector<16xf32>
        %get3A_763 = arith.constant 192 : i32
        %get3A_764 = arith.constant 0 : i32
        %get3A_765 = tpu.memref_slice %arg11[%get3A_763, %get3A_764] : memref<768x128xf32, #tpu.memory_space<vmem>> -> memref<64x128xf32, #tpu.memory_space<vmem>>
        %get3A_766 = arith.index_cast %add3A_671 : i32 to index
        %get3A_767 = arith.constant 32 : index
        %get3A_768 = tpu.vector_load %get3A_765[%get3A_766, %get3A_767] {strides = array<i32>} : memref<64x128xf32, #tpu.memory_space<vmem>>, vector<16xf32>,
        %get3A_769 = arith.constant 192 : i32
        %get3A_770 = arith.constant 0 : i32
        %get3A_771 = tpu.memref_slice %arg11[%get3A_769, %get3A_770] : memref<768x128xf32, #tpu.memory_space<vmem>> -> memref<64x128xf32, #tpu.memory_space<vmem>>
        %get3A_772 = arith.index_cast %add3A_671 : i32 to index
        %get3A_773 = arith.constant 96 : index
        %get3A_774 = tpu.vector_load %get3A_771[%get3A_772, %get3A_773] {strides = array<i32>} : memref<64x128xf32, #tpu.memory_space<vmem>>, vector<16xf32>,
        %get3A_775 = arith.constant 256 : i32
        %get3A_776 = arith.constant 0 : i32
        %get3A_777 = tpu.memref_slice %arg11[%get3A_775, %get3A_776] : memref<768x128xf32, #tpu.memory_space<vmem>> -> memref<64x128xf32, #tpu.memory_space<vmem>>
        %get3A_778 = arith.index_cast %add3A_671 : i32 to index
        %get3A_779 = arith.constant 32 : index
        %get3A_780 = tpu.vector_load %get3A_777[%get3A_778, %get3A_779] {strides = array<i32>} : memref<64x128xf32, #tpu.memory_space<vmem>>, vector<16xf32>,
        %get3A_781 = arith.constant 256 : i32
        %get3A_782 = arith.constant 0 : i32
        %get3A_783 = tpu.memref_slice %arg11[%get3A_781, %get3A_782] : memref<768x128xf32, #tpu.memory_space<vmem>> -> memref<64x128xf32, #tpu.memory_space<vmem>>
        %get3A_784 = arith.index_cast %add3A_671 : i32 to index
        %get3A_785 = arith.constant 96 : index
        %get3A_786 = tpu.vector_load %get3A_783[%get3A_784, %get3A_785] {strides = array<i32>} : memref<64x128xf32, #tpu.memory_space<vmem>>, vector<16xf32>,
        %get3A_787 = arith.constant 320 : i32
        %get3A_788 = arith.constant 0 : i32
        %get3A_789 = tpu.memref_slice %arg11[%get3A_787, %get3A_788] : memref<768x128xf32, #tpu.memory_space<vmem>> -> memref<64x128xf32, #tpu.memory_space<vmem>>
        %get3A_790 = arith.index_cast %add3A_671 : i32 to index
        %get3A_791 = arith.constant 32 : index
        %get3A_792 = tpu.vector_load %get3A_789[%get3A_790, %get3A_791] {strides = array<i32>} : memref<64x128xf32, #tpu.memory_space<vmem>>, vector<16xf32>,
        %get3A_793 = arith.constant 320 : i32
        %get3A_794 = arith.constant 0 : i32
        %get3A_795 = tpu.memref_slice %arg11[%get3A_793, %get3A_794] : memref<768x128xf32, #tpu.memory_space<vmem>> -> memref<64x128xf32, #tpu.memory_space<vmem>>
        %get3A_796 = arith.index_cast %add3A_671 : i32 to index
        %get3A_797 = arith.constant 96 : index
        %get3A_798 = tpu.vector_load %get3A_795[%get3A_796, %get3A_797] {strides = array<i32>} : memref<64x128xf32, #tpu.memory_space<vmem>>, vector<16xf32>,
        %mul3A_799 = arith.mulf %get3A_768, %get3A_780 : vector<16xf32>
        %mul3A_800 = arith.mulf %get3A_774, %get3A_786 : vector<16xf32>
        %sub3A_801 = arith.subf %mul3A_799, %mul3A_800 : vector<16xf32>
        %mul3A_802 = arith.mulf %get3A_792, %sub3A_801 : vector<16xf32>
        %mul3A_803 = arith.mulf %get3A_768, %get3A_786 : vector<16xf32>
        %mul3A_804 = arith.mulf %get3A_774, %get3A_780 : vector<16xf32>
        %add3A_805 = arith.addf %mul3A_803, %mul3A_804 : vector<16xf32>
        %mul3A_806 = arith.mulf %get3A_798, %add3A_805 : vector<16xf32>
        %add3A_807 = arith.addf %mul3A_802, %mul3A_806 : vector<16xf32>
        %add3A_808 = arith.addf %add3A_762, %add3A_807 : vector<16xf32>
        %get3A_809 = arith.constant 192 : i32
        %get3A_810 = arith.constant 0 : i32
        %get3A_811 = tpu.memref_slice %arg11[%get3A_809, %get3A_810] : memref<768x128xf32, #tpu.memory_space<vmem>> -> memref<64x128xf32, #tpu.memory_space<vmem>>
        %get3A_812 = arith.index_cast %add3A_671 : i32 to index
        %get3A_813 = arith.constant 48 : index
        %get3A_814 = tpu.vector_load %get3A_811[%get3A_812, %get3A_813] {strides = array<i32>} : memref<64x128xf32, #tpu.memory_space<vmem>>, vector<16xf32>,
        %get3A_815 = arith.constant 192 : i32
        %get3A_816 = arith.constant 0 : i32
        %get3A_817 = tpu.memref_slice %arg11[%get3A_815, %get3A_816] : memref<768x128xf32, #tpu.memory_space<vmem>> -> memref<64x128xf32, #tpu.memory_space<vmem>>
        %get3A_818 = arith.index_cast %add3A_671 : i32 to index
        %get3A_819 = arith.constant 112 : index
        %get3A_820 = tpu.vector_load %get3A_817[%get3A_818, %get3A_819] {strides = array<i32>} : memref<64x128xf32, #tpu.memory_space<vmem>>, vector<16xf32>,
        %get3A_821 = arith.constant 256 : i32
        %get3A_822 = arith.constant 0 : i32
        %get3A_823 = tpu.memref_slice %arg11[%get3A_821, %get3A_822] : memref<768x128xf32, #tpu.memory_space<vmem>> -> memref<64x128xf32, #tpu.memory_space<vmem>>
        %get3A_824 = arith.index_cast %add3A_671 : i32 to index
        %get3A_825 = arith.constant 48 : index
        %get3A_826 = tpu.vector_load %get3A_823[%get3A_824, %get3A_825] {strides = array<i32>} : memref<64x128xf32, #tpu.memory_space<vmem>>, vector<16xf32>,
        %get3A_827 = arith.constant 256 : i32
        %get3A_828 = arith.constant 0 : i32
        %get3A_829 = tpu.memref_slice %arg11[%get3A_827, %get3A_828] : memref<768x128xf32, #tpu.memory_space<vmem>> -> memref<64x128xf32, #tpu.memory_space<vmem>>
        %get3A_830 = arith.index_cast %add3A_671 : i32 to index
        %get3A_831 = arith.constant 112 : index
        %get3A_832 = tpu.vector_load %get3A_829[%get3A_830, %get3A_831] {strides = array<i32>} : memref<64x128xf32, #tpu.memory_space<vmem>>, vector<16xf32>,
        %get3A_833 = arith.constant 320 : i32
        %get3A_834 = arith.constant 0 : i32
        %get3A_835 = tpu.memref_slice %arg11[%get3A_833, %get3A_834] : memref<768x128xf32, #tpu.memory_space<vmem>> -> memref<64x128xf32, #tpu.memory_space<vmem>>
        %get3A_836 = arith.index_cast %add3A_671 : i32 to index
        %get3A_837 = arith.constant 48 : index
        %get3A_838 = tpu.vector_load %get3A_835[%get3A_836, %get3A_837] {strides = array<i32>} : memref<64x128xf32, #tpu.memory_space<vmem>>, vector<16xf32>,
        %get3A_839 = arith.constant 320 : i32
        %get3A_840 = arith.constant 0 : i32
        %get3A_841 = tpu.memref_slice %arg11[%get3A_839, %get3A_840] : memref<768x128xf32, #tpu.memory_space<vmem>> -> memref<64x128xf32, #tpu.memory_space<vmem>>
        %get3A_842 = arith.index_cast %add3A_671 : i32 to index
        %get3A_843 = arith.constant 112 : index
        %get3A_844 = tpu.vector_load %get3A_841[%get3A_842, %get3A_843] {strides = array<i32>} : memref<64x128xf32, #tpu.memory_space<vmem>>, vector<16xf32>,
        %mul3A_845 = arith.mulf %get3A_814, %get3A_826 : vector<16xf32>
        %mul3A_846 = arith.mulf %get3A_820, %get3A_832 : vector<16xf32>
        %sub3A_847 = arith.subf %mul3A_845, %mul3A_846 : vector<16xf32>
        %mul3A_848 = arith.mulf %get3A_838, %sub3A_847 : vector<16xf32>
        %mul3A_849 = arith.mulf %get3A_814, %get3A_832 : vector<16xf32>
        %mul3A_850 = arith.mulf %get3A_820, %get3A_826 : vector<16xf32>
        %add3A_851 = arith.addf %mul3A_849, %mul3A_850 : vector<16xf32>
        %mul3A_852 = arith.mulf %get3A_844, %add3A_851 : vector<16xf32>
        %add3A_853 = arith.addf %mul3A_848, %mul3A_852 : vector<16xf32>
        %add3A_854 = arith.addf %add3A_808, %add3A_853 : vector<16xf32>
        %cumsum3A_855 = arith.constant true
        %cumsum3A_856 = vector.broadcast %cumsum3A_855 : i1 to vector<16xi1>
        %cumsum3A_857 = tpu.scan <sum>, %add3A_854 masked %cumsum3A_856 : vector<16xf32>, vector<16xi1> -> vector<16xf32>
        %add3A_858 = arith.constant 2 : i32
        %add3A_859 = arith.addi %mul3A_287, %add3A_858 : i32
        %swap3A_860 = arith.index_cast %add3A_859 : i32 to index
        %swap3A_861 = arith.constant 0 : index
        %swap3A_862 = tpu.vector_load %arg12[%swap3A_860, %swap3A_861] {strides = array<i32>} : memref<64x16xf32, #tpu.memory_space<vmem>>, vector<16xf32>,
        tpu.vector_store %arg12[%swap3A_860, %swap3A_861], %cumsum3A_857 {strides = array<i32>} : memref<64x16xf32, #tpu.memory_space<vmem>>, vector<16xf32>,
        %add3A_863 = arith.constant 3 : i32
        %add3A_864 = arith.addi %mul3A_287, %add3A_863 : i32
        %get3A_865 = arith.constant 192 : i32
        %get3A_866 = arith.constant 0 : i32
        %get3A_867 = tpu.memref_slice %arg11[%get3A_865, %get3A_866] : memref<768x128xf32, #tpu.memory_space<vmem>> -> memref<64x128xf32, #tpu.memory_space<vmem>>
        %get3A_868 = arith.index_cast %add3A_864 : i32 to index
        %get3A_869 = arith.constant 0 : index
        %get3A_870 = tpu.vector_load %get3A_867[%get3A_868, %get3A_869] {strides = array<i32>} : memref<64x128xf32, #tpu.memory_space<vmem>>, vector<16xf32>,
        %get3A_871 = arith.constant 192 : i32
        %get3A_872 = arith.constant 0 : i32
        %get3A_873 = tpu.memref_slice %arg11[%get3A_871, %get3A_872] : memref<768x128xf32, #tpu.memory_space<vmem>> -> memref<64x128xf32, #tpu.memory_space<vmem>>
        %get3A_874 = arith.index_cast %add3A_864 : i32 to index
        %get3A_875 = arith.constant 64 : index
        %get3A_876 = tpu.vector_load %get3A_873[%get3A_874, %get3A_875] {strides = array<i32>} : memref<64x128xf32, #tpu.memory_space<vmem>>, vector<16xf32>,
        %get3A_877 = arith.constant 256 : i32
        %get3A_878 = arith.constant 0 : i32
        %get3A_879 = tpu.memref_slice %arg11[%get3A_877, %get3A_878] : memref<768x128xf32, #tpu.memory_space<vmem>> -> memref<64x128xf32, #tpu.memory_space<vmem>>
        %get3A_880 = arith.index_cast %add3A_864 : i32 to index
        %get3A_881 = arith.constant 0 : index
        %get3A_882 = tpu.vector_load %get3A_879[%get3A_880, %get3A_881] {strides = array<i32>} : memref<64x128xf32, #tpu.memory_space<vmem>>, vector<16xf32>,
        %get3A_883 = arith.constant 256 : i32
        %get3A_884 = arith.constant 0 : i32
        %get3A_885 = tpu.memref_slice %arg11[%get3A_883, %get3A_884] : memref<768x128xf32, #tpu.memory_space<vmem>> -> memref<64x128xf32, #tpu.memory_space<vmem>>
        %get3A_886 = arith.index_cast %add3A_864 : i32 to index
        %get3A_887 = arith.constant 64 : index
        %get3A_888 = tpu.vector_load %get3A_885[%get3A_886, %get3A_887] {strides = array<i32>} : memref<64x128xf32, #tpu.memory_space<vmem>>, vector<16xf32>,
        %get3A_889 = arith.constant 320 : i32
        %get3A_890 = arith.constant 0 : i32
        %get3A_891 = tpu.memref_slice %arg11[%get3A_889, %get3A_890] : memref<768x128xf32, #tpu.memory_space<vmem>> -> memref<64x128xf32, #tpu.memory_space<vmem>>
        %get3A_892 = arith.index_cast %add3A_864 : i32 to index
        %get3A_893 = arith.constant 0 : index
        %get3A_894 = tpu.vector_load %get3A_891[%get3A_892, %get3A_893] {strides = array<i32>} : memref<64x128xf32, #tpu.memory_space<vmem>>, vector<16xf32>,
        %get3A_895 = arith.constant 320 : i32
        %get3A_896 = arith.constant 0 : i32
        %get3A_897 = tpu.memref_slice %arg11[%get3A_895, %get3A_896] : memref<768x128xf32, #tpu.memory_space<vmem>> -> memref<64x128xf32, #tpu.memory_space<vmem>>
        %get3A_898 = arith.index_cast %add3A_864 : i32 to index
        %get3A_899 = arith.constant 64 : index
        %get3A_900 = tpu.vector_load %get3A_897[%get3A_898, %get3A_899] {strides = array<i32>} : memref<64x128xf32, #tpu.memory_space<vmem>>, vector<16xf32>,
        %mul3A_901 = arith.mulf %get3A_870, %get3A_882 : vector<16xf32>
        %mul3A_902 = arith.mulf %get3A_876, %get3A_888 : vector<16xf32>
        %sub3A_903 = arith.subf %mul3A_901, %mul3A_902 : vector<16xf32>
        %mul3A_904 = arith.mulf %get3A_894, %sub3A_903 : vector<16xf32>
        %mul3A_905 = arith.mulf %get3A_870, %get3A_888 : vector<16xf32>
        %mul3A_906 = arith.mulf %get3A_876, %get3A_882 : vector<16xf32>
        %add3A_907 = arith.addf %mul3A_905, %mul3A_906 : vector<16xf32>
        %mul3A_908 = arith.mulf %get3A_900, %add3A_907 : vector<16xf32>
        %add3A_909 = arith.addf %mul3A_904, %mul3A_908 : vector<16xf32>
        %get3A_910 = arith.constant 192 : i32
        %get3A_911 = arith.constant 0 : i32
        %get3A_912 = tpu.memref_slice %arg11[%get3A_910, %get3A_911] : memref<768x128xf32, #tpu.memory_space<vmem>> -> memref<64x128xf32, #tpu.memory_space<vmem>>
        %get3A_913 = arith.index_cast %add3A_864 : i32 to index
        %get3A_914 = arith.constant 16 : index
        %get3A_915 = tpu.vector_load %get3A_912[%get3A_913, %get3A_914] {strides = array<i32>} : memref<64x128xf32, #tpu.memory_space<vmem>>, vector<16xf32>,
        %get3A_916 = arith.constant 192 : i32
        %get3A_917 = arith.constant 0 : i32
        %get3A_918 = tpu.memref_slice %arg11[%get3A_916, %get3A_917] : memref<768x128xf32, #tpu.memory_space<vmem>> -> memref<64x128xf32, #tpu.memory_space<vmem>>
        %get3A_919 = arith.index_cast %add3A_864 : i32 to index
        %get3A_920 = arith.constant 80 : index
        %get3A_921 = tpu.vector_load %get3A_918[%get3A_919, %get3A_920] {strides = array<i32>} : memref<64x128xf32, #tpu.memory_space<vmem>>, vector<16xf32>,
        %get3A_922 = arith.constant 256 : i32
        %get3A_923 = arith.constant 0 : i32
        %get3A_924 = tpu.memref_slice %arg11[%get3A_922, %get3A_923] : memref<768x128xf32, #tpu.memory_space<vmem>> -> memref<64x128xf32, #tpu.memory_space<vmem>>
        %get3A_925 = arith.index_cast %add3A_864 : i32 to index
        %get3A_926 = arith.constant 16 : index
        %get3A_927 = tpu.vector_load %get3A_924[%get3A_925, %get3A_926] {strides = array<i32>} : memref<64x128xf32, #tpu.memory_space<vmem>>, vector<16xf32>,
        %get3A_928 = arith.constant 256 : i32
        %get3A_929 = arith.constant 0 : i32
        %get3A_930 = tpu.memref_slice %arg11[%get3A_928, %get3A_929] : memref<768x128xf32, #tpu.memory_space<vmem>> -> memref<64x128xf32, #tpu.memory_space<vmem>>
        %get3A_931 = arith.index_cast %add3A_864 : i32 to index
        %get3A_932 = arith.constant 80 : index
        %get3A_933 = tpu.vector_load %get3A_930[%get3A_931, %get3A_932] {strides = array<i32>} : memref<64x128xf32, #tpu.memory_space<vmem>>, vector<16xf32>,
        %get3A_934 = arith.constant 320 : i32
        %get3A_935 = arith.constant 0 : i32
        %get3A_936 = tpu.memref_slice %arg11[%get3A_934, %get3A_935] : memref<768x128xf32, #tpu.memory_space<vmem>> -> memref<64x128xf32, #tpu.memory_space<vmem>>
        %get3A_937 = arith.index_cast %add3A_864 : i32 to index
        %get3A_938 = arith.constant 16 : index
        %get3A_939 = tpu.vector_load %get3A_936[%get3A_937, %get3A_938] {strides = array<i32>} : memref<64x128xf32, #tpu.memory_space<vmem>>, vector<16xf32>,
        %get3A_940 = arith.constant 320 : i32
        %get3A_941 = arith.constant 0 : i32
        %get3A_942 = tpu.memref_slice %arg11[%get3A_940, %get3A_941] : memref<768x128xf32, #tpu.memory_space<vmem>> -> memref<64x128xf32, #tpu.memory_space<vmem>>
        %get3A_943 = arith.index_cast %add3A_864 : i32 to index
        %get3A_944 = arith.constant 80 : index
        %get3A_945 = tpu.vector_load %get3A_942[%get3A_943, %get3A_944] {strides = array<i32>} : memref<64x128xf32, #tpu.memory_space<vmem>>, vector<16xf32>,
        %mul3A_946 = arith.mulf %get3A_915, %get3A_927 : vector<16xf32>
        %mul3A_947 = arith.mulf %get3A_921, %get3A_933 : vector<16xf32>
        %sub3A_948 = arith.subf %mul3A_946, %mul3A_947 : vector<16xf32>
        %mul3A_949 = arith.mulf %get3A_939, %sub3A_948 : vector<16xf32>
        %mul3A_950 = arith.mulf %get3A_915, %get3A_933 : vector<16xf32>
        %mul3A_951 = arith.mulf %get3A_921, %get3A_927 : vector<16xf32>
        %add3A_952 = arith.addf %mul3A_950, %mul3A_951 : vector<16xf32>
        %mul3A_953 = arith.mulf %get3A_945, %add3A_952 : vector<16xf32>
        %add3A_954 = arith.addf %mul3A_949, %mul3A_953 : vector<16xf32>
        %add3A_955 = arith.addf %add3A_909, %add3A_954 : vector<16xf32>
        %get3A_956 = arith.constant 192 : i32
        %get3A_957 = arith.constant 0 : i32
        %get3A_958 = tpu.memref_slice %arg11[%get3A_956, %get3A_957] : memref<768x128xf32, #tpu.memory_space<vmem>> -> memref<64x128xf32, #tpu.memory_space<vmem>>
        %get3A_959 = arith.index_cast %add3A_864 : i32 to index
        %get3A_960 = arith.constant 32 : index
        %get3A_961 = tpu.vector_load %get3A_958[%get3A_959, %get3A_960] {strides = array<i32>} : memref<64x128xf32, #tpu.memory_space<vmem>>, vector<16xf32>,
        %get3A_962 = arith.constant 192 : i32
        %get3A_963 = arith.constant 0 : i32
        %get3A_964 = tpu.memref_slice %arg11[%get3A_962, %get3A_963] : memref<768x128xf32, #tpu.memory_space<vmem>> -> memref<64x128xf32, #tpu.memory_space<vmem>>
        %get3A_965 = arith.index_cast %add3A_864 : i32 to index
        %get3A_966 = arith.constant 96 : index
        %get3A_967 = tpu.vector_load %get3A_964[%get3A_965, %get3A_966] {strides = array<i32>} : memref<64x128xf32, #tpu.memory_space<vmem>>, vector<16xf32>,
        %get3A_968 = arith.constant 256 : i32
        %get3A_969 = arith.constant 0 : i32
        %get3A_970 = tpu.memref_slice %arg11[%get3A_968, %get3A_969] : memref<768x128xf32, #tpu.memory_space<vmem>> -> memref<64x128xf32, #tpu.memory_space<vmem>>
        %get3A_971 = arith.index_cast %add3A_864 : i32 to index
        %get3A_972 = arith.constant 32 : index
        %get3A_973 = tpu.vector_load %get3A_970[%get3A_971, %get3A_972] {strides = array<i32>} : memref<64x128xf32, #tpu.memory_space<vmem>>, vector<16xf32>,
        %get3A_974 = arith.constant 256 : i32
        %get3A_975 = arith.constant 0 : i32
        %get3A_976 = tpu.memref_slice %arg11[%get3A_974, %get3A_975] : memref<768x128xf32, #tpu.memory_space<vmem>> -> memref<64x128xf32, #tpu.memory_space<vmem>>
        %get3A_977 = arith.index_cast %add3A_864 : i32 to index
        %get3A_978 = arith.constant 96 : index
        %get3A_979 = tpu.vector_load %get3A_976[%get3A_977, %get3A_978] {strides = array<i32>} : memref<64x128xf32, #tpu.memory_space<vmem>>, vector<16xf32>,
        %get3A_980 = arith.constant 320 : i32
        %get3A_981 = arith.constant 0 : i32
        %get3A_982 = tpu.memref_slice %arg11[%get3A_980, %get3A_981] : memref<768x128xf32, #tpu.memory_space<vmem>> -> memref<64x128xf32, #tpu.memory_space<vmem>>
        %get3A_983 = arith.index_cast %add3A_864 : i32 to index
        %get3A_984 = arith.constant 32 : index
        %get3A_985 = tpu.vector_load %get3A_982[%get3A_983, %get3A_984] {strides = array<i32>} : memref<64x128xf32, #tpu.memory_space<vmem>>, vector<16xf32>,
        %get3A_986 = arith.constant 320 : i32
        %get3A_987 = arith.constant 0 : i32
        %get3A_988 = tpu.memref_slice %arg11[%get3A_986, %get3A_987] : memref<768x128xf32, #tpu.memory_space<vmem>> -> memref<64x128xf32, #tpu.memory_space<vmem>>
        %get3A_989 = arith.index_cast %add3A_864 : i32 to index
        %get3A_990 = arith.constant 96 : index
        %get3A_991 = tpu.vector_load %get3A_988[%get3A_989, %get3A_990] {strides = array<i32>} : memref<64x128xf32, #tpu.memory_space<vmem>>, vector<16xf32>,
        %mul3A_992 = arith.mulf %get3A_961, %get3A_973 : vector<16xf32>
        %mul3A_993 = arith.mulf %get3A_967, %get3A_979 : vector<16xf32>
        %sub3A_994 = arith.subf %mul3A_992, %mul3A_993 : vector<16xf32>
        %mul3A_995 = arith.mulf %get3A_985, %sub3A_994 : vector<16xf32>
        %mul3A_996 = arith.mulf %get3A_961, %get3A_979 : vector<16xf32>
        %mul3A_997 = arith.mulf %get3A_967, %get3A_973 : vector<16xf32>
        %add3A_998 = arith.addf %mul3A_996, %mul3A_997 : vector<16xf32>
        %mul3A_999 = arith.mulf %get3A_991, %add3A_998 : vector<16xf32>
        %add3A_1000 = arith.addf %mul3A_995, %mul3A_999 : vector<16xf32>
        %add3A_1001 = arith.addf %add3A_955, %add3A_1000 : vector<16xf32>
        %get3A_1002 = arith.constant 192 : i32
        %get3A_1003 = arith.constant 0 : i32
        %get3A_1004 = tpu.memref_slice %arg11[%get3A_1002, %get3A_1003] : memref<768x128xf32, #tpu.memory_space<vmem>> -> memref<64x128xf32, #tpu.memory_space<vmem>>
        %get3A_1005 = arith.index_cast %add3A_864 : i32 to index
        %get3A_1006 = arith.constant 48 : index
        %get3A_1007 = tpu.vector_load %get3A_1004[%get3A_1005, %get3A_1006] {strides = array<i32>} : memref<64x128xf32, #tpu.memory_space<vmem>>, vector<16xf32>,
        %get3A_1008 = arith.constant 192 : i32
        %get3A_1009 = arith.constant 0 : i32
        %get3A_1010 = tpu.memref_slice %arg11[%get3A_1008, %get3A_1009] : memref<768x128xf32, #tpu.memory_space<vmem>> -> memref<64x128xf32, #tpu.memory_space<vmem>>
        %get3A_1011 = arith.index_cast %add3A_864 : i32 to index
        %get3A_1012 = arith.constant 112 : index
        %get3A_1013 = tpu.vector_load %get3A_1010[%get3A_1011, %get3A_1012] {strides = array<i32>} : memref<64x128xf32, #tpu.memory_space<vmem>>, vector<16xf32>,
        %get3A_1014 = arith.constant 256 : i32
        %get3A_1015 = arith.constant 0 : i32
        %get3A_1016 = tpu.memref_slice %arg11[%get3A_1014, %get3A_1015] : memref<768x128xf32, #tpu.memory_space<vmem>> -> memref<64x128xf32, #tpu.memory_space<vmem>>
        %get3A_1017 = arith.index_cast %add3A_864 : i32 to index
        %get3A_1018 = arith.constant 48 : index
        %get3A_1019 = tpu.vector_load %get3A_1016[%get3A_1017, %get3A_1018] {strides = array<i32>} : memref<64x128xf32, #tpu.memory_space<vmem>>, vector<16xf32>,
        %get3A_1020 = arith.constant 256 : i32
        %get3A_1021 = arith.constant 0 : i32
        %get3A_1022 = tpu.memref_slice %arg11[%get3A_1020, %get3A_1021] : memref<768x128xf32, #tpu.memory_space<vmem>> -> memref<64x128xf32, #tpu.memory_space<vmem>>
        %get3A_1023 = arith.index_cast %add3A_864 : i32 to index
        %get3A_1024 = arith.constant 112 : index
        %get3A_1025 = tpu.vector_load %get3A_1022[%get3A_1023, %get3A_1024] {strides = array<i32>} : memref<64x128xf32, #tpu.memory_space<vmem>>, vector<16xf32>,
        %get3A_1026 = arith.constant 320 : i32
        %get3A_1027 = arith.constant 0 : i32
        %get3A_1028 = tpu.memref_slice %arg11[%get3A_1026, %get3A_1027] : memref<768x128xf32, #tpu.memory_space<vmem>> -> memref<64x128xf32, #tpu.memory_space<vmem>>
        %get3A_1029 = arith.index_cast %add3A_864 : i32 to index
        %get3A_1030 = arith.constant 48 : index
        %get3A_1031 = tpu.vector_load %get3A_1028[%get3A_1029, %get3A_1030] {strides = array<i32>} : memref<64x128xf32, #tpu.memory_space<vmem>>, vector<16xf32>,
        %get3A_1032 = arith.constant 320 : i32
        %get3A_1033 = arith.constant 0 : i32
        %get3A_1034 = tpu.memref_slice %arg11[%get3A_1032, %get3A_1033] : memref<768x128xf32, #tpu.memory_space<vmem>> -> memref<64x128xf32, #tpu.memory_space<vmem>>
        %get3A_1035 = arith.index_cast %add3A_864 : i32 to index
        %get3A_1036 = arith.constant 112 : index
        %get3A_1037 = tpu.vector_load %get3A_1034[%get3A_1035, %get3A_1036] {strides = array<i32>} : memref<64x128xf32, #tpu.memory_space<vmem>>, vector<16xf32>,
        %mul3A_1038 = arith.mulf %get3A_1007, %get3A_1019 : vector<16xf32>
        %mul3A_1039 = arith.mulf %get3A_1013, %get3A_1025 : vector<16xf32>
        %sub3A_1040 = arith.subf %mul3A_1038, %mul3A_1039 : vector<16xf32>
        %mul3A_1041 = arith.mulf %get3A_1031, %sub3A_1040 : vector<16xf32>
        %mul3A_1042 = arith.mulf %get3A_1007, %get3A_1025 : vector<16xf32>
        %mul3A_1043 = arith.mulf %get3A_1013, %get3A_1019 : vector<16xf32>
        %add3A_1044 = arith.addf %mul3A_1042, %mul3A_1043 : vector<16xf32>
        %mul3A_1045 = arith.mulf %get3A_1037, %add3A_1044 : vector<16xf32>
        %add3A_1046 = arith.addf %mul3A_1041, %mul3A_1045 : vector<16xf32>
        %add3A_1047 = arith.addf %add3A_1001, %add3A_1046 : vector<16xf32>
        %cumsum3A_1048 = arith.constant true
        %cumsum3A_1049 = vector.broadcast %cumsum3A_1048 : i1 to vector<16xi1>
        %cumsum3A_1050 = tpu.scan <sum>, %add3A_1047 masked %cumsum3A_1049 : vector<16xf32>, vector<16xi1> -> vector<16xf32>
        %add3A_1051 = arith.constant 3 : i32
        %add3A_1052 = arith.addi %mul3A_287, %add3A_1051 : i32
        %swap3A_1053 = arith.index_cast %add3A_1052 : i32 to index
        %swap3A_1054 = arith.constant 0 : index
        %swap3A_1055 = tpu.vector_load %arg12[%swap3A_1053, %swap3A_1054] {strides = array<i32>} : memref<64x16xf32, #tpu.memory_space<vmem>>, vector<16xf32>,
        tpu.vector_store %arg12[%swap3A_1053, %swap3A_1054], %cumsum3A_1050 {strides = array<i32>} : memref<64x16xf32, #tpu.memory_space<vmem>>, vector<16xf32>,
      }
      %scan3A_180 = arith.constant 16 : i32
      %broadcast_in_dim3A_181 = arith.constant 15 : i32
      %broadcast_in_dim3A_182 = vector.broadcast %broadcast_in_dim3A_181 : i32 to vector<16xi32>
      %scan3A_183 = arith.constant 0 : i32
      %scan3A_184 = arith.constant 0 : i32
      %scan3A_185 = arith.constant 4 : i32
      %scan3A_186 = arith.addi %scan3A_184, %scan3A_185 : i32
      %scan3A_187 = arith.constant 1 : i32
      scf.for %scan3A_285 = %scan3A_184 to %scan3A_186 step %scan3A_187  : i32 {
        %mul3A_286 = arith.constant 16 : i32
        %mul3A_287 = arith.muli %scan3A_285, %mul3A_286 : i32
        %iota3A = tpu.iota {dimensions = array<i32: 0>} : vector<16xi32>
        %add3A_288 = vector.broadcast %mul3A_287 : i32 to vector<16xi32>
        %add3A_289 = arith.addi %add3A_288, %iota3A : vector<16xi32>
        %gather3A = tpu.vector_load_idx %arg12[%add3A_289, %broadcast_in_dim3A_182] : memref<64x16xf32, #tpu.memory_space<vmem>>[vector<16xi32>, vector<16xi32>], vector<16xf32>,
        %mul3A_290 = arith.constant 64 : i32
        %mul3A_291 = arith.muli %add3A_144, %mul3A_290 : i32
        %mul3A_292 = arith.constant 16 : i32
        %mul3A_293 = arith.muli %scan3A_285, %mul3A_292 : i32
        %add3A_294 = arith.addi %mul3A_291, %mul3A_293 : i32
        %swap3A = arith.index_cast %add3A_294 : i32 to index
        %swap3A_295 = tpu.vector_load %arg13[%swap3A] {strides = array<i32>} : memref<512xf32, #tpu.memory_space<vmem>>, vector<16xf32>,
        tpu.vector_store %arg13[%swap3A], %gather3A {strides = array<i32>} : memref<512xf32, #tpu.memory_space<vmem>>, vector<16xf32>,
      }
      %scan3A_188 = arith.constant 4 : i32
      %mul3A_189 = arith.constant 4 : i32
      %mul3A_190 = arith.muli %scan3A_96, %mul3A_189 : i32
      %add3A_191 = arith.constant 2 : i32
      %add3A_192 = arith.addi %mul3A_190, %add3A_191 : i32
      %mul3A_193 = arith.constant 64 : i32
      %mul3A_194 = arith.muli %add3A_192, %mul3A_193 : i32
      %dma_wait3A_195 = arith.constant 384 : i32
      %dma_wait3A_196 = arith.constant 0 : i32
      %dma_wait3A_197 = tpu.memref_slice %arg11[%dma_wait3A_195, %dma_wait3A_196] : memref<768x128xf32, #tpu.memory_space<vmem>> -> memref<64x128xf32, #tpu.memory_space<vmem>>
      %dma_wait3A_198 = tpu.memref_slice %arg8[%mul3A_194] : memref<512xi32, #tpu.memory_space<vmem>> -> memref<64xi32, #tpu.memory_space<vmem>>
      %dma_wait3A_199 = arith.constant 0 : i32
      %dma_wait3A_200 = arith.constant 0 : i32
      %dma_wait3A_201 = tpu.memref_slice %arg5[%dma_wait3A_199, %dma_wait3A_200] : memref<1000000x128xf32, #tpu.memory_space<hbm>> -> memref<1000000x128xf32, #tpu.memory_space<hbm>>
      tpu.wait_indirect_dma semaphore(%arg17 : memref<!tpu.dma_semaphore, #tpu.memory_space<semaphore_mem>>) src(%dma_wait3A_201 : memref<1000000x128xf32, #tpu.memory_space<hbm>>) dst(%dma_wait3A_197 : memref<64x128xf32, #tpu.memory_space<vmem>>)
      %dma_wait3A_202 = arith.constant 448 : i32
      %dma_wait3A_203 = arith.constant 0 : i32
      %dma_wait3A_204 = tpu.memref_slice %arg11[%dma_wait3A_202, %dma_wait3A_203] : memref<768x128xf32, #tpu.memory_space<vmem>> -> memref<64x128xf32, #tpu.memory_space<vmem>>
      %dma_wait3A_205 = tpu.memref_slice %arg9[%mul3A_194] : memref<512xi32, #tpu.memory_space<vmem>> -> memref<64xi32, #tpu.memory_space<vmem>>
      %dma_wait3A_206 = arith.constant 0 : i32
      %dma_wait3A_207 = arith.constant 0 : i32
      %dma_wait3A_208 = tpu.memref_slice %arg6[%dma_wait3A_206, %dma_wait3A_207] : memref<1000x128xf32, #tpu.memory_space<hbm>> -> memref<1000x128xf32, #tpu.memory_space<hbm>>
      tpu.wait_indirect_dma semaphore(%arg17 : memref<!tpu.dma_semaphore, #tpu.memory_space<semaphore_mem>>) src(%dma_wait3A_208 : memref<1000x128xf32, #tpu.memory_space<hbm>>) dst(%dma_wait3A_204 : memref<64x128xf32, #tpu.memory_space<vmem>>)
      %dma_wait3A_209 = arith.constant 512 : i32
      %dma_wait3A_210 = arith.constant 0 : i32
      %dma_wait3A_211 = tpu.memref_slice %arg11[%dma_wait3A_209, %dma_wait3A_210] : memref<768x128xf32, #tpu.memory_space<vmem>> -> memref<64x128xf32, #tpu.memory_space<vmem>>
      %dma_wait3A_212 = tpu.memref_slice %arg10[%mul3A_194] : memref<512xi32, #tpu.memory_space<vmem>> -> memref<64xi32, #tpu.memory_space<vmem>>
      %dma_wait3A_213 = arith.constant 0 : i32
      %dma_wait3A_214 = arith.constant 0 : i32
      %dma_wait3A_215 = tpu.memref_slice %arg5[%dma_wait3A_213, %dma_wait3A_214] : memref<1000000x128xf32, #tpu.memory_space<hbm>> -> memref<1000000x128xf32, #tpu.memory_space<hbm>>
      tpu.wait_indirect_dma semaphore(%arg17 : memref<!tpu.dma_semaphore, #tpu.memory_space<semaphore_mem>>) src(%dma_wait3A_215 : memref<1000000x128xf32, #tpu.memory_space<hbm>>) dst(%dma_wait3A_211 : memref<64x128xf32, #tpu.memory_space<vmem>>)
      %add3A_216 = arith.constant 3 : i32
      %add3A_217 = arith.addi %add3A_192, %add3A_216 : i32
      %lt3A_218 = arith.constant 8 : i32
      %lt3A_219 = arith.cmpi slt, %add3A_217, %lt3A_218 : i32
      %convert_element_type3A_220 = arith.extui %lt3A_219 : i1 to i32
      %cond3A_221 = arith.constant 0 : i32
      %cond3A_222 = arith.cmpi ne, %convert_element_type3A_220, %cond3A_221 : i32
      scf.if %cond3A_222 {
        %add3A_285 = arith.constant 3 : i32
        %add3A_286 = arith.addi %add3A_192, %add3A_285 : i32
        %mul3A_287 = arith.constant 64 : i32
        %mul3A_288 = arith.muli %add3A_286, %mul3A_287 : i32
        %dma_start3A_289 = arith.constant 192 : i32
        %dma_start3A_290 = arith.constant 0 : i32
        %dma_start3A_291 = tpu.memref_slice %arg11[%dma_start3A_289, %dma_start3A_290] : memref<768x128xf32, #tpu.memory_space<vmem>> -> memref<64x128xf32, #tpu.memory_space<vmem>>
        %dma_start3A_292 = tpu.memref_slice %arg8[%mul3A_288] : memref<512xi32, #tpu.memory_space<vmem>> -> memref<64xi32, #tpu.memory_space<vmem>>
        %dma_start3A_293 = arith.constant 0 : i32
        %dma_start3A_294 = arith.constant 0 : i32
        %dma_start3A_295 = tpu.memref_slice %arg5[%dma_start3A_293, %dma_start3A_294] : memref<1000000x128xf32, #tpu.memory_space<hbm>> -> memref<1000000x128xf32, #tpu.memory_space<hbm>>
        tpu.enqueue_indirect_dma source(%dma_start3A_295 : memref<1000000x128xf32, #tpu.memory_space<hbm>>) target(%dma_start3A_291 : memref<64x128xf32, #tpu.memory_space<vmem>>) offsets(%dma_start3A_292 : memref<64xi32, #tpu.memory_space<vmem>>) semaphore(%arg16 : memref<!tpu.dma_semaphore, #tpu.memory_space<semaphore_mem>>)
        %dma_start3A_296 = arith.constant 256 : i32
        %dma_start3A_297 = arith.constant 0 : i32
        %dma_start3A_298 = tpu.memref_slice %arg11[%dma_start3A_296, %dma_start3A_297] : memref<768x128xf32, #tpu.memory_space<vmem>> -> memref<64x128xf32, #tpu.memory_space<vmem>>
        %dma_start3A_299 = tpu.memref_slice %arg9[%mul3A_288] : memref<512xi32, #tpu.memory_space<vmem>> -> memref<64xi32, #tpu.memory_space<vmem>>
        %dma_start3A_300 = arith.constant 0 : i32
        %dma_start3A_301 = arith.constant 0 : i32
        %dma_start3A_302 = tpu.memref_slice %arg6[%dma_start3A_300, %dma_start3A_301] : memref<1000x128xf32, #tpu.memory_space<hbm>> -> memref<1000x128xf32, #tpu.memory_space<hbm>>
        tpu.enqueue_indirect_dma source(%dma_start3A_302 : memref<1000x128xf32, #tpu.memory_space<hbm>>) target(%dma_start3A_298 : memref<64x128xf32, #tpu.memory_space<vmem>>) offsets(%dma_start3A_299 : memref<64xi32, #tpu.memory_space<vmem>>) semaphore(%arg16 : memref<!tpu.dma_semaphore, #tpu.memory_space<semaphore_mem>>)
        %dma_start3A_303 = arith.constant 320 : i32
        %dma_start3A_304 = arith.constant 0 : i32
        %dma_start3A_305 = tpu.memref_slice %arg11[%dma_start3A_303, %dma_start3A_304] : memref<768x128xf32, #tpu.memory_space<vmem>> -> memref<64x128xf32, #tpu.memory_space<vmem>>
        %dma_start3A_306 = tpu.memref_slice %arg10[%mul3A_288] : memref<512xi32, #tpu.memory_space<vmem>> -> memref<64xi32, #tpu.memory_space<vmem>>
        %dma_start3A_307 = arith.constant 0 : i32
        %dma_start3A_308 = arith.constant 0 : i32
        %dma_start3A_309 = tpu.memref_slice %arg5[%dma_start3A_307, %dma_start3A_308] : memref<1000000x128xf32, #tpu.memory_space<hbm>> -> memref<1000000x128xf32, #tpu.memory_space<hbm>>
        tpu.enqueue_indirect_dma source(%dma_start3A_309 : memref<1000000x128xf32, #tpu.memory_space<hbm>>) target(%dma_start3A_305 : memref<64x128xf32, #tpu.memory_space<vmem>>) offsets(%dma_start3A_306 : memref<64xi32, #tpu.memory_space<vmem>>) semaphore(%arg16 : memref<!tpu.dma_semaphore, #tpu.memory_space<semaphore_mem>>)
      } else {
      }
      %scan3A_223 = arith.constant 0 : i32
      %scan3A_224 = arith.constant 0 : i32
      %scan3A_225 = arith.constant 16 : i32
      %scan3A_226 = arith.addi %scan3A_224, %scan3A_225 : i32
      %scan3A_227 = arith.constant 1 : i32
      scf.for %scan3A_285 = %scan3A_224 to %scan3A_226 step %scan3A_227  : i32 {
        %mul3A_286 = arith.constant 4 : i32
        %mul3A_287 = arith.muli %scan3A_285, %mul3A_286 : i32
        %add3A_288 = arith.constant 0 : i32
        %add3A_289 = arith.addi %mul3A_287, %add3A_288 : i32
        %get3A = arith.constant 384 : i32
        %get3A_290 = arith.constant 0 : i32
        %get3A_291 = tpu.memref_slice %arg11[%get3A, %get3A_290] : memref<768x128xf32, #tpu.memory_space<vmem>> -> memref<64x128xf32, #tpu.memory_space<vmem>>
        %get3A_292 = arith.index_cast %add3A_289 : i32 to index
        %get3A_293 = arith.constant 0 : index
        %get3A_294 = tpu.vector_load %get3A_291[%get3A_292, %get3A_293] {strides = array<i32>} : memref<64x128xf32, #tpu.memory_space<vmem>>, vector<16xf32>,
        %get3A_295 = arith.constant 384 : i32
        %get3A_296 = arith.constant 0 : i32
        %get3A_297 = tpu.memref_slice %arg11[%get3A_295, %get3A_296] : memref<768x128xf32, #tpu.memory_space<vmem>> -> memref<64x128xf32, #tpu.memory_space<vmem>>
        %get3A_298 = arith.index_cast %add3A_289 : i32 to index
        %get3A_299 = arith.constant 64 : index
        %get3A_300 = tpu.vector_load %get3A_297[%get3A_298, %get3A_299] {strides = array<i32>} : memref<64x128xf32, #tpu.memory_space<vmem>>, vector<16xf32>,
        %get3A_301 = arith.constant 448 : i32
        %get3A_302 = arith.constant 0 : i32
        %get3A_303 = tpu.memref_slice %arg11[%get3A_301, %get3A_302] : memref<768x128xf32, #tpu.memory_space<vmem>> -> memref<64x128xf32, #tpu.memory_space<vmem>>
        %get3A_304 = arith.index_cast %add3A_289 : i32 to index
        %get3A_305 = arith.constant 0 : index
        %get3A_306 = tpu.vector_load %get3A_303[%get3A_304, %get3A_305] {strides = array<i32>} : memref<64x128xf32, #tpu.memory_space<vmem>>, vector<16xf32>,
        %get3A_307 = arith.constant 448 : i32
        %get3A_308 = arith.constant 0 : i32
        %get3A_309 = tpu.memref_slice %arg11[%get3A_307, %get3A_308] : memref<768x128xf32, #tpu.memory_space<vmem>> -> memref<64x128xf32, #tpu.memory_space<vmem>>
        %get3A_310 = arith.index_cast %add3A_289 : i32 to index
        %get3A_311 = arith.constant 64 : index
        %get3A_312 = tpu.vector_load %get3A_309[%get3A_310, %get3A_311] {strides = array<i32>} : memref<64x128xf32, #tpu.memory_space<vmem>>, vector<16xf32>,
        %get3A_313 = arith.constant 512 : i32
        %get3A_314 = arith.constant 0 : i32
        %get3A_315 = tpu.memref_slice %arg11[%get3A_313, %get3A_314] : memref<768x128xf32, #tpu.memory_space<vmem>> -> memref<64x128xf32, #tpu.memory_space<vmem>>
        %get3A_316 = arith.index_cast %add3A_289 : i32 to index
        %get3A_317 = arith.constant 0 : index
        %get3A_318 = tpu.vector_load %get3A_315[%get3A_316, %get3A_317] {strides = array<i32>} : memref<64x128xf32, #tpu.memory_space<vmem>>, vector<16xf32>,
        %get3A_319 = arith.constant 512 : i32
        %get3A_320 = arith.constant 0 : i32
        %get3A_321 = tpu.memref_slice %arg11[%get3A_319, %get3A_320] : memref<768x128xf32, #tpu.memory_space<vmem>> -> memref<64x128xf32, #tpu.memory_space<vmem>>
        %get3A_322 = arith.index_cast %add3A_289 : i32 to index
        %get3A_323 = arith.constant 64 : index
        %get3A_324 = tpu.vector_load %get3A_321[%get3A_322, %get3A_323] {strides = array<i32>} : memref<64x128xf32, #tpu.memory_space<vmem>>, vector<16xf32>,
        %mul3A_325 = arith.mulf %get3A_294, %get3A_306 : vector<16xf32>
        %mul3A_326 = arith.mulf %get3A_300, %get3A_312 : vector<16xf32>
        %sub3A = arith.subf %mul3A_325, %mul3A_326 : vector<16xf32>
        %mul3A_327 = arith.mulf %get3A_318, %sub3A : vector<16xf32>
        %mul3A_328 = arith.mulf %get3A_294, %get3A_312 : vector<16xf32>
        %mul3A_329 = arith.mulf %get3A_300, %get3A_306 : vector<16xf32>
        %add3A_330 = arith.addf %mul3A_328, %mul3A_329 : vector<16xf32>
        %mul3A_331 = arith.mulf %get3A_324, %add3A_330 : vector<16xf32>
        %add3A_332 = arith.addf %mul3A_327, %mul3A_331 : vector<16xf32>
        %get3A_333 = arith.constant 384 : i32
        %get3A_334 = arith.constant 0 : i32
        %get3A_335 = tpu.memref_slice %arg11[%get3A_333, %get3A_334] : memref<768x128xf32, #tpu.memory_space<vmem>> -> memref<64x128xf32, #tpu.memory_space<vmem>>
        %get3A_336 = arith.index_cast %add3A_289 : i32 to index
        %get3A_337 = arith.constant 16 : index
        %get3A_338 = tpu.vector_load %get3A_335[%get3A_336, %get3A_337] {strides = array<i32>} : memref<64x128xf32, #tpu.memory_space<vmem>>, vector<16xf32>,
        %get3A_339 = arith.constant 384 : i32
        %get3A_340 = arith.constant 0 : i32
        %get3A_341 = tpu.memref_slice %arg11[%get3A_339, %get3A_340] : memref<768x128xf32, #tpu.memory_space<vmem>> -> memref<64x128xf32, #tpu.memory_space<vmem>>
        %get3A_342 = arith.index_cast %add3A_289 : i32 to index
        %get3A_343 = arith.constant 80 : index
        %get3A_344 = tpu.vector_load %get3A_341[%get3A_342, %get3A_343] {strides = array<i32>} : memref<64x128xf32, #tpu.memory_space<vmem>>, vector<16xf32>,
        %get3A_345 = arith.constant 448 : i32
        %get3A_346 = arith.constant 0 : i32
        %get3A_347 = tpu.memref_slice %arg11[%get3A_345, %get3A_346] : memref<768x128xf32, #tpu.memory_space<vmem>> -> memref<64x128xf32, #tpu.memory_space<vmem>>
        %get3A_348 = arith.index_cast %add3A_289 : i32 to index
        %get3A_349 = arith.constant 16 : index
        %get3A_350 = tpu.vector_load %get3A_347[%get3A_348, %get3A_349] {strides = array<i32>} : memref<64x128xf32, #tpu.memory_space<vmem>>, vector<16xf32>,
        %get3A_351 = arith.constant 448 : i32
        %get3A_352 = arith.constant 0 : i32
        %get3A_353 = tpu.memref_slice %arg11[%get3A_351, %get3A_352] : memref<768x128xf32, #tpu.memory_space<vmem>> -> memref<64x128xf32, #tpu.memory_space<vmem>>
        %get3A_354 = arith.index_cast %add3A_289 : i32 to index
        %get3A_355 = arith.constant 80 : index
        %get3A_356 = tpu.vector_load %get3A_353[%get3A_354, %get3A_355] {strides = array<i32>} : memref<64x128xf32, #tpu.memory_space<vmem>>, vector<16xf32>,
        %get3A_357 = arith.constant 512 : i32
        %get3A_358 = arith.constant 0 : i32
        %get3A_359 = tpu.memref_slice %arg11[%get3A_357, %get3A_358] : memref<768x128xf32, #tpu.memory_space<vmem>> -> memref<64x128xf32, #tpu.memory_space<vmem>>
        %get3A_360 = arith.index_cast %add3A_289 : i32 to index
        %get3A_361 = arith.constant 16 : index
        %get3A_362 = tpu.vector_load %get3A_359[%get3A_360, %get3A_361] {strides = array<i32>} : memref<64x128xf32, #tpu.memory_space<vmem>>, vector<16xf32>,
        %get3A_363 = arith.constant 512 : i32
        %get3A_364 = arith.constant 0 : i32
        %get3A_365 = tpu.memref_slice %arg11[%get3A_363, %get3A_364] : memref<768x128xf32, #tpu.memory_space<vmem>> -> memref<64x128xf32, #tpu.memory_space<vmem>>
        %get3A_366 = arith.index_cast %add3A_289 : i32 to index
        %get3A_367 = arith.constant 80 : index
        %get3A_368 = tpu.vector_load %get3A_365[%get3A_366, %get3A_367] {strides = array<i32>} : memref<64x128xf32, #tpu.memory_space<vmem>>, vector<16xf32>,
        %mul3A_369 = arith.mulf %get3A_338, %get3A_350 : vector<16xf32>
        %mul3A_370 = arith.mulf %get3A_344, %get3A_356 : vector<16xf32>
        %sub3A_371 = arith.subf %mul3A_369, %mul3A_370 : vector<16xf32>
        %mul3A_372 = arith.mulf %get3A_362, %sub3A_371 : vector<16xf32>
        %mul3A_373 = arith.mulf %get3A_338, %get3A_356 : vector<16xf32>
        %mul3A_374 = arith.mulf %get3A_344, %get3A_350 : vector<16xf32>
        %add3A_375 = arith.addf %mul3A_373, %mul3A_374 : vector<16xf32>
        %mul3A_376 = arith.mulf %get3A_368, %add3A_375 : vector<16xf32>
        %add3A_377 = arith.addf %mul3A_372, %mul3A_376 : vector<16xf32>
        %add3A_378 = arith.addf %add3A_332, %add3A_377 : vector<16xf32>
        %get3A_379 = arith.constant 384 : i32
        %get3A_380 = arith.constant 0 : i32
        %get3A_381 = tpu.memref_slice %arg11[%get3A_379, %get3A_380] : memref<768x128xf32, #tpu.memory_space<vmem>> -> memref<64x128xf32, #tpu.memory_space<vmem>>
        %get3A_382 = arith.index_cast %add3A_289 : i32 to index
        %get3A_383 = arith.constant 32 : index
        %get3A_384 = tpu.vector_load %get3A_381[%get3A_382, %get3A_383] {strides = array<i32>} : memref<64x128xf32, #tpu.memory_space<vmem>>, vector<16xf32>,
        %get3A_385 = arith.constant 384 : i32
        %get3A_386 = arith.constant 0 : i32
        %get3A_387 = tpu.memref_slice %arg11[%get3A_385, %get3A_386] : memref<768x128xf32, #tpu.memory_space<vmem>> -> memref<64x128xf32, #tpu.memory_space<vmem>>
        %get3A_388 = arith.index_cast %add3A_289 : i32 to index
        %get3A_389 = arith.constant 96 : index
        %get3A_390 = tpu.vector_load %get3A_387[%get3A_388, %get3A_389] {strides = array<i32>} : memref<64x128xf32, #tpu.memory_space<vmem>>, vector<16xf32>,
        %get3A_391 = arith.constant 448 : i32
        %get3A_392 = arith.constant 0 : i32
        %get3A_393 = tpu.memref_slice %arg11[%get3A_391, %get3A_392] : memref<768x128xf32, #tpu.memory_space<vmem>> -> memref<64x128xf32, #tpu.memory_space<vmem>>
        %get3A_394 = arith.index_cast %add3A_289 : i32 to index
        %get3A_395 = arith.constant 32 : index
        %get3A_396 = tpu.vector_load %get3A_393[%get3A_394, %get3A_395] {strides = array<i32>} : memref<64x128xf32, #tpu.memory_space<vmem>>, vector<16xf32>,
        %get3A_397 = arith.constant 448 : i32
        %get3A_398 = arith.constant 0 : i32
        %get3A_399 = tpu.memref_slice %arg11[%get3A_397, %get3A_398] : memref<768x128xf32, #tpu.memory_space<vmem>> -> memref<64x128xf32, #tpu.memory_space<vmem>>
        %get3A_400 = arith.index_cast %add3A_289 : i32 to index
        %get3A_401 = arith.constant 96 : index
        %get3A_402 = tpu.vector_load %get3A_399[%get3A_400, %get3A_401] {strides = array<i32>} : memref<64x128xf32, #tpu.memory_space<vmem>>, vector<16xf32>,
        %get3A_403 = arith.constant 512 : i32
        %get3A_404 = arith.constant 0 : i32
        %get3A_405 = tpu.memref_slice %arg11[%get3A_403, %get3A_404] : memref<768x128xf32, #tpu.memory_space<vmem>> -> memref<64x128xf32, #tpu.memory_space<vmem>>
        %get3A_406 = arith.index_cast %add3A_289 : i32 to index
        %get3A_407 = arith.constant 32 : index
        %get3A_408 = tpu.vector_load %get3A_405[%get3A_406, %get3A_407] {strides = array<i32>} : memref<64x128xf32, #tpu.memory_space<vmem>>, vector<16xf32>,
        %get3A_409 = arith.constant 512 : i32
        %get3A_410 = arith.constant 0 : i32
        %get3A_411 = tpu.memref_slice %arg11[%get3A_409, %get3A_410] : memref<768x128xf32, #tpu.memory_space<vmem>> -> memref<64x128xf32, #tpu.memory_space<vmem>>
        %get3A_412 = arith.index_cast %add3A_289 : i32 to index
        %get3A_413 = arith.constant 96 : index
        %get3A_414 = tpu.vector_load %get3A_411[%get3A_412, %get3A_413] {strides = array<i32>} : memref<64x128xf32, #tpu.memory_space<vmem>>, vector<16xf32>,
        %mul3A_415 = arith.mulf %get3A_384, %get3A_396 : vector<16xf32>
        %mul3A_416 = arith.mulf %get3A_390, %get3A_402 : vector<16xf32>
        %sub3A_417 = arith.subf %mul3A_415, %mul3A_416 : vector<16xf32>
        %mul3A_418 = arith.mulf %get3A_408, %sub3A_417 : vector<16xf32>
        %mul3A_419 = arith.mulf %get3A_384, %get3A_402 : vector<16xf32>
        %mul3A_420 = arith.mulf %get3A_390, %get3A_396 : vector<16xf32>
        %add3A_421 = arith.addf %mul3A_419, %mul3A_420 : vector<16xf32>
        %mul3A_422 = arith.mulf %get3A_414, %add3A_421 : vector<16xf32>
        %add3A_423 = arith.addf %mul3A_418, %mul3A_422 : vector<16xf32>
        %add3A_424 = arith.addf %add3A_378, %add3A_423 : vector<16xf32>
        %get3A_425 = arith.constant 384 : i32
        %get3A_426 = arith.constant 0 : i32
        %get3A_427 = tpu.memref_slice %arg11[%get3A_425, %get3A_426] : memref<768x128xf32, #tpu.memory_space<vmem>> -> memref<64x128xf32, #tpu.memory_space<vmem>>
        %get3A_428 = arith.index_cast %add3A_289 : i32 to index
        %get3A_429 = arith.constant 48 : index
        %get3A_430 = tpu.vector_load %get3A_427[%get3A_428, %get3A_429] {strides = array<i32>} : memref<64x128xf32, #tpu.memory_space<vmem>>, vector<16xf32>,
        %get3A_431 = arith.constant 384 : i32
        %get3A_432 = arith.constant 0 : i32
        %get3A_433 = tpu.memref_slice %arg11[%get3A_431, %get3A_432] : memref<768x128xf32, #tpu.memory_space<vmem>> -> memref<64x128xf32, #tpu.memory_space<vmem>>
        %get3A_434 = arith.index_cast %add3A_289 : i32 to index
        %get3A_435 = arith.constant 112 : index
        %get3A_436 = tpu.vector_load %get3A_433[%get3A_434, %get3A_435] {strides = array<i32>} : memref<64x128xf32, #tpu.memory_space<vmem>>, vector<16xf32>,
        %get3A_437 = arith.constant 448 : i32
        %get3A_438 = arith.constant 0 : i32
        %get3A_439 = tpu.memref_slice %arg11[%get3A_437, %get3A_438] : memref<768x128xf32, #tpu.memory_space<vmem>> -> memref<64x128xf32, #tpu.memory_space<vmem>>
        %get3A_440 = arith.index_cast %add3A_289 : i32 to index
        %get3A_441 = arith.constant 48 : index
        %get3A_442 = tpu.vector_load %get3A_439[%get3A_440, %get3A_441] {strides = array<i32>} : memref<64x128xf32, #tpu.memory_space<vmem>>, vector<16xf32>,
        %get3A_443 = arith.constant 448 : i32
        %get3A_444 = arith.constant 0 : i32
        %get3A_445 = tpu.memref_slice %arg11[%get3A_443, %get3A_444] : memref<768x128xf32, #tpu.memory_space<vmem>> -> memref<64x128xf32, #tpu.memory_space<vmem>>
        %get3A_446 = arith.index_cast %add3A_289 : i32 to index
        %get3A_447 = arith.constant 112 : index
        %get3A_448 = tpu.vector_load %get3A_445[%get3A_446, %get3A_447] {strides = array<i32>} : memref<64x128xf32, #tpu.memory_space<vmem>>, vector<16xf32>,
        %get3A_449 = arith.constant 512 : i32
        %get3A_450 = arith.constant 0 : i32
        %get3A_451 = tpu.memref_slice %arg11[%get3A_449, %get3A_450] : memref<768x128xf32, #tpu.memory_space<vmem>> -> memref<64x128xf32, #tpu.memory_space<vmem>>
        %get3A_452 = arith.index_cast %add3A_289 : i32 to index
        %get3A_453 = arith.constant 48 : index
        %get3A_454 = tpu.vector_load %get3A_451[%get3A_452, %get3A_453] {strides = array<i32>} : memref<64x128xf32, #tpu.memory_space<vmem>>, vector<16xf32>,
        %get3A_455 = arith.constant 512 : i32
        %get3A_456 = arith.constant 0 : i32
        %get3A_457 = tpu.memref_slice %arg11[%get3A_455, %get3A_456] : memref<768x128xf32, #tpu.memory_space<vmem>> -> memref<64x128xf32, #tpu.memory_space<vmem>>
        %get3A_458 = arith.index_cast %add3A_289 : i32 to index
        %get3A_459 = arith.constant 112 : index
        %get3A_460 = tpu.vector_load %get3A_457[%get3A_458, %get3A_459] {strides = array<i32>} : memref<64x128xf32, #tpu.memory_space<vmem>>, vector<16xf32>,
        %mul3A_461 = arith.mulf %get3A_430, %get3A_442 : vector<16xf32>
        %mul3A_462 = arith.mulf %get3A_436, %get3A_448 : vector<16xf32>
        %sub3A_463 = arith.subf %mul3A_461, %mul3A_462 : vector<16xf32>
        %mul3A_464 = arith.mulf %get3A_454, %sub3A_463 : vector<16xf32>
        %mul3A_465 = arith.mulf %get3A_430, %get3A_448 : vector<16xf32>
        %mul3A_466 = arith.mulf %get3A_436, %get3A_442 : vector<16xf32>
        %add3A_467 = arith.addf %mul3A_465, %mul3A_466 : vector<16xf32>
        %mul3A_468 = arith.mulf %get3A_460, %add3A_467 : vector<16xf32>
        %add3A_469 = arith.addf %mul3A_464, %mul3A_468 : vector<16xf32>
        %add3A_470 = arith.addf %add3A_424, %add3A_469 : vector<16xf32>
        %cumsum3A = arith.constant true
        %cumsum3A_471 = vector.broadcast %cumsum3A : i1 to vector<16xi1>
        %cumsum3A_472 = tpu.scan <sum>, %add3A_470 masked %cumsum3A_471 : vector<16xf32>, vector<16xi1> -> vector<16xf32>
        %add3A_473 = arith.constant 0 : i32
        %add3A_474 = arith.addi %mul3A_287, %add3A_473 : i32
        %swap3A = arith.index_cast %add3A_474 : i32 to index
        %swap3A_475 = arith.constant 0 : index
        %swap3A_476 = tpu.vector_load %arg12[%swap3A, %swap3A_475] {strides = array<i32>} : memref<64x16xf32, #tpu.memory_space<vmem>>, vector<16xf32>,
        tpu.vector_store %arg12[%swap3A, %swap3A_475], %cumsum3A_472 {strides = array<i32>} : memref<64x16xf32, #tpu.memory_space<vmem>>, vector<16xf32>,
        %add3A_477 = arith.constant 1 : i32
        %add3A_478 = arith.addi %mul3A_287, %add3A_477 : i32
        %get3A_479 = arith.constant 384 : i32
        %get3A_480 = arith.constant 0 : i32
        %get3A_481 = tpu.memref_slice %arg11[%get3A_479, %get3A_480] : memref<768x128xf32, #tpu.memory_space<vmem>> -> memref<64x128xf32, #tpu.memory_space<vmem>>
        %get3A_482 = arith.index_cast %add3A_478 : i32 to index
        %get3A_483 = arith.constant 0 : index
        %get3A_484 = tpu.vector_load %get3A_481[%get3A_482, %get3A_483] {strides = array<i32>} : memref<64x128xf32, #tpu.memory_space<vmem>>, vector<16xf32>,
        %get3A_485 = arith.constant 384 : i32
        %get3A_486 = arith.constant 0 : i32
        %get3A_487 = tpu.memref_slice %arg11[%get3A_485, %get3A_486] : memref<768x128xf32, #tpu.memory_space<vmem>> -> memref<64x128xf32, #tpu.memory_space<vmem>>
        %get3A_488 = arith.index_cast %add3A_478 : i32 to index
        %get3A_489 = arith.constant 64 : index
        %get3A_490 = tpu.vector_load %get3A_487[%get3A_488, %get3A_489] {strides = array<i32>} : memref<64x128xf32, #tpu.memory_space<vmem>>, vector<16xf32>,
        %get3A_491 = arith.constant 448 : i32
        %get3A_492 = arith.constant 0 : i32
        %get3A_493 = tpu.memref_slice %arg11[%get3A_491, %get3A_492] : memref<768x128xf32, #tpu.memory_space<vmem>> -> memref<64x128xf32, #tpu.memory_space<vmem>>
        %get3A_494 = arith.index_cast %add3A_478 : i32 to index
        %get3A_495 = arith.constant 0 : index
        %get3A_496 = tpu.vector_load %get3A_493[%get3A_494, %get3A_495] {strides = array<i32>} : memref<64x128xf32, #tpu.memory_space<vmem>>, vector<16xf32>,
        %get3A_497 = arith.constant 448 : i32
        %get3A_498 = arith.constant 0 : i32
        %get3A_499 = tpu.memref_slice %arg11[%get3A_497, %get3A_498] : memref<768x128xf32, #tpu.memory_space<vmem>> -> memref<64x128xf32, #tpu.memory_space<vmem>>
        %get3A_500 = arith.index_cast %add3A_478 : i32 to index
        %get3A_501 = arith.constant 64 : index
        %get3A_502 = tpu.vector_load %get3A_499[%get3A_500, %get3A_501] {strides = array<i32>} : memref<64x128xf32, #tpu.memory_space<vmem>>, vector<16xf32>,
        %get3A_503 = arith.constant 512 : i32
        %get3A_504 = arith.constant 0 : i32
        %get3A_505 = tpu.memref_slice %arg11[%get3A_503, %get3A_504] : memref<768x128xf32, #tpu.memory_space<vmem>> -> memref<64x128xf32, #tpu.memory_space<vmem>>
        %get3A_506 = arith.index_cast %add3A_478 : i32 to index
        %get3A_507 = arith.constant 0 : index
        %get3A_508 = tpu.vector_load %get3A_505[%get3A_506, %get3A_507] {strides = array<i32>} : memref<64x128xf32, #tpu.memory_space<vmem>>, vector<16xf32>,
        %get3A_509 = arith.constant 512 : i32
        %get3A_510 = arith.constant 0 : i32
        %get3A_511 = tpu.memref_slice %arg11[%get3A_509, %get3A_510] : memref<768x128xf32, #tpu.memory_space<vmem>> -> memref<64x128xf32, #tpu.memory_space<vmem>>
        %get3A_512 = arith.index_cast %add3A_478 : i32 to index
        %get3A_513 = arith.constant 64 : index
        %get3A_514 = tpu.vector_load %get3A_511[%get3A_512, %get3A_513] {strides = array<i32>} : memref<64x128xf32, #tpu.memory_space<vmem>>, vector<16xf32>,
        %mul3A_515 = arith.mulf %get3A_484, %get3A_496 : vector<16xf32>
        %mul3A_516 = arith.mulf %get3A_490, %get3A_502 : vector<16xf32>
        %sub3A_517 = arith.subf %mul3A_515, %mul3A_516 : vector<16xf32>
        %mul3A_518 = arith.mulf %get3A_508, %sub3A_517 : vector<16xf32>
        %mul3A_519 = arith.mulf %get3A_484, %get3A_502 : vector<16xf32>
        %mul3A_520 = arith.mulf %get3A_490, %get3A_496 : vector<16xf32>
        %add3A_521 = arith.addf %mul3A_519, %mul3A_520 : vector<16xf32>
        %mul3A_522 = arith.mulf %get3A_514, %add3A_521 : vector<16xf32>
        %add3A_523 = arith.addf %mul3A_518, %mul3A_522 : vector<16xf32>
        %get3A_524 = arith.constant 384 : i32
        %get3A_525 = arith.constant 0 : i32
        %get3A_526 = tpu.memref_slice %arg11[%get3A_524, %get3A_525] : memref<768x128xf32, #tpu.memory_space<vmem>> -> memref<64x128xf32, #tpu.memory_space<vmem>>
        %get3A_527 = arith.index_cast %add3A_478 : i32 to index
        %get3A_528 = arith.constant 16 : index
        %get3A_529 = tpu.vector_load %get3A_526[%get3A_527, %get3A_528] {strides = array<i32>} : memref<64x128xf32, #tpu.memory_space<vmem>>, vector<16xf32>,
        %get3A_530 = arith.constant 384 : i32
        %get3A_531 = arith.constant 0 : i32
        %get3A_532 = tpu.memref_slice %arg11[%get3A_530, %get3A_531] : memref<768x128xf32, #tpu.memory_space<vmem>> -> memref<64x128xf32, #tpu.memory_space<vmem>>
        %get3A_533 = arith.index_cast %add3A_478 : i32 to index
        %get3A_534 = arith.constant 80 : index
        %get3A_535 = tpu.vector_load %get3A_532[%get3A_533, %get3A_534] {strides = array<i32>} : memref<64x128xf32, #tpu.memory_space<vmem>>, vector<16xf32>,
        %get3A_536 = arith.constant 448 : i32
        %get3A_537 = arith.constant 0 : i32
        %get3A_538 = tpu.memref_slice %arg11[%get3A_536, %get3A_537] : memref<768x128xf32, #tpu.memory_space<vmem>> -> memref<64x128xf32, #tpu.memory_space<vmem>>
        %get3A_539 = arith.index_cast %add3A_478 : i32 to index
        %get3A_540 = arith.constant 16 : index
        %get3A_541 = tpu.vector_load %get3A_538[%get3A_539, %get3A_540] {strides = array<i32>} : memref<64x128xf32, #tpu.memory_space<vmem>>, vector<16xf32>,
        %get3A_542 = arith.constant 448 : i32
        %get3A_543 = arith.constant 0 : i32
        %get3A_544 = tpu.memref_slice %arg11[%get3A_542, %get3A_543] : memref<768x128xf32, #tpu.memory_space<vmem>> -> memref<64x128xf32, #tpu.memory_space<vmem>>
        %get3A_545 = arith.index_cast %add3A_478 : i32 to index
        %get3A_546 = arith.constant 80 : index
        %get3A_547 = tpu.vector_load %get3A_544[%get3A_545, %get3A_546] {strides = array<i32>} : memref<64x128xf32, #tpu.memory_space<vmem>>, vector<16xf32>,
        %get3A_548 = arith.constant 512 : i32
        %get3A_549 = arith.constant 0 : i32
        %get3A_550 = tpu.memref_slice %arg11[%get3A_548, %get3A_549] : memref<768x128xf32, #tpu.memory_space<vmem>> -> memref<64x128xf32, #tpu.memory_space<vmem>>
        %get3A_551 = arith.index_cast %add3A_478 : i32 to index
        %get3A_552 = arith.constant 16 : index
        %get3A_553 = tpu.vector_load %get3A_550[%get3A_551, %get3A_552] {strides = array<i32>} : memref<64x128xf32, #tpu.memory_space<vmem>>, vector<16xf32>,
        %get3A_554 = arith.constant 512 : i32
        %get3A_555 = arith.constant 0 : i32
        %get3A_556 = tpu.memref_slice %arg11[%get3A_554, %get3A_555] : memref<768x128xf32, #tpu.memory_space<vmem>> -> memref<64x128xf32, #tpu.memory_space<vmem>>
        %get3A_557 = arith.index_cast %add3A_478 : i32 to index
        %get3A_558 = arith.constant 80 : index
        %get3A_559 = tpu.vector_load %get3A_556[%get3A_557, %get3A_558] {strides = array<i32>} : memref<64x128xf32, #tpu.memory_space<vmem>>, vector<16xf32>,
        %mul3A_560 = arith.mulf %get3A_529, %get3A_541 : vector<16xf32>
        %mul3A_561 = arith.mulf %get3A_535, %get3A_547 : vector<16xf32>
        %sub3A_562 = arith.subf %mul3A_560, %mul3A_561 : vector<16xf32>
        %mul3A_563 = arith.mulf %get3A_553, %sub3A_562 : vector<16xf32>
        %mul3A_564 = arith.mulf %get3A_529, %get3A_547 : vector<16xf32>
        %mul3A_565 = arith.mulf %get3A_535, %get3A_541 : vector<16xf32>
        %add3A_566 = arith.addf %mul3A_564, %mul3A_565 : vector<16xf32>
        %mul3A_567 = arith.mulf %get3A_559, %add3A_566 : vector<16xf32>
        %add3A_568 = arith.addf %mul3A_563, %mul3A_567 : vector<16xf32>
        %add3A_569 = arith.addf %add3A_523, %add3A_568 : vector<16xf32>
        %get3A_570 = arith.constant 384 : i32
        %get3A_571 = arith.constant 0 : i32
        %get3A_572 = tpu.memref_slice %arg11[%get3A_570, %get3A_571] : memref<768x128xf32, #tpu.memory_space<vmem>> -> memref<64x128xf32, #tpu.memory_space<vmem>>
        %get3A_573 = arith.index_cast %add3A_478 : i32 to index
        %get3A_574 = arith.constant 32 : index
        %get3A_575 = tpu.vector_load %get3A_572[%get3A_573, %get3A_574] {strides = array<i32>} : memref<64x128xf32, #tpu.memory_space<vmem>>, vector<16xf32>,
        %get3A_576 = arith.constant 384 : i32
        %get3A_577 = arith.constant 0 : i32
        %get3A_578 = tpu.memref_slice %arg11[%get3A_576, %get3A_577] : memref<768x128xf32, #tpu.memory_space<vmem>> -> memref<64x128xf32, #tpu.memory_space<vmem>>
        %get3A_579 = arith.index_cast %add3A_478 : i32 to index
        %get3A_580 = arith.constant 96 : index
        %get3A_581 = tpu.vector_load %get3A_578[%get3A_579, %get3A_580] {strides = array<i32>} : memref<64x128xf32, #tpu.memory_space<vmem>>, vector<16xf32>,
        %get3A_582 = arith.constant 448 : i32
        %get3A_583 = arith.constant 0 : i32
        %get3A_584 = tpu.memref_slice %arg11[%get3A_582, %get3A_583] : memref<768x128xf32, #tpu.memory_space<vmem>> -> memref<64x128xf32, #tpu.memory_space<vmem>>
        %get3A_585 = arith.index_cast %add3A_478 : i32 to index
        %get3A_586 = arith.constant 32 : index
        %get3A_587 = tpu.vector_load %get3A_584[%get3A_585, %get3A_586] {strides = array<i32>} : memref<64x128xf32, #tpu.memory_space<vmem>>, vector<16xf32>,
        %get3A_588 = arith.constant 448 : i32
        %get3A_589 = arith.constant 0 : i32
        %get3A_590 = tpu.memref_slice %arg11[%get3A_588, %get3A_589] : memref<768x128xf32, #tpu.memory_space<vmem>> -> memref<64x128xf32, #tpu.memory_space<vmem>>
        %get3A_591 = arith.index_cast %add3A_478 : i32 to index
        %get3A_592 = arith.constant 96 : index
        %get3A_593 = tpu.vector_load %get3A_590[%get3A_591, %get3A_592] {strides = array<i32>} : memref<64x128xf32, #tpu.memory_space<vmem>>, vector<16xf32>,
        %get3A_594 = arith.constant 512 : i32
        %get3A_595 = arith.constant 0 : i32
        %get3A_596 = tpu.memref_slice %arg11[%get3A_594, %get3A_595] : memref<768x128xf32, #tpu.memory_space<vmem>> -> memref<64x128xf32, #tpu.memory_space<vmem>>
        %get3A_597 = arith.index_cast %add3A_478 : i32 to index
        %get3A_598 = arith.constant 32 : index
        %get3A_599 = tpu.vector_load %get3A_596[%get3A_597, %get3A_598] {strides = array<i32>} : memref<64x128xf32, #tpu.memory_space<vmem>>, vector<16xf32>,
        %get3A_600 = arith.constant 512 : i32
        %get3A_601 = arith.constant 0 : i32
        %get3A_602 = tpu.memref_slice %arg11[%get3A_600, %get3A_601] : memref<768x128xf32, #tpu.memory_space<vmem>> -> memref<64x128xf32, #tpu.memory_space<vmem>>
        %get3A_603 = arith.index_cast %add3A_478 : i32 to index
        %get3A_604 = arith.constant 96 : index
        %get3A_605 = tpu.vector_load %get3A_602[%get3A_603, %get3A_604] {strides = array<i32>} : memref<64x128xf32, #tpu.memory_space<vmem>>, vector<16xf32>,
        %mul3A_606 = arith.mulf %get3A_575, %get3A_587 : vector<16xf32>
        %mul3A_607 = arith.mulf %get3A_581, %get3A_593 : vector<16xf32>
        %sub3A_608 = arith.subf %mul3A_606, %mul3A_607 : vector<16xf32>
        %mul3A_609 = arith.mulf %get3A_599, %sub3A_608 : vector<16xf32>
        %mul3A_610 = arith.mulf %get3A_575, %get3A_593 : vector<16xf32>
        %mul3A_611 = arith.mulf %get3A_581, %get3A_587 : vector<16xf32>
        %add3A_612 = arith.addf %mul3A_610, %mul3A_611 : vector<16xf32>
        %mul3A_613 = arith.mulf %get3A_605, %add3A_612 : vector<16xf32>
        %add3A_614 = arith.addf %mul3A_609, %mul3A_613 : vector<16xf32>
        %add3A_615 = arith.addf %add3A_569, %add3A_614 : vector<16xf32>
        %get3A_616 = arith.constant 384 : i32
        %get3A_617 = arith.constant 0 : i32
        %get3A_618 = tpu.memref_slice %arg11[%get3A_616, %get3A_617] : memref<768x128xf32, #tpu.memory_space<vmem>> -> memref<64x128xf32, #tpu.memory_space<vmem>>
        %get3A_619 = arith.index_cast %add3A_478 : i32 to index
        %get3A_620 = arith.constant 48 : index
        %get3A_621 = tpu.vector_load %get3A_618[%get3A_619, %get3A_620] {strides = array<i32>} : memref<64x128xf32, #tpu.memory_space<vmem>>, vector<16xf32>,
        %get3A_622 = arith.constant 384 : i32
        %get3A_623 = arith.constant 0 : i32
        %get3A_624 = tpu.memref_slice %arg11[%get3A_622, %get3A_623] : memref<768x128xf32, #tpu.memory_space<vmem>> -> memref<64x128xf32, #tpu.memory_space<vmem>>
        %get3A_625 = arith.index_cast %add3A_478 : i32 to index
        %get3A_626 = arith.constant 112 : index
        %get3A_627 = tpu.vector_load %get3A_624[%get3A_625, %get3A_626] {strides = array<i32>} : memref<64x128xf32, #tpu.memory_space<vmem>>, vector<16xf32>,
        %get3A_628 = arith.constant 448 : i32
        %get3A_629 = arith.constant 0 : i32
        %get3A_630 = tpu.memref_slice %arg11[%get3A_628, %get3A_629] : memref<768x128xf32, #tpu.memory_space<vmem>> -> memref<64x128xf32, #tpu.memory_space<vmem>>
        %get3A_631 = arith.index_cast %add3A_478 : i32 to index
        %get3A_632 = arith.constant 48 : index
        %get3A_633 = tpu.vector_load %get3A_630[%get3A_631, %get3A_632] {strides = array<i32>} : memref<64x128xf32, #tpu.memory_space<vmem>>, vector<16xf32>,
        %get3A_634 = arith.constant 448 : i32
        %get3A_635 = arith.constant 0 : i32
        %get3A_636 = tpu.memref_slice %arg11[%get3A_634, %get3A_635] : memref<768x128xf32, #tpu.memory_space<vmem>> -> memref<64x128xf32, #tpu.memory_space<vmem>>
        %get3A_637 = arith.index_cast %add3A_478 : i32 to index
        %get3A_638 = arith.constant 112 : index
        %get3A_639 = tpu.vector_load %get3A_636[%get3A_637, %get3A_638] {strides = array<i32>} : memref<64x128xf32, #tpu.memory_space<vmem>>, vector<16xf32>,
        %get3A_640 = arith.constant 512 : i32
        %get3A_641 = arith.constant 0 : i32
        %get3A_642 = tpu.memref_slice %arg11[%get3A_640, %get3A_641] : memref<768x128xf32, #tpu.memory_space<vmem>> -> memref<64x128xf32, #tpu.memory_space<vmem>>
        %get3A_643 = arith.index_cast %add3A_478 : i32 to index
        %get3A_644 = arith.constant 48 : index
        %get3A_645 = tpu.vector_load %get3A_642[%get3A_643, %get3A_644] {strides = array<i32>} : memref<64x128xf32, #tpu.memory_space<vmem>>, vector<16xf32>,
        %get3A_646 = arith.constant 512 : i32
        %get3A_647 = arith.constant 0 : i32
        %get3A_648 = tpu.memref_slice %arg11[%get3A_646, %get3A_647] : memref<768x128xf32, #tpu.memory_space<vmem>> -> memref<64x128xf32, #tpu.memory_space<vmem>>
        %get3A_649 = arith.index_cast %add3A_478 : i32 to index
        %get3A_650 = arith.constant 112 : index
        %get3A_651 = tpu.vector_load %get3A_648[%get3A_649, %get3A_650] {strides = array<i32>} : memref<64x128xf32, #tpu.memory_space<vmem>>, vector<16xf32>,
        %mul3A_652 = arith.mulf %get3A_621, %get3A_633 : vector<16xf32>
        %mul3A_653 = arith.mulf %get3A_627, %get3A_639 : vector<16xf32>
        %sub3A_654 = arith.subf %mul3A_652, %mul3A_653 : vector<16xf32>
        %mul3A_655 = arith.mulf %get3A_645, %sub3A_654 : vector<16xf32>
        %mul3A_656 = arith.mulf %get3A_621, %get3A_639 : vector<16xf32>
        %mul3A_657 = arith.mulf %get3A_627, %get3A_633 : vector<16xf32>
        %add3A_658 = arith.addf %mul3A_656, %mul3A_657 : vector<16xf32>
        %mul3A_659 = arith.mulf %get3A_651, %add3A_658 : vector<16xf32>
        %add3A_660 = arith.addf %mul3A_655, %mul3A_659 : vector<16xf32>
        %add3A_661 = arith.addf %add3A_615, %add3A_660 : vector<16xf32>
        %cumsum3A_662 = arith.constant true
        %cumsum3A_663 = vector.broadcast %cumsum3A_662 : i1 to vector<16xi1>
        %cumsum3A_664 = tpu.scan <sum>, %add3A_661 masked %cumsum3A_663 : vector<16xf32>, vector<16xi1> -> vector<16xf32>
        %add3A_665 = arith.constant 1 : i32
        %add3A_666 = arith.addi %mul3A_287, %add3A_665 : i32
        %swap3A_667 = arith.index_cast %add3A_666 : i32 to index
        %swap3A_668 = arith.constant 0 : index
        %swap3A_669 = tpu.vector_load %arg12[%swap3A_667, %swap3A_668] {strides = array<i32>} : memref<64x16xf32, #tpu.memory_space<vmem>>, vector<16xf32>,
        tpu.vector_store %arg12[%swap3A_667, %swap3A_668], %cumsum3A_664 {strides = array<i32>} : memref<64x16xf32, #tpu.memory_space<vmem>>, vector<16xf32>,
        %add3A_670 = arith.constant 2 : i32
        %add3A_671 = arith.addi %mul3A_287, %add3A_670 : i32
        %get3A_672 = arith.constant 384 : i32
        %get3A_673 = arith.constant 0 : i32
        %get3A_674 = tpu.memref_slice %arg11[%get3A_672, %get3A_673] : memref<768x128xf32, #tpu.memory_space<vmem>> -> memref<64x128xf32, #tpu.memory_space<vmem>>
        %get3A_675 = arith.index_cast %add3A_671 : i32 to index
        %get3A_676 = arith.constant 0 : index
        %get3A_677 = tpu.vector_load %get3A_674[%get3A_675, %get3A_676] {strides = array<i32>} : memref<64x128xf32, #tpu.memory_space<vmem>>, vector<16xf32>,
        %get3A_678 = arith.constant 384 : i32
        %get3A_679 = arith.constant 0 : i32
        %get3A_680 = tpu.memref_slice %arg11[%get3A_678, %get3A_679] : memref<768x128xf32, #tpu.memory_space<vmem>> -> memref<64x128xf32, #tpu.memory_space<vmem>>
        %get3A_681 = arith.index_cast %add3A_671 : i32 to index
        %get3A_682 = arith.constant 64 : index
        %get3A_683 = tpu.vector_load %get3A_680[%get3A_681, %get3A_682] {strides = array<i32>} : memref<64x128xf32, #tpu.memory_space<vmem>>, vector<16xf32>,
        %get3A_684 = arith.constant 448 : i32
        %get3A_685 = arith.constant 0 : i32
        %get3A_686 = tpu.memref_slice %arg11[%get3A_684, %get3A_685] : memref<768x128xf32, #tpu.memory_space<vmem>> -> memref<64x128xf32, #tpu.memory_space<vmem>>
        %get3A_687 = arith.index_cast %add3A_671 : i32 to index
        %get3A_688 = arith.constant 0 : index
        %get3A_689 = tpu.vector_load %get3A_686[%get3A_687, %get3A_688] {strides = array<i32>} : memref<64x128xf32, #tpu.memory_space<vmem>>, vector<16xf32>,
        %get3A_690 = arith.constant 448 : i32
        %get3A_691 = arith.constant 0 : i32
        %get3A_692 = tpu.memref_slice %arg11[%get3A_690, %get3A_691] : memref<768x128xf32, #tpu.memory_space<vmem>> -> memref<64x128xf32, #tpu.memory_space<vmem>>
        %get3A_693 = arith.index_cast %add3A_671 : i32 to index
        %get3A_694 = arith.constant 64 : index
        %get3A_695 = tpu.vector_load %get3A_692[%get3A_693, %get3A_694] {strides = array<i32>} : memref<64x128xf32, #tpu.memory_space<vmem>>, vector<16xf32>,
        %get3A_696 = arith.constant 512 : i32
        %get3A_697 = arith.constant 0 : i32
        %get3A_698 = tpu.memref_slice %arg11[%get3A_696, %get3A_697] : memref<768x128xf32, #tpu.memory_space<vmem>> -> memref<64x128xf32, #tpu.memory_space<vmem>>
        %get3A_699 = arith.index_cast %add3A_671 : i32 to index
        %get3A_700 = arith.constant 0 : index
        %get3A_701 = tpu.vector_load %get3A_698[%get3A_699, %get3A_700] {strides = array<i32>} : memref<64x128xf32, #tpu.memory_space<vmem>>, vector<16xf32>,
        %get3A_702 = arith.constant 512 : i32
        %get3A_703 = arith.constant 0 : i32
        %get3A_704 = tpu.memref_slice %arg11[%get3A_702, %get3A_703] : memref<768x128xf32, #tpu.memory_space<vmem>> -> memref<64x128xf32, #tpu.memory_space<vmem>>
        %get3A_705 = arith.index_cast %add3A_671 : i32 to index
        %get3A_706 = arith.constant 64 : index
        %get3A_707 = tpu.vector_load %get3A_704[%get3A_705, %get3A_706] {strides = array<i32>} : memref<64x128xf32, #tpu.memory_space<vmem>>, vector<16xf32>,
        %mul3A_708 = arith.mulf %get3A_677, %get3A_689 : vector<16xf32>
        %mul3A_709 = arith.mulf %get3A_683, %get3A_695 : vector<16xf32>
        %sub3A_710 = arith.subf %mul3A_708, %mul3A_709 : vector<16xf32>
        %mul3A_711 = arith.mulf %get3A_701, %sub3A_710 : vector<16xf32>
        %mul3A_712 = arith.mulf %get3A_677, %get3A_695 : vector<16xf32>
        %mul3A_713 = arith.mulf %get3A_683, %get3A_689 : vector<16xf32>
        %add3A_714 = arith.addf %mul3A_712, %mul3A_713 : vector<16xf32>
        %mul3A_715 = arith.mulf %get3A_707, %add3A_714 : vector<16xf32>
        %add3A_716 = arith.addf %mul3A_711, %mul3A_715 : vector<16xf32>
        %get3A_717 = arith.constant 384 : i32
        %get3A_718 = arith.constant 0 : i32
        %get3A_719 = tpu.memref_slice %arg11[%get3A_717, %get3A_718] : memref<768x128xf32, #tpu.memory_space<vmem>> -> memref<64x128xf32, #tpu.memory_space<vmem>>
        %get3A_720 = arith.index_cast %add3A_671 : i32 to index
        %get3A_721 = arith.constant 16 : index
        %get3A_722 = tpu.vector_load %get3A_719[%get3A_720, %get3A_721] {strides = array<i32>} : memref<64x128xf32, #tpu.memory_space<vmem>>, vector<16xf32>,
        %get3A_723 = arith.constant 384 : i32
        %get3A_724 = arith.constant 0 : i32
        %get3A_725 = tpu.memref_slice %arg11[%get3A_723, %get3A_724] : memref<768x128xf32, #tpu.memory_space<vmem>> -> memref<64x128xf32, #tpu.memory_space<vmem>>
        %get3A_726 = arith.index_cast %add3A_671 : i32 to index
        %get3A_727 = arith.constant 80 : index
        %get3A_728 = tpu.vector_load %get3A_725[%get3A_726, %get3A_727] {strides = array<i32>} : memref<64x128xf32, #tpu.memory_space<vmem>>, vector<16xf32>,
        %get3A_729 = arith.constant 448 : i32
        %get3A_730 = arith.constant 0 : i32
        %get3A_731 = tpu.memref_slice %arg11[%get3A_729, %get3A_730] : memref<768x128xf32, #tpu.memory_space<vmem>> -> memref<64x128xf32, #tpu.memory_space<vmem>>
        %get3A_732 = arith.index_cast %add3A_671 : i32 to index
        %get3A_733 = arith.constant 16 : index
        %get3A_734 = tpu.vector_load %get3A_731[%get3A_732, %get3A_733] {strides = array<i32>} : memref<64x128xf32, #tpu.memory_space<vmem>>, vector<16xf32>,
        %get3A_735 = arith.constant 448 : i32
        %get3A_736 = arith.constant 0 : i32
        %get3A_737 = tpu.memref_slice %arg11[%get3A_735, %get3A_736] : memref<768x128xf32, #tpu.memory_space<vmem>> -> memref<64x128xf32, #tpu.memory_space<vmem>>
        %get3A_738 = arith.index_cast %add3A_671 : i32 to index
        %get3A_739 = arith.constant 80 : index
        %get3A_740 = tpu.vector_load %get3A_737[%get3A_738, %get3A_739] {strides = array<i32>} : memref<64x128xf32, #tpu.memory_space<vmem>>, vector<16xf32>,
        %get3A_741 = arith.constant 512 : i32
        %get3A_742 = arith.constant 0 : i32
        %get3A_743 = tpu.memref_slice %arg11[%get3A_741, %get3A_742] : memref<768x128xf32, #tpu.memory_space<vmem>> -> memref<64x128xf32, #tpu.memory_space<vmem>>
        %get3A_744 = arith.index_cast %add3A_671 : i32 to index
        %get3A_745 = arith.constant 16 : index
        %get3A_746 = tpu.vector_load %get3A_743[%get3A_744, %get3A_745] {strides = array<i32>} : memref<64x128xf32, #tpu.memory_space<vmem>>, vector<16xf32>,
        %get3A_747 = arith.constant 512 : i32
        %get3A_748 = arith.constant 0 : i32
        %get3A_749 = tpu.memref_slice %arg11[%get3A_747, %get3A_748] : memref<768x128xf32, #tpu.memory_space<vmem>> -> memref<64x128xf32, #tpu.memory_space<vmem>>
        %get3A_750 = arith.index_cast %add3A_671 : i32 to index
        %get3A_751 = arith.constant 80 : index
        %get3A_752 = tpu.vector_load %get3A_749[%get3A_750, %get3A_751] {strides = array<i32>} : memref<64x128xf32, #tpu.memory_space<vmem>>, vector<16xf32>,
        %mul3A_753 = arith.mulf %get3A_722, %get3A_734 : vector<16xf32>
        %mul3A_754 = arith.mulf %get3A_728, %get3A_740 : vector<16xf32>
        %sub3A_755 = arith.subf %mul3A_753, %mul3A_754 : vector<16xf32>
        %mul3A_756 = arith.mulf %get3A_746, %sub3A_755 : vector<16xf32>
        %mul3A_757 = arith.mulf %get3A_722, %get3A_740 : vector<16xf32>
        %mul3A_758 = arith.mulf %get3A_728, %get3A_734 : vector<16xf32>
        %add3A_759 = arith.addf %mul3A_757, %mul3A_758 : vector<16xf32>
        %mul3A_760 = arith.mulf %get3A_752, %add3A_759 : vector<16xf32>
        %add3A_761 = arith.addf %mul3A_756, %mul3A_760 : vector<16xf32>
        %add3A_762 = arith.addf %add3A_716, %add3A_761 : vector<16xf32>
        %get3A_763 = arith.constant 384 : i32
        %get3A_764 = arith.constant 0 : i32
        %get3A_765 = tpu.memref_slice %arg11[%get3A_763, %get3A_764] : memref<768x128xf32, #tpu.memory_space<vmem>> -> memref<64x128xf32, #tpu.memory_space<vmem>>
        %get3A_766 = arith.index_cast %add3A_671 : i32 to index
        %get3A_767 = arith.constant 32 : index
        %get3A_768 = tpu.vector_load %get3A_765[%get3A_766, %get3A_767] {strides = array<i32>} : memref<64x128xf32, #tpu.memory_space<vmem>>, vector<16xf32>,
        %get3A_769 = arith.constant 384 : i32
        %get3A_770 = arith.constant 0 : i32
        %get3A_771 = tpu.memref_slice %arg11[%get3A_769, %get3A_770] : memref<768x128xf32, #tpu.memory_space<vmem>> -> memref<64x128xf32, #tpu.memory_space<vmem>>
        %get3A_772 = arith.index_cast %add3A_671 : i32 to index
        %get3A_773 = arith.constant 96 : index
        %get3A_774 = tpu.vector_load %get3A_771[%get3A_772, %get3A_773] {strides = array<i32>} : memref<64x128xf32, #tpu.memory_space<vmem>>, vector<16xf32>,
        %get3A_775 = arith.constant 448 : i32
        %get3A_776 = arith.constant 0 : i32
        %get3A_777 = tpu.memref_slice %arg11[%get3A_775, %get3A_776] : memref<768x128xf32, #tpu.memory_space<vmem>> -> memref<64x128xf32, #tpu.memory_space<vmem>>
        %get3A_778 = arith.index_cast %add3A_671 : i32 to index
        %get3A_779 = arith.constant 32 : index
        %get3A_780 = tpu.vector_load %get3A_777[%get3A_778, %get3A_779] {strides = array<i32>} : memref<64x128xf32, #tpu.memory_space<vmem>>, vector<16xf32>,
        %get3A_781 = arith.constant 448 : i32
        %get3A_782 = arith.constant 0 : i32
        %get3A_783 = tpu.memref_slice %arg11[%get3A_781, %get3A_782] : memref<768x128xf32, #tpu.memory_space<vmem>> -> memref<64x128xf32, #tpu.memory_space<vmem>>
        %get3A_784 = arith.index_cast %add3A_671 : i32 to index
        %get3A_785 = arith.constant 96 : index
        %get3A_786 = tpu.vector_load %get3A_783[%get3A_784, %get3A_785] {strides = array<i32>} : memref<64x128xf32, #tpu.memory_space<vmem>>, vector<16xf32>,
        %get3A_787 = arith.constant 512 : i32
        %get3A_788 = arith.constant 0 : i32
        %get3A_789 = tpu.memref_slice %arg11[%get3A_787, %get3A_788] : memref<768x128xf32, #tpu.memory_space<vmem>> -> memref<64x128xf32, #tpu.memory_space<vmem>>
        %get3A_790 = arith.index_cast %add3A_671 : i32 to index
        %get3A_791 = arith.constant 32 : index
        %get3A_792 = tpu.vector_load %get3A_789[%get3A_790, %get3A_791] {strides = array<i32>} : memref<64x128xf32, #tpu.memory_space<vmem>>, vector<16xf32>,
        %get3A_793 = arith.constant 512 : i32
        %get3A_794 = arith.constant 0 : i32
        %get3A_795 = tpu.memref_slice %arg11[%get3A_793, %get3A_794] : memref<768x128xf32, #tpu.memory_space<vmem>> -> memref<64x128xf32, #tpu.memory_space<vmem>>
        %get3A_796 = arith.index_cast %add3A_671 : i32 to index
        %get3A_797 = arith.constant 96 : index
        %get3A_798 = tpu.vector_load %get3A_795[%get3A_796, %get3A_797] {strides = array<i32>} : memref<64x128xf32, #tpu.memory_space<vmem>>, vector<16xf32>,
        %mul3A_799 = arith.mulf %get3A_768, %get3A_780 : vector<16xf32>
        %mul3A_800 = arith.mulf %get3A_774, %get3A_786 : vector<16xf32>
        %sub3A_801 = arith.subf %mul3A_799, %mul3A_800 : vector<16xf32>
        %mul3A_802 = arith.mulf %get3A_792, %sub3A_801 : vector<16xf32>
        %mul3A_803 = arith.mulf %get3A_768, %get3A_786 : vector<16xf32>
        %mul3A_804 = arith.mulf %get3A_774, %get3A_780 : vector<16xf32>
        %add3A_805 = arith.addf %mul3A_803, %mul3A_804 : vector<16xf32>
        %mul3A_806 = arith.mulf %get3A_798, %add3A_805 : vector<16xf32>
        %add3A_807 = arith.addf %mul3A_802, %mul3A_806 : vector<16xf32>
        %add3A_808 = arith.addf %add3A_762, %add3A_807 : vector<16xf32>
        %get3A_809 = arith.constant 384 : i32
        %get3A_810 = arith.constant 0 : i32
        %get3A_811 = tpu.memref_slice %arg11[%get3A_809, %get3A_810] : memref<768x128xf32, #tpu.memory_space<vmem>> -> memref<64x128xf32, #tpu.memory_space<vmem>>
        %get3A_812 = arith.index_cast %add3A_671 : i32 to index
        %get3A_813 = arith.constant 48 : index
        %get3A_814 = tpu.vector_load %get3A_811[%get3A_812, %get3A_813] {strides = array<i32>} : memref<64x128xf32, #tpu.memory_space<vmem>>, vector<16xf32>,
        %get3A_815 = arith.constant 384 : i32
        %get3A_816 = arith.constant 0 : i32
        %get3A_817 = tpu.memref_slice %arg11[%get3A_815, %get3A_816] : memref<768x128xf32, #tpu.memory_space<vmem>> -> memref<64x128xf32, #tpu.memory_space<vmem>>
        %get3A_818 = arith.index_cast %add3A_671 : i32 to index
        %get3A_819 = arith.constant 112 : index
        %get3A_820 = tpu.vector_load %get3A_817[%get3A_818, %get3A_819] {strides = array<i32>} : memref<64x128xf32, #tpu.memory_space<vmem>>, vector<16xf32>,
        %get3A_821 = arith.constant 448 : i32
        %get3A_822 = arith.constant 0 : i32
        %get3A_823 = tpu.memref_slice %arg11[%get3A_821, %get3A_822] : memref<768x128xf32, #tpu.memory_space<vmem>> -> memref<64x128xf32, #tpu.memory_space<vmem>>
        %get3A_824 = arith.index_cast %add3A_671 : i32 to index
        %get3A_825 = arith.constant 48 : index
        %get3A_826 = tpu.vector_load %get3A_823[%get3A_824, %get3A_825] {strides = array<i32>} : memref<64x128xf32, #tpu.memory_space<vmem>>, vector<16xf32>,
        %get3A_827 = arith.constant 448 : i32
        %get3A_828 = arith.constant 0 : i32
        %get3A_829 = tpu.memref_slice %arg11[%get3A_827, %get3A_828] : memref<768x128xf32, #tpu.memory_space<vmem>> -> memref<64x128xf32, #tpu.memory_space<vmem>>
        %get3A_830 = arith.index_cast %add3A_671 : i32 to index
        %get3A_831 = arith.constant 112 : index
        %get3A_832 = tpu.vector_load %get3A_829[%get3A_830, %get3A_831] {strides = array<i32>} : memref<64x128xf32, #tpu.memory_space<vmem>>, vector<16xf32>,
        %get3A_833 = arith.constant 512 : i32
        %get3A_834 = arith.constant 0 : i32
        %get3A_835 = tpu.memref_slice %arg11[%get3A_833, %get3A_834] : memref<768x128xf32, #tpu.memory_space<vmem>> -> memref<64x128xf32, #tpu.memory_space<vmem>>
        %get3A_836 = arith.index_cast %add3A_671 : i32 to index
        %get3A_837 = arith.constant 48 : index
        %get3A_838 = tpu.vector_load %get3A_835[%get3A_836, %get3A_837] {strides = array<i32>} : memref<64x128xf32, #tpu.memory_space<vmem>>, vector<16xf32>,
        %get3A_839 = arith.constant 512 : i32
        %get3A_840 = arith.constant 0 : i32
        %get3A_841 = tpu.memref_slice %arg11[%get3A_839, %get3A_840] : memref<768x128xf32, #tpu.memory_space<vmem>> -> memref<64x128xf32, #tpu.memory_space<vmem>>
        %get3A_842 = arith.index_cast %add3A_671 : i32 to index
        %get3A_843 = arith.constant 112 : index
        %get3A_844 = tpu.vector_load %get3A_841[%get3A_842, %get3A_843] {strides = array<i32>} : memref<64x128xf32, #tpu.memory_space<vmem>>, vector<16xf32>,
        %mul3A_845 = arith.mulf %get3A_814, %get3A_826 : vector<16xf32>
        %mul3A_846 = arith.mulf %get3A_820, %get3A_832 : vector<16xf32>
        %sub3A_847 = arith.subf %mul3A_845, %mul3A_846 : vector<16xf32>
        %mul3A_848 = arith.mulf %get3A_838, %sub3A_847 : vector<16xf32>
        %mul3A_849 = arith.mulf %get3A_814, %get3A_832 : vector<16xf32>
        %mul3A_850 = arith.mulf %get3A_820, %get3A_826 : vector<16xf32>
        %add3A_851 = arith.addf %mul3A_849, %mul3A_850 : vector<16xf32>
        %mul3A_852 = arith.mulf %get3A_844, %add3A_851 : vector<16xf32>
        %add3A_853 = arith.addf %mul3A_848, %mul3A_852 : vector<16xf32>
        %add3A_854 = arith.addf %add3A_808, %add3A_853 : vector<16xf32>
        %cumsum3A_855 = arith.constant true
        %cumsum3A_856 = vector.broadcast %cumsum3A_855 : i1 to vector<16xi1>
        %cumsum3A_857 = tpu.scan <sum>, %add3A_854 masked %cumsum3A_856 : vector<16xf32>, vector<16xi1> -> vector<16xf32>
        %add3A_858 = arith.constant 2 : i32
        %add3A_859 = arith.addi %mul3A_287, %add3A_858 : i32
        %swap3A_860 = arith.index_cast %add3A_859 : i32 to index
        %swap3A_861 = arith.constant 0 : index
        %swap3A_862 = tpu.vector_load %arg12[%swap3A_860, %swap3A_861] {strides = array<i32>} : memref<64x16xf32, #tpu.memory_space<vmem>>, vector<16xf32>,
        tpu.vector_store %arg12[%swap3A_860, %swap3A_861], %cumsum3A_857 {strides = array<i32>} : memref<64x16xf32, #tpu.memory_space<vmem>>, vector<16xf32>,
        %add3A_863 = arith.constant 3 : i32
        %add3A_864 = arith.addi %mul3A_287, %add3A_863 : i32
        %get3A_865 = arith.constant 384 : i32
        %get3A_866 = arith.constant 0 : i32
        %get3A_867 = tpu.memref_slice %arg11[%get3A_865, %get3A_866] : memref<768x128xf32, #tpu.memory_space<vmem>> -> memref<64x128xf32, #tpu.memory_space<vmem>>
        %get3A_868 = arith.index_cast %add3A_864 : i32 to index
        %get3A_869 = arith.constant 0 : index
        %get3A_870 = tpu.vector_load %get3A_867[%get3A_868, %get3A_869] {strides = array<i32>} : memref<64x128xf32, #tpu.memory_space<vmem>>, vector<16xf32>,
        %get3A_871 = arith.constant 384 : i32
        %get3A_872 = arith.constant 0 : i32
        %get3A_873 = tpu.memref_slice %arg11[%get3A_871, %get3A_872] : memref<768x128xf32, #tpu.memory_space<vmem>> -> memref<64x128xf32, #tpu.memory_space<vmem>>
        %get3A_874 = arith.index_cast %add3A_864 : i32 to index
        %get3A_875 = arith.constant 64 : index
        %get3A_876 = tpu.vector_load %get3A_873[%get3A_874, %get3A_875] {strides = array<i32>} : memref<64x128xf32, #tpu.memory_space<vmem>>, vector<16xf32>,
        %get3A_877 = arith.constant 448 : i32
        %get3A_878 = arith.constant 0 : i32
        %get3A_879 = tpu.memref_slice %arg11[%get3A_877, %get3A_878] : memref<768x128xf32, #tpu.memory_space<vmem>> -> memref<64x128xf32, #tpu.memory_space<vmem>>
        %get3A_880 = arith.index_cast %add3A_864 : i32 to index
        %get3A_881 = arith.constant 0 : index
        %get3A_882 = tpu.vector_load %get3A_879[%get3A_880, %get3A_881] {strides = array<i32>} : memref<64x128xf32, #tpu.memory_space<vmem>>, vector<16xf32>,
        %get3A_883 = arith.constant 448 : i32
        %get3A_884 = arith.constant 0 : i32
        %get3A_885 = tpu.memref_slice %arg11[%get3A_883, %get3A_884] : memref<768x128xf32, #tpu.memory_space<vmem>> -> memref<64x128xf32, #tpu.memory_space<vmem>>
        %get3A_886 = arith.index_cast %add3A_864 : i32 to index
        %get3A_887 = arith.constant 64 : index
        %get3A_888 = tpu.vector_load %get3A_885[%get3A_886, %get3A_887] {strides = array<i32>} : memref<64x128xf32, #tpu.memory_space<vmem>>, vector<16xf32>,
        %get3A_889 = arith.constant 512 : i32
        %get3A_890 = arith.constant 0 : i32
        %get3A_891 = tpu.memref_slice %arg11[%get3A_889, %get3A_890] : memref<768x128xf32, #tpu.memory_space<vmem>> -> memref<64x128xf32, #tpu.memory_space<vmem>>
        %get3A_892 = arith.index_cast %add3A_864 : i32 to index
        %get3A_893 = arith.constant 0 : index
        %get3A_894 = tpu.vector_load %get3A_891[%get3A_892, %get3A_893] {strides = array<i32>} : memref<64x128xf32, #tpu.memory_space<vmem>>, vector<16xf32>,
        %get3A_895 = arith.constant 512 : i32
        %get3A_896 = arith.constant 0 : i32
        %get3A_897 = tpu.memref_slice %arg11[%get3A_895, %get3A_896] : memref<768x128xf32, #tpu.memory_space<vmem>> -> memref<64x128xf32, #tpu.memory_space<vmem>>
        %get3A_898 = arith.index_cast %add3A_864 : i32 to index
        %get3A_899 = arith.constant 64 : index
        %get3A_900 = tpu.vector_load %get3A_897[%get3A_898, %get3A_899] {strides = array<i32>} : memref<64x128xf32, #tpu.memory_space<vmem>>, vector<16xf32>,
        %mul3A_901 = arith.mulf %get3A_870, %get3A_882 : vector<16xf32>
        %mul3A_902 = arith.mulf %get3A_876, %get3A_888 : vector<16xf32>
        %sub3A_903 = arith.subf %mul3A_901, %mul3A_902 : vector<16xf32>
        %mul3A_904 = arith.mulf %get3A_894, %sub3A_903 : vector<16xf32>
        %mul3A_905 = arith.mulf %get3A_870, %get3A_888 : vector<16xf32>
        %mul3A_906 = arith.mulf %get3A_876, %get3A_882 : vector<16xf32>
        %add3A_907 = arith.addf %mul3A_905, %mul3A_906 : vector<16xf32>
        %mul3A_908 = arith.mulf %get3A_900, %add3A_907 : vector<16xf32>
        %add3A_909 = arith.addf %mul3A_904, %mul3A_908 : vector<16xf32>
        %get3A_910 = arith.constant 384 : i32
        %get3A_911 = arith.constant 0 : i32
        %get3A_912 = tpu.memref_slice %arg11[%get3A_910, %get3A_911] : memref<768x128xf32, #tpu.memory_space<vmem>> -> memref<64x128xf32, #tpu.memory_space<vmem>>
        %get3A_913 = arith.index_cast %add3A_864 : i32 to index
        %get3A_914 = arith.constant 16 : index
        %get3A_915 = tpu.vector_load %get3A_912[%get3A_913, %get3A_914] {strides = array<i32>} : memref<64x128xf32, #tpu.memory_space<vmem>>, vector<16xf32>,
        %get3A_916 = arith.constant 384 : i32
        %get3A_917 = arith.constant 0 : i32
        %get3A_918 = tpu.memref_slice %arg11[%get3A_916, %get3A_917] : memref<768x128xf32, #tpu.memory_space<vmem>> -> memref<64x128xf32, #tpu.memory_space<vmem>>
        %get3A_919 = arith.index_cast %add3A_864 : i32 to index
        %get3A_920 = arith.constant 80 : index
        %get3A_921 = tpu.vector_load %get3A_918[%get3A_919, %get3A_920] {strides = array<i32>} : memref<64x128xf32, #tpu.memory_space<vmem>>, vector<16xf32>,
        %get3A_922 = arith.constant 448 : i32
        %get3A_923 = arith.constant 0 : i32
        %get3A_924 = tpu.memref_slice %arg11[%get3A_922, %get3A_923] : memref<768x128xf32, #tpu.memory_space<vmem>> -> memref<64x128xf32, #tpu.memory_space<vmem>>
        %get3A_925 = arith.index_cast %add3A_864 : i32 to index
        %get3A_926 = arith.constant 16 : index
        %get3A_927 = tpu.vector_load %get3A_924[%get3A_925, %get3A_926] {strides = array<i32>} : memref<64x128xf32, #tpu.memory_space<vmem>>, vector<16xf32>,
        %get3A_928 = arith.constant 448 : i32
        %get3A_929 = arith.constant 0 : i32
        %get3A_930 = tpu.memref_slice %arg11[%get3A_928, %get3A_929] : memref<768x128xf32, #tpu.memory_space<vmem>> -> memref<64x128xf32, #tpu.memory_space<vmem>>
        %get3A_931 = arith.index_cast %add3A_864 : i32 to index
        %get3A_932 = arith.constant 80 : index
        %get3A_933 = tpu.vector_load %get3A_930[%get3A_931, %get3A_932] {strides = array<i32>} : memref<64x128xf32, #tpu.memory_space<vmem>>, vector<16xf32>,
        %get3A_934 = arith.constant 512 : i32
        %get3A_935 = arith.constant 0 : i32
        %get3A_936 = tpu.memref_slice %arg11[%get3A_934, %get3A_935] : memref<768x128xf32, #tpu.memory_space<vmem>> -> memref<64x128xf32, #tpu.memory_space<vmem>>
        %get3A_937 = arith.index_cast %add3A_864 : i32 to index
        %get3A_938 = arith.constant 16 : index
        %get3A_939 = tpu.vector_load %get3A_936[%get3A_937, %get3A_938] {strides = array<i32>} : memref<64x128xf32, #tpu.memory_space<vmem>>, vector<16xf32>,
        %get3A_940 = arith.constant 512 : i32
        %get3A_941 = arith.constant 0 : i32
        %get3A_942 = tpu.memref_slice %arg11[%get3A_940, %get3A_941] : memref<768x128xf32, #tpu.memory_space<vmem>> -> memref<64x128xf32, #tpu.memory_space<vmem>>
        %get3A_943 = arith.index_cast %add3A_864 : i32 to index
        %get3A_944 = arith.constant 80 : index
        %get3A_945 = tpu.vector_load %get3A_942[%get3A_943, %get3A_944] {strides = array<i32>} : memref<64x128xf32, #tpu.memory_space<vmem>>, vector<16xf32>,
        %mul3A_946 = arith.mulf %get3A_915, %get3A_927 : vector<16xf32>
        %mul3A_947 = arith.mulf %get3A_921, %get3A_933 : vector<16xf32>
        %sub3A_948 = arith.subf %mul3A_946, %mul3A_947 : vector<16xf32>
        %mul3A_949 = arith.mulf %get3A_939, %sub3A_948 : vector<16xf32>
        %mul3A_950 = arith.mulf %get3A_915, %get3A_933 : vector<16xf32>
        %mul3A_951 = arith.mulf %get3A_921, %get3A_927 : vector<16xf32>
        %add3A_952 = arith.addf %mul3A_950, %mul3A_951 : vector<16xf32>
        %mul3A_953 = arith.mulf %get3A_945, %add3A_952 : vector<16xf32>
        %add3A_954 = arith.addf %mul3A_949, %mul3A_953 : vector<16xf32>
        %add3A_955 = arith.addf %add3A_909, %add3A_954 : vector<16xf32>
        %get3A_956 = arith.constant 384 : i32
        %get3A_957 = arith.constant 0 : i32
        %get3A_958 = tpu.memref_slice %arg11[%get3A_956, %get3A_957] : memref<768x128xf32, #tpu.memory_space<vmem>> -> memref<64x128xf32, #tpu.memory_space<vmem>>
        %get3A_959 = arith.index_cast %add3A_864 : i32 to index
        %get3A_960 = arith.constant 32 : index
        %get3A_961 = tpu.vector_load %get3A_958[%get3A_959, %get3A_960] {strides = array<i32>} : memref<64x128xf32, #tpu.memory_space<vmem>>, vector<16xf32>,
        %get3A_962 = arith.constant 384 : i32
        %get3A_963 = arith.constant 0 : i32
        %get3A_964 = tpu.memref_slice %arg11[%get3A_962, %get3A_963] : memref<768x128xf32, #tpu.memory_space<vmem>> -> memref<64x128xf32, #tpu.memory_space<vmem>>
        %get3A_965 = arith.index_cast %add3A_864 : i32 to index
        %get3A_966 = arith.constant 96 : index
        %get3A_967 = tpu.vector_load %get3A_964[%get3A_965, %get3A_966] {strides = array<i32>} : memref<64x128xf32, #tpu.memory_space<vmem>>, vector<16xf32>,
        %get3A_968 = arith.constant 448 : i32
        %get3A_969 = arith.constant 0 : i32
        %get3A_970 = tpu.memref_slice %arg11[%get3A_968, %get3A_969] : memref<768x128xf32, #tpu.memory_space<vmem>> -> memref<64x128xf32, #tpu.memory_space<vmem>>
        %get3A_971 = arith.index_cast %add3A_864 : i32 to index
        %get3A_972 = arith.constant 32 : index
        %get3A_973 = tpu.vector_load %get3A_970[%get3A_971, %get3A_972] {strides = array<i32>} : memref<64x128xf32, #tpu.memory_space<vmem>>, vector<16xf32>,
        %get3A_974 = arith.constant 448 : i32
        %get3A_975 = arith.constant 0 : i32
        %get3A_976 = tpu.memref_slice %arg11[%get3A_974, %get3A_975] : memref<768x128xf32, #tpu.memory_space<vmem>> -> memref<64x128xf32, #tpu.memory_space<vmem>>
        %get3A_977 = arith.index_cast %add3A_864 : i32 to index
        %get3A_978 = arith.constant 96 : index
        %get3A_979 = tpu.vector_load %get3A_976[%get3A_977, %get3A_978] {strides = array<i32>} : memref<64x128xf32, #tpu.memory_space<vmem>>, vector<16xf32>,
        %get3A_980 = arith.constant 512 : i32
        %get3A_981 = arith.constant 0 : i32
        %get3A_982 = tpu.memref_slice %arg11[%get3A_980, %get3A_981] : memref<768x128xf32, #tpu.memory_space<vmem>> -> memref<64x128xf32, #tpu.memory_space<vmem>>
        %get3A_983 = arith.index_cast %add3A_864 : i32 to index
        %get3A_984 = arith.constant 32 : index
        %get3A_985 = tpu.vector_load %get3A_982[%get3A_983, %get3A_984] {strides = array<i32>} : memref<64x128xf32, #tpu.memory_space<vmem>>, vector<16xf32>,
        %get3A_986 = arith.constant 512 : i32
        %get3A_987 = arith.constant 0 : i32
        %get3A_988 = tpu.memref_slice %arg11[%get3A_986, %get3A_987] : memref<768x128xf32, #tpu.memory_space<vmem>> -> memref<64x128xf32, #tpu.memory_space<vmem>>
        %get3A_989 = arith.index_cast %add3A_864 : i32 to index
        %get3A_990 = arith.constant 96 : index
        %get3A_991 = tpu.vector_load %get3A_988[%get3A_989, %get3A_990] {strides = array<i32>} : memref<64x128xf32, #tpu.memory_space<vmem>>, vector<16xf32>,
        %mul3A_992 = arith.mulf %get3A_961, %get3A_973 : vector<16xf32>
        %mul3A_993 = arith.mulf %get3A_967, %get3A_979 : vector<16xf32>
        %sub3A_994 = arith.subf %mul3A_992, %mul3A_993 : vector<16xf32>
        %mul3A_995 = arith.mulf %get3A_985, %sub3A_994 : vector<16xf32>
        %mul3A_996 = arith.mulf %get3A_961, %get3A_979 : vector<16xf32>
        %mul3A_997 = arith.mulf %get3A_967, %get3A_973 : vector<16xf32>
        %add3A_998 = arith.addf %mul3A_996, %mul3A_997 : vector<16xf32>
        %mul3A_999 = arith.mulf %get3A_991, %add3A_998 : vector<16xf32>
        %add3A_1000 = arith.addf %mul3A_995, %mul3A_999 : vector<16xf32>
        %add3A_1001 = arith.addf %add3A_955, %add3A_1000 : vector<16xf32>
        %get3A_1002 = arith.constant 384 : i32
        %get3A_1003 = arith.constant 0 : i32
        %get3A_1004 = tpu.memref_slice %arg11[%get3A_1002, %get3A_1003] : memref<768x128xf32, #tpu.memory_space<vmem>> -> memref<64x128xf32, #tpu.memory_space<vmem>>
        %get3A_1005 = arith.index_cast %add3A_864 : i32 to index
        %get3A_1006 = arith.constant 48 : index
        %get3A_1007 = tpu.vector_load %get3A_1004[%get3A_1005, %get3A_1006] {strides = array<i32>} : memref<64x128xf32, #tpu.memory_space<vmem>>, vector<16xf32>,
        %get3A_1008 = arith.constant 384 : i32
        %get3A_1009 = arith.constant 0 : i32
        %get3A_1010 = tpu.memref_slice %arg11[%get3A_1008, %get3A_1009] : memref<768x128xf32, #tpu.memory_space<vmem>> -> memref<64x128xf32, #tpu.memory_space<vmem>>
        %get3A_1011 = arith.index_cast %add3A_864 : i32 to index
        %get3A_1012 = arith.constant 112 : index
        %get3A_1013 = tpu.vector_load %get3A_1010[%get3A_1011, %get3A_1012] {strides = array<i32>} : memref<64x128xf32, #tpu.memory_space<vmem>>, vector<16xf32>,
        %get3A_1014 = arith.constant 448 : i32
        %get3A_1015 = arith.constant 0 : i32
        %get3A_1016 = tpu.memref_slice %arg11[%get3A_1014, %get3A_1015] : memref<768x128xf32, #tpu.memory_space<vmem>> -> memref<64x128xf32, #tpu.memory_space<vmem>>
        %get3A_1017 = arith.index_cast %add3A_864 : i32 to index
        %get3A_1018 = arith.constant 48 : index
        %get3A_1019 = tpu.vector_load %get3A_1016[%get3A_1017, %get3A_1018] {strides = array<i32>} : memref<64x128xf32, #tpu.memory_space<vmem>>, vector<16xf32>,
        %get3A_1020 = arith.constant 448 : i32
        %get3A_1021 = arith.constant 0 : i32
        %get3A_1022 = tpu.memref_slice %arg11[%get3A_1020, %get3A_1021] : memref<768x128xf32, #tpu.memory_space<vmem>> -> memref<64x128xf32, #tpu.memory_space<vmem>>
        %get3A_1023 = arith.index_cast %add3A_864 : i32 to index
        %get3A_1024 = arith.constant 112 : index
        %get3A_1025 = tpu.vector_load %get3A_1022[%get3A_1023, %get3A_1024] {strides = array<i32>} : memref<64x128xf32, #tpu.memory_space<vmem>>, vector<16xf32>,
        %get3A_1026 = arith.constant 512 : i32
        %get3A_1027 = arith.constant 0 : i32
        %get3A_1028 = tpu.memref_slice %arg11[%get3A_1026, %get3A_1027] : memref<768x128xf32, #tpu.memory_space<vmem>> -> memref<64x128xf32, #tpu.memory_space<vmem>>
        %get3A_1029 = arith.index_cast %add3A_864 : i32 to index
        %get3A_1030 = arith.constant 48 : index
        %get3A_1031 = tpu.vector_load %get3A_1028[%get3A_1029, %get3A_1030] {strides = array<i32>} : memref<64x128xf32, #tpu.memory_space<vmem>>, vector<16xf32>,
        %get3A_1032 = arith.constant 512 : i32
        %get3A_1033 = arith.constant 0 : i32
        %get3A_1034 = tpu.memref_slice %arg11[%get3A_1032, %get3A_1033] : memref<768x128xf32, #tpu.memory_space<vmem>> -> memref<64x128xf32, #tpu.memory_space<vmem>>
        %get3A_1035 = arith.index_cast %add3A_864 : i32 to index
        %get3A_1036 = arith.constant 112 : index
        %get3A_1037 = tpu.vector_load %get3A_1034[%get3A_1035, %get3A_1036] {strides = array<i32>} : memref<64x128xf32, #tpu.memory_space<vmem>>, vector<16xf32>,
        %mul3A_1038 = arith.mulf %get3A_1007, %get3A_1019 : vector<16xf32>
        %mul3A_1039 = arith.mulf %get3A_1013, %get3A_1025 : vector<16xf32>
        %sub3A_1040 = arith.subf %mul3A_1038, %mul3A_1039 : vector<16xf32>
        %mul3A_1041 = arith.mulf %get3A_1031, %sub3A_1040 : vector<16xf32>
        %mul3A_1042 = arith.mulf %get3A_1007, %get3A_1025 : vector<16xf32>
        %mul3A_1043 = arith.mulf %get3A_1013, %get3A_1019 : vector<16xf32>
        %add3A_1044 = arith.addf %mul3A_1042, %mul3A_1043 : vector<16xf32>
        %mul3A_1045 = arith.mulf %get3A_1037, %add3A_1044 : vector<16xf32>
        %add3A_1046 = arith.addf %mul3A_1041, %mul3A_1045 : vector<16xf32>
        %add3A_1047 = arith.addf %add3A_1001, %add3A_1046 : vector<16xf32>
        %cumsum3A_1048 = arith.constant true
        %cumsum3A_1049 = vector.broadcast %cumsum3A_1048 : i1 to vector<16xi1>
        %cumsum3A_1050 = tpu.scan <sum>, %add3A_1047 masked %cumsum3A_1049 : vector<16xf32>, vector<16xi1> -> vector<16xf32>
        %add3A_1051 = arith.constant 3 : i32
        %add3A_1052 = arith.addi %mul3A_287, %add3A_1051 : i32
        %swap3A_1053 = arith.index_cast %add3A_1052 : i32 to index
        %swap3A_1054 = arith.constant 0 : index
        %swap3A_1055 = tpu.vector_load %arg12[%swap3A_1053, %swap3A_1054] {strides = array<i32>} : memref<64x16xf32, #tpu.memory_space<vmem>>, vector<16xf32>,
        tpu.vector_store %arg12[%swap3A_1053, %swap3A_1054], %cumsum3A_1050 {strides = array<i32>} : memref<64x16xf32, #tpu.memory_space<vmem>>, vector<16xf32>,
      }
      %scan3A_228 = arith.constant 16 : i32
      %broadcast_in_dim3A_229 = arith.constant 15 : i32
      %broadcast_in_dim3A_230 = vector.broadcast %broadcast_in_dim3A_229 : i32 to vector<16xi32>
      %scan3A_231 = arith.constant 0 : i32
      %scan3A_232 = arith.constant 0 : i32
      %scan3A_233 = arith.constant 4 : i32
      %scan3A_234 = arith.addi %scan3A_232, %scan3A_233 : i32
      %scan3A_235 = arith.constant 1 : i32
      scf.for %scan3A_285 = %scan3A_232 to %scan3A_234 step %scan3A_235  : i32 {
        %mul3A_286 = arith.constant 16 : i32
        %mul3A_287 = arith.muli %scan3A_285, %mul3A_286 : i32
        %iota3A = tpu.iota {dimensions = array<i32: 0>} : vector<16xi32>
        %add3A_288 = vector.broadcast %mul3A_287 : i32 to vector<16xi32>
        %add3A_289 = arith.addi %add3A_288, %iota3A : vector<16xi32>
        %gather3A = tpu.vector_load_idx %arg12[%add3A_289, %broadcast_in_dim3A_230] : memref<64x16xf32, #tpu.memory_space<vmem>>[vector<16xi32>, vector<16xi32>], vector<16xf32>,
        %mul3A_290 = arith.constant 64 : i32
        %mul3A_291 = arith.muli %add3A_192, %mul3A_290 : i32
        %mul3A_292 = arith.constant 16 : i32
        %mul3A_293 = arith.muli %scan3A_285, %mul3A_292 : i32
        %add3A_294 = arith.addi %mul3A_291, %mul3A_293 : i32
        %swap3A = arith.index_cast %add3A_294 : i32 to index
        %swap3A_295 = tpu.vector_load %arg13[%swap3A] {strides = array<i32>} : memref<512xf32, #tpu.memory_space<vmem>>, vector<16xf32>,
        tpu.vector_store %arg13[%swap3A], %gather3A {strides = array<i32>} : memref<512xf32, #tpu.memory_space<vmem>>, vector<16xf32>,
      }
      %scan3A_236 = arith.constant 4 : i32
      %mul3A_237 = arith.constant 4 : i32
      %mul3A_238 = arith.muli %scan3A_96, %mul3A_237 : i32
      %add3A_239 = arith.constant 3 : i32
      %add3A_240 = arith.addi %mul3A_238, %add3A_239 : i32
      %mul3A_241 = arith.constant 64 : i32
      %mul3A_242 = arith.muli %add3A_240, %mul3A_241 : i32
      %dma_wait3A_243 = arith.constant 576 : i32
      %dma_wait3A_244 = arith.constant 0 : i32
      %dma_wait3A_245 = tpu.memref_slice %arg11[%dma_wait3A_243, %dma_wait3A_244] : memref<768x128xf32, #tpu.memory_space<vmem>> -> memref<64x128xf32, #tpu.memory_space<vmem>>
      %dma_wait3A_246 = tpu.memref_slice %arg8[%mul3A_242] : memref<512xi32, #tpu.memory_space<vmem>> -> memref<64xi32, #tpu.memory_space<vmem>>
      %dma_wait3A_247 = arith.constant 0 : i32
      %dma_wait3A_248 = arith.constant 0 : i32
      %dma_wait3A_249 = tpu.memref_slice %arg5[%dma_wait3A_247, %dma_wait3A_248] : memref<1000000x128xf32, #tpu.memory_space<hbm>> -> memref<1000000x128xf32, #tpu.memory_space<hbm>>
      tpu.wait_indirect_dma semaphore(%arg18 : memref<!tpu.dma_semaphore, #tpu.memory_space<semaphore_mem>>) src(%dma_wait3A_249 : memref<1000000x128xf32, #tpu.memory_space<hbm>>) dst(%dma_wait3A_245 : memref<64x128xf32, #tpu.memory_space<vmem>>)
      %dma_wait3A_250 = arith.constant 640 : i32
      %dma_wait3A_251 = arith.constant 0 : i32
      %dma_wait3A_252 = tpu.memref_slice %arg11[%dma_wait3A_250, %dma_wait3A_251] : memref<768x128xf32, #tpu.memory_space<vmem>> -> memref<64x128xf32, #tpu.memory_space<vmem>>
      %dma_wait3A_253 = tpu.memref_slice %arg9[%mul3A_242] : memref<512xi32, #tpu.memory_space<vmem>> -> memref<64xi32, #tpu.memory_space<vmem>>
      %dma_wait3A_254 = arith.constant 0 : i32
      %dma_wait3A_255 = arith.constant 0 : i32
      %dma_wait3A_256 = tpu.memref_slice %arg6[%dma_wait3A_254, %dma_wait3A_255] : memref<1000x128xf32, #tpu.memory_space<hbm>> -> memref<1000x128xf32, #tpu.memory_space<hbm>>
      tpu.wait_indirect_dma semaphore(%arg18 : memref<!tpu.dma_semaphore, #tpu.memory_space<semaphore_mem>>) src(%dma_wait3A_256 : memref<1000x128xf32, #tpu.memory_space<hbm>>) dst(%dma_wait3A_252 : memref<64x128xf32, #tpu.memory_space<vmem>>)
      %dma_wait3A_257 = arith.constant 704 : i32
      %dma_wait3A_258 = arith.constant 0 : i32
      %dma_wait3A_259 = tpu.memref_slice %arg11[%dma_wait3A_257, %dma_wait3A_258] : memref<768x128xf32, #tpu.memory_space<vmem>> -> memref<64x128xf32, #tpu.memory_space<vmem>>
      %dma_wait3A_260 = tpu.memref_slice %arg10[%mul3A_242] : memref<512xi32, #tpu.memory_space<vmem>> -> memref<64xi32, #tpu.memory_space<vmem>>
      %dma_wait3A_261 = arith.constant 0 : i32
      %dma_wait3A_262 = arith.constant 0 : i32
      %dma_wait3A_263 = tpu.memref_slice %arg5[%dma_wait3A_261, %dma_wait3A_262] : memref<1000000x128xf32, #tpu.memory_space<hbm>> -> memref<1000000x128xf32, #tpu.memory_space<hbm>>
      tpu.wait_indirect_dma semaphore(%arg18 : memref<!tpu.dma_semaphore, #tpu.memory_space<semaphore_mem>>) src(%dma_wait3A_263 : memref<1000000x128xf32, #tpu.memory_space<hbm>>) dst(%dma_wait3A_259 : memref<64x128xf32, #tpu.memory_space<vmem>>)
      %add3A_264 = arith.constant 3 : i32
      %add3A_265 = arith.addi %add3A_240, %add3A_264 : i32
      %lt3A_266 = arith.constant 8 : i32
      %lt3A_267 = arith.cmpi slt, %add3A_265, %lt3A_266 : i32
      %convert_element_type3A_268 = arith.extui %lt3A_267 : i1 to i32
      %cond3A_269 = arith.constant 0 : i32
      %cond3A_270 = arith.cmpi ne, %convert_element_type3A_268, %cond3A_269 : i32
      scf.if %cond3A_270 {
        %add3A_285 = arith.constant 3 : i32
        %add3A_286 = arith.addi %add3A_240, %add3A_285 : i32
        %mul3A_287 = arith.constant 64 : i32
        %mul3A_288 = arith.muli %add3A_286, %mul3A_287 : i32
        %dma_start3A_289 = arith.constant 384 : i32
        %dma_start3A_290 = arith.constant 0 : i32
        %dma_start3A_291 = tpu.memref_slice %arg11[%dma_start3A_289, %dma_start3A_290] : memref<768x128xf32, #tpu.memory_space<vmem>> -> memref<64x128xf32, #tpu.memory_space<vmem>>
        %dma_start3A_292 = tpu.memref_slice %arg8[%mul3A_288] : memref<512xi32, #tpu.memory_space<vmem>> -> memref<64xi32, #tpu.memory_space<vmem>>
        %dma_start3A_293 = arith.constant 0 : i32
        %dma_start3A_294 = arith.constant 0 : i32
        %dma_start3A_295 = tpu.memref_slice %arg5[%dma_start3A_293, %dma_start3A_294] : memref<1000000x128xf32, #tpu.memory_space<hbm>> -> memref<1000000x128xf32, #tpu.memory_space<hbm>>
        tpu.enqueue_indirect_dma source(%dma_start3A_295 : memref<1000000x128xf32, #tpu.memory_space<hbm>>) target(%dma_start3A_291 : memref<64x128xf32, #tpu.memory_space<vmem>>) offsets(%dma_start3A_292 : memref<64xi32, #tpu.memory_space<vmem>>) semaphore(%arg17 : memref<!tpu.dma_semaphore, #tpu.memory_space<semaphore_mem>>)
        %dma_start3A_296 = arith.constant 448 : i32
        %dma_start3A_297 = arith.constant 0 : i32
        %dma_start3A_298 = tpu.memref_slice %arg11[%dma_start3A_296, %dma_start3A_297] : memref<768x128xf32, #tpu.memory_space<vmem>> -> memref<64x128xf32, #tpu.memory_space<vmem>>
        %dma_start3A_299 = tpu.memref_slice %arg9[%mul3A_288] : memref<512xi32, #tpu.memory_space<vmem>> -> memref<64xi32, #tpu.memory_space<vmem>>
        %dma_start3A_300 = arith.constant 0 : i32
        %dma_start3A_301 = arith.constant 0 : i32
        %dma_start3A_302 = tpu.memref_slice %arg6[%dma_start3A_300, %dma_start3A_301] : memref<1000x128xf32, #tpu.memory_space<hbm>> -> memref<1000x128xf32, #tpu.memory_space<hbm>>
        tpu.enqueue_indirect_dma source(%dma_start3A_302 : memref<1000x128xf32, #tpu.memory_space<hbm>>) target(%dma_start3A_298 : memref<64x128xf32, #tpu.memory_space<vmem>>) offsets(%dma_start3A_299 : memref<64xi32, #tpu.memory_space<vmem>>) semaphore(%arg17 : memref<!tpu.dma_semaphore, #tpu.memory_space<semaphore_mem>>)
        %dma_start3A_303 = arith.constant 512 : i32
        %dma_start3A_304 = arith.constant 0 : i32
        %dma_start3A_305 = tpu.memref_slice %arg11[%dma_start3A_303, %dma_start3A_304] : memref<768x128xf32, #tpu.memory_space<vmem>> -> memref<64x128xf32, #tpu.memory_space<vmem>>
        %dma_start3A_306 = tpu.memref_slice %arg10[%mul3A_288] : memref<512xi32, #tpu.memory_space<vmem>> -> memref<64xi32, #tpu.memory_space<vmem>>
        %dma_start3A_307 = arith.constant 0 : i32
        %dma_start3A_308 = arith.constant 0 : i32
        %dma_start3A_309 = tpu.memref_slice %arg5[%dma_start3A_307, %dma_start3A_308] : memref<1000000x128xf32, #tpu.memory_space<hbm>> -> memref<1000000x128xf32, #tpu.memory_space<hbm>>
        tpu.enqueue_indirect_dma source(%dma_start3A_309 : memref<1000000x128xf32, #tpu.memory_space<hbm>>) target(%dma_start3A_305 : memref<64x128xf32, #tpu.memory_space<vmem>>) offsets(%dma_start3A_306 : memref<64xi32, #tpu.memory_space<vmem>>) semaphore(%arg17 : memref<!tpu.dma_semaphore, #tpu.memory_space<semaphore_mem>>)
      } else {
      }
      %scan3A_271 = arith.constant 0 : i32
      %scan3A_272 = arith.constant 0 : i32
      %scan3A_273 = arith.constant 16 : i32
      %scan3A_274 = arith.addi %scan3A_272, %scan3A_273 : i32
      %scan3A_275 = arith.constant 1 : i32
      scf.for %scan3A_285 = %scan3A_272 to %scan3A_274 step %scan3A_275  : i32 {
        %mul3A_286 = arith.constant 4 : i32
        %mul3A_287 = arith.muli %scan3A_285, %mul3A_286 : i32
        %add3A_288 = arith.constant 0 : i32
        %add3A_289 = arith.addi %mul3A_287, %add3A_288 : i32
        %get3A = arith.constant 576 : i32
        %get3A_290 = arith.constant 0 : i32
        %get3A_291 = tpu.memref_slice %arg11[%get3A, %get3A_290] : memref<768x128xf32, #tpu.memory_space<vmem>> -> memref<64x128xf32, #tpu.memory_space<vmem>>
        %get3A_292 = arith.index_cast %add3A_289 : i32 to index
        %get3A_293 = arith.constant 0 : index
        %get3A_294 = tpu.vector_load %get3A_291[%get3A_292, %get3A_293] {strides = array<i32>} : memref<64x128xf32, #tpu.memory_space<vmem>>, vector<16xf32>,
        %get3A_295 = arith.constant 576 : i32
        %get3A_296 = arith.constant 0 : i32
        %get3A_297 = tpu.memref_slice %arg11[%get3A_295, %get3A_296] : memref<768x128xf32, #tpu.memory_space<vmem>> -> memref<64x128xf32, #tpu.memory_space<vmem>>
        %get3A_298 = arith.index_cast %add3A_289 : i32 to index
        %get3A_299 = arith.constant 64 : index
        %get3A_300 = tpu.vector_load %get3A_297[%get3A_298, %get3A_299] {strides = array<i32>} : memref<64x128xf32, #tpu.memory_space<vmem>>, vector<16xf32>,
        %get3A_301 = arith.constant 640 : i32
        %get3A_302 = arith.constant 0 : i32
        %get3A_303 = tpu.memref_slice %arg11[%get3A_301, %get3A_302] : memref<768x128xf32, #tpu.memory_space<vmem>> -> memref<64x128xf32, #tpu.memory_space<vmem>>
        %get3A_304 = arith.index_cast %add3A_289 : i32 to index
        %get3A_305 = arith.constant 0 : index
        %get3A_306 = tpu.vector_load %get3A_303[%get3A_304, %get3A_305] {strides = array<i32>} : memref<64x128xf32, #tpu.memory_space<vmem>>, vector<16xf32>,
        %get3A_307 = arith.constant 640 : i32
        %get3A_308 = arith.constant 0 : i32
        %get3A_309 = tpu.memref_slice %arg11[%get3A_307, %get3A_308] : memref<768x128xf32, #tpu.memory_space<vmem>> -> memref<64x128xf32, #tpu.memory_space<vmem>>
        %get3A_310 = arith.index_cast %add3A_289 : i32 to index
        %get3A_311 = arith.constant 64 : index
        %get3A_312 = tpu.vector_load %get3A_309[%get3A_310, %get3A_311] {strides = array<i32>} : memref<64x128xf32, #tpu.memory_space<vmem>>, vector<16xf32>,
        %get3A_313 = arith.constant 704 : i32
        %get3A_314 = arith.constant 0 : i32
        %get3A_315 = tpu.memref_slice %arg11[%get3A_313, %get3A_314] : memref<768x128xf32, #tpu.memory_space<vmem>> -> memref<64x128xf32, #tpu.memory_space<vmem>>
        %get3A_316 = arith.index_cast %add3A_289 : i32 to index
        %get3A_317 = arith.constant 0 : index
        %get3A_318 = tpu.vector_load %get3A_315[%get3A_316, %get3A_317] {strides = array<i32>} : memref<64x128xf32, #tpu.memory_space<vmem>>, vector<16xf32>,
        %get3A_319 = arith.constant 704 : i32
        %get3A_320 = arith.constant 0 : i32
        %get3A_321 = tpu.memref_slice %arg11[%get3A_319, %get3A_320] : memref<768x128xf32, #tpu.memory_space<vmem>> -> memref<64x128xf32, #tpu.memory_space<vmem>>
        %get3A_322 = arith.index_cast %add3A_289 : i32 to index
        %get3A_323 = arith.constant 64 : index
        %get3A_324 = tpu.vector_load %get3A_321[%get3A_322, %get3A_323] {strides = array<i32>} : memref<64x128xf32, #tpu.memory_space<vmem>>, vector<16xf32>,
        %mul3A_325 = arith.mulf %get3A_294, %get3A_306 : vector<16xf32>
        %mul3A_326 = arith.mulf %get3A_300, %get3A_312 : vector<16xf32>
        %sub3A = arith.subf %mul3A_325, %mul3A_326 : vector<16xf32>
        %mul3A_327 = arith.mulf %get3A_318, %sub3A : vector<16xf32>
        %mul3A_328 = arith.mulf %get3A_294, %get3A_312 : vector<16xf32>
        %mul3A_329 = arith.mulf %get3A_300, %get3A_306 : vector<16xf32>
        %add3A_330 = arith.addf %mul3A_328, %mul3A_329 : vector<16xf32>
        %mul3A_331 = arith.mulf %get3A_324, %add3A_330 : vector<16xf32>
        %add3A_332 = arith.addf %mul3A_327, %mul3A_331 : vector<16xf32>
        %get3A_333 = arith.constant 576 : i32
        %get3A_334 = arith.constant 0 : i32
        %get3A_335 = tpu.memref_slice %arg11[%get3A_333, %get3A_334] : memref<768x128xf32, #tpu.memory_space<vmem>> -> memref<64x128xf32, #tpu.memory_space<vmem>>
        %get3A_336 = arith.index_cast %add3A_289 : i32 to index
        %get3A_337 = arith.constant 16 : index
        %get3A_338 = tpu.vector_load %get3A_335[%get3A_336, %get3A_337] {strides = array<i32>} : memref<64x128xf32, #tpu.memory_space<vmem>>, vector<16xf32>,
        %get3A_339 = arith.constant 576 : i32
        %get3A_340 = arith.constant 0 : i32
        %get3A_341 = tpu.memref_slice %arg11[%get3A_339, %get3A_340] : memref<768x128xf32, #tpu.memory_space<vmem>> -> memref<64x128xf32, #tpu.memory_space<vmem>>
        %get3A_342 = arith.index_cast %add3A_289 : i32 to index
        %get3A_343 = arith.constant 80 : index
        %get3A_344 = tpu.vector_load %get3A_341[%get3A_342, %get3A_343] {strides = array<i32>} : memref<64x128xf32, #tpu.memory_space<vmem>>, vector<16xf32>,
        %get3A_345 = arith.constant 640 : i32
        %get3A_346 = arith.constant 0 : i32
        %get3A_347 = tpu.memref_slice %arg11[%get3A_345, %get3A_346] : memref<768x128xf32, #tpu.memory_space<vmem>> -> memref<64x128xf32, #tpu.memory_space<vmem>>
        %get3A_348 = arith.index_cast %add3A_289 : i32 to index
        %get3A_349 = arith.constant 16 : index
        %get3A_350 = tpu.vector_load %get3A_347[%get3A_348, %get3A_349] {strides = array<i32>} : memref<64x128xf32, #tpu.memory_space<vmem>>, vector<16xf32>,
        %get3A_351 = arith.constant 640 : i32
        %get3A_352 = arith.constant 0 : i32
        %get3A_353 = tpu.memref_slice %arg11[%get3A_351, %get3A_352] : memref<768x128xf32, #tpu.memory_space<vmem>> -> memref<64x128xf32, #tpu.memory_space<vmem>>
        %get3A_354 = arith.index_cast %add3A_289 : i32 to index
        %get3A_355 = arith.constant 80 : index
        %get3A_356 = tpu.vector_load %get3A_353[%get3A_354, %get3A_355] {strides = array<i32>} : memref<64x128xf32, #tpu.memory_space<vmem>>, vector<16xf32>,
        %get3A_357 = arith.constant 704 : i32
        %get3A_358 = arith.constant 0 : i32
        %get3A_359 = tpu.memref_slice %arg11[%get3A_357, %get3A_358] : memref<768x128xf32, #tpu.memory_space<vmem>> -> memref<64x128xf32, #tpu.memory_space<vmem>>
        %get3A_360 = arith.index_cast %add3A_289 : i32 to index
        %get3A_361 = arith.constant 16 : index
        %get3A_362 = tpu.vector_load %get3A_359[%get3A_360, %get3A_361] {strides = array<i32>} : memref<64x128xf32, #tpu.memory_space<vmem>>, vector<16xf32>,
        %get3A_363 = arith.constant 704 : i32
        %get3A_364 = arith.constant 0 : i32
        %get3A_365 = tpu.memref_slice %arg11[%get3A_363, %get3A_364] : memref<768x128xf32, #tpu.memory_space<vmem>> -> memref<64x128xf32, #tpu.memory_space<vmem>>
        %get3A_366 = arith.index_cast %add3A_289 : i32 to index
        %get3A_367 = arith.constant 80 : index
        %get3A_368 = tpu.vector_load %get3A_365[%get3A_366, %get3A_367] {strides = array<i32>} : memref<64x128xf32, #tpu.memory_space<vmem>>, vector<16xf32>,
        %mul3A_369 = arith.mulf %get3A_338, %get3A_350 : vector<16xf32>
        %mul3A_370 = arith.mulf %get3A_344, %get3A_356 : vector<16xf32>
        %sub3A_371 = arith.subf %mul3A_369, %mul3A_370 : vector<16xf32>
        %mul3A_372 = arith.mulf %get3A_362, %sub3A_371 : vector<16xf32>
        %mul3A_373 = arith.mulf %get3A_338, %get3A_356 : vector<16xf32>
        %mul3A_374 = arith.mulf %get3A_344, %get3A_350 : vector<16xf32>
        %add3A_375 = arith.addf %mul3A_373, %mul3A_374 : vector<16xf32>
        %mul3A_376 = arith.mulf %get3A_368, %add3A_375 : vector<16xf32>
        %add3A_377 = arith.addf %mul3A_372, %mul3A_376 : vector<16xf32>
        %add3A_378 = arith.addf %add3A_332, %add3A_377 : vector<16xf32>
        %get3A_379 = arith.constant 576 : i32
        %get3A_380 = arith.constant 0 : i32
        %get3A_381 = tpu.memref_slice %arg11[%get3A_379, %get3A_380] : memref<768x128xf32, #tpu.memory_space<vmem>> -> memref<64x128xf32, #tpu.memory_space<vmem>>
        %get3A_382 = arith.index_cast %add3A_289 : i32 to index
        %get3A_383 = arith.constant 32 : index
        %get3A_384 = tpu.vector_load %get3A_381[%get3A_382, %get3A_383] {strides = array<i32>} : memref<64x128xf32, #tpu.memory_space<vmem>>, vector<16xf32>,
        %get3A_385 = arith.constant 576 : i32
        %get3A_386 = arith.constant 0 : i32
        %get3A_387 = tpu.memref_slice %arg11[%get3A_385, %get3A_386] : memref<768x128xf32, #tpu.memory_space<vmem>> -> memref<64x128xf32, #tpu.memory_space<vmem>>
        %get3A_388 = arith.index_cast %add3A_289 : i32 to index
        %get3A_389 = arith.constant 96 : index
        %get3A_390 = tpu.vector_load %get3A_387[%get3A_388, %get3A_389] {strides = array<i32>} : memref<64x128xf32, #tpu.memory_space<vmem>>, vector<16xf32>,
        %get3A_391 = arith.constant 640 : i32
        %get3A_392 = arith.constant 0 : i32
        %get3A_393 = tpu.memref_slice %arg11[%get3A_391, %get3A_392] : memref<768x128xf32, #tpu.memory_space<vmem>> -> memref<64x128xf32, #tpu.memory_space<vmem>>
        %get3A_394 = arith.index_cast %add3A_289 : i32 to index
        %get3A_395 = arith.constant 32 : index
        %get3A_396 = tpu.vector_load %get3A_393[%get3A_394, %get3A_395] {strides = array<i32>} : memref<64x128xf32, #tpu.memory_space<vmem>>, vector<16xf32>,
        %get3A_397 = arith.constant 640 : i32
        %get3A_398 = arith.constant 0 : i32
        %get3A_399 = tpu.memref_slice %arg11[%get3A_397, %get3A_398] : memref<768x128xf32, #tpu.memory_space<vmem>> -> memref<64x128xf32, #tpu.memory_space<vmem>>
        %get3A_400 = arith.index_cast %add3A_289 : i32 to index
        %get3A_401 = arith.constant 96 : index
        %get3A_402 = tpu.vector_load %get3A_399[%get3A_400, %get3A_401] {strides = array<i32>} : memref<64x128xf32, #tpu.memory_space<vmem>>, vector<16xf32>,
        %get3A_403 = arith.constant 704 : i32
        %get3A_404 = arith.constant 0 : i32
        %get3A_405 = tpu.memref_slice %arg11[%get3A_403, %get3A_404] : memref<768x128xf32, #tpu.memory_space<vmem>> -> memref<64x128xf32, #tpu.memory_space<vmem>>
        %get3A_406 = arith.index_cast %add3A_289 : i32 to index
        %get3A_407 = arith.constant 32 : index
        %get3A_408 = tpu.vector_load %get3A_405[%get3A_406, %get3A_407] {strides = array<i32>} : memref<64x128xf32, #tpu.memory_space<vmem>>, vector<16xf32>,
        %get3A_409 = arith.constant 704 : i32
        %get3A_410 = arith.constant 0 : i32
        %get3A_411 = tpu.memref_slice %arg11[%get3A_409, %get3A_410] : memref<768x128xf32, #tpu.memory_space<vmem>> -> memref<64x128xf32, #tpu.memory_space<vmem>>
        %get3A_412 = arith.index_cast %add3A_289 : i32 to index
        %get3A_413 = arith.constant 96 : index
        %get3A_414 = tpu.vector_load %get3A_411[%get3A_412, %get3A_413] {strides = array<i32>} : memref<64x128xf32, #tpu.memory_space<vmem>>, vector<16xf32>,
        %mul3A_415 = arith.mulf %get3A_384, %get3A_396 : vector<16xf32>
        %mul3A_416 = arith.mulf %get3A_390, %get3A_402 : vector<16xf32>
        %sub3A_417 = arith.subf %mul3A_415, %mul3A_416 : vector<16xf32>
        %mul3A_418 = arith.mulf %get3A_408, %sub3A_417 : vector<16xf32>
        %mul3A_419 = arith.mulf %get3A_384, %get3A_402 : vector<16xf32>
        %mul3A_420 = arith.mulf %get3A_390, %get3A_396 : vector<16xf32>
        %add3A_421 = arith.addf %mul3A_419, %mul3A_420 : vector<16xf32>
        %mul3A_422 = arith.mulf %get3A_414, %add3A_421 : vector<16xf32>
        %add3A_423 = arith.addf %mul3A_418, %mul3A_422 : vector<16xf32>
        %add3A_424 = arith.addf %add3A_378, %add3A_423 : vector<16xf32>
        %get3A_425 = arith.constant 576 : i32
        %get3A_426 = arith.constant 0 : i32
        %get3A_427 = tpu.memref_slice %arg11[%get3A_425, %get3A_426] : memref<768x128xf32, #tpu.memory_space<vmem>> -> memref<64x128xf32, #tpu.memory_space<vmem>>
        %get3A_428 = arith.index_cast %add3A_289 : i32 to index
        %get3A_429 = arith.constant 48 : index
        %get3A_430 = tpu.vector_load %get3A_427[%get3A_428, %get3A_429] {strides = array<i32>} : memref<64x128xf32, #tpu.memory_space<vmem>>, vector<16xf32>,
        %get3A_431 = arith.constant 576 : i32
        %get3A_432 = arith.constant 0 : i32
        %get3A_433 = tpu.memref_slice %arg11[%get3A_431, %get3A_432] : memref<768x128xf32, #tpu.memory_space<vmem>> -> memref<64x128xf32, #tpu.memory_space<vmem>>
        %get3A_434 = arith.index_cast %add3A_289 : i32 to index
        %get3A_435 = arith.constant 112 : index
        %get3A_436 = tpu.vector_load %get3A_433[%get3A_434, %get3A_435] {strides = array<i32>} : memref<64x128xf32, #tpu.memory_space<vmem>>, vector<16xf32>,
        %get3A_437 = arith.constant 640 : i32
        %get3A_438 = arith.constant 0 : i32
        %get3A_439 = tpu.memref_slice %arg11[%get3A_437, %get3A_438] : memref<768x128xf32, #tpu.memory_space<vmem>> -> memref<64x128xf32, #tpu.memory_space<vmem>>
        %get3A_440 = arith.index_cast %add3A_289 : i32 to index
        %get3A_441 = arith.constant 48 : index
        %get3A_442 = tpu.vector_load %get3A_439[%get3A_440, %get3A_441] {strides = array<i32>} : memref<64x128xf32, #tpu.memory_space<vmem>>, vector<16xf32>,
        %get3A_443 = arith.constant 640 : i32
        %get3A_444 = arith.constant 0 : i32
        %get3A_445 = tpu.memref_slice %arg11[%get3A_443, %get3A_444] : memref<768x128xf32, #tpu.memory_space<vmem>> -> memref<64x128xf32, #tpu.memory_space<vmem>>
        %get3A_446 = arith.index_cast %add3A_289 : i32 to index
        %get3A_447 = arith.constant 112 : index
        %get3A_448 = tpu.vector_load %get3A_445[%get3A_446, %get3A_447] {strides = array<i32>} : memref<64x128xf32, #tpu.memory_space<vmem>>, vector<16xf32>,
        %get3A_449 = arith.constant 704 : i32
        %get3A_450 = arith.constant 0 : i32
        %get3A_451 = tpu.memref_slice %arg11[%get3A_449, %get3A_450] : memref<768x128xf32, #tpu.memory_space<vmem>> -> memref<64x128xf32, #tpu.memory_space<vmem>>
        %get3A_452 = arith.index_cast %add3A_289 : i32 to index
        %get3A_453 = arith.constant 48 : index
        %get3A_454 = tpu.vector_load %get3A_451[%get3A_452, %get3A_453] {strides = array<i32>} : memref<64x128xf32, #tpu.memory_space<vmem>>, vector<16xf32>,
        %get3A_455 = arith.constant 704 : i32
        %get3A_456 = arith.constant 0 : i32
        %get3A_457 = tpu.memref_slice %arg11[%get3A_455, %get3A_456] : memref<768x128xf32, #tpu.memory_space<vmem>> -> memref<64x128xf32, #tpu.memory_space<vmem>>
        %get3A_458 = arith.index_cast %add3A_289 : i32 to index
        %get3A_459 = arith.constant 112 : index
        %get3A_460 = tpu.vector_load %get3A_457[%get3A_458, %get3A_459] {strides = array<i32>} : memref<64x128xf32, #tpu.memory_space<vmem>>, vector<16xf32>,
        %mul3A_461 = arith.mulf %get3A_430, %get3A_442 : vector<16xf32>
        %mul3A_462 = arith.mulf %get3A_436, %get3A_448 : vector<16xf32>
        %sub3A_463 = arith.subf %mul3A_461, %mul3A_462 : vector<16xf32>
        %mul3A_464 = arith.mulf %get3A_454, %sub3A_463 : vector<16xf32>
        %mul3A_465 = arith.mulf %get3A_430, %get3A_448 : vector<16xf32>
        %mul3A_466 = arith.mulf %get3A_436, %get3A_442 : vector<16xf32>
        %add3A_467 = arith.addf %mul3A_465, %mul3A_466 : vector<16xf32>
        %mul3A_468 = arith.mulf %get3A_460, %add3A_467 : vector<16xf32>
        %add3A_469 = arith.addf %mul3A_464, %mul3A_468 : vector<16xf32>
        %add3A_470 = arith.addf %add3A_424, %add3A_469 : vector<16xf32>
        %cumsum3A = arith.constant true
        %cumsum3A_471 = vector.broadcast %cumsum3A : i1 to vector<16xi1>
        %cumsum3A_472 = tpu.scan <sum>, %add3A_470 masked %cumsum3A_471 : vector<16xf32>, vector<16xi1> -> vector<16xf32>
        %add3A_473 = arith.constant 0 : i32
        %add3A_474 = arith.addi %mul3A_287, %add3A_473 : i32
        %swap3A = arith.index_cast %add3A_474 : i32 to index
        %swap3A_475 = arith.constant 0 : index
        %swap3A_476 = tpu.vector_load %arg12[%swap3A, %swap3A_475] {strides = array<i32>} : memref<64x16xf32, #tpu.memory_space<vmem>>, vector<16xf32>,
        tpu.vector_store %arg12[%swap3A, %swap3A_475], %cumsum3A_472 {strides = array<i32>} : memref<64x16xf32, #tpu.memory_space<vmem>>, vector<16xf32>,
        %add3A_477 = arith.constant 1 : i32
        %add3A_478 = arith.addi %mul3A_287, %add3A_477 : i32
        %get3A_479 = arith.constant 576 : i32
        %get3A_480 = arith.constant 0 : i32
        %get3A_481 = tpu.memref_slice %arg11[%get3A_479, %get3A_480] : memref<768x128xf32, #tpu.memory_space<vmem>> -> memref<64x128xf32, #tpu.memory_space<vmem>>
        %get3A_482 = arith.index_cast %add3A_478 : i32 to index
        %get3A_483 = arith.constant 0 : index
        %get3A_484 = tpu.vector_load %get3A_481[%get3A_482, %get3A_483] {strides = array<i32>} : memref<64x128xf32, #tpu.memory_space<vmem>>, vector<16xf32>,
        %get3A_485 = arith.constant 576 : i32
        %get3A_486 = arith.constant 0 : i32
        %get3A_487 = tpu.memref_slice %arg11[%get3A_485, %get3A_486] : memref<768x128xf32, #tpu.memory_space<vmem>> -> memref<64x128xf32, #tpu.memory_space<vmem>>
        %get3A_488 = arith.index_cast %add3A_478 : i32 to index
        %get3A_489 = arith.constant 64 : index
        %get3A_490 = tpu.vector_load %get3A_487[%get3A_488, %get3A_489] {strides = array<i32>} : memref<64x128xf32, #tpu.memory_space<vmem>>, vector<16xf32>,
        %get3A_491 = arith.constant 640 : i32
        %get3A_492 = arith.constant 0 : i32
        %get3A_493 = tpu.memref_slice %arg11[%get3A_491, %get3A_492] : memref<768x128xf32, #tpu.memory_space<vmem>> -> memref<64x128xf32, #tpu.memory_space<vmem>>
        %get3A_494 = arith.index_cast %add3A_478 : i32 to index
        %get3A_495 = arith.constant 0 : index
        %get3A_496 = tpu.vector_load %get3A_493[%get3A_494, %get3A_495] {strides = array<i32>} : memref<64x128xf32, #tpu.memory_space<vmem>>, vector<16xf32>,
        %get3A_497 = arith.constant 640 : i32
        %get3A_498 = arith.constant 0 : i32
        %get3A_499 = tpu.memref_slice %arg11[%get3A_497, %get3A_498] : memref<768x128xf32, #tpu.memory_space<vmem>> -> memref<64x128xf32, #tpu.memory_space<vmem>>
        %get3A_500 = arith.index_cast %add3A_478 : i32 to index
        %get3A_501 = arith.constant 64 : index
        %get3A_502 = tpu.vector_load %get3A_499[%get3A_500, %get3A_501] {strides = array<i32>} : memref<64x128xf32, #tpu.memory_space<vmem>>, vector<16xf32>,
        %get3A_503 = arith.constant 704 : i32
        %get3A_504 = arith.constant 0 : i32
        %get3A_505 = tpu.memref_slice %arg11[%get3A_503, %get3A_504] : memref<768x128xf32, #tpu.memory_space<vmem>> -> memref<64x128xf32, #tpu.memory_space<vmem>>
        %get3A_506 = arith.index_cast %add3A_478 : i32 to index
        %get3A_507 = arith.constant 0 : index
        %get3A_508 = tpu.vector_load %get3A_505[%get3A_506, %get3A_507] {strides = array<i32>} : memref<64x128xf32, #tpu.memory_space<vmem>>, vector<16xf32>,
        %get3A_509 = arith.constant 704 : i32
        %get3A_510 = arith.constant 0 : i32
        %get3A_511 = tpu.memref_slice %arg11[%get3A_509, %get3A_510] : memref<768x128xf32, #tpu.memory_space<vmem>> -> memref<64x128xf32, #tpu.memory_space<vmem>>
        %get3A_512 = arith.index_cast %add3A_478 : i32 to index
        %get3A_513 = arith.constant 64 : index
        %get3A_514 = tpu.vector_load %get3A_511[%get3A_512, %get3A_513] {strides = array<i32>} : memref<64x128xf32, #tpu.memory_space<vmem>>, vector<16xf32>,
        %mul3A_515 = arith.mulf %get3A_484, %get3A_496 : vector<16xf32>
        %mul3A_516 = arith.mulf %get3A_490, %get3A_502 : vector<16xf32>
        %sub3A_517 = arith.subf %mul3A_515, %mul3A_516 : vector<16xf32>
        %mul3A_518 = arith.mulf %get3A_508, %sub3A_517 : vector<16xf32>
        %mul3A_519 = arith.mulf %get3A_484, %get3A_502 : vector<16xf32>
        %mul3A_520 = arith.mulf %get3A_490, %get3A_496 : vector<16xf32>
        %add3A_521 = arith.addf %mul3A_519, %mul3A_520 : vector<16xf32>
        %mul3A_522 = arith.mulf %get3A_514, %add3A_521 : vector<16xf32>
        %add3A_523 = arith.addf %mul3A_518, %mul3A_522 : vector<16xf32>
        %get3A_524 = arith.constant 576 : i32
        %get3A_525 = arith.constant 0 : i32
        %get3A_526 = tpu.memref_slice %arg11[%get3A_524, %get3A_525] : memref<768x128xf32, #tpu.memory_space<vmem>> -> memref<64x128xf32, #tpu.memory_space<vmem>>
        %get3A_527 = arith.index_cast %add3A_478 : i32 to index
        %get3A_528 = arith.constant 16 : index
        %get3A_529 = tpu.vector_load %get3A_526[%get3A_527, %get3A_528] {strides = array<i32>} : memref<64x128xf32, #tpu.memory_space<vmem>>, vector<16xf32>,
        %get3A_530 = arith.constant 576 : i32
        %get3A_531 = arith.constant 0 : i32
        %get3A_532 = tpu.memref_slice %arg11[%get3A_530, %get3A_531] : memref<768x128xf32, #tpu.memory_space<vmem>> -> memref<64x128xf32, #tpu.memory_space<vmem>>
        %get3A_533 = arith.index_cast %add3A_478 : i32 to index
        %get3A_534 = arith.constant 80 : index
        %get3A_535 = tpu.vector_load %get3A_532[%get3A_533, %get3A_534] {strides = array<i32>} : memref<64x128xf32, #tpu.memory_space<vmem>>, vector<16xf32>,
        %get3A_536 = arith.constant 640 : i32
        %get3A_537 = arith.constant 0 : i32
        %get3A_538 = tpu.memref_slice %arg11[%get3A_536, %get3A_537] : memref<768x128xf32, #tpu.memory_space<vmem>> -> memref<64x128xf32, #tpu.memory_space<vmem>>
        %get3A_539 = arith.index_cast %add3A_478 : i32 to index
        %get3A_540 = arith.constant 16 : index
        %get3A_541 = tpu.vector_load %get3A_538[%get3A_539, %get3A_540] {strides = array<i32>} : memref<64x128xf32, #tpu.memory_space<vmem>>, vector<16xf32>,
        %get3A_542 = arith.constant 640 : i32
        %get3A_543 = arith.constant 0 : i32
        %get3A_544 = tpu.memref_slice %arg11[%get3A_542, %get3A_543] : memref<768x128xf32, #tpu.memory_space<vmem>> -> memref<64x128xf32, #tpu.memory_space<vmem>>
        %get3A_545 = arith.index_cast %add3A_478 : i32 to index
        %get3A_546 = arith.constant 80 : index
        %get3A_547 = tpu.vector_load %get3A_544[%get3A_545, %get3A_546] {strides = array<i32>} : memref<64x128xf32, #tpu.memory_space<vmem>>, vector<16xf32>,
        %get3A_548 = arith.constant 704 : i32
        %get3A_549 = arith.constant 0 : i32
        %get3A_550 = tpu.memref_slice %arg11[%get3A_548, %get3A_549] : memref<768x128xf32, #tpu.memory_space<vmem>> -> memref<64x128xf32, #tpu.memory_space<vmem>>
        %get3A_551 = arith.index_cast %add3A_478 : i32 to index
        %get3A_552 = arith.constant 16 : index
        %get3A_553 = tpu.vector_load %get3A_550[%get3A_551, %get3A_552] {strides = array<i32>} : memref<64x128xf32, #tpu.memory_space<vmem>>, vector<16xf32>,
        %get3A_554 = arith.constant 704 : i32
        %get3A_555 = arith.constant 0 : i32
        %get3A_556 = tpu.memref_slice %arg11[%get3A_554, %get3A_555] : memref<768x128xf32, #tpu.memory_space<vmem>> -> memref<64x128xf32, #tpu.memory_space<vmem>>
        %get3A_557 = arith.index_cast %add3A_478 : i32 to index
        %get3A_558 = arith.constant 80 : index
        %get3A_559 = tpu.vector_load %get3A_556[%get3A_557, %get3A_558] {strides = array<i32>} : memref<64x128xf32, #tpu.memory_space<vmem>>, vector<16xf32>,
        %mul3A_560 = arith.mulf %get3A_529, %get3A_541 : vector<16xf32>
        %mul3A_561 = arith.mulf %get3A_535, %get3A_547 : vector<16xf32>
        %sub3A_562 = arith.subf %mul3A_560, %mul3A_561 : vector<16xf32>
        %mul3A_563 = arith.mulf %get3A_553, %sub3A_562 : vector<16xf32>
        %mul3A_564 = arith.mulf %get3A_529, %get3A_547 : vector<16xf32>
        %mul3A_565 = arith.mulf %get3A_535, %get3A_541 : vector<16xf32>
        %add3A_566 = arith.addf %mul3A_564, %mul3A_565 : vector<16xf32>
        %mul3A_567 = arith.mulf %get3A_559, %add3A_566 : vector<16xf32>
        %add3A_568 = arith.addf %mul3A_563, %mul3A_567 : vector<16xf32>
        %add3A_569 = arith.addf %add3A_523, %add3A_568 : vector<16xf32>
        %get3A_570 = arith.constant 576 : i32
        %get3A_571 = arith.constant 0 : i32
        %get3A_572 = tpu.memref_slice %arg11[%get3A_570, %get3A_571] : memref<768x128xf32, #tpu.memory_space<vmem>> -> memref<64x128xf32, #tpu.memory_space<vmem>>
        %get3A_573 = arith.index_cast %add3A_478 : i32 to index
        %get3A_574 = arith.constant 32 : index
        %get3A_575 = tpu.vector_load %get3A_572[%get3A_573, %get3A_574] {strides = array<i32>} : memref<64x128xf32, #tpu.memory_space<vmem>>, vector<16xf32>,
        %get3A_576 = arith.constant 576 : i32
        %get3A_577 = arith.constant 0 : i32
        %get3A_578 = tpu.memref_slice %arg11[%get3A_576, %get3A_577] : memref<768x128xf32, #tpu.memory_space<vmem>> -> memref<64x128xf32, #tpu.memory_space<vmem>>
        %get3A_579 = arith.index_cast %add3A_478 : i32 to index
        %get3A_580 = arith.constant 96 : index
        %get3A_581 = tpu.vector_load %get3A_578[%get3A_579, %get3A_580] {strides = array<i32>} : memref<64x128xf32, #tpu.memory_space<vmem>>, vector<16xf32>,
        %get3A_582 = arith.constant 640 : i32
        %get3A_583 = arith.constant 0 : i32
        %get3A_584 = tpu.memref_slice %arg11[%get3A_582, %get3A_583] : memref<768x128xf32, #tpu.memory_space<vmem>> -> memref<64x128xf32, #tpu.memory_space<vmem>>
        %get3A_585 = arith.index_cast %add3A_478 : i32 to index
        %get3A_586 = arith.constant 32 : index
        %get3A_587 = tpu.vector_load %get3A_584[%get3A_585, %get3A_586] {strides = array<i32>} : memref<64x128xf32, #tpu.memory_space<vmem>>, vector<16xf32>,
        %get3A_588 = arith.constant 640 : i32
        %get3A_589 = arith.constant 0 : i32
        %get3A_590 = tpu.memref_slice %arg11[%get3A_588, %get3A_589] : memref<768x128xf32, #tpu.memory_space<vmem>> -> memref<64x128xf32, #tpu.memory_space<vmem>>
        %get3A_591 = arith.index_cast %add3A_478 : i32 to index
        %get3A_592 = arith.constant 96 : index
        %get3A_593 = tpu.vector_load %get3A_590[%get3A_591, %get3A_592] {strides = array<i32>} : memref<64x128xf32, #tpu.memory_space<vmem>>, vector<16xf32>,
        %get3A_594 = arith.constant 704 : i32
        %get3A_595 = arith.constant 0 : i32
        %get3A_596 = tpu.memref_slice %arg11[%get3A_594, %get3A_595] : memref<768x128xf32, #tpu.memory_space<vmem>> -> memref<64x128xf32, #tpu.memory_space<vmem>>
        %get3A_597 = arith.index_cast %add3A_478 : i32 to index
        %get3A_598 = arith.constant 32 : index
        %get3A_599 = tpu.vector_load %get3A_596[%get3A_597, %get3A_598] {strides = array<i32>} : memref<64x128xf32, #tpu.memory_space<vmem>>, vector<16xf32>,
        %get3A_600 = arith.constant 704 : i32
        %get3A_601 = arith.constant 0 : i32
        %get3A_602 = tpu.memref_slice %arg11[%get3A_600, %get3A_601] : memref<768x128xf32, #tpu.memory_space<vmem>> -> memref<64x128xf32, #tpu.memory_space<vmem>>
        %get3A_603 = arith.index_cast %add3A_478 : i32 to index
        %get3A_604 = arith.constant 96 : index
        %get3A_605 = tpu.vector_load %get3A_602[%get3A_603, %get3A_604] {strides = array<i32>} : memref<64x128xf32, #tpu.memory_space<vmem>>, vector<16xf32>,
        %mul3A_606 = arith.mulf %get3A_575, %get3A_587 : vector<16xf32>
        %mul3A_607 = arith.mulf %get3A_581, %get3A_593 : vector<16xf32>
        %sub3A_608 = arith.subf %mul3A_606, %mul3A_607 : vector<16xf32>
        %mul3A_609 = arith.mulf %get3A_599, %sub3A_608 : vector<16xf32>
        %mul3A_610 = arith.mulf %get3A_575, %get3A_593 : vector<16xf32>
        %mul3A_611 = arith.mulf %get3A_581, %get3A_587 : vector<16xf32>
        %add3A_612 = arith.addf %mul3A_610, %mul3A_611 : vector<16xf32>
        %mul3A_613 = arith.mulf %get3A_605, %add3A_612 : vector<16xf32>
        %add3A_614 = arith.addf %mul3A_609, %mul3A_613 : vector<16xf32>
        %add3A_615 = arith.addf %add3A_569, %add3A_614 : vector<16xf32>
        %get3A_616 = arith.constant 576 : i32
        %get3A_617 = arith.constant 0 : i32
        %get3A_618 = tpu.memref_slice %arg11[%get3A_616, %get3A_617] : memref<768x128xf32, #tpu.memory_space<vmem>> -> memref<64x128xf32, #tpu.memory_space<vmem>>
        %get3A_619 = arith.index_cast %add3A_478 : i32 to index
        %get3A_620 = arith.constant 48 : index
        %get3A_621 = tpu.vector_load %get3A_618[%get3A_619, %get3A_620] {strides = array<i32>} : memref<64x128xf32, #tpu.memory_space<vmem>>, vector<16xf32>,
        %get3A_622 = arith.constant 576 : i32
        %get3A_623 = arith.constant 0 : i32
        %get3A_624 = tpu.memref_slice %arg11[%get3A_622, %get3A_623] : memref<768x128xf32, #tpu.memory_space<vmem>> -> memref<64x128xf32, #tpu.memory_space<vmem>>
        %get3A_625 = arith.index_cast %add3A_478 : i32 to index
        %get3A_626 = arith.constant 112 : index
        %get3A_627 = tpu.vector_load %get3A_624[%get3A_625, %get3A_626] {strides = array<i32>} : memref<64x128xf32, #tpu.memory_space<vmem>>, vector<16xf32>,
        %get3A_628 = arith.constant 640 : i32
        %get3A_629 = arith.constant 0 : i32
        %get3A_630 = tpu.memref_slice %arg11[%get3A_628, %get3A_629] : memref<768x128xf32, #tpu.memory_space<vmem>> -> memref<64x128xf32, #tpu.memory_space<vmem>>
        %get3A_631 = arith.index_cast %add3A_478 : i32 to index
        %get3A_632 = arith.constant 48 : index
        %get3A_633 = tpu.vector_load %get3A_630[%get3A_631, %get3A_632] {strides = array<i32>} : memref<64x128xf32, #tpu.memory_space<vmem>>, vector<16xf32>,
        %get3A_634 = arith.constant 640 : i32
        %get3A_635 = arith.constant 0 : i32
        %get3A_636 = tpu.memref_slice %arg11[%get3A_634, %get3A_635] : memref<768x128xf32, #tpu.memory_space<vmem>> -> memref<64x128xf32, #tpu.memory_space<vmem>>
        %get3A_637 = arith.index_cast %add3A_478 : i32 to index
        %get3A_638 = arith.constant 112 : index
        %get3A_639 = tpu.vector_load %get3A_636[%get3A_637, %get3A_638] {strides = array<i32>} : memref<64x128xf32, #tpu.memory_space<vmem>>, vector<16xf32>,
        %get3A_640 = arith.constant 704 : i32
        %get3A_641 = arith.constant 0 : i32
        %get3A_642 = tpu.memref_slice %arg11[%get3A_640, %get3A_641] : memref<768x128xf32, #tpu.memory_space<vmem>> -> memref<64x128xf32, #tpu.memory_space<vmem>>
        %get3A_643 = arith.index_cast %add3A_478 : i32 to index
        %get3A_644 = arith.constant 48 : index
        %get3A_645 = tpu.vector_load %get3A_642[%get3A_643, %get3A_644] {strides = array<i32>} : memref<64x128xf32, #tpu.memory_space<vmem>>, vector<16xf32>,
        %get3A_646 = arith.constant 704 : i32
        %get3A_647 = arith.constant 0 : i32
        %get3A_648 = tpu.memref_slice %arg11[%get3A_646, %get3A_647] : memref<768x128xf32, #tpu.memory_space<vmem>> -> memref<64x128xf32, #tpu.memory_space<vmem>>
        %get3A_649 = arith.index_cast %add3A_478 : i32 to index
        %get3A_650 = arith.constant 112 : index
        %get3A_651 = tpu.vector_load %get3A_648[%get3A_649, %get3A_650] {strides = array<i32>} : memref<64x128xf32, #tpu.memory_space<vmem>>, vector<16xf32>,
        %mul3A_652 = arith.mulf %get3A_621, %get3A_633 : vector<16xf32>
        %mul3A_653 = arith.mulf %get3A_627, %get3A_639 : vector<16xf32>
        %sub3A_654 = arith.subf %mul3A_652, %mul3A_653 : vector<16xf32>
        %mul3A_655 = arith.mulf %get3A_645, %sub3A_654 : vector<16xf32>
        %mul3A_656 = arith.mulf %get3A_621, %get3A_639 : vector<16xf32>
        %mul3A_657 = arith.mulf %get3A_627, %get3A_633 : vector<16xf32>
        %add3A_658 = arith.addf %mul3A_656, %mul3A_657 : vector<16xf32>
        %mul3A_659 = arith.mulf %get3A_651, %add3A_658 : vector<16xf32>
        %add3A_660 = arith.addf %mul3A_655, %mul3A_659 : vector<16xf32>
        %add3A_661 = arith.addf %add3A_615, %add3A_660 : vector<16xf32>
        %cumsum3A_662 = arith.constant true
        %cumsum3A_663 = vector.broadcast %cumsum3A_662 : i1 to vector<16xi1>
        %cumsum3A_664 = tpu.scan <sum>, %add3A_661 masked %cumsum3A_663 : vector<16xf32>, vector<16xi1> -> vector<16xf32>
        %add3A_665 = arith.constant 1 : i32
        %add3A_666 = arith.addi %mul3A_287, %add3A_665 : i32
        %swap3A_667 = arith.index_cast %add3A_666 : i32 to index
        %swap3A_668 = arith.constant 0 : index
        %swap3A_669 = tpu.vector_load %arg12[%swap3A_667, %swap3A_668] {strides = array<i32>} : memref<64x16xf32, #tpu.memory_space<vmem>>, vector<16xf32>,
        tpu.vector_store %arg12[%swap3A_667, %swap3A_668], %cumsum3A_664 {strides = array<i32>} : memref<64x16xf32, #tpu.memory_space<vmem>>, vector<16xf32>,
        %add3A_670 = arith.constant 2 : i32
        %add3A_671 = arith.addi %mul3A_287, %add3A_670 : i32
        %get3A_672 = arith.constant 576 : i32
        %get3A_673 = arith.constant 0 : i32
        %get3A_674 = tpu.memref_slice %arg11[%get3A_672, %get3A_673] : memref<768x128xf32, #tpu.memory_space<vmem>> -> memref<64x128xf32, #tpu.memory_space<vmem>>
        %get3A_675 = arith.index_cast %add3A_671 : i32 to index
        %get3A_676 = arith.constant 0 : index
        %get3A_677 = tpu.vector_load %get3A_674[%get3A_675, %get3A_676] {strides = array<i32>} : memref<64x128xf32, #tpu.memory_space<vmem>>, vector<16xf32>,
        %get3A_678 = arith.constant 576 : i32
        %get3A_679 = arith.constant 0 : i32
        %get3A_680 = tpu.memref_slice %arg11[%get3A_678, %get3A_679] : memref<768x128xf32, #tpu.memory_space<vmem>> -> memref<64x128xf32, #tpu.memory_space<vmem>>
        %get3A_681 = arith.index_cast %add3A_671 : i32 to index
        %get3A_682 = arith.constant 64 : index
        %get3A_683 = tpu.vector_load %get3A_680[%get3A_681, %get3A_682] {strides = array<i32>} : memref<64x128xf32, #tpu.memory_space<vmem>>, vector<16xf32>,
        %get3A_684 = arith.constant 640 : i32
        %get3A_685 = arith.constant 0 : i32
        %get3A_686 = tpu.memref_slice %arg11[%get3A_684, %get3A_685] : memref<768x128xf32, #tpu.memory_space<vmem>> -> memref<64x128xf32, #tpu.memory_space<vmem>>
        %get3A_687 = arith.index_cast %add3A_671 : i32 to index
        %get3A_688 = arith.constant 0 : index
        %get3A_689 = tpu.vector_load %get3A_686[%get3A_687, %get3A_688] {strides = array<i32>} : memref<64x128xf32, #tpu.memory_space<vmem>>, vector<16xf32>,
        %get3A_690 = arith.constant 640 : i32
        %get3A_691 = arith.constant 0 : i32
        %get3A_692 = tpu.memref_slice %arg11[%get3A_690, %get3A_691] : memref<768x128xf32, #tpu.memory_space<vmem>> -> memref<64x128xf32, #tpu.memory_space<vmem>>
        %get3A_693 = arith.index_cast %add3A_671 : i32 to index
        %get3A_694 = arith.constant 64 : index
        %get3A_695 = tpu.vector_load %get3A_692[%get3A_693, %get3A_694] {strides = array<i32>} : memref<64x128xf32, #tpu.memory_space<vmem>>, vector<16xf32>,
        %get3A_696 = arith.constant 704 : i32
        %get3A_697 = arith.constant 0 : i32
        %get3A_698 = tpu.memref_slice %arg11[%get3A_696, %get3A_697] : memref<768x128xf32, #tpu.memory_space<vmem>> -> memref<64x128xf32, #tpu.memory_space<vmem>>
        %get3A_699 = arith.index_cast %add3A_671 : i32 to index
        %get3A_700 = arith.constant 0 : index
        %get3A_701 = tpu.vector_load %get3A_698[%get3A_699, %get3A_700] {strides = array<i32>} : memref<64x128xf32, #tpu.memory_space<vmem>>, vector<16xf32>,
        %get3A_702 = arith.constant 704 : i32
        %get3A_703 = arith.constant 0 : i32
        %get3A_704 = tpu.memref_slice %arg11[%get3A_702, %get3A_703] : memref<768x128xf32, #tpu.memory_space<vmem>> -> memref<64x128xf32, #tpu.memory_space<vmem>>
        %get3A_705 = arith.index_cast %add3A_671 : i32 to index
        %get3A_706 = arith.constant 64 : index
        %get3A_707 = tpu.vector_load %get3A_704[%get3A_705, %get3A_706] {strides = array<i32>} : memref<64x128xf32, #tpu.memory_space<vmem>>, vector<16xf32>,
        %mul3A_708 = arith.mulf %get3A_677, %get3A_689 : vector<16xf32>
        %mul3A_709 = arith.mulf %get3A_683, %get3A_695 : vector<16xf32>
        %sub3A_710 = arith.subf %mul3A_708, %mul3A_709 : vector<16xf32>
        %mul3A_711 = arith.mulf %get3A_701, %sub3A_710 : vector<16xf32>
        %mul3A_712 = arith.mulf %get3A_677, %get3A_695 : vector<16xf32>
        %mul3A_713 = arith.mulf %get3A_683, %get3A_689 : vector<16xf32>
        %add3A_714 = arith.addf %mul3A_712, %mul3A_713 : vector<16xf32>
        %mul3A_715 = arith.mulf %get3A_707, %add3A_714 : vector<16xf32>
        %add3A_716 = arith.addf %mul3A_711, %mul3A_715 : vector<16xf32>
        %get3A_717 = arith.constant 576 : i32
        %get3A_718 = arith.constant 0 : i32
        %get3A_719 = tpu.memref_slice %arg11[%get3A_717, %get3A_718] : memref<768x128xf32, #tpu.memory_space<vmem>> -> memref<64x128xf32, #tpu.memory_space<vmem>>
        %get3A_720 = arith.index_cast %add3A_671 : i32 to index
        %get3A_721 = arith.constant 16 : index
        %get3A_722 = tpu.vector_load %get3A_719[%get3A_720, %get3A_721] {strides = array<i32>} : memref<64x128xf32, #tpu.memory_space<vmem>>, vector<16xf32>,
        %get3A_723 = arith.constant 576 : i32
        %get3A_724 = arith.constant 0 : i32
        %get3A_725 = tpu.memref_slice %arg11[%get3A_723, %get3A_724] : memref<768x128xf32, #tpu.memory_space<vmem>> -> memref<64x128xf32, #tpu.memory_space<vmem>>
        %get3A_726 = arith.index_cast %add3A_671 : i32 to index
        %get3A_727 = arith.constant 80 : index
        %get3A_728 = tpu.vector_load %get3A_725[%get3A_726, %get3A_727] {strides = array<i32>} : memref<64x128xf32, #tpu.memory_space<vmem>>, vector<16xf32>,
        %get3A_729 = arith.constant 640 : i32
        %get3A_730 = arith.constant 0 : i32
        %get3A_731 = tpu.memref_slice %arg11[%get3A_729, %get3A_730] : memref<768x128xf32, #tpu.memory_space<vmem>> -> memref<64x128xf32, #tpu.memory_space<vmem>>
        %get3A_732 = arith.index_cast %add3A_671 : i32 to index
        %get3A_733 = arith.constant 16 : index
        %get3A_734 = tpu.vector_load %get3A_731[%get3A_732, %get3A_733] {strides = array<i32>} : memref<64x128xf32, #tpu.memory_space<vmem>>, vector<16xf32>,
        %get3A_735 = arith.constant 640 : i32
        %get3A_736 = arith.constant 0 : i32
        %get3A_737 = tpu.memref_slice %arg11[%get3A_735, %get3A_736] : memref<768x128xf32, #tpu.memory_space<vmem>> -> memref<64x128xf32, #tpu.memory_space<vmem>>
        %get3A_738 = arith.index_cast %add3A_671 : i32 to index
        %get3A_739 = arith.constant 80 : index
        %get3A_740 = tpu.vector_load %get3A_737[%get3A_738, %get3A_739] {strides = array<i32>} : memref<64x128xf32, #tpu.memory_space<vmem>>, vector<16xf32>,
        %get3A_741 = arith.constant 704 : i32
        %get3A_742 = arith.constant 0 : i32
        %get3A_743 = tpu.memref_slice %arg11[%get3A_741, %get3A_742] : memref<768x128xf32, #tpu.memory_space<vmem>> -> memref<64x128xf32, #tpu.memory_space<vmem>>
        %get3A_744 = arith.index_cast %add3A_671 : i32 to index
        %get3A_745 = arith.constant 16 : index
        %get3A_746 = tpu.vector_load %get3A_743[%get3A_744, %get3A_745] {strides = array<i32>} : memref<64x128xf32, #tpu.memory_space<vmem>>, vector<16xf32>,
        %get3A_747 = arith.constant 704 : i32
        %get3A_748 = arith.constant 0 : i32
        %get3A_749 = tpu.memref_slice %arg11[%get3A_747, %get3A_748] : memref<768x128xf32, #tpu.memory_space<vmem>> -> memref<64x128xf32, #tpu.memory_space<vmem>>
        %get3A_750 = arith.index_cast %add3A_671 : i32 to index
        %get3A_751 = arith.constant 80 : index
        %get3A_752 = tpu.vector_load %get3A_749[%get3A_750, %get3A_751] {strides = array<i32>} : memref<64x128xf32, #tpu.memory_space<vmem>>, vector<16xf32>,
        %mul3A_753 = arith.mulf %get3A_722, %get3A_734 : vector<16xf32>
        %mul3A_754 = arith.mulf %get3A_728, %get3A_740 : vector<16xf32>
        %sub3A_755 = arith.subf %mul3A_753, %mul3A_754 : vector<16xf32>
        %mul3A_756 = arith.mulf %get3A_746, %sub3A_755 : vector<16xf32>
        %mul3A_757 = arith.mulf %get3A_722, %get3A_740 : vector<16xf32>
        %mul3A_758 = arith.mulf %get3A_728, %get3A_734 : vector<16xf32>
        %add3A_759 = arith.addf %mul3A_757, %mul3A_758 : vector<16xf32>
        %mul3A_760 = arith.mulf %get3A_752, %add3A_759 : vector<16xf32>
        %add3A_761 = arith.addf %mul3A_756, %mul3A_760 : vector<16xf32>
        %add3A_762 = arith.addf %add3A_716, %add3A_761 : vector<16xf32>
        %get3A_763 = arith.constant 576 : i32
        %get3A_764 = arith.constant 0 : i32
        %get3A_765 = tpu.memref_slice %arg11[%get3A_763, %get3A_764] : memref<768x128xf32, #tpu.memory_space<vmem>> -> memref<64x128xf32, #tpu.memory_space<vmem>>
        %get3A_766 = arith.index_cast %add3A_671 : i32 to index
        %get3A_767 = arith.constant 32 : index
        %get3A_768 = tpu.vector_load %get3A_765[%get3A_766, %get3A_767] {strides = array<i32>} : memref<64x128xf32, #tpu.memory_space<vmem>>, vector<16xf32>,
        %get3A_769 = arith.constant 576 : i32
        %get3A_770 = arith.constant 0 : i32
        %get3A_771 = tpu.memref_slice %arg11[%get3A_769, %get3A_770] : memref<768x128xf32, #tpu.memory_space<vmem>> -> memref<64x128xf32, #tpu.memory_space<vmem>>
        %get3A_772 = arith.index_cast %add3A_671 : i32 to index
        %get3A_773 = arith.constant 96 : index
        %get3A_774 = tpu.vector_load %get3A_771[%get3A_772, %get3A_773] {strides = array<i32>} : memref<64x128xf32, #tpu.memory_space<vmem>>, vector<16xf32>,
        %get3A_775 = arith.constant 640 : i32
        %get3A_776 = arith.constant 0 : i32
        %get3A_777 = tpu.memref_slice %arg11[%get3A_775, %get3A_776] : memref<768x128xf32, #tpu.memory_space<vmem>> -> memref<64x128xf32, #tpu.memory_space<vmem>>
        %get3A_778 = arith.index_cast %add3A_671 : i32 to index
        %get3A_779 = arith.constant 32 : index
        %get3A_780 = tpu.vector_load %get3A_777[%get3A_778, %get3A_779] {strides = array<i32>} : memref<64x128xf32, #tpu.memory_space<vmem>>, vector<16xf32>,
        %get3A_781 = arith.constant 640 : i32
        %get3A_782 = arith.constant 0 : i32
        %get3A_783 = tpu.memref_slice %arg11[%get3A_781, %get3A_782] : memref<768x128xf32, #tpu.memory_space<vmem>> -> memref<64x128xf32, #tpu.memory_space<vmem>>
        %get3A_784 = arith.index_cast %add3A_671 : i32 to index
        %get3A_785 = arith.constant 96 : index
        %get3A_786 = tpu.vector_load %get3A_783[%get3A_784, %get3A_785] {strides = array<i32>} : memref<64x128xf32, #tpu.memory_space<vmem>>, vector<16xf32>,
        %get3A_787 = arith.constant 704 : i32
        %get3A_788 = arith.constant 0 : i32
        %get3A_789 = tpu.memref_slice %arg11[%get3A_787, %get3A_788] : memref<768x128xf32, #tpu.memory_space<vmem>> -> memref<64x128xf32, #tpu.memory_space<vmem>>
        %get3A_790 = arith.index_cast %add3A_671 : i32 to index
        %get3A_791 = arith.constant 32 : index
        %get3A_792 = tpu.vector_load %get3A_789[%get3A_790, %get3A_791] {strides = array<i32>} : memref<64x128xf32, #tpu.memory_space<vmem>>, vector<16xf32>,
        %get3A_793 = arith.constant 704 : i32
        %get3A_794 = arith.constant 0 : i32
        %get3A_795 = tpu.memref_slice %arg11[%get3A_793, %get3A_794] : memref<768x128xf32, #tpu.memory_space<vmem>> -> memref<64x128xf32, #tpu.memory_space<vmem>>
        %get3A_796 = arith.index_cast %add3A_671 : i32 to index
        %get3A_797 = arith.constant 96 : index
        %get3A_798 = tpu.vector_load %get3A_795[%get3A_796, %get3A_797] {strides = array<i32>} : memref<64x128xf32, #tpu.memory_space<vmem>>, vector<16xf32>,
        %mul3A_799 = arith.mulf %get3A_768, %get3A_780 : vector<16xf32>
        %mul3A_800 = arith.mulf %get3A_774, %get3A_786 : vector<16xf32>
        %sub3A_801 = arith.subf %mul3A_799, %mul3A_800 : vector<16xf32>
        %mul3A_802 = arith.mulf %get3A_792, %sub3A_801 : vector<16xf32>
        %mul3A_803 = arith.mulf %get3A_768, %get3A_786 : vector<16xf32>
        %mul3A_804 = arith.mulf %get3A_774, %get3A_780 : vector<16xf32>
        %add3A_805 = arith.addf %mul3A_803, %mul3A_804 : vector<16xf32>
        %mul3A_806 = arith.mulf %get3A_798, %add3A_805 : vector<16xf32>
        %add3A_807 = arith.addf %mul3A_802, %mul3A_806 : vector<16xf32>
        %add3A_808 = arith.addf %add3A_762, %add3A_807 : vector<16xf32>
        %get3A_809 = arith.constant 576 : i32
        %get3A_810 = arith.constant 0 : i32
        %get3A_811 = tpu.memref_slice %arg11[%get3A_809, %get3A_810] : memref<768x128xf32, #tpu.memory_space<vmem>> -> memref<64x128xf32, #tpu.memory_space<vmem>>
        %get3A_812 = arith.index_cast %add3A_671 : i32 to index
        %get3A_813 = arith.constant 48 : index
        %get3A_814 = tpu.vector_load %get3A_811[%get3A_812, %get3A_813] {strides = array<i32>} : memref<64x128xf32, #tpu.memory_space<vmem>>, vector<16xf32>,
        %get3A_815 = arith.constant 576 : i32
        %get3A_816 = arith.constant 0 : i32
        %get3A_817 = tpu.memref_slice %arg11[%get3A_815, %get3A_816] : memref<768x128xf32, #tpu.memory_space<vmem>> -> memref<64x128xf32, #tpu.memory_space<vmem>>
        %get3A_818 = arith.index_cast %add3A_671 : i32 to index
        %get3A_819 = arith.constant 112 : index
        %get3A_820 = tpu.vector_load %get3A_817[%get3A_818, %get3A_819] {strides = array<i32>} : memref<64x128xf32, #tpu.memory_space<vmem>>, vector<16xf32>,
        %get3A_821 = arith.constant 640 : i32
        %get3A_822 = arith.constant 0 : i32
        %get3A_823 = tpu.memref_slice %arg11[%get3A_821, %get3A_822] : memref<768x128xf32, #tpu.memory_space<vmem>> -> memref<64x128xf32, #tpu.memory_space<vmem>>
        %get3A_824 = arith.index_cast %add3A_671 : i32 to index
        %get3A_825 = arith.constant 48 : index
        %get3A_826 = tpu.vector_load %get3A_823[%get3A_824, %get3A_825] {strides = array<i32>} : memref<64x128xf32, #tpu.memory_space<vmem>>, vector<16xf32>,
        %get3A_827 = arith.constant 640 : i32
        %get3A_828 = arith.constant 0 : i32
        %get3A_829 = tpu.memref_slice %arg11[%get3A_827, %get3A_828] : memref<768x128xf32, #tpu.memory_space<vmem>> -> memref<64x128xf32, #tpu.memory_space<vmem>>
        %get3A_830 = arith.index_cast %add3A_671 : i32 to index
        %get3A_831 = arith.constant 112 : index
        %get3A_832 = tpu.vector_load %get3A_829[%get3A_830, %get3A_831] {strides = array<i32>} : memref<64x128xf32, #tpu.memory_space<vmem>>, vector<16xf32>,
        %get3A_833 = arith.constant 704 : i32
        %get3A_834 = arith.constant 0 : i32
        %get3A_835 = tpu.memref_slice %arg11[%get3A_833, %get3A_834] : memref<768x128xf32, #tpu.memory_space<vmem>> -> memref<64x128xf32, #tpu.memory_space<vmem>>
        %get3A_836 = arith.index_cast %add3A_671 : i32 to index
        %get3A_837 = arith.constant 48 : index
        %get3A_838 = tpu.vector_load %get3A_835[%get3A_836, %get3A_837] {strides = array<i32>} : memref<64x128xf32, #tpu.memory_space<vmem>>, vector<16xf32>,
        %get3A_839 = arith.constant 704 : i32
        %get3A_840 = arith.constant 0 : i32
        %get3A_841 = tpu.memref_slice %arg11[%get3A_839, %get3A_840] : memref<768x128xf32, #tpu.memory_space<vmem>> -> memref<64x128xf32, #tpu.memory_space<vmem>>
        %get3A_842 = arith.index_cast %add3A_671 : i32 to index
        %get3A_843 = arith.constant 112 : index
        %get3A_844 = tpu.vector_load %get3A_841[%get3A_842, %get3A_843] {strides = array<i32>} : memref<64x128xf32, #tpu.memory_space<vmem>>, vector<16xf32>,
        %mul3A_845 = arith.mulf %get3A_814, %get3A_826 : vector<16xf32>
        %mul3A_846 = arith.mulf %get3A_820, %get3A_832 : vector<16xf32>
        %sub3A_847 = arith.subf %mul3A_845, %mul3A_846 : vector<16xf32>
        %mul3A_848 = arith.mulf %get3A_838, %sub3A_847 : vector<16xf32>
        %mul3A_849 = arith.mulf %get3A_814, %get3A_832 : vector<16xf32>
        %mul3A_850 = arith.mulf %get3A_820, %get3A_826 : vector<16xf32>
        %add3A_851 = arith.addf %mul3A_849, %mul3A_850 : vector<16xf32>
        %mul3A_852 = arith.mulf %get3A_844, %add3A_851 : vector<16xf32>
        %add3A_853 = arith.addf %mul3A_848, %mul3A_852 : vector<16xf32>
        %add3A_854 = arith.addf %add3A_808, %add3A_853 : vector<16xf32>
        %cumsum3A_855 = arith.constant true
        %cumsum3A_856 = vector.broadcast %cumsum3A_855 : i1 to vector<16xi1>
        %cumsum3A_857 = tpu.scan <sum>, %add3A_854 masked %cumsum3A_856 : vector<16xf32>, vector<16xi1> -> vector<16xf32>
        %add3A_858 = arith.constant 2 : i32
        %add3A_859 = arith.addi %mul3A_287, %add3A_858 : i32
        %swap3A_860 = arith.index_cast %add3A_859 : i32 to index
        %swap3A_861 = arith.constant 0 : index
        %swap3A_862 = tpu.vector_load %arg12[%swap3A_860, %swap3A_861] {strides = array<i32>} : memref<64x16xf32, #tpu.memory_space<vmem>>, vector<16xf32>,
        tpu.vector_store %arg12[%swap3A_860, %swap3A_861], %cumsum3A_857 {strides = array<i32>} : memref<64x16xf32, #tpu.memory_space<vmem>>, vector<16xf32>,
        %add3A_863 = arith.constant 3 : i32
        %add3A_864 = arith.addi %mul3A_287, %add3A_863 : i32
        %get3A_865 = arith.constant 576 : i32
        %get3A_866 = arith.constant 0 : i32
        %get3A_867 = tpu.memref_slice %arg11[%get3A_865, %get3A_866] : memref<768x128xf32, #tpu.memory_space<vmem>> -> memref<64x128xf32, #tpu.memory_space<vmem>>
        %get3A_868 = arith.index_cast %add3A_864 : i32 to index
        %get3A_869 = arith.constant 0 : index
        %get3A_870 = tpu.vector_load %get3A_867[%get3A_868, %get3A_869] {strides = array<i32>} : memref<64x128xf32, #tpu.memory_space<vmem>>, vector<16xf32>,
        %get3A_871 = arith.constant 576 : i32
        %get3A_872 = arith.constant 0 : i32
        %get3A_873 = tpu.memref_slice %arg11[%get3A_871, %get3A_872] : memref<768x128xf32, #tpu.memory_space<vmem>> -> memref<64x128xf32, #tpu.memory_space<vmem>>
        %get3A_874 = arith.index_cast %add3A_864 : i32 to index
        %get3A_875 = arith.constant 64 : index
        %get3A_876 = tpu.vector_load %get3A_873[%get3A_874, %get3A_875] {strides = array<i32>} : memref<64x128xf32, #tpu.memory_space<vmem>>, vector<16xf32>,
        %get3A_877 = arith.constant 640 : i32
        %get3A_878 = arith.constant 0 : i32
        %get3A_879 = tpu.memref_slice %arg11[%get3A_877, %get3A_878] : memref<768x128xf32, #tpu.memory_space<vmem>> -> memref<64x128xf32, #tpu.memory_space<vmem>>
        %get3A_880 = arith.index_cast %add3A_864 : i32 to index
        %get3A_881 = arith.constant 0 : index
        %get3A_882 = tpu.vector_load %get3A_879[%get3A_880, %get3A_881] {strides = array<i32>} : memref<64x128xf32, #tpu.memory_space<vmem>>, vector<16xf32>,
        %get3A_883 = arith.constant 640 : i32
        %get3A_884 = arith.constant 0 : i32
        %get3A_885 = tpu.memref_slice %arg11[%get3A_883, %get3A_884] : memref<768x128xf32, #tpu.memory_space<vmem>> -> memref<64x128xf32, #tpu.memory_space<vmem>>
        %get3A_886 = arith.index_cast %add3A_864 : i32 to index
        %get3A_887 = arith.constant 64 : index
        %get3A_888 = tpu.vector_load %get3A_885[%get3A_886, %get3A_887] {strides = array<i32>} : memref<64x128xf32, #tpu.memory_space<vmem>>, vector<16xf32>,
        %get3A_889 = arith.constant 704 : i32
        %get3A_890 = arith.constant 0 : i32
        %get3A_891 = tpu.memref_slice %arg11[%get3A_889, %get3A_890] : memref<768x128xf32, #tpu.memory_space<vmem>> -> memref<64x128xf32, #tpu.memory_space<vmem>>
        %get3A_892 = arith.index_cast %add3A_864 : i32 to index
        %get3A_893 = arith.constant 0 : index
        %get3A_894 = tpu.vector_load %get3A_891[%get3A_892, %get3A_893] {strides = array<i32>} : memref<64x128xf32, #tpu.memory_space<vmem>>, vector<16xf32>,
        %get3A_895 = arith.constant 704 : i32
        %get3A_896 = arith.constant 0 : i32
        %get3A_897 = tpu.memref_slice %arg11[%get3A_895, %get3A_896] : memref<768x128xf32, #tpu.memory_space<vmem>> -> memref<64x128xf32, #tpu.memory_space<vmem>>
        %get3A_898 = arith.index_cast %add3A_864 : i32 to index
        %get3A_899 = arith.constant 64 : index
        %get3A_900 = tpu.vector_load %get3A_897[%get3A_898, %get3A_899] {strides = array<i32>} : memref<64x128xf32, #tpu.memory_space<vmem>>, vector<16xf32>,
        %mul3A_901 = arith.mulf %get3A_870, %get3A_882 : vector<16xf32>
        %mul3A_902 = arith.mulf %get3A_876, %get3A_888 : vector<16xf32>
        %sub3A_903 = arith.subf %mul3A_901, %mul3A_902 : vector<16xf32>
        %mul3A_904 = arith.mulf %get3A_894, %sub3A_903 : vector<16xf32>
        %mul3A_905 = arith.mulf %get3A_870, %get3A_888 : vector<16xf32>
        %mul3A_906 = arith.mulf %get3A_876, %get3A_882 : vector<16xf32>
        %add3A_907 = arith.addf %mul3A_905, %mul3A_906 : vector<16xf32>
        %mul3A_908 = arith.mulf %get3A_900, %add3A_907 : vector<16xf32>
        %add3A_909 = arith.addf %mul3A_904, %mul3A_908 : vector<16xf32>
        %get3A_910 = arith.constant 576 : i32
        %get3A_911 = arith.constant 0 : i32
        %get3A_912 = tpu.memref_slice %arg11[%get3A_910, %get3A_911] : memref<768x128xf32, #tpu.memory_space<vmem>> -> memref<64x128xf32, #tpu.memory_space<vmem>>
        %get3A_913 = arith.index_cast %add3A_864 : i32 to index
        %get3A_914 = arith.constant 16 : index
        %get3A_915 = tpu.vector_load %get3A_912[%get3A_913, %get3A_914] {strides = array<i32>} : memref<64x128xf32, #tpu.memory_space<vmem>>, vector<16xf32>,
        %get3A_916 = arith.constant 576 : i32
        %get3A_917 = arith.constant 0 : i32
        %get3A_918 = tpu.memref_slice %arg11[%get3A_916, %get3A_917] : memref<768x128xf32, #tpu.memory_space<vmem>> -> memref<64x128xf32, #tpu.memory_space<vmem>>
        %get3A_919 = arith.index_cast %add3A_864 : i32 to index
        %get3A_920 = arith.constant 80 : index
        %get3A_921 = tpu.vector_load %get3A_918[%get3A_919, %get3A_920] {strides = array<i32>} : memref<64x128xf32, #tpu.memory_space<vmem>>, vector<16xf32>,
        %get3A_922 = arith.constant 640 : i32
        %get3A_923 = arith.constant 0 : i32
        %get3A_924 = tpu.memref_slice %arg11[%get3A_922, %get3A_923] : memref<768x128xf32, #tpu.memory_space<vmem>> -> memref<64x128xf32, #tpu.memory_space<vmem>>
        %get3A_925 = arith.index_cast %add3A_864 : i32 to index
        %get3A_926 = arith.constant 16 : index
        %get3A_927 = tpu.vector_load %get3A_924[%get3A_925, %get3A_926] {strides = array<i32>} : memref<64x128xf32, #tpu.memory_space<vmem>>, vector<16xf32>,
        %get3A_928 = arith.constant 640 : i32
        %get3A_929 = arith.constant 0 : i32
        %get3A_930 = tpu.memref_slice %arg11[%get3A_928, %get3A_929] : memref<768x128xf32, #tpu.memory_space<vmem>> -> memref<64x128xf32, #tpu.memory_space<vmem>>
        %get3A_931 = arith.index_cast %add3A_864 : i32 to index
        %get3A_932 = arith.constant 80 : index
        %get3A_933 = tpu.vector_load %get3A_930[%get3A_931, %get3A_932] {strides = array<i32>} : memref<64x128xf32, #tpu.memory_space<vmem>>, vector<16xf32>,
        %get3A_934 = arith.constant 704 : i32
        %get3A_935 = arith.constant 0 : i32
        %get3A_936 = tpu.memref_slice %arg11[%get3A_934, %get3A_935] : memref<768x128xf32, #tpu.memory_space<vmem>> -> memref<64x128xf32, #tpu.memory_space<vmem>>
        %get3A_937 = arith.index_cast %add3A_864 : i32 to index
        %get3A_938 = arith.constant 16 : index
        %get3A_939 = tpu.vector_load %get3A_936[%get3A_937, %get3A_938] {strides = array<i32>} : memref<64x128xf32, #tpu.memory_space<vmem>>, vector<16xf32>,
        %get3A_940 = arith.constant 704 : i32
        %get3A_941 = arith.constant 0 : i32
        %get3A_942 = tpu.memref_slice %arg11[%get3A_940, %get3A_941] : memref<768x128xf32, #tpu.memory_space<vmem>> -> memref<64x128xf32, #tpu.memory_space<vmem>>
        %get3A_943 = arith.index_cast %add3A_864 : i32 to index
        %get3A_944 = arith.constant 80 : index
        %get3A_945 = tpu.vector_load %get3A_942[%get3A_943, %get3A_944] {strides = array<i32>} : memref<64x128xf32, #tpu.memory_space<vmem>>, vector<16xf32>,
        %mul3A_946 = arith.mulf %get3A_915, %get3A_927 : vector<16xf32>
        %mul3A_947 = arith.mulf %get3A_921, %get3A_933 : vector<16xf32>
        %sub3A_948 = arith.subf %mul3A_946, %mul3A_947 : vector<16xf32>
        %mul3A_949 = arith.mulf %get3A_939, %sub3A_948 : vector<16xf32>
        %mul3A_950 = arith.mulf %get3A_915, %get3A_933 : vector<16xf32>
        %mul3A_951 = arith.mulf %get3A_921, %get3A_927 : vector<16xf32>
        %add3A_952 = arith.addf %mul3A_950, %mul3A_951 : vector<16xf32>
        %mul3A_953 = arith.mulf %get3A_945, %add3A_952 : vector<16xf32>
        %add3A_954 = arith.addf %mul3A_949, %mul3A_953 : vector<16xf32>
        %add3A_955 = arith.addf %add3A_909, %add3A_954 : vector<16xf32>
        %get3A_956 = arith.constant 576 : i32
        %get3A_957 = arith.constant 0 : i32
        %get3A_958 = tpu.memref_slice %arg11[%get3A_956, %get3A_957] : memref<768x128xf32, #tpu.memory_space<vmem>> -> memref<64x128xf32, #tpu.memory_space<vmem>>
        %get3A_959 = arith.index_cast %add3A_864 : i32 to index
        %get3A_960 = arith.constant 32 : index
        %get3A_961 = tpu.vector_load %get3A_958[%get3A_959, %get3A_960] {strides = array<i32>} : memref<64x128xf32, #tpu.memory_space<vmem>>, vector<16xf32>,
        %get3A_962 = arith.constant 576 : i32
        %get3A_963 = arith.constant 0 : i32
        %get3A_964 = tpu.memref_slice %arg11[%get3A_962, %get3A_963] : memref<768x128xf32, #tpu.memory_space<vmem>> -> memref<64x128xf32, #tpu.memory_space<vmem>>
        %get3A_965 = arith.index_cast %add3A_864 : i32 to index
        %get3A_966 = arith.constant 96 : index
        %get3A_967 = tpu.vector_load %get3A_964[%get3A_965, %get3A_966] {strides = array<i32>} : memref<64x128xf32, #tpu.memory_space<vmem>>, vector<16xf32>,
        %get3A_968 = arith.constant 640 : i32
        %get3A_969 = arith.constant 0 : i32
        %get3A_970 = tpu.memref_slice %arg11[%get3A_968, %get3A_969] : memref<768x128xf32, #tpu.memory_space<vmem>> -> memref<64x128xf32, #tpu.memory_space<vmem>>
        %get3A_971 = arith.index_cast %add3A_864 : i32 to index
        %get3A_972 = arith.constant 32 : index
        %get3A_973 = tpu.vector_load %get3A_970[%get3A_971, %get3A_972] {strides = array<i32>} : memref<64x128xf32, #tpu.memory_space<vmem>>, vector<16xf32>,
        %get3A_974 = arith.constant 640 : i32
        %get3A_975 = arith.constant 0 : i32
        %get3A_976 = tpu.memref_slice %arg11[%get3A_974, %get3A_975] : memref<768x128xf32, #tpu.memory_space<vmem>> -> memref<64x128xf32, #tpu.memory_space<vmem>>
        %get3A_977 = arith.index_cast %add3A_864 : i32 to index
        %get3A_978 = arith.constant 96 : index
        %get3A_979 = tpu.vector_load %get3A_976[%get3A_977, %get3A_978] {strides = array<i32>} : memref<64x128xf32, #tpu.memory_space<vmem>>, vector<16xf32>,
        %get3A_980 = arith.constant 704 : i32
        %get3A_981 = arith.constant 0 : i32
        %get3A_982 = tpu.memref_slice %arg11[%get3A_980, %get3A_981] : memref<768x128xf32, #tpu.memory_space<vmem>> -> memref<64x128xf32, #tpu.memory_space<vmem>>
        %get3A_983 = arith.index_cast %add3A_864 : i32 to index
        %get3A_984 = arith.constant 32 : index
        %get3A_985 = tpu.vector_load %get3A_982[%get3A_983, %get3A_984] {strides = array<i32>} : memref<64x128xf32, #tpu.memory_space<vmem>>, vector<16xf32>,
        %get3A_986 = arith.constant 704 : i32
        %get3A_987 = arith.constant 0 : i32
        %get3A_988 = tpu.memref_slice %arg11[%get3A_986, %get3A_987] : memref<768x128xf32, #tpu.memory_space<vmem>> -> memref<64x128xf32, #tpu.memory_space<vmem>>
        %get3A_989 = arith.index_cast %add3A_864 : i32 to index
        %get3A_990 = arith.constant 96 : index
        %get3A_991 = tpu.vector_load %get3A_988[%get3A_989, %get3A_990] {strides = array<i32>} : memref<64x128xf32, #tpu.memory_space<vmem>>, vector<16xf32>,
        %mul3A_992 = arith.mulf %get3A_961, %get3A_973 : vector<16xf32>
        %mul3A_993 = arith.mulf %get3A_967, %get3A_979 : vector<16xf32>
        %sub3A_994 = arith.subf %mul3A_992, %mul3A_993 : vector<16xf32>
        %mul3A_995 = arith.mulf %get3A_985, %sub3A_994 : vector<16xf32>
        %mul3A_996 = arith.mulf %get3A_961, %get3A_979 : vector<16xf32>
        %mul3A_997 = arith.mulf %get3A_967, %get3A_973 : vector<16xf32>
        %add3A_998 = arith.addf %mul3A_996, %mul3A_997 : vector<16xf32>
        %mul3A_999 = arith.mulf %get3A_991, %add3A_998 : vector<16xf32>
        %add3A_1000 = arith.addf %mul3A_995, %mul3A_999 : vector<16xf32>
        %add3A_1001 = arith.addf %add3A_955, %add3A_1000 : vector<16xf32>
        %get3A_1002 = arith.constant 576 : i32
        %get3A_1003 = arith.constant 0 : i32
        %get3A_1004 = tpu.memref_slice %arg11[%get3A_1002, %get3A_1003] : memref<768x128xf32, #tpu.memory_space<vmem>> -> memref<64x128xf32, #tpu.memory_space<vmem>>
        %get3A_1005 = arith.index_cast %add3A_864 : i32 to index
        %get3A_1006 = arith.constant 48 : index
        %get3A_1007 = tpu.vector_load %get3A_1004[%get3A_1005, %get3A_1006] {strides = array<i32>} : memref<64x128xf32, #tpu.memory_space<vmem>>, vector<16xf32>,
        %get3A_1008 = arith.constant 576 : i32
        %get3A_1009 = arith.constant 0 : i32
        %get3A_1010 = tpu.memref_slice %arg11[%get3A_1008, %get3A_1009] : memref<768x128xf32, #tpu.memory_space<vmem>> -> memref<64x128xf32, #tpu.memory_space<vmem>>
        %get3A_1011 = arith.index_cast %add3A_864 : i32 to index
        %get3A_1012 = arith.constant 112 : index
        %get3A_1013 = tpu.vector_load %get3A_1010[%get3A_1011, %get3A_1012] {strides = array<i32>} : memref<64x128xf32, #tpu.memory_space<vmem>>, vector<16xf32>,
        %get3A_1014 = arith.constant 640 : i32
        %get3A_1015 = arith.constant 0 : i32
        %get3A_1016 = tpu.memref_slice %arg11[%get3A_1014, %get3A_1015] : memref<768x128xf32, #tpu.memory_space<vmem>> -> memref<64x128xf32, #tpu.memory_space<vmem>>
        %get3A_1017 = arith.index_cast %add3A_864 : i32 to index
        %get3A_1018 = arith.constant 48 : index
        %get3A_1019 = tpu.vector_load %get3A_1016[%get3A_1017, %get3A_1018] {strides = array<i32>} : memref<64x128xf32, #tpu.memory_space<vmem>>, vector<16xf32>,
        %get3A_1020 = arith.constant 640 : i32
        %get3A_1021 = arith.constant 0 : i32
        %get3A_1022 = tpu.memref_slice %arg11[%get3A_1020, %get3A_1021] : memref<768x128xf32, #tpu.memory_space<vmem>> -> memref<64x128xf32, #tpu.memory_space<vmem>>
        %get3A_1023 = arith.index_cast %add3A_864 : i32 to index
        %get3A_1024 = arith.constant 112 : index
        %get3A_1025 = tpu.vector_load %get3A_1022[%get3A_1023, %get3A_1024] {strides = array<i32>} : memref<64x128xf32, #tpu.memory_space<vmem>>, vector<16xf32>,
        %get3A_1026 = arith.constant 704 : i32
        %get3A_1027 = arith.constant 0 : i32
        %get3A_1028 = tpu.memref_slice %arg11[%get3A_1026, %get3A_1027] : memref<768x128xf32, #tpu.memory_space<vmem>> -> memref<64x128xf32, #tpu.memory_space<vmem>>
        %get3A_1029 = arith.index_cast %add3A_864 : i32 to index
        %get3A_1030 = arith.constant 48 : index
        %get3A_1031 = tpu.vector_load %get3A_1028[%get3A_1029, %get3A_1030] {strides = array<i32>} : memref<64x128xf32, #tpu.memory_space<vmem>>, vector<16xf32>,
        %get3A_1032 = arith.constant 704 : i32
        %get3A_1033 = arith.constant 0 : i32
        %get3A_1034 = tpu.memref_slice %arg11[%get3A_1032, %get3A_1033] : memref<768x128xf32, #tpu.memory_space<vmem>> -> memref<64x128xf32, #tpu.memory_space<vmem>>
        %get3A_1035 = arith.index_cast %add3A_864 : i32 to index
        %get3A_1036 = arith.constant 112 : index
        %get3A_1037 = tpu.vector_load %get3A_1034[%get3A_1035, %get3A_1036] {strides = array<i32>} : memref<64x128xf32, #tpu.memory_space<vmem>>, vector<16xf32>,
        %mul3A_1038 = arith.mulf %get3A_1007, %get3A_1019 : vector<16xf32>
        %mul3A_1039 = arith.mulf %get3A_1013, %get3A_1025 : vector<16xf32>
        %sub3A_1040 = arith.subf %mul3A_1038, %mul3A_1039 : vector<16xf32>
        %mul3A_1041 = arith.mulf %get3A_1031, %sub3A_1040 : vector<16xf32>
        %mul3A_1042 = arith.mulf %get3A_1007, %get3A_1025 : vector<16xf32>
        %mul3A_1043 = arith.mulf %get3A_1013, %get3A_1019 : vector<16xf32>
        %add3A_1044 = arith.addf %mul3A_1042, %mul3A_1043 : vector<16xf32>
        %mul3A_1045 = arith.mulf %get3A_1037, %add3A_1044 : vector<16xf32>
        %add3A_1046 = arith.addf %mul3A_1041, %mul3A_1045 : vector<16xf32>
        %add3A_1047 = arith.addf %add3A_1001, %add3A_1046 : vector<16xf32>
        %cumsum3A_1048 = arith.constant true
        %cumsum3A_1049 = vector.broadcast %cumsum3A_1048 : i1 to vector<16xi1>
        %cumsum3A_1050 = tpu.scan <sum>, %add3A_1047 masked %cumsum3A_1049 : vector<16xf32>, vector<16xi1> -> vector<16xf32>
        %add3A_1051 = arith.constant 3 : i32
        %add3A_1052 = arith.addi %mul3A_287, %add3A_1051 : i32
        %swap3A_1053 = arith.index_cast %add3A_1052 : i32 to index
        %swap3A_1054 = arith.constant 0 : index
        %swap3A_1055 = tpu.vector_load %arg12[%swap3A_1053, %swap3A_1054] {strides = array<i32>} : memref<64x16xf32, #tpu.memory_space<vmem>>, vector<16xf32>,
        tpu.vector_store %arg12[%swap3A_1053, %swap3A_1054], %cumsum3A_1050 {strides = array<i32>} : memref<64x16xf32, #tpu.memory_space<vmem>>, vector<16xf32>,
      }
      %scan3A_276 = arith.constant 16 : i32
      %broadcast_in_dim3A_277 = arith.constant 15 : i32
      %broadcast_in_dim3A_278 = vector.broadcast %broadcast_in_dim3A_277 : i32 to vector<16xi32>
      %scan3A_279 = arith.constant 0 : i32
      %scan3A_280 = arith.constant 0 : i32
      %scan3A_281 = arith.constant 4 : i32
      %scan3A_282 = arith.addi %scan3A_280, %scan3A_281 : i32
      %scan3A_283 = arith.constant 1 : i32
      scf.for %scan3A_285 = %scan3A_280 to %scan3A_282 step %scan3A_283  : i32 {
        %mul3A_286 = arith.constant 16 : i32
        %mul3A_287 = arith.muli %scan3A_285, %mul3A_286 : i32
        %iota3A = tpu.iota {dimensions = array<i32: 0>} : vector<16xi32>
        %add3A_288 = vector.broadcast %mul3A_287 : i32 to vector<16xi32>
        %add3A_289 = arith.addi %add3A_288, %iota3A : vector<16xi32>
        %gather3A = tpu.vector_load_idx %arg12[%add3A_289, %broadcast_in_dim3A_278] : memref<64x16xf32, #tpu.memory_space<vmem>>[vector<16xi32>, vector<16xi32>], vector<16xf32>,
        %mul3A_290 = arith.constant 64 : i32
        %mul3A_291 = arith.muli %add3A_240, %mul3A_290 : i32
        %mul3A_292 = arith.constant 16 : i32
        %mul3A_293 = arith.muli %scan3A_285, %mul3A_292 : i32
        %add3A_294 = arith.addi %mul3A_291, %mul3A_293 : i32
        %swap3A = arith.index_cast %add3A_294 : i32 to index
        %swap3A_295 = tpu.vector_load %arg13[%swap3A] {strides = array<i32>} : memref<512xf32, #tpu.memory_space<vmem>>, vector<16xf32>,
        tpu.vector_store %arg13[%swap3A], %gather3A {strides = array<i32>} : memref<512xf32, #tpu.memory_space<vmem>>, vector<16xf32>,
      }
      %scan3A_284 = arith.constant 4 : i32
    }
    %scan3A_95 = arith.constant 2 : i32
    "tpu.region"() ({
      %run_scoped3A = tpu.sem_alloc : memref<!tpu.dma_semaphore, #tpu.memory_space<semaphore_mem>>
      %dma_start3A_96 = tpu.memref_slice %arg7[%mul3A_2] : memref<16384xf32, #tpu.memory_space<hbm>> -> memref<512xf32, #tpu.memory_space<hbm>>
      %dma_start3A_97 = tpu.memref_slice %arg7[%mul3A_2] : memref<16384xf32, #tpu.memory_space<hbm>> -> memref<512xf32, #tpu.memory_space<hbm>>
      tpu.enqueue_dma source(%arg13 : memref<512xf32, #tpu.memory_space<vmem>>) target(%dma_start3A_97 : memref<512xf32, #tpu.memory_space<hbm>>) target_semaphore(%run_scoped3A : memref<!tpu.dma_semaphore, #tpu.memory_space<semaphore_mem>>)
      %dma_wait3A_98 = tpu.memref_slice %arg7[%mul3A_2] : memref<16384xf32, #tpu.memory_space<hbm>> -> memref<512xf32, #tpu.memory_space<hbm>>
      %dma_wait3A_99 = tpu.memref_slice %arg7[%mul3A_2] : memref<16384xf32, #tpu.memory_space<hbm>> -> memref<512xf32, #tpu.memory_space<hbm>>
      tpu.wait_dma2 semaphore(%run_scoped3A : memref<!tpu.dma_semaphore, #tpu.memory_space<semaphore_mem>>) src(%arg13 : memref<512xf32, #tpu.memory_space<vmem>>) dst(%dma_wait3A_99 : memref<512xf32, #tpu.memory_space<hbm>>)
      tpu.yield
    }) : () -> ()
    return
  }
}

</mosaic_0001>

<sc_bundles>
// kernel: kernel.3.cloned.1.call-start
scs
__scs_entry_jumppad:
0x0: {  	(pc) =	sbr.rel $0x88, $3  }
0x1: {  	(tag) =	ssettag $0x0;
	lr =	simm.s32 $0x1  }
0x2: {  	[smem:$0x3F9C] =	sst lr;
	_ =	strace $0xD0000000  }
0x3: {  	_ = 	snop  }
0x4: {  	_ = 	snop  }
0x5: {  	_ = 	snop  }
0x6: {  	_ = 	snop  }
0x7: {  	_ = 	snop  }
__scs_overlays_trampoline_lowered:
0x8: {  	[smem:$0x3FAB] =	sst s0  }
0x9: {  	[smem:$0x3FAC] =	sst s1  }
0xa: {  	[smem:$0x3FAD] =	sst s2  }
0xb: {  	[smem:$0x3FAE] =	sst s3  }
0xc: {  	[smem:$0x3FAF] =	sst s4  }
0xd: {  	[smem:$0x3FB0] =	sst s5  }
0xe: {  	[smem:$0x3FB1] =	sst s6  }
0xf: {  	[smem:$0x3FB2] =	sst s7  }
0x10: {  	[smem:$0x3FB3] =	sst s8  }
0x11: {  	[smem:$0x3FB4] =	sst s9;
	s0 =	simm.s32 @!p0 $0x0  }
0x12: {  	s1 =	sld [smem:$0x3F9A];
	s0 =	simm.s32 @p0 $0x1  }
0x13: {  	[smem:$0x3FB5] =	sst s0;
	s0 =	simm.s32 @!p1 $0x0  }
0x14: {  	s2 =	sld [smem:$0x3F99];
	s0 =	simm.s32 @p1 $0x1  }
0x15: {  	[smem:$0x3FB6] =	sst s0;
	s0 =	simm.s32 @!p2 $0x0  }
0x16: {  	s3 =	sld [smem:$0x3FDB];
	s0 =	simm.s32 @p2 $0x1  }
0x17: {  	s4 =	simm.s32 $0x1BF5;
	[smem:$0x3FB8] =	sst s0  }
0x18: {  	s0 =	sld [smem:$0x3F9B];
	_ =	swait.ge [sflag:s4], $0x0  }
0x19: {  	s7 =	sld [smem:$0x3F9C]  }
0x1a: {  	s8 =	sadd.s32 $0xFFFFE003, lr  }
0x1b: {  	s9 =	sadd.s32 $0xFFFFFEF7, lr;
	s5 =	simm.s32 $0xFFFFFFFF;
	p2 =	slt.u32 s8, $0xFFFFF086  }
0x1c: {  	p1 =	slt.u32 s9, $0xF7A;
	s5 =	simm.s32 @!p2 $0x0  }
0x1d: {  	s5 =	simm.s32 @p1 $0x1;
	p0 =	seq.s32 s7, s2  }
0x1e: {  	s7 =	smul.u32 @!p0 $0xF7A, s2;
	p2 =	seq.s32 @!p0 s5, $0x0  }
0x1f: {  	s9 =	smul.u32 $0xF7A, s1;
	s8 =	simm.s32 @!p0 $0x1BF5;
	p2 =	por !p2, p0  }
0x20: {  	[sflag:s8] =	ssyncset.s32 @!p0 $0xFFFFF086;
	s6 =	sadd.s32 @!p0 s3, s7;
	s7 =	simm.s32 @!p0 $0x108  }
0x21: {  	s3 =	sadd.s32 s3, s9;
	s6 =	sadd.s32 @!p0 $0x88, s6;
	s7 =	simm.s32 @p2 $0x1082  }
0x22: {  	[simem:s7], [sflag:s8] =	dma.local @!p0 [hbm:s6], $0xF7A  }
0x23: {  	s9 =	sor.u32 $0xD0000000, s2;
	s6 =	simm.s32 $0x108;
	_ =	swait.ge @!p0 [sflag:s8], $0x0  }
0x24: {  	s3 =	sadd.s32 $0x88, s3;
	s6 =	simm.s32 @!p1 $0x1082;
	[sflag:s4] =	ssyncset.s32 $0xFFFFF086  }
0x25: {  	[simem:s6], [sflag:s4] =	dma.local [hbm:s3], $0xF7A  }
0x26: {  	[smem:$0x3F9C] =	sst s1;
	(tag) =	ssettag s2;
	_ =	strace s9  }
0x27: {  	s1 =	sld [smem:$0x3FAC]  }
0x28: {  	s2 =	sld [smem:$0x3FAD]  }
0x29: {  	s4 =	sld [smem:$0x3FAF]  }
0x2a: {  	p0 =	seq.s32 s5, $0x0;
	s5 =	sld [smem:$0x3FB0]  }
0x2b: {  	s6 =	sld [smem:$0x3FB1]  }
0x2c: {  	s7 =	sld [smem:$0x3FB2]  }
0x2d: {  	s3 =	simm.s32 $0x108;
	s8 =	sld [smem:$0x3FB3]  }
0x2e: {  	s3 =	simm.s32 @!p0 $0x1082;
	s9 =	sld [smem:$0x3FB4]  }
0x2f: {  	lr =	sadd.s32 s0, s3;
	s0 =	sld [smem:$0x3FAB]  }
0x30: {  	s3 =	sld [smem:$0x3FAE]  }
0x31: {  	[smem:$0x3FB7] =	sst s10  }
0x32: {  	s10 =	sld [smem:$0x3FB5];
	_ =	sdelay $0x3  }
0x33: {  	p0 =	seq.s32 s10, $0x1;
	s10 =	sld [smem:$0x3FB7];
	_ =	sdelay $0x3  }
0x34: {  	[smem:$0x3FB7] =	sst s10  }
0x35: {  	s10 =	sld [smem:$0x3FB6];
	_ =	sdelay $0x3  }
0x36: {  	p1 =	seq.s32 s10, $0x1;
	s10 =	sld [smem:$0x3FB7];
	_ =	sdelay $0x3  }
0x37: {  	[smem:$0x3FB7] =	sst s10  }
0x38: {  	s10 =	sld [smem:$0x3FB8]  }
0x39: {  	_ = 	snop;
	(pc) =	sbr.ind lr, $3  }
0x3a: {  	_ = 	snop  }
0x3b: {  	_ = 	snop  }
0x3c: {  	p2 =	seq.s32 s10, $0x1;
	s10 =	sld [smem:$0x3FB7]  }
0x3d: {  	_ =	shalt  }
0x3e: {  	_ =	shalt  }
0x3f: {  	_ =	shalt  }
0x40: {  	_ =	shalt  }
0x41: {  	_ =	shalt  }
0x42: {  	_ =	shalt  }
0x43: {  	_ =	shalt  }
0x44: {  	_ =	shalt  }
0x45: {  	_ =	shalt  }
0x46: {  	_ =	shalt  }
0x47: {  	_ =	shalt  }
0x48: {  	_ =	shalt  }
0x49: {  	_ =	shalt  }
0x4a: {  	_ =	shalt  }
0x4b: {  	_ =	shalt  }
0x4c: {  	_ =	shalt  }
0x4d: {  	_ =	shalt  }
0x4e: {  	_ =	shalt  }
0x4f: {  	_ =	shalt  }
0x50: {  	_ =	shalt  }
0x51: {  	_ =	shalt  }
0x52: {  	_ =	shalt  }
0x53: {  	_ =	shalt  }
0x54: {  	_ =	shalt  }
0x55: {  	_ =	shalt  }
0x56: {  	_ =	shalt  }
0x57: {  	_ =	shalt  }
0x58: {  	_ =	shalt  }
0x59: {  	_ =	shalt  }
0x5a: {  	_ =	shalt  }
0x5b: {  	_ =	shalt  }
0x5c: {  	_ =	shalt  }
0x5d: {  	_ =	shalt  }
0x5e: {  	_ =	shalt  }
0x5f: {  	_ =	shalt  }
0x60: {  	_ =	shalt  }
0x61: {  	_ =	shalt  }
0x62: {  	_ =	shalt  }
0x63: {  	_ =	shalt  }
0x64: {  	_ =	shalt  }
0x65: {  	_ =	shalt  }
0x66: {  	_ =	shalt  }
0x67: {  	_ =	shalt  }
0x68: {  	_ =	shalt  }
0x69: {  	_ =	shalt  }
0x6a: {  	_ =	shalt  }
0x6b: {  	_ =	shalt  }
0x6c: {  	_ =	shalt  }
0x6d: {  	_ =	shalt  }
0x6e: {  	_ =	shalt  }
0x6f: {  	_ =	shalt  }
0x70: {  	_ =	shalt  }
0x71: {  	_ =	shalt  }
0x72: {  	_ =	shalt  }
0x73: {  	_ =	shalt  }
0x74: {  	_ =	shalt  }
0x75: {  	_ =	shalt  }
0x76: {  	_ =	shalt  }
0x77: {  	_ =	shalt  }
0x78: {  	_ =	shalt  }
0x79: {  	_ =	shalt  }
0x7a: {  	_ =	shalt  }
0x7b: {  	_ =	shalt  }
0x7c: {  	_ =	shalt  }
0x7d: {  	_ =	shalt  }
0x7e: {  	_ =	shalt  }
0x7f: {  	_ =	shalt  }
0x80: {  	_ =	shalt  }
0x81: {  	_ =	shalt  }
0x82: {  	_ =	shalt  }
0x83: {  	_ =	shalt  }
0x84: {  	_ =	shalt  }
0x85: {  	_ =	shalt  }
0x86: {  	_ =	shalt  }
0x87: {  	_ =	shalt  }
.Lfunc_end0:
.L_simem_size_0:
called_computation_lowered:
.L_overlay_start_0:
0x88: {  	s2 =	sld [smem:$0x3FD9]  }
0x89: {  	s3 =	sld [smem:$0x3FFE];
	_ =	sdelay $0x1  }
0x8a: {  	s1 =	srdreg.scid  }
0x8b: {  	s0 =	sand.u32 $0x1, s1  }
0x8c: {  	s18 =	sshll.u32 s0, $0xA;
	s2 =	sadd.s32 s3, s2  }
0x8d: {  	s2 =	sadd.s32 s2, s18  }
0x8e: {  	[smem:$0x3FC3] =	sst s2  }
0x8f: {  	_ = 	snop  }
0x90: {  	s2 =	sld [smem:$0x3FC9]  }
0x91: {  	s19 =	sld [smem:$0x3FC8]  }
0x92: {  	s4 =	sld [smem:$0x3FC7]  }
0x93: {  	s5 =	sld [smem:$0x3FC6]  }
0x94: {  	s6 =	sld [smem:$0x3FC5]  }
0x95: {  	s7 =	sld [smem:$0x3FD0];
	(tm) =	ssettm $0x1  }
0x96: {  	s8 =	sld [smem:$0x3FFB];
	_ =	sdelay $0x3  }
0x97: {  	_ =	strace s8  }
0x98: {  	s8 =	sld [smem:$0x3FFC];
	_ =	sdelay $0x3  }
0x99: {  	_ =	strace s8  }
0x9a: {  	s8 =	sld [smem:$0x3FFD];
	_ =	sdelay $0x3  }
0x9b: {  	_ =	strace s8  }
0x9c: {  	_ =	strace $0x8FFFFFFF  }
0x9d: {  	s20 =	sld [smem:$0x3FDB];
	_ =	sdelay $0x1  }
0x9e: {  	s9 =	simm.s32 $_scs_section_size  }
0x9f: {  	s10 =	simm.s32 $_size__tile_overlayer_lowered;
	s11 =	simm.s32 $_tile_overlayer_lowered  }
0xa0: {  	s23 =	simm.s32 $0x1BFF;
	s22 =	sshll.u32 s11, $0x1;
	s8 =	sadd.s32 s9, s20  }
0xa1: {  	s12 =	simm.s32 $0x0;
	s21 =	sshll.u32 s10, $0x1;
	s10 =	sadd.s32 s22, s8  }
0xa2: {  	[timem:s12], [sflag:s23] =	dma.local [hbm:s10], s21  }
0xa3: {  	_ =	swait.ge [sflag:s23], s21  }
0xa4: {  	s9 =	ssub.s32 $0x0, s21;
	[sflag:s23] =	ssyncset.done $0x0  }
0xa5: {  	[sflag:s23] =	ssyncadd.s32 s9;
	_ =	sdelay $0x1  }
0xa6: {  	s24 =	simm.s32 $0x1B8B  }
0xa7: {  	_ =	swait.ge [sflag:s24], $0x1  }
0xa8: {  	[sflag:s24] =	ssyncset.done $0x0  }
0xa9: {  	s25 =	simm.s32 $0x1B8E;
	[sflag:s24] =	ssyncadd.s32 $0xFFFFFFFF  }
0xaa: {  	s26 =	simm.s32 $execute0_lowered;
	[smem:$0x3FD2] =	sst s25  }
0xab: {  	s9 =	sshll.u32 s26, $0x1;
	_ =	strace $0x80000046;
	[dreg:$0x1] =	wrdreg $0xFFFFFFFF  }
0xac: {  	s28 =	simm.s32 $_size_execute0_lowered;
	s8 =	sadd.s32 s8, s9;
	[dreg:$0x0] =	wrdreg $0x0  }
0xad: {  	s9 =	sshll.u32 s28, $0x1;
	[dreg:$0x2] =	wrdreg s8  }
0xae: {  	[dreg:$0x3] =	wrdreg s9  }
0xaf: {  	[dreg:$0x4] =	wrdreg $0xC0  }
0xb0: {  	_ =	task [dreg:s12], $0x5FFFF  }
0xb1: {  	[dreg:$0x1] =	wrdreg $0xFFFFFFFF  }
0xb2: {  	[dreg:$0x0] =	wrdreg $0x60  }
0xb3: {  	[dreg:$0x2] =	wrdreg s2  }
0xb4: {  	[dreg:$0x3] =	wrdreg s19  }
0xb5: {  	[dreg:$0x4] =	wrdreg s4  }
0xb6: {  	[dreg:$0x5] =	wrdreg s5  }
0xb7: {  	[dreg:$0x6] =	wrdreg s6  }
0xb8: {  	[dreg:$0x7] =	wrdreg s7  }
0xb9: {  	[dreg:$0x8] =	wrdreg $0x9  }
0xba: {  	_ =	task.clear_ibuf [dreg:s12], $0x9FFFF;
	_ =	strace $0x90000046  }
0xbb: {  	s29 =	simm.s32 $0x9;
	_ =	strace $0x80000048  }
0xbc: {  	_ =	swait.ge [sflag:s29], $0x1  }
0xbd: {  	[sflag:s29] =	ssyncadd.s32 $0xFFFFFFFF  }
0xbe: {  	_ =	strace $0x90000048  }
0xbf: {  	_ =	sfence  }
0xc0: {  	s30 =	sld [smem:$0x0];
	_ =	sdelay $0x2  }
0xc1: {  	s31 =	sshll.u32 s1, $0xD;
	s1 =	sshrl.u32 s1, $0x2  }
0xc2: {  	s3 =	sand.u32 $0x4000, s31;
	s1 =	sadd.s32 s1, s30  }
0xc3: {  	s0 =	sor.u32 s3, s0;
	s1 =	sshll.u32 s1, $0x11  }
0xc4: {  	s0 =	sor.u32 s1, s0  }
0xc5: {  	s0 =	sadd.s32 $0x8F2B, s0  }
0xc6: {  	[sflag:s0] =	ssyncadd.remote.s32 $0x1  }
0xc7: {  	_ =	sfence.sel $0xFFFF  }
0xc8: {  	[dreg:$0x0] =	wrdreg $0xFFFFFFFF;
	(pc) =	sbr.abs _section_cstart, $3  }
0xc9: {  	[dreg:$0x1] =	wrdreg $0xFFFFFFFF  }
0xca: {  	_ =	task.clear_ibuf [dreg:s12], $0x2FFFF;
	_ =	strace $0x9FFFFFFF  }
0xcb: {  	(tm) =	ssettm $0x7FFFFFFF  }
tec
execute0_lowered:
.L_overlay_start_1:
0x0: {  	(tag) =	ssettag $0x1  }
0x1: {  	s0 =	rddreg [dreg:$0x0]  }
0x2: {  	s3 =	rddreg [dreg:$0x1]  }
0x3: {  	s7 =	rddreg [dreg:$0x2]  }
0x4: {  	s1 =	rddreg [dreg:$0x3]  }
0x5: {  	s2 =	rddreg [dreg:$0x4]  }
0x6: {  	s8 =	rddreg [dreg:$0x5];
	s5 =	srdreg.scid;
	s4 =	simm.s32 $0x0  }
0x7: {  	s9 =	stileid.u32;
	s11 =	simm.s32 $0x400;
	s12 =	simm.s32 $0x1  }
0x8: {  	s13 =	simm.s32 $0x40;
	s25 =	simm.s32 $0xE600;
	s26 =	simm.s32 $0x480  }
0x9: {  	s28 =	simm.s32 $0x10600;
	s29 =	simm.s32 $0x2;
	s30 =	simm.s32 $0x12600  }
0xa: {  	s31 =	simm.s32 $0x14600;
	s14 =	simm.s32 $0x3;
	s15 =	simm.s32 $0x4  }
0xb: {  	s16 =	simm.s32 $0x5;
	s17 =	simm.s32 $0x1A600;
	s18 =	simm.s32 $0x6  }
0xc: {  	s19 =	simm.s32 $0x0;
	s5 =	sand.u32 $0x1, s5;
	s9 =	sshll.u32 s9, $0x7  }
0xd: {  	[smem:$0x7FF] =	sst s4;
	s6 =	ssub.s32 $0x2, s5;
	s5 =	sshll.u32 s5, $0x6  }
0xe: {  	_ =	strace $0x80000047;
	s10 =	sshrl.u32 s6, $0x1;
	s9 =	sor.u32 s5, s9  }
0xf: {  	s10 =	ssub.s32 s6, s10;
	s5 =	sadd.s32 s0, s9;
	s6 =	sadd.s32 s3, s9  }
0x10: {  	v0 =	vlaneseq.u32;
	s7 =	sadd.s32 s7, s9;
	s8 =	sadd.s32 s8, s9;
	s0 =	simm.s32 $0x16600  }
0x11: {  	v0 =	vmul.u32 $0x80, v0;
	s3 =	simm.s32 $0x18600;
	s9 =	smax.u32 s10, $0x1;
	s10 =	simm.s32 $0x200  }
.LBB2_1:
0x12: {  	[tilespmem:s4], [sflag:$0x1] =	stream.linear.gather [hbm4b:s5+s4], $0x200, $0x38;
	[tilespmem:$0x1A800] =	vst v63  }
0x13: {  	_ = 	snop  }
0x14: {  	[tilespmem:s10], [sflag:$0x1] =	stream.linear.gather [hbm4b:s6+s4], $0x200, $0x38;
	[tilespmem:$0x1A800] =	vst v63  }
0x15: {  	_ = 	snop  }
0x16: {  	[tilespmem:s11], [sflag:$0x1] =	stream.linear.gather [hbm4b:s7+s4], $0x200, $0x38;
	[tilespmem:$0x1A800] =	vst v63  }
0x17: {  	_ =	swait.ge [sflag:s12], $0x200  }
0x18: {  	[sflag:s12] =	ssyncset.done $0x0  }
0x19: {  	[sflag:s12] =	ssyncadd.s32 $0xFFFFFE00  }
0x1a: {  	_ =	swait.ge [sflag:s12], $0x200  }
0x1b: {  	[sflag:s12] =	ssyncset.done $0x0  }
0x1c: {  	[sflag:s12] =	ssyncadd.s32 $0xFFFFFE00  }
0x1d: {  	_ =	swait.ge [sflag:s12], $0x200  }
0x1e: {  	[sflag:s12] =	ssyncset.done $0x0  }
0x1f: {  	s20 =	simm.s32 $0x600;
	[sflag:s12] =	ssyncadd.s32 $0xFFFFFE00  }
0x20: {  	[tilespmem:s20], [sflag:$0x2] =	stream.indirect.gather [hbm4b:s1+s13], $0x80, s4, s13, $0xb8;
	[tilespmem:$0x1A800] =	vst v63  }
0x21: {  	s23 =	simm.s32 $0x2600  }
0x22: {  	[tilespmem:s23], [sflag:$0x2] =	stream.indirect.gather [hbm4b:s2+s13], $0x80, s10, s13, $0xb8;
	[tilespmem:$0x1A800] =	vst v63  }
0x23: {  	s24 =	simm.s32 $0x4600  }
0x24: {  	[tilespmem:s24], [sflag:$0x2] =	stream.indirect.gather [hbm4b:s1+s13], $0x80, s11, s13, $0xb8;
	[tilespmem:$0x1A800] =	vst v63  }
0x25: {  	s21 =	simm.s32 $0x6600  }
0x26: {  	[tilespmem:s21], [sflag:$0x3] =	stream.indirect.gather [hbm4b:s1+s13], $0x80, s13, s13, $0xb8;
	[tilespmem:$0x1A800] =	vst v63  }
0x27: {  	s22 =	simm.s32 $0x240;
	s21 =	simm.s32 $0x8600  }
0x28: {  	[tilespmem:s21], [sflag:$0x3] =	stream.indirect.gather [hbm4b:s2+s13], $0x80, s22, s13, $0xb8;
	[tilespmem:$0x1A800] =	vst v63  }
0x29: {  	s23 =	simm.s32 $0x440;
	s24 =	simm.s32 $0xA600  }
0x2a: {  	[tilespmem:s24], [sflag:$0x3] =	stream.indirect.gather [hbm4b:s1+s13], $0x80, s23, s13, $0xb8;
	[tilespmem:$0x1A800] =	vst v63  }
0x2b: {  	s22 =	simm.s32 $0x80;
	s23 =	simm.s32 $0xC600  }
0x2c: {  	[tilespmem:s23], [sflag:$0x4] =	stream.indirect.gather [hbm4b:s1+s13], $0x80, s22, s13, $0xb8;
	[tilespmem:$0x1A800] =	vst v63  }
0x2d: {  	s24 =	simm.s32 $0x280  }
0x2e: {  	[tilespmem:s25], [sflag:$0x4] =	stream.indirect.gather [hbm4b:s2+s13], $0x80, s24, s13, $0xb8;
	[tilespmem:$0x1A800] =	vst v63  }
0x2f: {  	p1 =	por $0x1, $0x1;
	s21 =	simm.s32 $0x0  }
0x30: {  	[tilespmem:s28], [sflag:$0x4] =	stream.indirect.gather [hbm4b:s1+s13], $0x80, s26, s13, $0xb8;
	[tilespmem:$0x1A800] =	vst v63  }
.LBB2_2:
0x31: {  	_ =	swait.ge [sflag:s29], $0x2000  }
0x32: {  	[sflag:s29] =	ssyncset.done $0x0  }
0x33: {  	[sflag:s29] =	ssyncadd.s32 $0xFFFFE000  }
0x34: {  	_ =	swait.ge [sflag:s29], $0x2000  }
0x35: {  	[sflag:s29] =	ssyncset.done $0x0  }
0x36: {  	[sflag:s29] =	ssyncadd.s32 $0xFFFFE000  }
0x37: {  	_ =	swait.ge [sflag:s29], $0x2000  }
0x38: {  	s20 =	sshllo.u32 s21, $0x2;
	[sflag:s29] =	ssyncset.done $0x0  }
0x39: {  	s20 =	sshll.u32 s20, $0x6;
	[sflag:s29] =	ssyncadd.s32 $0xFFFFE000  }
0x3a: {  	[tilespmem:s30], [sflag:$0x5] =	stream.indirect.gather [hbm4b:s1+s13], $0x80, s20, s13, $0xb8;
	[tilespmem:$0x1A800] =	vst v63  }
0x3b: {  	s22 =	sadd.s32 $0x200, s20  }
0x3c: {  	[tilespmem:s31], [sflag:$0x5] =	stream.indirect.gather [hbm4b:s2+s13], $0x80, s22, s13, $0xb8;
	[tilespmem:$0x1A800] =	vst v63  }
0x3d: {  	s24 =	sadd.s32 $0x400, s20;
	s22 =	simm.s32 $0x0  }
0x3e: {  	[tilespmem:s0], [sflag:$0x5] =	stream.indirect.gather [hbm4b:s1+s13], $0x80, s24, s13, $0xb8;
	[tilespmem:$0x1A800] =	vst v63  }
0x3f: {  	v1 =	vld [tilespmem:s22+$0x7B0]  }
0x40: {  	v2 =	vld [tilespmem:s22+$0x7F0]  }
0x41: {  	v3 =	vld [tilespmem:s22+$0x27B0]  }
0x42: {  	v4 =	vld [tilespmem:s22+$0x27F0]  }
0x43: {  	v5 =	vld [tilespmem:s22+$0x7A0]  }
0x44: {  	v6 =	vld [tilespmem:s22+$0x7E0]  }
0x45: {  	v7 =	vld [tilespmem:s22+$0x27A0]  }
0x46: {  	v8 =	vld [tilespmem:s22+$0x27E0]  }
0x47: {  	v9 =	vld [tilespmem:s22+$0x780]  }
0x48: {  	v10 =	vld [tilespmem:s22+$0x7C0]  }
0x49: {  	v11 =	vld [tilespmem:s22+$0x2780]  }
0x4a: {  	v12 =	vld [tilespmem:s22+$0x27C0]  }
0x4b: {  	v13 =	vld [tilespmem:s22+$0x790]  }
0x4c: {  	v14 =	vld [tilespmem:s22+$0x7D0]  }
0x4d: {  	v15 =	vld [tilespmem:s22+$0x2790]  }
0x4e: {  	v16 =	vld [tilespmem:s22+$0x27D0]  }
0x4f: {  	v19 =	vld [tilespmem:s22+$0x600]  }
0x50: {  	v21 =	vld [tilespmem:s22+$0x47C0]  }
0x51: {  	v24 =	vld [tilespmem:s22+$0x4790]  }
0x52: {  	v26 =	vld [tilespmem:s22+$0x47A0]  }
0x53: {  	v62 =	vld [tilespmem:s22+$0x710]  }
0x54: {  	v63 =	vld [tilespmem:s22+$0x750]  }
0x55: {  	v52 =	vld [tilespmem:s22+$0x2710]  }
0x56: {  	v53 =	vld [tilespmem:s22+$0x2750]  }
0x57: {  	v54 =	vld [tilespmem:s22+$0x620]  }
0x58: {  	v55 =	vld [tilespmem:s22+$0x660]  }
0x59: {  	v27 =	vld [tilespmem:s22+$0x2620]  }
0x5a: {  	v28 =	vld [tilespmem:s22+$0x2660]  }
0x5b: {  	v29 =	vld [tilespmem:s22+$0x6A0]  }
0x5c: {  	v30 =	vld [tilespmem:s22+$0x6E0]  }
0x5d: {  	v31 =	vld [tilespmem:s22+$0x26A0]  }
0x5e: {  	v32 =	vld [tilespmem:s22+$0x26E0]  }
0x5f: {  	v33 =	vld [tilespmem:s22+$0x720]  }
0x60: {  	v34 =	vld [tilespmem:s22+$0x760]  }
0x61: {  	v35 =	vld [tilespmem:s22+$0x2720]  }
0x62: {  	v36 =	vld [tilespmem:s22+$0x2760]  }
0x63: {  	v37 =	vld [tilespmem:s22+$0x4600]  }
0x64: {  	v38 =	vld [tilespmem:s22+$0x4640]  }
0x65: {  	v39 =	vld [tilespmem:s22+$0x4610]  }
0x66: {  	v40 =	vld [tilespmem:s22+$0x4650]  }
0x67: {  	v41 =	vld [tilespmem:s22+$0x630]  }
0x68: {  	v42 =	vld [tilespmem:s22+$0x670]  }
0x69: {  	v43 =	vld [tilespmem:s22+$0x2630];
	v17 =	vmul.f32 v3, v1  }
0x6a: {  	v46 =	vld [tilespmem:s22+$0x2670];
	v18 =	vmul.f32 v4, v2;
	v1 =	vmul.f32 v4, v1  }
0x6b: {  	v47 =	vld [tilespmem:s22+$0x46C0];
	v2 =	vmul.f32 v3, v2;
	v4 =	vmul.f32 v7, v5  }
0x6c: {  	v48 =	vld [tilespmem:s22+$0x46D0];
	v20 =	vmul.f32 v8, v6;
	v22 =	vmul.f32 v11, v9  }
0x6d: {  	v3 =	vld [tilespmem:s22+$0x4780];
	v23 =	vmul.f32 v12, v10;
	v9 =	vmul.f32 v12, v9  }
0x6e: {  	v10 =	vmul.f32 v11, v10;
	v11 =	vld [tilespmem:s22+$0x47D0];
	v12 =	vmul.f32 v15, v13  }
0x6f: {  	v25 =	vmul.f32 v16, v14;
	v14 =	vmul.f32 v15, v14;
	v15 =	vld [tilespmem:s22+$0x47E0]  }
0x70: {  	v13 =	vmul.f32 v16, v13;
	v5 =	vmul.f32 v8, v5;
	v8 =	vld [tilespmem:s22+$0x47B0]  }
0x71: {  	v6 =	vmul.f32 v7, v6;
	v7 =	vld [tilespmem:s22+$0x47F0];
	v9 =	vadd.f32 v9, v10  }
0x72: {  	v10 =	vsub.f32 v12, v25;
	v12 =	vadd.f32 v13, v14;
	v13 =	vld [tilespmem:s22+$0x640]  }
0x73: {  	v5 =	vadd.f32 v5, v6;
	v6 =	vld [tilespmem:s22+$0x2600]  }
0x74: {  	v16 =	vsub.f32 v22, v23;
	v1 =	vadd.f32 v1, v2;
	v2 =	vld [tilespmem:s22+$0x2640]  }
0x75: {  	v14 =	vld [tilespmem:s22+$0x2690];
	v9 =	vmul.f32 v9, v21  }
0x76: {  	v4 =	vsub.f32 v4, v20;
	v20 =	vld [tilespmem:s22+$0x2740];
	v10 =	vmul.f32 v10, v24;
	v3 =	vmul.f32 v16, v3  }
0x77: {  	v11 =	vmul.f32 v12, v11;
	v1 =	vmul.f32 v1, v7;
	v7 =	vld [tilespmem:s22+$0x2650]  }
0x78: {  	v12 =	vsub.f32 v17, v18;
	v5 =	vmul.f32 v5, v15;
	v15 =	vld [tilespmem:s22+$0x26D0]  }
0x79: {  	v4 =	vmul.f32 v4, v26;
	v3 =	vadd.f32 v9, v3;
	v9 =	vadd.f32 v11, v10;
	v10 =	vld [tilespmem:s22+$0x610]  }
0x7a: {  	v11 =	vld [tilespmem:s22+$0x650]  }
0x7b: {  	v8 =	vmul.f32 v12, v8;
	v4 =	vadd.f32 v5, v4;
	v5 =	vld [tilespmem:s22+$0x2610]  }
0x7c: {  	v57 =	vmul.f32 v27, v55;
	v58 =	vmul.f32 v31, v30;
	v12 =	vld [tilespmem:s22+$0x6D0];
	v3 =	vadd.f32 v9, v3  }
0x7d: {  	v44 =	vmul.f32 v6, v19;
	v45 =	vmul.f32 v2, v13;
	v1 =	vadd.f32 v1, v8;
	v8 =	vld [tilespmem:s22+$0x6C0]  }
0x7e: {  	v59 =	vmul.f32 v32, v30;
	v60 =	vmul.f32 v35, v34;
	v9 =	vld [tilespmem:s22+$0x26C0];
	v3 =	vadd.f32 v4, v3  }
0x7f: {  	v2 =	vmul.f32 v2, v19;
	v6 =	vmul.f32 v6, v13;
	v44 =	vsub.f32 v44, v45;
	v4 =	vld [tilespmem:s22+$0x680]  }
0x80: {  	v19 =	vmul.f32 v5, v10;
	v5 =	vmul.f32 v5, v11;
	v1 =	vadd.f32 v1, v3;
	v3 =	vld [tilespmem:s22+$0x2680]  }
0x81: {  	v16 =	vld [tilespmem:s22+$0x700];
	v2 =	vadd.f32 v2, v6;
	v11 =	vmul.f32 v7, v11;
	v7 =	vmul.f32 v7, v10  }
0x82: {  	v25 =	vmul.f32 v28, v54;
	v21 =	vmul.f32 v53, v62;
	(xrf2) =	vadd.scan.msk.f32 $0xffff, v1;
	v1 =	vld [tilespmem:s22+$0x690]  }
0x83: {  	v18 =	vld [tilespmem:s22+$0x2700];
	v49 =	vmul.f32 v44, v37;
	v2 =	vmul.f32 v2, v38;
	v5 =	vadd.f32 v7, v5  }
0x84: {  	v17 =	vld [tilespmem:s22+$0x740];
	v6 =	vmul.f32 v9, v8;
	v7 =	vmul.f32 v15, v12  }
0x85: {  	v61 =	vld [tilespmem:s22+$0x2770];
	v5 =	vmul.f32 v5, v40;
	v56 =	vmul.f32 v3, v4  }
0x86: {  	v50 =	vld [tilespmem:s22+$0x4660];
	v23 =	vadd.f32 v25, v57;
	v3 =	vmul.f32 v3, v8;
	v4 =	vmul.f32 v9, v4  }
0x87: {  	v30 =	vld [tilespmem:s22+$0x2730];
	v9 =	vsub.f32 v19, v11;
	v11 =	vmul.f32 v14, v1;
	v14 =	vmul.f32 v14, v12  }
0x88: {  	v22 =	vld [tilespmem:s22+$0x4710];
	v2 =	vadd.f32 v2, v49;
	v1 =	vmul.f32 v15, v1;
	v15 =	vmul.f32 v18, v16  }
0x89: {  	v24 =	vld [tilespmem:s22+$0x4740];
	v18 =	vmul.f32 v18, v17;
	v3 =	vadd.f32 v4, v3;
	v4 =	vmul.f32 v20, v17  }
0x8a: {  	v13 =	vld [tilespmem:s22+$0x4680];
	v6 =	vsub.f32 v56, v6;
	v16 =	vmul.f32 v20, v16;
	v20 =	vmul.f32 v52, v63  }
0x8b: {  	v26 =	vld [tilespmem:s22+$0x730];
	v9 =	vmul.f32 v9, v39;
	v7 =	vsub.f32 v11, v7;
	v11 =	vmul.f32 v52, v62  }
0x8c: {  	v45 =	vld [tilespmem:s22+$0x26F0];
	v1 =	vadd.f32 v1, v14;
	v14 =	vmul.f32 v53, v63;
	v4 =	vsub.f32 v15, v4  }
0x8d: {  	v10 =	vld [tilespmem:s22+$0x4690];
	v15 =	vmul.f32 v27, v54;
	v16 =	vadd.f32 v16, v18;
	v18 =	vmul.f32 v28, v55  }
0x8e: {  	v8 =	vld [tilespmem:s22+$0x6B0];
	v20 =	vadd.f32 v21, v20;
	v62 =	vmul.f32 v36, v34;
	v52 =	vmul.f32 v43, v41  }
0x8f: {  	v19 =	vld [tilespmem:s22+$0x6F0];
	v5 =	vadd.f32 v5, v9;
	v9 =	vmul.f32 v43, v42;
	v6 =	vmul.f32 v6, v13  }
0x90: {  	v12 =	vld [tilespmem:s22+$0x26B0];
	v54 =	vmul.f32 v46, v42;
	v3 =	vmul.f32 v3, v47;
	v11 =	vsub.f32 v11, v14  }
0x91: {  	v17 =	vld [tilespmem:s22+$0x4700];
	v14 =	vmul.f32 v31, v29;
	v29 =	vmul.f32 v32, v29;
	v15 =	vsub.f32 v15, v18  }
0x92: {  	v56 =	vld [tilespmem:s22+$0x4670];
	v18 =	vmul.f32 v35, v33;
	v33 =	vmul.f32 v36, v33;
	v5 =	vadd.f32 v5, v2  }
0x93: {  	v27 =	vld [tilespmem:s22+$0x4750];
	v2 =	vmul.f32 v7, v10;
	v1 =	vmul.f32 v1, v48;
	v3 =	vadd.f32 v3, v6  }
0x94: {  	v63 =	vld [tilespmem:s22+$0x4620];
	v10 =	vmul.f32 v46, v41;
	v14 =	vsub.f32 v14, v59;
	v28 =	vadd.f32 v29, v58  }
0x95: {  	v13 =	vld [tilespmem:s22+$0x4720];
	v6 =	vmul.f32 v45, v19;
	v18 =	vsub.f32 v18, v62;
	v1 =	vadd.f32 v1, v2  }
0x96: {  	v31 =	vld [tilespmem:s22+$0x770];
	v2 =	vmul.f32 v12, v8;
	v12 =	vmul.f32 v12, v19;
	v58 =	vadd.f32 v10, v9  }
0x97: {  	v57 =	vld [tilespmem:s22+$0x46B0];
	v8 =	vmul.f32 v45, v8;
	v59 =	vadd.f32 v1, v3;
	v1 =	vmul.f32 v4, v17  }
0x98: {  	v7 =	vld [tilespmem:s22+$0x4630];
	v51, _, _ =	vpop (xrf2);
	v3 =	vmul.f32 v16, v24;
	v17 =	vsub.f32 v2, v6;
	v2 =	vmul.f32 v11, v22  }
0x99: {  	[tilespmem:s22+$0x18780] =	vst v51;
	v51 =	vld [tilespmem:s22+$0x46A0];
	v6 =	vmul.f32 v20, v27;
	v8 =	vadd.f32 v8, v12;
	v12 =	vmul.f32 v15, v63  }
0x9a: {  	v53 =	vld [tilespmem:s22+$0x46E0];
	v21 =	vsub.f32 v52, v54;
	v15 =	vmul.f32 v23, v50;
	v13 =	vmul.f32 v18, v13  }
0x9b: {  	v55 =	vld [tilespmem:s22+$0x4760];
	v32 =	vadd.f32 v33, v60;
	v18 =	vmul.f32 v58, v56;
	v11 =	vmul.f32 v30, v31  }
0x9c: {  	s23 =	simm.s32 $0x200;
	v19 =	vld [tilespmem:s22+$0x46F0];
	v60 =	vmul.f32 v61, v31;
	v1 =	vadd.f32 v3, v1;
	v2 =	vadd.f32 v6, v2  }
0x9d: {  	v9 =	vld [tilespmem:s23+$0x27B0];
	v61 =	vmul.f32 v61, v26;
	v3 =	vmul.f32 v30, v26  }
0x9e: {  	v10 =	vld [tilespmem:s23+$0x27F0];
	v7 =	vmul.f32 v21, v7;
	v62 =	vadd.f32 v2, v1;
	v1 =	vmul.f32 v14, v51  }
0x9f: {  	v16 =	vld [tilespmem:s22+$0x4730];
	v14 =	vmul.f32 v28, v53;
	v22 =	vsub.f32 v3, v60;
	v3 =	vadd.f32 v15, v12  }
0xa0: {  	v20 =	vld [tilespmem:s22+$0x4770];
	v7 =	vadd.f32 v18, v7;
	v12 =	vadd.f32 v61, v11;
	v15 =	vmul.f32 v32, v55  }
0xa1: {  	v4 =	vld [tilespmem:s23+$0x7B0];
	v11 =	vadd.f32 v14, v1;
	v14 =	vadd.f32 v3, v5  }
0xa2: {  	v6 =	vld [tilespmem:s23+$0x7F0];
	v8 =	vmul.f32 v8, v19;
	v13 =	vadd.f32 v15, v13;
	v15 =	vmul.f32 v17, v57  }
0xa3: {  	v2 =	vld [tilespmem:s23+$0x7A0];
	v7 =	vadd.f32 v7, v14  }
0xa4: {  	v1 =	vld [tilespmem:s23+$0x7E0];
	v63 =	vadd.f32 v11, v59;
	v8 =	vadd.f32 v8, v15  }
0xa5: {  	v3 =	vld [tilespmem:s23+$0x27A0];
	v16 =	vmul.f32 v22, v16;
	v17 =	vmul.f32 v12, v20;
	(xrf2) =	vadd.scan.msk.f32 $0xffff, v7  }
0xa6: {  	v5 =	vld [tilespmem:s23+$0x27E0];
	v8 =	vadd.f32 v8, v63  }
0xa7: {  	v12 =	vld [tilespmem:s23+$0x7C0];
	v18 =	vadd.f32 v13, v62;
	v14 =	vadd.f32 v17, v16  }
0xa8: {  	v11 =	vld [tilespmem:s23+$0x780];
	(xrf2) =	vadd.scan.msk.f32 $0xffff, v8  }
0xa9: {  	v15 =	vld [tilespmem:s23+$0x2780];
	v7 =	vadd.f32 v14, v18  }
0xaa: {  	v17 =	vld [tilespmem:s23+$0x27C0]  }
0xab: {  	v13 =	vld [tilespmem:s23+$0x790];
	(xrf2) =	vadd.scan.msk.f32 $0xffff, v7  }
0xac: {  	v16 =	vld [tilespmem:s23+$0x2790]  }
0xad: {  	v14 =	vld [tilespmem:s23+$0x7D0]  }
0xae: {  	p0 =	por p1, p1;
	s24 =	simm.s32 $0x1000;
	v18 =	vld [tilespmem:s23+$0x27D0];
	v8 =	vmul.f32 v10, v6;
	v7 =	vmul.f32 v9, v4  }
.LBB2_3:
0xaf: {  	p1 =	seq.s32 s24, $0x7800;
	v19 =	vld [tilespmem:s23+$0x600];
	v4 =	vmul.f32 v10, v4;
	v6 =	vmul.f32 v9, v6;
	v9, _, _ =	vpop (xrf2)  }
0xb0: {  	v20 =	vmul.f32 v3, v2;
	v21 =	vmul.f32 v5, v1;
	v10 =	vld [tilespmem:s23+$0x4780];
	[tilespmem:s22+$0x18600] =	vst v9  }
0xb1: {  	v22 =	vmul.f32 v15, v11;
	v23 =	vmul.f32 v17, v12;
	v9 =	vld [tilespmem:s23+$0x47C0]  }
0xb2: {  	v11 =	vmul.f32 v17, v11;
	v12 =	vmul.f32 v15, v12;
	v15 =	vld [tilespmem:s23+$0x4790];
	v17, _, _ =	vpop (xrf2)  }
0xb3: {  	v25 =	vmul.f32 v16, v13;
	v24 =	vld [tilespmem:s23+$0x47D0];
	v26 =	vmul.f32 v18, v14;
	[tilespmem:s22+$0x18680] =	vst v17  }
0xb4: {  	v13 =	vmul.f32 v18, v13;
	v14 =	vmul.f32 v16, v14;
	v16 =	vld [tilespmem:s23+$0x47A0]  }
0xb5: {  	v2 =	vmul.f32 v5, v2;
	v11 =	vadd.f32 v11, v12;
	v17 =	vsub.f32 v22, v23;
	v12 =	vld [tilespmem:s23+$0x47E0];
	v5, _, _ =	vpop (xrf2)  }
0xb6: {  	v1 =	vmul.f32 v3, v1;
	v18 =	vsub.f32 v25, v26;
	v13 =	vadd.f32 v13, v14;
	v3 =	vld [tilespmem:s23+$0x47B0];
	[tilespmem:s22+$0x18700] =	vst v5;
	s22 =	smov.u32 s23  }
0xb7: {  	v5 =	vmul.f32 v17, v10;
	v9 =	vmul.f32 v11, v9;
	v10 =	vsub.f32 v20, v21;
	v11 =	vld [tilespmem:s22+$0x47F0]  }
0xb8: {  	v1 =	vadd.f32 v2, v1;
	v15 =	vmul.f32 v18, v15;
	v14 =	vld [tilespmem:s22+$0x640];
	v13 =	vmul.f32 v13, v24  }
0xb9: {  	v7 =	vsub.f32 v7, v8;
	v4 =	vadd.f32 v4, v6;
	v2 =	vld [tilespmem:s22+$0x2600];
	v10 =	vmul.f32 v10, v16  }
0xba: {  	v5 =	vadd.f32 v9, v5;
	v6 =	vld [tilespmem:s22+$0x2640];
	v8 =	vadd.f32 v13, v15;
	v1 =	vmul.f32 v1, v12  }
0xbb: {  	v9 =	vld [tilespmem:s22+$0x610];
	v3 =	vmul.f32 v7, v3  }
0xbc: {  	v7 =	vld [tilespmem:s22+$0x650];
	v5 =	vadd.f32 v8, v5;
	v1 =	vadd.f32 v1, v10;
	v4 =	vmul.f32 v4, v11  }
0xbd: {  	v8 =	vld [tilespmem:s22+$0x2610]  }
0xbe: {  	v10 =	vmul.f32 v2, v19;
	v11 =	vld [tilespmem:s22+$0x2650];
	v1 =	vadd.f32 v1, v5;
	v3 =	vadd.f32 v4, v3  }
0xbf: {  	v4 =	vmul.f32 v6, v14;
	v5 =	vmul.f32 v6, v19;
	v6 =	vld [tilespmem:s22+$0x680]  }
0xc0: {  	v2 =	vmul.f32 v2, v14;
	v12 =	vld [tilespmem:s22+$0x6C0];
	v1 =	vadd.f32 v3, v1  }
0xc1: {  	v3 =	vsub.f32 v10, v4;
	v4 =	vld [tilespmem:s22+$0x2680]  }
0xc2: {  	v2 =	vadd.f32 v5, v2;
	v5 =	vmul.f32 v8, v9;
	v8 =	vmul.f32 v8, v7;
	v10 =	vld [tilespmem:s22+$0x26C0];
	(xrf2) =	vadd.scan.msk.f32 $0xffff, v1  }
0xc3: {  	v1 =	vmul.f32 v11, v7;
	v7 =	vmul.f32 v11, v9;
	v9 =	vld [tilespmem:s22+$0x690]  }
0xc4: {  	v11 =	vld [tilespmem:s22+$0x6D0]  }
0xc5: {  	v1 =	vsub.f32 v5, v1;
	v5 =	vadd.f32 v7, v8;
	v7 =	vld [tilespmem:s22+$0x2690]  }
0xc6: {  	v8 =	vmul.f32 v4, v6;
	v4 =	vmul.f32 v4, v12;
	v13 =	vld [tilespmem:s22+$0x26D0]  }
0xc7: {  	v12 =	vmul.f32 v10, v12;
	v6 =	vmul.f32 v10, v6;
	v10 =	vld [tilespmem:s22+$0x700]  }
0xc8: {  	v14 =	vld [tilespmem:s22+$0x740]  }
0xc9: {  	v8 =	vsub.f32 v8, v12;
	v4 =	vadd.f32 v6, v4;
	v6 =	vld [tilespmem:s22+$0x2700]  }
0xca: {  	v12 =	vmul.f32 v7, v9;
	v7 =	vmul.f32 v7, v11;
	v15 =	vld [tilespmem:s22+$0x2740]  }
0xcb: {  	v11 =	vmul.f32 v13, v11;
	v9 =	vmul.f32 v13, v9;
	v13 =	vld [tilespmem:s22+$0x710]  }
0xcc: {  	v16 =	vld [tilespmem:s22+$0x750];
	v17, _, _ =	vpop (xrf2)  }
0xcd: {  	v11 =	vsub.f32 v12, v11;
	v7 =	vadd.f32 v9, v7;
	v9 =	vld [tilespmem:s22+$0x2710];
	[tilespmem:s22+$0x18780] =	vst v17  }
0xce: {  	v12 =	vmul.f32 v6, v10;
	v6 =	vmul.f32 v6, v14;
	v17 =	vld [tilespmem:s22+$0x2750]  }
0xcf: {  	v18 =	vld [tilespmem:s22+$0x620];
	v14 =	vmul.f32 v15, v14;
	v10 =	vmul.f32 v15, v10  }
0xd0: {  	v15 =	vld [tilespmem:s22+$0x660]  }
0xd1: {  	v19 =	vld [tilespmem:s22+$0x2620];
	v12 =	vsub.f32 v12, v14;
	v6 =	vadd.f32 v10, v6  }
0xd2: {  	v10 =	vld [tilespmem:s22+$0x2660];
	v14 =	vmul.f32 v9, v13;
	v9 =	vmul.f32 v9, v16  }
0xd3: {  	v20 =	vld [tilespmem:s22+$0x6A0];
	v16 =	vmul.f32 v17, v16;
	v13 =	vmul.f32 v17, v13  }
0xd4: {  	v17 =	vld [tilespmem:s22+$0x6E0]  }
0xd5: {  	v21 =	vld [tilespmem:s22+$0x26A0];
	v14 =	vsub.f32 v14, v16;
	v9 =	vadd.f32 v13, v9  }
0xd6: {  	v13 =	vmul.f32 v19, v18;
	v16 =	vmul.f32 v19, v15;
	v19 =	vld [tilespmem:s22+$0x26E0]  }
0xd7: {  	v15 =	vmul.f32 v10, v15;
	v10 =	vmul.f32 v10, v18;
	v18 =	vld [tilespmem:s22+$0x720]  }
0xd8: {  	v22 =	vld [tilespmem:s22+$0x760]  }
0xd9: {  	v13 =	vsub.f32 v13, v15;
	v10 =	vadd.f32 v10, v16;
	v15 =	vld [tilespmem:s22+$0x2720]  }
0xda: {  	v16 =	vmul.f32 v21, v20;
	v21 =	vmul.f32 v21, v17;
	v23 =	vld [tilespmem:s22+$0x2760]  }
0xdb: {  	v24 =	vld [tilespmem:s22+$0x4600];
	v17 =	vmul.f32 v19, v17;
	v19 =	vmul.f32 v19, v20  }
0xdc: {  	v20 =	vld [tilespmem:s22+$0x4640]  }
0xdd: {  	v25 =	vld [tilespmem:s22+$0x4610];
	v16 =	vsub.f32 v16, v17;
	v17 =	vadd.f32 v19, v21  }
0xde: {  	v19 =	vld [tilespmem:s22+$0x4650];
	v21 =	vmul.f32 v15, v18;
	v15 =	vmul.f32 v15, v22  }
0xdf: {  	v26 =	vld [tilespmem:s22+$0x630];
	v22 =	vmul.f32 v23, v22;
	v18 =	vmul.f32 v23, v18  }
0xe0: {  	v3 =	vmul.f32 v3, v24;
	v23 =	vld [tilespmem:s22+$0x670]  }
0xe1: {  	v2 =	vmul.f32 v2, v20;
	v20 =	vld [tilespmem:s22+$0x2630];
	v21 =	vsub.f32 v21, v22;
	v15 =	vadd.f32 v18, v15  }
0xe2: {  	v1 =	vmul.f32 v1, v25;
	v18 =	vld [tilespmem:s22+$0x2670]  }
0xe3: {  	v2 =	vadd.f32 v2, v3;
	v3 =	vmul.f32 v5, v19;
	v5 =	vld [tilespmem:s22+$0x4680]  }
0xe4: {  	v19 =	vld [tilespmem:s22+$0x46C0]  }
0xe5: {  	v1 =	vadd.f32 v3, v1;
	v3 =	vld [tilespmem:s22+$0x4690]  }
0xe6: {  	v22 =	vmul.f32 v20, v26;
	v20 =	vmul.f32 v20, v23;
	v24 =	vld [tilespmem:s22+$0x46D0]  }
0xe7: {  	v1 =	vadd.f32 v1, v2;
	v2 =	vmul.f32 v18, v23;
	v18 =	vmul.f32 v18, v26;
	v23 =	vld [tilespmem:s22+$0x6B0]  }
0xe8: {  	v5 =	vmul.f32 v8, v5;
	v8 =	vld [tilespmem:s22+$0x6F0]  }
0xe9: {  	v2 =	vsub.f32 v22, v2;
	v18 =	vadd.f32 v18, v20;
	v4 =	vmul.f32 v4, v19;
	v19 =	vld [tilespmem:s22+$0x26B0]  }
0xea: {  	v3 =	vmul.f32 v11, v3;
	v11 =	vld [tilespmem:s22+$0x26F0]  }
0xeb: {  	v4 =	vadd.f32 v4, v5;
	v5 =	vmul.f32 v7, v24;
	v7 =	vld [tilespmem:s22+$0x4700]  }
0xec: {  	v20 =	vld [tilespmem:s22+$0x4740]  }
0xed: {  	v3 =	vadd.f32 v5, v3;
	v5 =	vld [tilespmem:s22+$0x4710]  }
0xee: {  	v22 =	vmul.f32 v19, v23;
	v19 =	vmul.f32 v19, v8;
	v24 =	vld [tilespmem:s22+$0x4750]  }
0xef: {  	v3 =	vadd.f32 v3, v4;
	v4 =	vmul.f32 v11, v8;
	v8 =	vmul.f32 v11, v23;
	v11 =	vld [tilespmem:s22+$0x730]  }
0xf0: {  	v7 =	vmul.f32 v12, v7;
	v12 =	vld [tilespmem:s22+$0x770]  }
0xf1: {  	v22 =	vsub.f32 v22, v4;
	v8 =	vadd.f32 v8, v19;
	v4 =	vmul.f32 v6, v20;
	v6 =	vld [tilespmem:s22+$0x2730]  }
0xf2: {  	v5 =	vmul.f32 v14, v5;
	v14 =	vld [tilespmem:s22+$0x2770]  }
0xf3: {  	v19 =	vld [tilespmem:s22+$0x4620];
	v4 =	vadd.f32 v4, v7;
	v7 =	vmul.f32 v9, v24  }
0xf4: {  	v9 =	vld [tilespmem:s22+$0x4660]  }
0xf5: {  	v20 =	vld [tilespmem:s22+$0x46A0];
	v5 =	vadd.f32 v7, v5  }
0xf6: {  	v7 =	vld [tilespmem:s22+$0x46E0];
	v23 =	vmul.f32 v6, v11;
	v6 =	vmul.f32 v6, v12  }
0xf7: {  	v5 =	vadd.f32 v5, v4;
	v4 =	vld [tilespmem:s22+$0x4720];
	v12 =	vmul.f32 v14, v12;
	v11 =	vmul.f32 v14, v11  }
0xf8: {  	v13 =	vmul.f32 v13, v19;
	v14 =	vld [tilespmem:s22+$0x4760]  }
0xf9: {  	v9 =	vmul.f32 v10, v9;
	v10 =	vld [tilespmem:s22+$0x4630];
	v12 =	vsub.f32 v23, v12;
	v11 =	vadd.f32 v11, v6  }
0xfa: {  	v6 =	vld [tilespmem:s22+$0x4670];
	v16 =	vmul.f32 v16, v20  }
0xfb: {  	v9 =	vadd.f32 v9, v13;
	v7 =	vmul.f32 v17, v7;
	v13 =	vld [tilespmem:s22+$0x46B0]  }
0xfc: {  	v17 =	vld [tilespmem:s22+$0x46F0];
	v19 =	vmul.f32 v21, v4  }
0xfd: {  	v1 =	vadd.f32 v9, v1;
	v7 =	vadd.f32 v7, v16;
	v9 =	vmul.f32 v15, v14;
	v14 =	vld [tilespmem:s22+$0x4730]  }
0xfe: {  	s23 =	sshra.s32 s24, $0x2;
	v2 =	vmul.f32 v2, v10;
	v15 =	vld [tilespmem:s22+$0x4770]  }
0xff: {  	v4 =	vld [tilespmem:s23+$0x7B0];
	v10 =	vmul.f32 v18, v6;
	v7 =	vadd.f32 v7, v3;
	v3 =	vadd.f32 v9, v19  }
0x100: {  	v6 =	vld [tilespmem:s23+$0x7F0];
	v13 =	vmul.f32 v22, v13  }
0x101: {  	v9 =	vld [tilespmem:s23+$0x27B0];
	v16 =	vadd.f32 v10, v2;
	v8 =	vmul.f32 v8, v17;
	v17 =	vadd.f32 v3, v5  }
0x102: {  	v10 =	vld [tilespmem:s23+$0x27F0];
	v5 =	vmul.f32 v12, v14  }
0x103: {  	v2 =	vld [tilespmem:s23+$0x7A0];
	v12 =	vadd.f32 v16, v1;
	v8 =	vadd.f32 v8, v13;
	v11 =	vmul.f32 v11, v15  }
0x104: {  	v1 =	vld [tilespmem:s23+$0x7E0]  }
0x105: {  	v3 =	vld [tilespmem:s23+$0x27A0];
	v7 =	vadd.f32 v8, v7;
	v8 =	vadd.f32 v11, v5;
	(xrf2) =	vadd.scan.msk.f32 $0xffff, v12  }
0x106: {  	v5 =	vld [tilespmem:s23+$0x27E0]  }
0x107: {  	v11 =	vld [tilespmem:s23+$0x780];
	v8 =	vadd.f32 v8, v17  }
0x108: {  	v12 =	vld [tilespmem:s23+$0x7C0];
	(xrf2) =	vadd.scan.msk.f32 $0xffff, v7  }
0x109: {  	v15 =	vld [tilespmem:s23+$0x2780]  }
.Ltmp0:
0x10a: {  	v17 =	vld [tilespmem:s23+$0x27C0];
	(pc) =	sbr.rel @!p1 .LBB2_3-.Ltmp0, $4  }
0x10b: {  	v13 =	vld [tilespmem:s23+$0x790];
	(xrf2) =	vadd.scan.msk.f32 $0xffff, v8  }
0x10c: {  	v14 =	vld [tilespmem:s23+$0x7D0]  }
0x10d: {  	v16 =	vld [tilespmem:s23+$0x2790]  }
0x10e: {  	s24 =	sadd.s32 $0x800, s24;
	v7 =	vmul.f32 v9, v4;
	v8 =	vmul.f32 v10, v6;
	v18 =	vld [tilespmem:s23+$0x27D0]  }
0x10f: {  	v19 =	vld [tilespmem:s23+$0x600];
	v20, _, _ =	vpop (xrf2)  }
0x110: {  	v21 =	vld [tilespmem:s23+$0x4780];
	[tilespmem:s22+$0x18600] =	vst v20  }
0x111: {  	v4 =	vmul.f32 v10, v4;
	v6 =	vmul.f32 v9, v6;
	v20 =	vld [tilespmem:s23+$0x47C0]  }
0x112: {  	v10 =	vmul.f32 v3, v2;
	v25 =	vmul.f32 v15, v11;
	v9 =	vld [tilespmem:s23+$0x4790];
	v23, _, _ =	vpop (xrf2)  }
0x113: {  	v26 =	vmul.f32 v17, v12;
	v11 =	vmul.f32 v17, v11;
	v24 =	vld [tilespmem:s23+$0x47D0];
	[tilespmem:s22+$0x18680] =	vst v23  }
0x114: {  	v12 =	vmul.f32 v15, v12;
	v17 =	vmul.f32 v16, v13;
	v15 =	vld [tilespmem:s23+$0x47A0]  }
0x115: {  	v23 =	vmul.f32 v18, v14;
	v14 =	vmul.f32 v16, v14;
	v27 =	vld [tilespmem:s23+$0x47E0];
	v16, _, _ =	vpop (xrf2)  }
0x116: {  	v22 =	vmul.f32 v5, v1;
	v13 =	vmul.f32 v18, v13;
	v18 =	vld [tilespmem:s23+$0x47B0];
	[tilespmem:s22+$0x18700] =	vst v16  }
0x117: {  	v2 =	vmul.f32 v5, v2;
	v1 =	vmul.f32 v3, v1;
	v3 =	vld [tilespmem:s23+$0x47F0]  }
0x118: {  	v11 =	vadd.f32 v11, v12;
	v12 =	vadd.f32 v13, v14;
	v14 =	vld [tilespmem:s23+$0x640]  }
0x119: {  	v1 =	vadd.f32 v2, v1;
	v5 =	vsub.f32 v17, v23;
	v2 =	vld [tilespmem:s23+$0x2600]  }
0x11a: {  	v4 =	vadd.f32 v4, v6;
	v6 =	vld [tilespmem:s23+$0x2640]  }
0x11b: {  	v5 =	vmul.f32 v5, v9;
	v9 =	vmul.f32 v12, v24;
	v12 =	vld [tilespmem:s23+$0x6D0]  }
0x11c: {  	v16 =	vld [tilespmem:s23+$0x700]  }
0x11d: {  	v25 =	vsub.f32 v25, v26;
	v17 =	vld [tilespmem:s23+$0x740]  }
0x11e: {  	v11 =	vmul.f32 v11, v20;
	v20 =	vld [tilespmem:s23+$0x2740]  }
0x11f: {  	v13 =	vmul.f32 v25, v21;
	v21 =	vld [tilespmem:s23+$0x710]  }
0x120: {  	v10 =	vsub.f32 v10, v22;
	v22 =	vld [tilespmem:s23+$0x750]  }
0x121: {  	v47 =	vld [tilespmem:s23+$0x2710]  }
0x122: {  	v48 =	vld [tilespmem:s23+$0x620]  }
0x123: {  	v49 =	vld [tilespmem:s23+$0x660]  }
0x124: {  	v50 =	vld [tilespmem:s23+$0x2620]  }
0x125: {  	v28 =	vld [tilespmem:s23+$0x2660]  }
0x126: {  	v29 =	vld [tilespmem:s23+$0x6A0]  }
0x127: {  	v30 =	vld [tilespmem:s23+$0x6E0]  }
0x128: {  	v31 =	vld [tilespmem:s23+$0x26A0]  }
0x129: {  	v32 =	vld [tilespmem:s23+$0x26E0]  }
0x12a: {  	v33 =	vld [tilespmem:s23+$0x720]  }
0x12b: {  	v34 =	vld [tilespmem:s23+$0x760]  }
0x12c: {  	v35 =	vld [tilespmem:s23+$0x2720]  }
0x12d: {  	v36 =	vld [tilespmem:s23+$0x2760]  }
0x12e: {  	v37 =	vld [tilespmem:s23+$0x4600]  }
0x12f: {  	v38 =	vld [tilespmem:s23+$0x4640]  }
0x130: {  	v41 =	vld [tilespmem:s23+$0x4610]  }
0x131: {  	v42 =	vld [tilespmem:s23+$0x630]  }
0x132: {  	v43 =	vld [tilespmem:s23+$0x2630]  }
0x133: {  	v7 =	vsub.f32 v7, v8;
	v52 =	vld [tilespmem:s23+$0x4690];
	v8 =	vadd.f32 v11, v13  }
0x134: {  	v53 =	vld [tilespmem:s23+$0x6B0];
	v10 =	vmul.f32 v10, v15;
	v5 =	vadd.f32 v9, v5;
	v1 =	vmul.f32 v1, v27  }
0x135: {  	v11 =	vld [tilespmem:s23+$0x650];
	v7 =	vmul.f32 v7, v18  }
0x136: {  	v13 =	vld [tilespmem:s23+$0x2690];
	v5 =	vadd.f32 v5, v8;
	v1 =	vadd.f32 v1, v10;
	v3 =	vmul.f32 v4, v3  }
0x137: {  	v9 =	vld [tilespmem:s23+$0x610]  }
0x138: {  	v15 =	vld [tilespmem:s23+$0x26D0];
	v1 =	vadd.f32 v1, v5;
	v3 =	vadd.f32 v3, v7  }
0x139: {  	v8 =	vld [tilespmem:s23+$0x2650]  }
0x13a: {  	v10 =	vld [tilespmem:s23+$0x26C0];
	v1 =	vadd.f32 v3, v1  }
0x13b: {  	v4 =	vld [tilespmem:s23+$0x2610]  }
0x13c: {  	v39 =	vmul.f32 v2, v19;
	v40 =	vmul.f32 v6, v14;
	v5 =	vld [tilespmem:s23+$0x680];
	(xrf2) =	vadd.scan.msk.f32 $0xffff, v1  }
0x13d: {  	v6 =	vmul.f32 v6, v19;
	v2 =	vmul.f32 v2, v14;
	v7 =	vld [tilespmem:s23+$0x6C0]  }
0x13e: {  	v25 =	vmul.f32 v28, v48;
	v56 =	vmul.f32 v31, v30;
	v3 =	vld [tilespmem:s23+$0x2680]  }
0x13f: {  	v14 =	vld [tilespmem:s23+$0x4650];
	v59 =	vmul.f32 v35, v34;
	v61 =	vmul.f32 v36, v34  }
0x140: {  	v2 =	vadd.f32 v6, v2;
	v19 =	vmul.f32 v4, v9;
	v4 =	vmul.f32 v4, v11;
	v1 =	vld [tilespmem:s23+$0x690]  }
0x141: {  	v54 =	vld [tilespmem:s23+$0x26B0];
	v11 =	vmul.f32 v8, v11;
	v8 =	vmul.f32 v8, v9  }
0x142: {  	v18 =	vld [tilespmem:s23+$0x2700];
	v2 =	vmul.f32 v2, v38;
	v6 =	vmul.f32 v10, v7  }
0x143: {  	v55 =	vld [tilespmem:s23+$0x26F0];
	v4 =	vadd.f32 v8, v4;
	v8 =	vmul.f32 v15, v12;
	v51 =	vmul.f32 v3, v5  }
0x144: {  	v57 =	vld [tilespmem:s23+$0x4700];
	v3 =	vmul.f32 v3, v7;
	v5 =	vmul.f32 v10, v5  }
0x145: {  	v58 =	vld [tilespmem:s23+$0x4740];
	v10 =	vsub.f32 v19, v11;
	v4 =	vmul.f32 v4, v14;
	v11 =	vmul.f32 v13, v1  }
0x146: {  	v9 =	vld [tilespmem:s23+$0x670];
	v13 =	vmul.f32 v13, v12;
	v1 =	vmul.f32 v15, v1;
	v23, _, _ =	vpop (xrf2)  }
0x147: {  	v39 =	vsub.f32 v39, v40;
	v15 =	vmul.f32 v18, v16;
	v18 =	vmul.f32 v18, v17;
	[tilespmem:s23+$0x18780] =	vst v23;
	v23 =	vld [tilespmem:s23+$0x2750]  }
0x148: {  	v7 =	vld [tilespmem:s23+$0x2670];
	v3 =	vadd.f32 v5, v3;
	v5 =	vmul.f32 v20, v17;
	v16 =	vmul.f32 v20, v16  }
0x149: {  	v12 =	vld [tilespmem:s23+$0x46C0];
	v20 =	vmul.f32 v47, v22;
	v10 =	vmul.f32 v10, v41;
	v8 =	vsub.f32 v11, v8  }
0x14a: {  	v60 =	vld [tilespmem:s23+$0x4710];
	v11 =	vmul.f32 v47, v21;
	v1 =	vadd.f32 v1, v13;
	v5 =	vsub.f32 v15, v5  }
0x14b: {  	v62 =	vld [tilespmem:s23+$0x4750];
	v15 =	vmul.f32 v50, v48;
	v16 =	vadd.f32 v16, v18;
	v18 =	vmul.f32 v28, v49  }
0x14c: {  	v19 =	vld [tilespmem:s23+$0x4680];
	v4 =	vadd.f32 v4, v10;
	v10 =	vmul.f32 v43, v9;
	v13 =	vmul.f32 v23, v22  }
0x14d: {  	v6 =	vsub.f32 v51, v6;
	v17 =	vld [tilespmem:s23+$0x46D0];
	v9 =	vmul.f32 v7, v9;
	v21 =	vmul.f32 v23, v21  }
0x14e: {  	v47 =	vld [tilespmem:s23+$0x4670];
	v7 =	vmul.f32 v7, v42;
	v3 =	vmul.f32 v3, v12;
	v11 =	vsub.f32 v11, v13  }
0x14f: {  	v12 =	vld [tilespmem:s23+$0x4620];
	v13 =	vmul.f32 v31, v29;
	v20 =	vadd.f32 v21, v20;
	v21 =	vmul.f32 v32, v30  }
0x150: {  	v44 =	vld [tilespmem:s23+$0x2730];
	v15 =	vsub.f32 v15, v18;
	v18 =	vmul.f32 v35, v33;
	v33 =	vmul.f32 v36, v33  }
0x151: {  	v14 =	vld [tilespmem:s23+$0x770];
	v7 =	vadd.f32 v7, v10;
	v13 =	vsub.f32 v13, v21;
	v21 =	vmul.f32 v39, v37  }
0x152: {  	v6 =	vmul.f32 v6, v19;
	v1 =	vmul.f32 v1, v17;
	v18 =	vsub.f32 v18, v61;
	v22 =	vld [tilespmem:s23+$0x6F0]  }
0x153: {  	v63 =	vld [tilespmem:s23+$0x730];
	v45 =	vadd.f32 v33, v59;
	v7 =	vmul.f32 v7, v47;
	v2 =	vadd.f32 v2, v21  }
0x154: {  	v46 =	vld [tilespmem:s23+$0x4720];
	v3 =	vadd.f32 v3, v6;
	v12 =	vmul.f32 v15, v12;
	v23 =	vmul.f32 v50, v49  }
0x155: {  	v19 =	vld [tilespmem:s23+$0x2770];
	v29 =	vmul.f32 v32, v29;
	v2 =	vadd.f32 v4, v2;
	v4 =	vmul.f32 v8, v52  }
0x156: {  	v23 =	vadd.f32 v25, v23;
	v25 =	vmul.f32 v44, v14;
	v21 =	vmul.f32 v43, v42;
	v8 =	vld [tilespmem:s23+$0x4660]  }
0x157: {  	v6 =	vld [tilespmem:s23+$0x46A0];
	v28 =	vadd.f32 v29, v56;
	v17 =	vmul.f32 v54, v22;
	v1 =	vadd.f32 v1, v4  }
0x158: {  	v15 =	vld [tilespmem:s23+$0x46F0];
	v10 =	vmul.f32 v55, v22;
	v9 =	vsub.f32 v21, v9;
	v4 =	vmul.f32 v54, v53  }
0x159: {  	v21 =	vld [tilespmem:s23+$0x46E0];
	v1 =	vadd.f32 v1, v3;
	v3 =	vmul.f32 v5, v57;
	v5 =	vmul.f32 v16, v58  }
0x15a: {  	v4 =	vsub.f32 v4, v10;
	v10 =	vmul.f32 v11, v60;
	v11 =	vmul.f32 v20, v62;
	v20 =	vld [tilespmem:s23+$0x4630]  }
0x15b: {  	v16 =	vld [tilespmem:s23+$0x4760];
	v8 =	vmul.f32 v23, v8;
	v3 =	vadd.f32 v5, v3;
	v5 =	vmul.f32 v44, v63  }
0x15c: {  	v10 =	vadd.f32 v11, v10;
	v11 =	vmul.f32 v19, v14;
	v14 =	vmul.f32 v19, v63;
	v19 =	vld [tilespmem:s23+$0x46B0]  }
0x15d: {  	v22 =	vmul.f32 v55, v53;
	v6 =	vmul.f32 v13, v6;
	v13 =	vld [tilespmem:s23+$0x4730];
	v8 =	vadd.f32 v8, v12  }
0x15e: {  	v3 =	vadd.f32 v10, v3;
	v10 =	vmul.f32 v28, v21;
	v5 =	vsub.f32 v5, v11;
	v11 =	vld [tilespmem:s23+$0x4770]  }
0x15f: {  	v17 =	vadd.f32 v22, v17;
	v2 =	vadd.f32 v8, v2;
	v9 =	vmul.f32 v9, v20  }
0x160: {  	v8 =	vmul.f32 v45, v16;
	v6 =	vadd.f32 v10, v6;
	v10 =	vmul.f32 v18, v46  }
0x161: {  	v12 =	vadd.f32 v14, v25;
	v4 =	vmul.f32 v4, v19;
	v7 =	vadd.f32 v7, v9  }
0x162: {  	v1 =	vadd.f32 v6, v1;
	v6 =	vadd.f32 v8, v10;
	v8 =	vmul.f32 v17, v15  }
0x163: {  	v5 =	vmul.f32 v5, v13;
	v9 =	vmul.f32 v12, v11  }
0x164: {  	v2 =	vadd.f32 v7, v2;
	v4 =	vadd.f32 v8, v4  }
0x165: {  	v3 =	vadd.f32 v6, v3;
	v5 =	vadd.f32 v9, v5  }
0x166: {  	v1 =	vadd.f32 v4, v1  }
0x167: {  	(xrf2) =	vadd.scan.msk.f32 $0xffff, v2;
	v2 =	vadd.f32 v5, v3  }
0x168: {  	(xrf2) =	vadd.scan.msk.f32 $0xffff, v1  }
0x169: {  	(xrf2) =	vadd.scan.msk.f32 $0xffff, v2;
	_ =	sdelay $0x6  }
0x16a: {  	v2 =	vor.u32 $0xF, v0  }
0x16b: {  	v1, _, _ =	vpop (xrf2)  }
0x16c: {  	[tilespmem:s23+$0x18600] =	vst v1;
	v1, _, _ =	vpop (xrf2)  }
0x16d: {  	[tilespmem:s23+$0x18680] =	vst v1;
	v1, _, _ =	vpop (xrf2)  }
0x16e: {  	[tilespmem:s23+$0x18700] =	vst v1  }
0x16f: {  	v3 =	vld.idx.msk [tilespmem:v2+s3+$0x0], $0xffff  }
0x170: {  	v1 =	vor.u32 $0x80F, v0;
	_ =	sdelay $0x1  }
0x171: {  	s21 =	sshll.u32 s21, $0x8  }
0x172: {  	s21 =	sand.u32 $0x3FFFFF00, s21  }
0x173: {  	[tilespmem:s21+$0x1A600] =	vst v3  }
0x174: {  	v4 =	vld.idx.msk [tilespmem:v1+s3+$0x0], $0xffff  }
0x175: {  	v3 =	vor.u32 $0x100F, v0;
	_ =	sdelay $0x3  }
0x176: {  	[tilespmem:s21+$0x1A610] =	vst v4  }
0x177: {  	v5 =	vld.idx.msk [tilespmem:v3+s3+$0x0], $0xffff  }
0x178: {  	v4 =	vor.u32 $0x180F, v0;
	_ =	sdelay $0x3  }
0x179: {  	[tilespmem:s21+$0x1A620] =	vst v5  }
0x17a: {  	v5 =	vld.idx.msk [tilespmem:v4+s3+$0x0], $0xffff;
	_ =	sdelay $0x4  }
0x17b: {  	[tilespmem:s21+$0x1A630] =	vst v5  }
0x17c: {  	_ =	swait.ge [sflag:s14], $0x2000  }
0x17d: {  	[sflag:s14] =	ssyncset.done $0x0  }
0x17e: {  	[sflag:s14] =	ssyncadd.s32 $0xFFFFE000  }
0x17f: {  	_ =	swait.ge [sflag:s14], $0x2000  }
0x180: {  	[sflag:s14] =	ssyncset.done $0x0  }
0x181: {  	[sflag:s14] =	ssyncadd.s32 $0xFFFFE000  }
0x182: {  	_ =	swait.ge [sflag:s14], $0x2000  }
0x183: {  	s24 =	simm.s32 @p0 $0x600;
	[sflag:s14] =	ssyncset.done $0x0  }
0x184: {  	s22 =	simm.s32 @p0 $0x40;
	s23 =	simm.s32 @p0 $0x100;
	[sflag:s14] =	ssyncadd.s32 $0xFFFFE000  }
0x185: {  	[tilespmem:s24], [sflag:$0x2] =	stream.indirect.gather @p0 [hbm4b:s1+s22], $0x80, s23, s22, $0xb8;
	[tilespmem:$0x1A800] =	vst v63  }
0x186: {  	s23 =	simm.s32 @p0 $0x300;
	s24 =	simm.s32 @p0 $0x2600  }
0x187: {  	[tilespmem:s24], [sflag:$0x2] =	stream.indirect.gather @p0 [hbm4b:s2+s22], $0x80, s23, s22, $0xb8;
	[tilespmem:$0x1A800] =	vst v63  }
0x188: {  	s23 =	simm.s32 @p0 $0x500;
	s24 =	simm.s32 @p0 $0x4600  }
0x189: {  	[tilespmem:s24], [sflag:$0x2] =	stream.indirect.gather @p0 [hbm4b:s1+s22], $0x80, s23, s22, $0xb8;
	[tilespmem:$0x1A800] =	vst v63  }
0x18a: {  	s22 =	simm.s32 $0x0  }
0x18b: {  	v5 =	vld [tilespmem:s22+$0x67B0]  }
0x18c: {  	v6 =	vld [tilespmem:s22+$0x67F0]  }
0x18d: {  	v7 =	vld [tilespmem:s22+$0x87B0]  }
0x18e: {  	v8 =	vld [tilespmem:s22+$0x87F0]  }
0x18f: {  	v9 =	vld [tilespmem:s22+$0x67A0]  }
0x190: {  	v10 =	vld [tilespmem:s22+$0x67E0]  }
0x191: {  	v11 =	vld [tilespmem:s22+$0x87A0]  }
0x192: {  	v12 =	vld [tilespmem:s22+$0x87E0]  }
0x193: {  	v13 =	vld [tilespmem:s22+$0x6780]  }
0x194: {  	v14 =	vld [tilespmem:s22+$0x67C0]  }
0x195: {  	v15 =	vld [tilespmem:s22+$0x8780]  }
0x196: {  	v16 =	vld [tilespmem:s22+$0x87C0]  }
0x197: {  	v17 =	vld [tilespmem:s22+$0x6790]  }
0x198: {  	v18 =	vld [tilespmem:s22+$0x67D0]  }
0x199: {  	v19 =	vld [tilespmem:s22+$0x8790]  }
0x19a: {  	v20 =	vld [tilespmem:s22+$0x87D0]  }
0x19b: {  	v23 =	vld [tilespmem:s22+$0x6600]  }
0x19c: {  	v49 =	vld [tilespmem:s22+$0xA7C0]  }
0x19d: {  	v52 =	vld [tilespmem:s22+$0xA790]  }
0x19e: {  	v54 =	vld [tilespmem:s22+$0xA7A0]  }
0x19f: {  	v24 =	vld [tilespmem:s22+$0x8740]  }
0x1a0: {  	v25 =	vld [tilespmem:s22+$0x6710]  }
0x1a1: {  	v26 =	vld [tilespmem:s22+$0x6750]  }
0x1a2: {  	v28 =	vld [tilespmem:s22+$0x8710]  }
0x1a3: {  	v27 =	vld [tilespmem:s22+$0x8750]  }
0x1a4: {  	v29 =	vld [tilespmem:s22+$0x6620]  }
0x1a5: {  	v30 =	vld [tilespmem:s22+$0x6660]  }
0x1a6: {  	v56 =	vld [tilespmem:s22+$0x8620]  }
0x1a7: {  	v57 =	vld [tilespmem:s22+$0x8660]  }
0x1a8: {  	v33 =	vld [tilespmem:s22+$0x66A0]  }
0x1a9: {  	v34 =	vld [tilespmem:s22+$0x66E0]  }
0x1aa: {  	v58 =	vld [tilespmem:s22+$0x86A0]  }
0x1ab: {  	v59 =	vld [tilespmem:s22+$0x86E0]  }
0x1ac: {  	v37 =	vld [tilespmem:s22+$0x6720]  }
0x1ad: {  	v38 =	vld [tilespmem:s22+$0x6760]  }
0x1ae: {  	v60 =	vld [tilespmem:s22+$0x8720]  }
0x1af: {  	v40 =	vld [tilespmem:s22+$0x8760]  }
0x1b0: {  	v61 =	vld [tilespmem:s22+$0xA600]  }
0x1b1: {  	v62 =	vld [tilespmem:s22+$0xA640]  }
0x1b2: {  	v43 =	vld [tilespmem:s22+$0xA610]  }
0x1b3: {  	v44 =	vld [tilespmem:s22+$0xA650];
	v21 =	vmul.f32 v7, v5  }
0x1b4: {  	v45 =	vld [tilespmem:s22+$0x6630];
	v22 =	vmul.f32 v8, v6;
	v5 =	vmul.f32 v8, v5  }
0x1b5: {  	v46 =	vld [tilespmem:s22+$0x6670];
	v6 =	vmul.f32 v7, v6;
	v8 =	vmul.f32 v11, v9  }
0x1b6: {  	v47 =	vld [tilespmem:s22+$0x8630];
	v48 =	vmul.f32 v12, v10;
	v50 =	vmul.f32 v15, v13  }
0x1b7: {  	v7 =	vld [tilespmem:s22+$0xA780];
	v51 =	vmul.f32 v16, v14;
	v13 =	vmul.f32 v16, v13  }
0x1b8: {  	v14 =	vmul.f32 v15, v14;
	v15 =	vld [tilespmem:s22+$0xA7D0];
	v16 =	vmul.f32 v19, v17  }
0x1b9: {  	v53 =	vmul.f32 v20, v18;
	v18 =	vmul.f32 v19, v18;
	v19 =	vld [tilespmem:s22+$0xA7E0]  }
0x1ba: {  	v17 =	vmul.f32 v20, v17;
	v9 =	vmul.f32 v12, v9;
	v12 =	vld [tilespmem:s22+$0xA7B0]  }
0x1bb: {  	v10 =	vmul.f32 v11, v10;
	v11 =	vld [tilespmem:s22+$0xA7F0];
	v13 =	vadd.f32 v13, v14  }
0x1bc: {  	v14 =	vsub.f32 v16, v53;
	v16 =	vadd.f32 v17, v18;
	v17 =	vld [tilespmem:s22+$0x6640]  }
0x1bd: {  	v9 =	vadd.f32 v9, v10;
	v10 =	vld [tilespmem:s22+$0x8600]  }
0x1be: {  	v20 =	vsub.f32 v50, v51;
	v5 =	vadd.f32 v5, v6;
	v6 =	vld [tilespmem:s22+$0x8640]  }
0x1bf: {  	v18 =	vld [tilespmem:s22+$0x8690];
	v13 =	vmul.f32 v13, v49  }
0x1c0: {  	v50 =	vld [tilespmem:s22+$0x8670];
	v14 =	vmul.f32 v14, v52;
	v7 =	vmul.f32 v20, v7  }
0x1c1: {  	v8 =	vsub.f32 v8, v48;
	v15 =	vmul.f32 v16, v15;
	v5 =	vmul.f32 v5, v11;
	v11 =	vld [tilespmem:s22+$0x8650]  }
0x1c2: {  	v9 =	vmul.f32 v9, v19;
	v19 =	vld [tilespmem:s22+$0x86D0]  }
0x1c3: {  	v8 =	vmul.f32 v8, v54;
	v7 =	vadd.f32 v13, v7;
	v13 =	vadd.f32 v15, v14;
	v14 =	vld [tilespmem:s22+$0x6610]  }
0x1c4: {  	v16 =	vsub.f32 v21, v22;
	v15 =	vld [tilespmem:s22+$0x6650]  }
0x1c5: {  	v8 =	vadd.f32 v9, v8;
	v9 =	vld [tilespmem:s22+$0x8610]  }
0x1c6: {  	v20 =	vld [tilespmem:s22+$0x6700];
	v12 =	vmul.f32 v16, v12;
	v7 =	vadd.f32 v13, v7  }
0x1c7: {  	v16 =	vld [tilespmem:s22+$0x66D0];
	v48 =	vmul.f32 v10, v23;
	v49 =	vmul.f32 v6, v17  }
0x1c8: {  	v5 =	vadd.f32 v5, v12;
	v12 =	vld [tilespmem:s22+$0x66C0];
	v7 =	vadd.f32 v8, v7  }
0x1c9: {  	v6 =	vmul.f32 v6, v23;
	v10 =	vmul.f32 v10, v17;
	v13 =	vld [tilespmem:s22+$0x86C0];
	v48 =	vsub.f32 v48, v49  }
0x1ca: {  	v8 =	vld [tilespmem:s22+$0x6680];
	v23 =	vmul.f32 v9, v14;
	v9 =	vmul.f32 v9, v15;
	v5 =	vadd.f32 v5, v7  }
0x1cb: {  	v6 =	vadd.f32 v6, v10;
	v15 =	vmul.f32 v11, v15;
	v11 =	vmul.f32 v11, v14;
	v7 =	vld [tilespmem:s22+$0x8680]  }
0x1cc: {  	v53 =	vmul.f32 v50, v46;
	(xrf2) =	vadd.scan.msk.f32 $0xffff, v5;
	v5 =	vld [tilespmem:s22+$0x6690]  }
0x1cd: {  	v21 =	vld [tilespmem:s22+$0x6740];
	v61 =	vmul.f32 v48, v61;
	v6 =	vmul.f32 v6, v62;
	v9 =	vadd.f32 v11, v9  }
0x1ce: {  	v22 =	vld [tilespmem:s22+$0x8700];
	v10 =	vmul.f32 v13, v12;
	v11 =	vmul.f32 v19, v16  }
0x1cf: {  	v31 =	vld [tilespmem:s22+$0xA750];
	v9 =	vmul.f32 v9, v44;
	v44 =	vmul.f32 v47, v45  }
0x1d0: {  	v35 =	vld [tilespmem:s22+$0x6770];
	v63 =	vmul.f32 v7, v8;
	v7 =	vmul.f32 v7, v12  }
0x1d1: {  	v39 =	vld [tilespmem:s22+$0x8770];
	v8 =	vmul.f32 v13, v8;
	v13 =	vsub.f32 v23, v15;
	v15 =	vmul.f32 v18, v5  }
0x1d2: {  	v51 =	vld [tilespmem:s22+$0xA6C0];
	v18 =	vmul.f32 v18, v16;
	v5 =	vmul.f32 v19, v5  }
0x1d3: {  	v52 =	vld [tilespmem:s22+$0xA6D0];
	v10 =	vsub.f32 v63, v10;
	v19 =	vmul.f32 v22, v20;
	v22 =	vmul.f32 v22, v21  }
0x1d4: {  	v54 =	vld [tilespmem:s22+$0xA760];
	v7 =	vadd.f32 v8, v7;
	v8 =	vmul.f32 v24, v21;
	v20 =	vmul.f32 v24, v20  }
0x1d5: {  	v17 =	vld [tilespmem:s22+$0xA680];
	v13 =	vmul.f32 v13, v43;
	v11 =	vsub.f32 v15, v11;
	v15 =	vmul.f32 v28, v25  }
0x1d6: {  	v49 =	vld [tilespmem:s22+$0x86F0];
	v5 =	vadd.f32 v5, v18;
	v18 =	vmul.f32 v27, v26;
	v25 =	vmul.f32 v27, v25  }
0x1d7: {  	v62 =	vld [tilespmem:s22+$0xA660];
	v8 =	vsub.f32 v19, v8;
	v19 =	vmul.f32 v56, v29;
	v56 =	vmul.f32 v56, v30  }
0x1d8: {  	v14 =	vld [tilespmem:s22+$0xA690];
	v20 =	vadd.f32 v20, v22;
	v22 =	vmul.f32 v57, v30;
	v29 =	vmul.f32 v57, v29  }
0x1d9: {  	v12 =	vld [tilespmem:s22+$0x66B0];
	v57 =	vmul.f32 v58, v34;
	v9 =	vadd.f32 v9, v13;
	v13 =	vmul.f32 v47, v46  }
0x1da: {  	v6 =	vadd.f32 v6, v61;
	v23 =	vld [tilespmem:s22+$0x66F0];
	v10 =	vmul.f32 v10, v17;
	v7 =	vmul.f32 v7, v51  }
0x1db: {  	v16 =	vld [tilespmem:s22+$0x86B0];
	v15 =	vsub.f32 v15, v18;
	v18 =	vmul.f32 v58, v33;
	v58 =	vmul.f32 v59, v34  }
0x1dc: {  	v21 =	vld [tilespmem:s22+$0xA700];
	v33 =	vmul.f32 v59, v33;
	v19 =	vsub.f32 v19, v22;
	v22 =	vmul.f32 v60, v37  }
0x1dd: {  	v63 =	vld [tilespmem:s22+$0xA6A0];
	v59 =	vmul.f32 v60, v38;
	v27 =	vadd.f32 v29, v56;
	v60 =	vmul.f32 v40, v38  }
0x1de: {  	v30 =	vld [tilespmem:s22+$0x6730];
	v37 =	vmul.f32 v40, v37;
	v9 =	vadd.f32 v9, v6;
	v6 =	vmul.f32 v11, v14  }
0x1df: {  	v17 =	vld [tilespmem:s22+$0xA720];
	v5 =	vmul.f32 v5, v52;
	v14 =	vmul.f32 v50, v45;
	v7 =	vadd.f32 v7, v10;
	v55, _, _ =	vpop (xrf2)  }
0x1e0: {  	[tilespmem:s22+$0x18780] =	vst v55;
	v55 =	vmul.f32 v28, v26;
	v28 =	vld [tilespmem:s22+$0xA740];
	v18 =	vsub.f32 v18, v58;
	v32 =	vadd.f32 v33, v57  }
0x1e1: {  	v10 =	vmul.f32 v49, v23;
	v26 =	vld [tilespmem:s22+$0xA710];
	v22 =	vsub.f32 v22, v60;
	v5 =	vadd.f32 v5, v6  }
0x1e2: {  	v38 =	vld [tilespmem:s22+$0xA620];
	v6 =	vmul.f32 v16, v12;
	v16 =	vmul.f32 v16, v23;
	v57 =	vadd.f32 v14, v13  }
0x1e3: {  	v11 =	vld [tilespmem:s22+$0xA630];
	v12 =	vmul.f32 v49, v12;
	v60 =	vmul.f32 v39, v35;
	v24 =	vadd.f32 v25, v55  }
0x1e4: {  	v34 =	vld [tilespmem:s22+$0x8730];
	v61 =	vmul.f32 v39, v30;
	v58 =	vadd.f32 v5, v7;
	v5 =	vmul.f32 v8, v21  }
0x1e5: {  	v55 =	vld [tilespmem:s22+$0xA670];
	v21 =	vsub.f32 v6, v10;
	v17 =	vmul.f32 v22, v17;
	v10 =	vmul.f32 v24, v31  }
0x1e6: {  	v48 =	vld [tilespmem:s22+$0xA6E0];
	v25 =	vsub.f32 v44, v53;
	v7 =	vmul.f32 v20, v28;
	v6 =	vmul.f32 v15, v26  }
0x1e7: {  	v56 =	vld [tilespmem:s22+$0xA6B0];
	v12 =	vadd.f32 v12, v16;
	v16 =	vmul.f32 v19, v38;
	v19 =	vmul.f32 v27, v62  }
0x1e8: {  	v23 =	vld [tilespmem:s22+$0xA6F0];
	v11 =	vmul.f32 v25, v11;
	v5 =	vadd.f32 v7, v5;
	v6 =	vadd.f32 v10, v6  }
0x1e9: {  	s23 =	simm.s32 $0x200;
	v36 =	vadd.f32 v37, v59;
	v59 =	vld [tilespmem:s22+$0xA770];
	v15 =	vmul.f32 v34, v35;
	v7 =	vmul.f32 v34, v30  }
0x1ea: {  	v13 =	vld [tilespmem:s23+$0x87B0];
	v22 =	vmul.f32 v57, v55;
	v62 =	vadd.f32 v6, v5;
	v5 =	vmul.f32 v18, v63  }
0x1eb: {  	v14 =	vld [tilespmem:s23+$0x87F0];
	v18 =	vmul.f32 v32, v48;
	v26 =	vsub.f32 v7, v60;
	v7 =	vadd.f32 v19, v16  }
0x1ec: {  	v20 =	vld [tilespmem:s22+$0xA730];
	v16 =	vadd.f32 v61, v15;
	v19 =	vmul.f32 v36, v54;
	v11 =	vadd.f32 v22, v11  }
0x1ed: {  	v8 =	vld [tilespmem:s23+$0x67B0];
	v15 =	vadd.f32 v18, v5;
	v18 =	vadd.f32 v7, v9  }
0x1ee: {  	v12 =	vmul.f32 v12, v23;
	v10 =	vld [tilespmem:s23+$0x67F0];
	v17 =	vadd.f32 v19, v17;
	v19 =	vmul.f32 v21, v56  }
0x1ef: {  	v6 =	vld [tilespmem:s23+$0x67A0];
	v11 =	vadd.f32 v11, v18  }
0x1f0: {  	v5 =	vld [tilespmem:s23+$0x67E0];
	v63 =	vadd.f32 v15, v58;
	v12 =	vadd.f32 v12, v19  }
0x1f1: {  	v7 =	vld [tilespmem:s23+$0x87A0];
	v20 =	vmul.f32 v26, v20;
	v21 =	vmul.f32 v16, v59;
	(xrf2) =	vadd.scan.msk.f32 $0xffff, v11  }
0x1f2: {  	v9 =	vld [tilespmem:s23+$0x87E0];
	v12 =	vadd.f32 v12, v63  }
0x1f3: {  	v16 =	vld [tilespmem:s23+$0x67C0];
	v22 =	vadd.f32 v17, v62;
	v18 =	vadd.f32 v21, v20  }
0x1f4: {  	v15 =	vld [tilespmem:s23+$0x6780];
	(xrf2) =	vadd.scan.msk.f32 $0xffff, v12  }
0x1f5: {  	v19 =	vld [tilespmem:s23+$0x8780];
	v11 =	vadd.f32 v18, v22  }
0x1f6: {  	v21 =	vld [tilespmem:s23+$0x87C0]  }
0x1f7: {  	v17 =	vld [tilespmem:s23+$0x6790];
	(xrf2) =	vadd.scan.msk.f32 $0xffff, v11  }
0x1f8: {  	v20 =	vld [tilespmem:s23+$0x8790]  }
0x1f9: {  	v18 =	vld [tilespmem:s23+$0x67D0]  }
0x1fa: {  	s24 =	simm.s32 $0x1000;
	v22 =	vld [tilespmem:s23+$0x87D0];
	v12 =	vmul.f32 v14, v10;
	v11 =	vmul.f32 v13, v8  }
.LBB2_5:
0x1fb: {  	p1 =	seq.s32 s24, $0x7800;
	v23 =	vld [tilespmem:s23+$0x6600];
	v8 =	vmul.f32 v14, v8;
	v10 =	vmul.f32 v13, v10;
	v13, _, _ =	vpop (xrf2)  }
0x1fc: {  	v24 =	vmul.f32 v7, v6;
	v25 =	vmul.f32 v9, v5;
	v14 =	vld [tilespmem:s23+$0xA780];
	[tilespmem:s22+$0x18600] =	vst v13  }
0x1fd: {  	v26 =	vmul.f32 v19, v15;
	v27 =	vmul.f32 v21, v16;
	v13 =	vld [tilespmem:s23+$0xA7C0]  }
0x1fe: {  	v15 =	vmul.f32 v21, v15;
	v16 =	vmul.f32 v19, v16;
	v19 =	vld [tilespmem:s23+$0xA790];
	v21, _, _ =	vpop (xrf2)  }
0x1ff: {  	v29 =	vmul.f32 v20, v17;
	v28 =	vld [tilespmem:s23+$0xA7D0];
	v30 =	vmul.f32 v22, v18;
	[tilespmem:s22+$0x18680] =	vst v21  }
0x200: {  	v17 =	vmul.f32 v22, v17;
	v18 =	vmul.f32 v20, v18;
	v20 =	vld [tilespmem:s23+$0xA7A0]  }
0x201: {  	v6 =	vmul.f32 v9, v6;
	v15 =	vadd.f32 v15, v16;
	v21 =	vsub.f32 v26, v27;
	v16 =	vld [tilespmem:s23+$0xA7E0];
	v9, _, _ =	vpop (xrf2)  }
0x202: {  	v5 =	vmul.f32 v7, v5;
	v22 =	vsub.f32 v29, v30;
	v17 =	vadd.f32 v17, v18;
	v7 =	vld [tilespmem:s23+$0xA7B0];
	[tilespmem:s22+$0x18700] =	vst v9;
	s22 =	smov.u32 s23  }
0x203: {  	v9 =	vmul.f32 v21, v14;
	v13 =	vmul.f32 v15, v13;
	v14 =	vsub.f32 v24, v25;
	v15 =	vld [tilespmem:s22+$0xA7F0]  }
0x204: {  	v5 =	vadd.f32 v6, v5;
	v19 =	vmul.f32 v22, v19;
	v18 =	vld [tilespmem:s22+$0x6640];
	v17 =	vmul.f32 v17, v28  }
0x205: {  	v11 =	vsub.f32 v11, v12;
	v8 =	vadd.f32 v8, v10;
	v6 =	vld [tilespmem:s22+$0x8600];
	v14 =	vmul.f32 v14, v20  }
0x206: {  	v9 =	vadd.f32 v13, v9;
	v10 =	vld [tilespmem:s22+$0x8640];
	v12 =	vadd.f32 v17, v19;
	v5 =	vmul.f32 v5, v16  }
0x207: {  	v13 =	vld [tilespmem:s22+$0x6610];
	v7 =	vmul.f32 v11, v7  }
0x208: {  	v11 =	vld [tilespmem:s22+$0x6650];
	v9 =	vadd.f32 v12, v9;
	v5 =	vadd.f32 v5, v14;
	v8 =	vmul.f32 v8, v15  }
0x209: {  	v12 =	vld [tilespmem:s22+$0x8610]  }
0x20a: {  	v14 =	vmul.f32 v6, v23;
	v15 =	vld [tilespmem:s22+$0x8650];
	v5 =	vadd.f32 v5, v9;
	v7 =	vadd.f32 v8, v7  }
0x20b: {  	v8 =	vmul.f32 v10, v18;
	v9 =	vmul.f32 v10, v23;
	v10 =	vld [tilespmem:s22+$0x6680]  }
0x20c: {  	v6 =	vmul.f32 v6, v18;
	v16 =	vld [tilespmem:s22+$0x66C0];
	v5 =	vadd.f32 v7, v5  }
0x20d: {  	v7 =	vsub.f32 v14, v8;
	v8 =	vld [tilespmem:s22+$0x8680]  }
0x20e: {  	v6 =	vadd.f32 v9, v6;
	v9 =	vmul.f32 v12, v13;
	v12 =	vmul.f32 v12, v11;
	v14 =	vld [tilespmem:s22+$0x86C0];
	(xrf2) =	vadd.scan.msk.f32 $0xffff, v5  }
0x20f: {  	v5 =	vmul.f32 v15, v11;
	v11 =	vmul.f32 v15, v13;
	v13 =	vld [tilespmem:s22+$0x6690]  }
0x210: {  	v15 =	vld [tilespmem:s22+$0x66D0]  }
0x211: {  	v5 =	vsub.f32 v9, v5;
	v9 =	vadd.f32 v11, v12;
	v11 =	vld [tilespmem:s22+$0x8690]  }
0x212: {  	v12 =	vmul.f32 v8, v10;
	v8 =	vmul.f32 v8, v16;
	v17 =	vld [tilespmem:s22+$0x86D0]  }
0x213: {  	v16 =	vmul.f32 v14, v16;
	v10 =	vmul.f32 v14, v10;
	v14 =	vld [tilespmem:s22+$0x6700]  }
0x214: {  	v18 =	vld [tilespmem:s22+$0x6740]  }
0x215: {  	v12 =	vsub.f32 v12, v16;
	v8 =	vadd.f32 v10, v8;
	v10 =	vld [tilespmem:s22+$0x8700]  }
0x216: {  	v16 =	vmul.f32 v11, v13;
	v11 =	vmul.f32 v11, v15;
	v19 =	vld [tilespmem:s22+$0x8740]  }
0x217: {  	v15 =	vmul.f32 v17, v15;
	v13 =	vmul.f32 v17, v13;
	v17 =	vld [tilespmem:s22+$0x6710]  }
0x218: {  	v20 =	vld [tilespmem:s22+$0x6750];
	v21, _, _ =	vpop (xrf2)  }
0x219: {  	v15 =	vsub.f32 v16, v15;
	v11 =	vadd.f32 v13, v11;
	v13 =	vld [tilespmem:s22+$0x8710];
	[tilespmem:s22+$0x18780] =	vst v21  }
0x21a: {  	v16 =	vmul.f32 v10, v14;
	v10 =	vmul.f32 v10, v18;
	v21 =	vld [tilespmem:s22+$0x8750]  }
0x21b: {  	v22 =	vld [tilespmem:s22+$0x6620];
	v18 =	vmul.f32 v19, v18;
	v14 =	vmul.f32 v19, v14  }
0x21c: {  	v19 =	vld [tilespmem:s22+$0x6660]  }
0x21d: {  	v23 =	vld [tilespmem:s22+$0x8620];
	v16 =	vsub.f32 v16, v18;
	v10 =	vadd.f32 v14, v10  }
0x21e: {  	v14 =	vld [tilespmem:s22+$0x8660];
	v18 =	vmul.f32 v13, v17;
	v13 =	vmul.f32 v13, v20  }
0x21f: {  	v24 =	vld [tilespmem:s22+$0x66A0];
	v20 =	vmul.f32 v21, v20;
	v17 =	vmul.f32 v21, v17  }
0x220: {  	v21 =	vld [tilespmem:s22+$0x66E0]  }
0x221: {  	v25 =	vld [tilespmem:s22+$0x86A0];
	v18 =	vsub.f32 v18, v20;
	v13 =	vadd.f32 v17, v13  }
0x222: {  	v17 =	vmul.f32 v23, v22;
	v20 =	vmul.f32 v23, v19;
	v23 =	vld [tilespmem:s22+$0x86E0]  }
0x223: {  	v19 =	vmul.f32 v14, v19;
	v14 =	vmul.f32 v14, v22;
	v22 =	vld [tilespmem:s22+$0x6720]  }
0x224: {  	v26 =	vld [tilespmem:s22+$0x6760]  }
0x225: {  	v17 =	vsub.f32 v17, v19;
	v14 =	vadd.f32 v14, v20;
	v19 =	vld [tilespmem:s22+$0x8720]  }
0x226: {  	v20 =	vmul.f32 v25, v24;
	v25 =	vmul.f32 v25, v21;
	v27 =	vld [tilespmem:s22+$0x8760]  }
0x227: {  	v28 =	vld [tilespmem:s22+$0xA600];
	v21 =	vmul.f32 v23, v21;
	v23 =	vmul.f32 v23, v24  }
0x228: {  	v24 =	vld [tilespmem:s22+$0xA640]  }
0x229: {  	v29 =	vld [tilespmem:s22+$0xA610];
	v20 =	vsub.f32 v20, v21;
	v21 =	vadd.f32 v23, v25  }
0x22a: {  	v23 =	vld [tilespmem:s22+$0xA650];
	v25 =	vmul.f32 v19, v22;
	v19 =	vmul.f32 v19, v26  }
0x22b: {  	v30 =	vld [tilespmem:s22+$0x6630];
	v26 =	vmul.f32 v27, v26;
	v22 =	vmul.f32 v27, v22  }
0x22c: {  	v7 =	vmul.f32 v7, v28;
	v27 =	vld [tilespmem:s22+$0x6670]  }
0x22d: {  	v6 =	vmul.f32 v6, v24;
	v24 =	vld [tilespmem:s22+$0x8630];
	v25 =	vsub.f32 v25, v26;
	v19 =	vadd.f32 v22, v19  }
0x22e: {  	v5 =	vmul.f32 v5, v29;
	v22 =	vld [tilespmem:s22+$0x8670]  }
0x22f: {  	v6 =	vadd.f32 v6, v7;
	v7 =	vmul.f32 v9, v23;
	v9 =	vld [tilespmem:s22+$0xA680]  }
0x230: {  	v23 =	vld [tilespmem:s22+$0xA6C0]  }
0x231: {  	v5 =	vadd.f32 v7, v5;
	v7 =	vld [tilespmem:s22+$0xA690]  }
0x232: {  	v26 =	vmul.f32 v24, v30;
	v24 =	vmul.f32 v24, v27;
	v28 =	vld [tilespmem:s22+$0xA6D0]  }
0x233: {  	v5 =	vadd.f32 v5, v6;
	v6 =	vmul.f32 v22, v27;
	v22 =	vmul.f32 v22, v30;
	v27 =	vld [tilespmem:s22+$0x66B0]  }
0x234: {  	v9 =	vmul.f32 v12, v9;
	v12 =	vld [tilespmem:s22+$0x66F0]  }
0x235: {  	v6 =	vsub.f32 v26, v6;
	v22 =	vadd.f32 v22, v24;
	v8 =	vmul.f32 v8, v23;
	v23 =	vld [tilespmem:s22+$0x86B0]  }
0x236: {  	v7 =	vmul.f32 v15, v7;
	v15 =	vld [tilespmem:s22+$0x86F0]  }
0x237: {  	v8 =	vadd.f32 v8, v9;
	v9 =	vmul.f32 v11, v28;
	v11 =	vld [tilespmem:s22+$0xA700]  }
0x238: {  	v24 =	vld [tilespmem:s22+$0xA740]  }
0x239: {  	v7 =	vadd.f32 v9, v7;
	v9 =	vld [tilespmem:s22+$0xA710]  }
0x23a: {  	v26 =	vmul.f32 v23, v27;
	v23 =	vmul.f32 v23, v12;
	v28 =	vld [tilespmem:s22+$0xA750]  }
0x23b: {  	v7 =	vadd.f32 v7, v8;
	v8 =	vmul.f32 v15, v12;
	v12 =	vmul.f32 v15, v27;
	v15 =	vld [tilespmem:s22+$0x6730]  }
0x23c: {  	v11 =	vmul.f32 v16, v11;
	v16 =	vld [tilespmem:s22+$0x6770]  }
0x23d: {  	v26 =	vsub.f32 v26, v8;
	v12 =	vadd.f32 v12, v23;
	v8 =	vmul.f32 v10, v24;
	v10 =	vld [tilespmem:s22+$0x8730]  }
0x23e: {  	v9 =	vmul.f32 v18, v9;
	v18 =	vld [tilespmem:s22+$0x8770]  }
0x23f: {  	v23 =	vld [tilespmem:s22+$0xA620];
	v8 =	vadd.f32 v8, v11;
	v11 =	vmul.f32 v13, v28  }
0x240: {  	v13 =	vld [tilespmem:s22+$0xA660]  }
0x241: {  	v24 =	vld [tilespmem:s22+$0xA6A0];
	v9 =	vadd.f32 v11, v9  }
0x242: {  	v11 =	vld [tilespmem:s22+$0xA6E0];
	v27 =	vmul.f32 v10, v15;
	v10 =	vmul.f32 v10, v16  }
0x243: {  	v9 =	vadd.f32 v9, v8;
	v8 =	vld [tilespmem:s22+$0xA720];
	v16 =	vmul.f32 v18, v16;
	v15 =	vmul.f32 v18, v15  }
0x244: {  	v17 =	vmul.f32 v17, v23;
	v18 =	vld [tilespmem:s22+$0xA760]  }
0x245: {  	v13 =	vmul.f32 v14, v13;
	v14 =	vld [tilespmem:s22+$0xA630];
	v16 =	vsub.f32 v27, v16;
	v15 =	vadd.f32 v15, v10  }
0x246: {  	v10 =	vld [tilespmem:s22+$0xA670];
	v20 =	vmul.f32 v20, v24  }
0x247: {  	v13 =	vadd.f32 v13, v17;
	v11 =	vmul.f32 v21, v11;
	v17 =	vld [tilespmem:s22+$0xA6B0]  }
0x248: {  	v21 =	vld [tilespmem:s22+$0xA6F0];
	v23 =	vmul.f32 v25, v8  }
0x249: {  	v5 =	vadd.f32 v13, v5;
	v11 =	vadd.f32 v11, v20;
	v13 =	vmul.f32 v19, v18;
	v18 =	vld [tilespmem:s22+$0xA730]  }
0x24a: {  	s23 =	sshra.s32 s24, $0x2;
	v6 =	vmul.f32 v6, v14;
	v19 =	vld [tilespmem:s22+$0xA770]  }
0x24b: {  	v8 =	vld [tilespmem:s23+$0x67B0];
	v14 =	vmul.f32 v22, v10;
	v11 =	vadd.f32 v11, v7;
	v7 =	vadd.f32 v13, v23  }
0x24c: {  	v10 =	vld [tilespmem:s23+$0x67F0];
	v17 =	vmul.f32 v26, v17  }
0x24d: {  	v13 =	vld [tilespmem:s23+$0x87B0];
	v20 =	vadd.f32 v14, v6;
	v12 =	vmul.f32 v12, v21;
	v21 =	vadd.f32 v7, v9  }
0x24e: {  	v14 =	vld [tilespmem:s23+$0x87F0];
	v9 =	vmul.f32 v16, v18  }
0x24f: {  	v6 =	vld [tilespmem:s23+$0x67A0];
	v16 =	vadd.f32 v20, v5;
	v12 =	vadd.f32 v12, v17;
	v15 =	vmul.f32 v15, v19  }
0x250: {  	v5 =	vld [tilespmem:s23+$0x67E0]  }
0x251: {  	v7 =	vld [tilespmem:s23+$0x87A0];
	v11 =	vadd.f32 v12, v11;
	v12 =	vadd.f32 v15, v9;
	(xrf2) =	vadd.scan.msk.f32 $0xffff, v16  }
0x252: {  	v9 =	vld [tilespmem:s23+$0x87E0]  }
0x253: {  	v15 =	vld [tilespmem:s23+$0x6780];
	v12 =	vadd.f32 v12, v21  }
0x254: {  	v16 =	vld [tilespmem:s23+$0x67C0];
	(xrf2) =	vadd.scan.msk.f32 $0xffff, v11  }
0x255: {  	v19 =	vld [tilespmem:s23+$0x8780]  }
.Ltmp1:
0x256: {  	v21 =	vld [tilespmem:s23+$0x87C0];
	(pc) =	sbr.rel @!p1 .LBB2_5-.Ltmp1, $4  }
0x257: {  	v17 =	vld [tilespmem:s23+$0x6790];
	(xrf2) =	vadd.scan.msk.f32 $0xffff, v12  }
0x258: {  	v18 =	vld [tilespmem:s23+$0x67D0]  }
0x259: {  	v20 =	vld [tilespmem:s23+$0x8790]  }
0x25a: {  	s24 =	sadd.s32 $0x800, s24;
	v11 =	vmul.f32 v13, v8;
	v12 =	vmul.f32 v14, v10;
	v22 =	vld [tilespmem:s23+$0x87D0]  }
0x25b: {  	v23 =	vld [tilespmem:s23+$0x6600];
	v24, _, _ =	vpop (xrf2)  }
0x25c: {  	v25 =	vld [tilespmem:s23+$0xA780];
	[tilespmem:s22+$0x18600] =	vst v24  }
0x25d: {  	v8 =	vmul.f32 v14, v8;
	v10 =	vmul.f32 v13, v10;
	v24 =	vld [tilespmem:s23+$0xA7C0]  }
0x25e: {  	v14 =	vmul.f32 v7, v6;
	v29 =	vmul.f32 v19, v15;
	v13 =	vld [tilespmem:s23+$0xA790];
	v27, _, _ =	vpop (xrf2)  }
0x25f: {  	v30 =	vmul.f32 v21, v16;
	v15 =	vmul.f32 v21, v15;
	v28 =	vld [tilespmem:s23+$0xA7D0];
	[tilespmem:s22+$0x18680] =	vst v27  }
0x260: {  	v16 =	vmul.f32 v19, v16;
	v21 =	vmul.f32 v20, v17;
	v19 =	vld [tilespmem:s23+$0xA7A0]  }
0x261: {  	v52 =	vmul.f32 v22, v18;
	v18 =	vmul.f32 v20, v18;
	v31 =	vld [tilespmem:s23+$0xA7E0];
	v20, _, _ =	vpop (xrf2)  }
0x262: {  	v26 =	vmul.f32 v9, v5;
	v17 =	vmul.f32 v22, v17;
	v22 =	vld [tilespmem:s23+$0xA7B0];
	[tilespmem:s22+$0x18700] =	vst v20  }
0x263: {  	v6 =	vmul.f32 v9, v6;
	v5 =	vmul.f32 v7, v5;
	v7 =	vld [tilespmem:s23+$0xA7F0]  }
0x264: {  	v15 =	vadd.f32 v15, v16;
	v16 =	vadd.f32 v17, v18;
	v18 =	vld [tilespmem:s23+$0x6640]  }
0x265: {  	v5 =	vadd.f32 v6, v5;
	v9 =	vsub.f32 v21, v52;
	v6 =	vld [tilespmem:s23+$0x8600]  }
0x266: {  	v8 =	vadd.f32 v8, v10;
	v10 =	vld [tilespmem:s23+$0x8640]  }
0x267: {  	v9 =	vmul.f32 v9, v13;
	v13 =	vmul.f32 v16, v28;
	v16 =	vld [tilespmem:s23+$0x66D0]  }
0x268: {  	v20 =	vld [tilespmem:s23+$0x6700]  }
0x269: {  	v21 =	vld [tilespmem:s23+$0x6740]  }
0x26a: {  	v53 =	vld [tilespmem:s23+$0x8740]  }
0x26b: {  	v54 =	vld [tilespmem:s23+$0x6710]  }
0x26c: {  	v55 =	vld [tilespmem:s23+$0x6750]  }
0x26d: {  	v57 =	vld [tilespmem:s23+$0x8710]  }
0x26e: {  	v58 =	vld [tilespmem:s23+$0x8750]  }
0x26f: {  	v59 =	vld [tilespmem:s23+$0x6620]  }
0x270: {  	v60 =	vld [tilespmem:s23+$0x6660]  }
0x271: {  	v61 =	vld [tilespmem:s23+$0x8620]  }
0x272: {  	v32 =	vld [tilespmem:s23+$0x8660]  }
0x273: {  	v33 =	vld [tilespmem:s23+$0x66A0]  }
0x274: {  	v34 =	vld [tilespmem:s23+$0x66E0]  }
0x275: {  	v35 =	vld [tilespmem:s23+$0x86A0]  }
0x276: {  	v36 =	vld [tilespmem:s23+$0x86E0]  }
0x277: {  	v37 =	vld [tilespmem:s23+$0x6720]  }
0x278: {  	v38 =	vld [tilespmem:s23+$0x6760]  }
0x279: {  	v39 =	vld [tilespmem:s23+$0x8720]  }
0x27a: {  	v40 =	vld [tilespmem:s23+$0x8760]  }
0x27b: {  	v41 =	vld [tilespmem:s23+$0xA600]  }
0x27c: {  	v42 =	vld [tilespmem:s23+$0xA640]  }
0x27d: {  	v45 =	vld [tilespmem:s23+$0xA610]  }
0x27e: {  	v29 =	vsub.f32 v29, v30;
	v46 =	vld [tilespmem:s23+$0x6630]  }
0x27f: {  	v47 =	vld [tilespmem:s23+$0x8630]  }
0x280: {  	v17 =	vmul.f32 v29, v25;
	v15 =	vmul.f32 v15, v24;
	v48 =	vld [tilespmem:s23+$0x66B0]  }
0x281: {  	v49 =	vld [tilespmem:s23+$0x66F0]  }
0x282: {  	v11 =	vsub.f32 v11, v12;
	v12 =	vadd.f32 v15, v17;
	v15 =	vld [tilespmem:s23+$0x6650]  }
0x283: {  	v14 =	vsub.f32 v14, v26;
	v17 =	vld [tilespmem:s23+$0x8690]  }
0x284: {  	v9 =	vadd.f32 v13, v9;
	v13 =	vld [tilespmem:s23+$0x6610]  }
0x285: {  	v14 =	vmul.f32 v14, v19;
	v5 =	vmul.f32 v5, v31;
	v19 =	vld [tilespmem:s23+$0x86D0]  }
0x286: {  	v11 =	vmul.f32 v11, v22;
	v9 =	vadd.f32 v9, v12;
	v12 =	vld [tilespmem:s23+$0x8650]  }
0x287: {  	v5 =	vadd.f32 v5, v14;
	v7 =	vmul.f32 v8, v7;
	v8 =	vld [tilespmem:s23+$0x8610];
	v43 =	vmul.f32 v6, v23  }
0x288: {  	v14 =	vld [tilespmem:s23+$0x86C0];
	v44 =	vmul.f32 v10, v18;
	v10 =	vmul.f32 v10, v23  }
0x289: {  	v6 =	vmul.f32 v6, v18;
	v5 =	vadd.f32 v5, v9;
	v9 =	vld [tilespmem:s23+$0x6680];
	v7 =	vadd.f32 v7, v11  }
0x28a: {  	v63 =	vmul.f32 v57, v55;
	v25 =	vmul.f32 v58, v54;
	v11 =	vld [tilespmem:s23+$0x66C0]  }
0x28b: {  	v50 =	vmul.f32 v61, v60;
	v29 =	vmul.f32 v32, v59;
	v5 =	vadd.f32 v7, v5;
	v7 =	vld [tilespmem:s23+$0x8680]  }
0x28c: {  	v18 =	vld [tilespmem:s23+$0xA650];
	v6 =	vadd.f32 v10, v6;
	v23 =	vmul.f32 v8, v13;
	v8 =	vmul.f32 v8, v15  }
0x28d: {  	v15 =	vmul.f32 v12, v15;
	v12 =	vmul.f32 v12, v13;
	(xrf2) =	vadd.scan.msk.f32 $0xffff, v5;
	v5 =	vld [tilespmem:s23+$0x6690]  }
0x28e: {  	v22 =	vld [tilespmem:s23+$0x8700];
	v24 =	vadd.f32 v25, v63;
	v63 =	vmul.f32 v47, v46;
	v6 =	vmul.f32 v6, v42  }
0x28f: {  	v51 =	vld [tilespmem:s23+$0x86B0];
	v10 =	vmul.f32 v14, v11;
	v8 =	vadd.f32 v12, v8;
	v12 =	vmul.f32 v19, v16  }
0x290: {  	v52 =	vld [tilespmem:s23+$0x86F0];
	v62 =	vmul.f32 v7, v9;
	v7 =	vmul.f32 v7, v11  }
0x291: {  	v43 =	vsub.f32 v43, v44;
	v44 =	vld [tilespmem:s23+$0xA690];
	v9 =	vmul.f32 v14, v9;
	v8 =	vmul.f32 v8, v18  }
0x292: {  	v13 =	vld [tilespmem:s23+$0x6670];
	v14 =	vsub.f32 v23, v15;
	v15 =	vmul.f32 v17, v5;
	v17 =	vmul.f32 v17, v16  }
0x293: {  	v11 =	vld [tilespmem:s23+$0x8670];
	v5 =	vmul.f32 v19, v5;
	v19 =	vmul.f32 v22, v20  }
0x294: {  	v23 =	vld [tilespmem:s23+$0xA680];
	v22 =	vmul.f32 v22, v21;
	v7 =	vadd.f32 v9, v7;
	v9 =	vmul.f32 v53, v21  }
0x295: {  	v18 =	vld [tilespmem:s23+$0x6770];
	v10 =	vsub.f32 v62, v10;
	v20 =	vmul.f32 v53, v20;
	v53 =	vmul.f32 v35, v34  }
0x296: {  	v16 =	vld [tilespmem:s23+$0xA6C0];
	v14 =	vmul.f32 v14, v45;
	v12 =	vsub.f32 v15, v12;
	v15 =	vmul.f32 v57, v54  }
0x297: {  	v21 =	vld [tilespmem:s23+$0xA6D0];
	v5 =	vadd.f32 v5, v17;
	v17 =	vmul.f32 v58, v55;
	v9 =	vsub.f32 v19, v9  }
0x298: {  	v62 =	vld [tilespmem:s23+$0x6730];
	v19 =	vmul.f32 v61, v59;
	v20 =	vadd.f32 v20, v22;
	v22 =	vmul.f32 v32, v60  }
0x299: {  	v45 =	vld [tilespmem:s23+$0xA720];
	v55 =	vmul.f32 v36, v34;
	v57 =	vmul.f32 v39, v38  }
0x29a: {  	v27 =	vadd.f32 v29, v50;
	v54 =	vld [tilespmem:s23+$0xA700];
	v59 =	vmul.f32 v40, v38;
	v61 =	vmul.f32 v43, v41  }
0x29b: {  	v58 =	vld [tilespmem:s23+$0xA710];
	v8 =	vadd.f32 v8, v14;
	v14 =	vmul.f32 v47, v13;
	v10 =	vmul.f32 v10, v23  }
0x29c: {  	v60 =	vld [tilespmem:s23+$0xA750];
	v13 =	vmul.f32 v11, v13;
	v11 =	vmul.f32 v11, v46;
	v15 =	vsub.f32 v15, v17  }
0x29d: {  	v41 =	vld [tilespmem:s23+$0x8730];
	v17 =	vmul.f32 v35, v33;
	v33 =	vmul.f32 v36, v33;
	v19 =	vsub.f32 v19, v22  }
0x29e: {  	v43 =	vld [tilespmem:s23+$0xA6E0];
	v22 =	vmul.f32 v39, v37;
	v37 =	vmul.f32 v40, v37;
	v6 =	vadd.f32 v6, v61  }
0x29f: {  	v23 =	vld [tilespmem:s23+$0x8770];
	v7 =	vmul.f32 v7, v16;
	v5 =	vmul.f32 v5, v21;
	v13 =	vsub.f32 v63, v13  }
0x2a0: {  	v56, _, _ =	vpop (xrf2);
	v16 =	vld [tilespmem:s23+$0xA620];
	v11 =	vadd.f32 v11, v14;
	v6 =	vadd.f32 v8, v6;
	v8 =	vmul.f32 v12, v44  }
0x2a1: {  	v21 =	vmul.f32 v51, v49;
	[tilespmem:s23+$0x18780] =	vst v56;
	v56 =	vld [tilespmem:s23+$0xA740];
	v17 =	vsub.f32 v17, v55;
	v32 =	vadd.f32 v33, v53  }
0x2a2: {  	v14 =	vmul.f32 v52, v49;
	v12 =	vld [tilespmem:s23+$0xA660];
	v7 =	vadd.f32 v7, v10;
	v5 =	vadd.f32 v5, v8  }
0x2a3: {  	v47 =	vld [tilespmem:s23+$0xA670];
	v22 =	vsub.f32 v22, v59;
	v44 =	vmul.f32 v52, v48;
	v8 =	vmul.f32 v51, v48  }
0x2a4: {  	v10 =	vld [tilespmem:s23+$0xA6A0];
	v29 =	vmul.f32 v41, v18;
	v5 =	vadd.f32 v5, v7;
	v7 =	vmul.f32 v9, v54  }
0x2a5: {  	v46 =	vld [tilespmem:s23+$0xA630];
	v8 =	vsub.f32 v8, v14;
	v14 =	vmul.f32 v15, v58;
	v15 =	vmul.f32 v24, v60  }
0x2a6: {  	v42 =	vadd.f32 v37, v57;
	v16 =	vmul.f32 v19, v16;
	v19 =	vld [tilespmem:s23+$0xA6F0];
	v9 =	vmul.f32 v20, v56  }
0x2a7: {  	v20 =	vld [tilespmem:s23+$0xA760];
	v12 =	vmul.f32 v27, v12;
	v14 =	vadd.f32 v15, v14;
	v15 =	vmul.f32 v23, v18  }
0x2a8: {  	v18 =	vmul.f32 v23, v62;
	v23 =	vld [tilespmem:s23+$0xA6B0];
	v7 =	vadd.f32 v9, v7;
	v9 =	vmul.f32 v41, v62  }
0x2a9: {  	v11 =	vmul.f32 v11, v47;
	v10 =	vmul.f32 v17, v10;
	v17 =	vld [tilespmem:s23+$0xA730];
	v12 =	vadd.f32 v12, v16  }
0x2aa: {  	v7 =	vadd.f32 v14, v7;
	v14 =	vmul.f32 v32, v43;
	v9 =	vsub.f32 v9, v15;
	v15 =	vld [tilespmem:s23+$0xA770]  }
0x2ab: {  	v21 =	vadd.f32 v44, v21;
	v13 =	vmul.f32 v13, v46;
	v6 =	vadd.f32 v12, v6  }
0x2ac: {  	v12 =	vmul.f32 v42, v20;
	v10 =	vadd.f32 v14, v10;
	v14 =	vmul.f32 v22, v45  }
0x2ad: {  	v11 =	vadd.f32 v11, v13;
	v16 =	vadd.f32 v18, v29;
	v8 =	vmul.f32 v8, v23  }
0x2ae: {  	v5 =	vadd.f32 v10, v5;
	v10 =	vadd.f32 v12, v14;
	v12 =	vmul.f32 v21, v19  }
0x2af: {  	v9 =	vmul.f32 v9, v17;
	v13 =	vmul.f32 v16, v15  }
0x2b0: {  	v6 =	vadd.f32 v11, v6;
	v8 =	vadd.f32 v12, v8  }
0x2b1: {  	v7 =	vadd.f32 v10, v7;
	v9 =	vadd.f32 v13, v9  }
0x2b2: {  	v5 =	vadd.f32 v8, v5  }
0x2b3: {  	(xrf2) =	vadd.scan.msk.f32 $0xffff, v6;
	v6 =	vadd.f32 v9, v7  }
0x2b4: {  	(xrf2) =	vadd.scan.msk.f32 $0xffff, v5  }
0x2b5: {  	(xrf2) =	vadd.scan.msk.f32 $0xffff, v6;
	_ =	sdelay $0x7  }
0x2b6: {  	v5, _, _ =	vpop (xrf2)  }
0x2b7: {  	[tilespmem:s23+$0x18600] =	vst v5;
	v5, _, _ =	vpop (xrf2)  }
0x2b8: {  	[tilespmem:s23+$0x18680] =	vst v5;
	v5, _, _ =	vpop (xrf2)  }
0x2b9: {  	[tilespmem:s23+$0x18700] =	vst v5  }
0x2ba: {  	v5 =	vld.idx.msk [tilespmem:v2+s3+$0x0], $0xffff;
	_ =	sdelay $0x4  }
0x2bb: {  	[tilespmem:s21+$0x1A640] =	vst v5  }
0x2bc: {  	v5 =	vld.idx.msk [tilespmem:v1+s3+$0x0], $0xffff;
	_ =	sdelay $0x4  }
0x2bd: {  	[tilespmem:s21+$0x1A650] =	vst v5  }
0x2be: {  	v5 =	vld.idx.msk [tilespmem:v3+s3+$0x0], $0xffff;
	_ =	sdelay $0x4  }
0x2bf: {  	[tilespmem:s21+$0x1A660] =	vst v5  }
0x2c0: {  	v5 =	vld.idx.msk [tilespmem:v4+s3+$0x0], $0xffff;
	_ =	sdelay $0x4  }
0x2c1: {  	[tilespmem:s21+$0x1A670] =	vst v5  }
0x2c2: {  	_ =	swait.ge [sflag:s15], $0x2000  }
0x2c3: {  	[sflag:s15] =	ssyncset.done $0x0  }
0x2c4: {  	[sflag:s15] =	ssyncadd.s32 $0xFFFFE000  }
0x2c5: {  	_ =	swait.ge [sflag:s15], $0x2000  }
0x2c6: {  	[sflag:s15] =	ssyncset.done $0x0  }
0x2c7: {  	[sflag:s15] =	ssyncadd.s32 $0xFFFFE000  }
0x2c8: {  	_ =	swait.ge [sflag:s15], $0x2000  }
0x2c9: {  	s24 =	simm.s32 @p0 $0x6600;
	[sflag:s15] =	ssyncset.done $0x0  }
0x2ca: {  	s22 =	simm.s32 @p0 $0x40;
	s23 =	simm.s32 @p0 $0x140;
	[sflag:s15] =	ssyncadd.s32 $0xFFFFE000  }
0x2cb: {  	[tilespmem:s24], [sflag:$0x3] =	stream.indirect.gather @p0 [hbm4b:s1+s22], $0x80, s23, s22, $0xb8;
	[tilespmem:$0x1A800] =	vst v63  }
0x2cc: {  	s23 =	simm.s32 @p0 $0x340;
	s24 =	simm.s32 @p0 $0x8600  }
0x2cd: {  	[tilespmem:s24], [sflag:$0x3] =	stream.indirect.gather @p0 [hbm4b:s2+s22], $0x80, s23, s22, $0xb8;
	[tilespmem:$0x1A800] =	vst v63  }
0x2ce: {  	s23 =	simm.s32 @p0 $0x540;
	s24 =	simm.s32 @p0 $0xA600  }
0x2cf: {  	[tilespmem:s24], [sflag:$0x3] =	stream.indirect.gather @p0 [hbm4b:s1+s22], $0x80, s23, s22, $0xb8;
	[tilespmem:$0x1A800] =	vst v63  }
0x2d0: {  	s22 =	simm.s32 $0x0  }
0x2d1: {  	v5 =	vld [tilespmem:s22+$0xC7B0]  }
0x2d2: {  	v6 =	vld [tilespmem:s22+$0xC7F0]  }
0x2d3: {  	v7 =	vld [tilespmem:s22+$0xE7B0]  }
0x2d4: {  	v8 =	vld [tilespmem:s22+$0xE7F0]  }
0x2d5: {  	v9 =	vld [tilespmem:s22+$0xC7A0]  }
0x2d6: {  	v10 =	vld [tilespmem:s22+$0xC7E0]  }
0x2d7: {  	v11 =	vld [tilespmem:s22+$0xE7A0]  }
0x2d8: {  	v12 =	vld [tilespmem:s22+$0xE7E0]  }
0x2d9: {  	v13 =	vld [tilespmem:s22+$0xC780]  }
0x2da: {  	v14 =	vld [tilespmem:s22+$0xC7C0]  }
0x2db: {  	v15 =	vld [tilespmem:s22+$0xE780]  }
0x2dc: {  	v16 =	vld [tilespmem:s22+$0xE7C0]  }
0x2dd: {  	v17 =	vld [tilespmem:s22+$0xC790]  }
0x2de: {  	v18 =	vld [tilespmem:s22+$0xC7D0]  }
0x2df: {  	v19 =	vld [tilespmem:s22+$0xE790]  }
0x2e0: {  	v20 =	vld [tilespmem:s22+$0xE7D0]  }
0x2e1: {  	v23 =	vld [tilespmem:s22+$0xC600]  }
0x2e2: {  	v49 =	vld [tilespmem:s22+$0x107C0]  }
0x2e3: {  	v52 =	vld [tilespmem:s22+$0x10790]  }
0x2e4: {  	v54 =	vld [tilespmem:s22+$0x107A0]  }
0x2e5: {  	v24 =	vld [tilespmem:s22+$0xE740]  }
0x2e6: {  	v25 =	vld [tilespmem:s22+$0xC710]  }
0x2e7: {  	v26 =	vld [tilespmem:s22+$0xC750]  }
0x2e8: {  	v28 =	vld [tilespmem:s22+$0xE710]  }
0x2e9: {  	v27 =	vld [tilespmem:s22+$0xE750]  }
0x2ea: {  	v29 =	vld [tilespmem:s22+$0xC620]  }
0x2eb: {  	v30 =	vld [tilespmem:s22+$0xC660]  }
0x2ec: {  	v56 =	vld [tilespmem:s22+$0xE620]  }
0x2ed: {  	v57 =	vld [tilespmem:s22+$0xE660]  }
0x2ee: {  	v33 =	vld [tilespmem:s22+$0xC6A0]  }
0x2ef: {  	v34 =	vld [tilespmem:s22+$0xC6E0]  }
0x2f0: {  	v58 =	vld [tilespmem:s22+$0xE6A0]  }
0x2f1: {  	v59 =	vld [tilespmem:s22+$0xE6E0]  }
0x2f2: {  	v37 =	vld [tilespmem:s22+$0xC720]  }
0x2f3: {  	v38 =	vld [tilespmem:s22+$0xC760]  }
0x2f4: {  	v60 =	vld [tilespmem:s22+$0xE720]  }
0x2f5: {  	v40 =	vld [tilespmem:s22+$0xE760]  }
0x2f6: {  	v61 =	vld [tilespmem:s22+$0x10600]  }
0x2f7: {  	v62 =	vld [tilespmem:s22+$0x10640]  }
0x2f8: {  	v43 =	vld [tilespmem:s22+$0x10610]  }
0x2f9: {  	v44 =	vld [tilespmem:s22+$0x10650];
	v21 =	vmul.f32 v7, v5  }
0x2fa: {  	v45 =	vld [tilespmem:s22+$0xC630];
	v22 =	vmul.f32 v8, v6;
	v5 =	vmul.f32 v8, v5  }
0x2fb: {  	v46 =	vld [tilespmem:s22+$0xC670];
	v6 =	vmul.f32 v7, v6;
	v8 =	vmul.f32 v11, v9  }
0x2fc: {  	v47 =	vld [tilespmem:s22+$0xE630];
	v48 =	vmul.f32 v12, v10;
	v50 =	vmul.f32 v15, v13  }
0x2fd: {  	v7 =	vld [tilespmem:s22+$0x10780];
	v51 =	vmul.f32 v16, v14;
	v13 =	vmul.f32 v16, v13  }
0x2fe: {  	v14 =	vmul.f32 v15, v14;
	v15 =	vld [tilespmem:s22+$0x107D0];
	v16 =	vmul.f32 v19, v17  }
0x2ff: {  	v53 =	vmul.f32 v20, v18;
	v18 =	vmul.f32 v19, v18;
	v19 =	vld [tilespmem:s22+$0x107E0]  }
0x300: {  	v17 =	vmul.f32 v20, v17;
	v9 =	vmul.f32 v12, v9;
	v12 =	vld [tilespmem:s22+$0x107B0]  }
0x301: {  	v10 =	vmul.f32 v11, v10;
	v11 =	vld [tilespmem:s22+$0x107F0];
	v13 =	vadd.f32 v13, v14  }
0x302: {  	v14 =	vsub.f32 v16, v53;
	v16 =	vadd.f32 v17, v18;
	v17 =	vld [tilespmem:s22+$0xC640]  }
0x303: {  	v9 =	vadd.f32 v9, v10;
	v10 =	vld [tilespmem:s22+$0xE600]  }
0x304: {  	v20 =	vsub.f32 v50, v51;
	v5 =	vadd.f32 v5, v6;
	v6 =	vld [tilespmem:s22+$0xE640]  }
0x305: {  	v18 =	vld [tilespmem:s22+$0xE690];
	v13 =	vmul.f32 v13, v49  }
0x306: {  	v50 =	vld [tilespmem:s22+$0xE670];
	v14 =	vmul.f32 v14, v52;
	v7 =	vmul.f32 v20, v7  }
0x307: {  	v8 =	vsub.f32 v8, v48;
	v15 =	vmul.f32 v16, v15;
	v5 =	vmul.f32 v5, v11;
	v11 =	vld [tilespmem:s22+$0xE650]  }
0x308: {  	v9 =	vmul.f32 v9, v19;
	v19 =	vld [tilespmem:s22+$0xE6D0]  }
0x309: {  	v8 =	vmul.f32 v8, v54;
	v7 =	vadd.f32 v13, v7;
	v13 =	vadd.f32 v15, v14;
	v14 =	vld [tilespmem:s22+$0xC610]  }
0x30a: {  	v16 =	vsub.f32 v21, v22;
	v15 =	vld [tilespmem:s22+$0xC650]  }
0x30b: {  	v8 =	vadd.f32 v9, v8;
	v9 =	vld [tilespmem:s22+$0xE610]  }
0x30c: {  	v20 =	vld [tilespmem:s22+$0xC700];
	v12 =	vmul.f32 v16, v12;
	v7 =	vadd.f32 v13, v7  }
0x30d: {  	v16 =	vld [tilespmem:s22+$0xC6D0];
	v48 =	vmul.f32 v10, v23;
	v49 =	vmul.f32 v6, v17  }
0x30e: {  	v5 =	vadd.f32 v5, v12;
	v12 =	vld [tilespmem:s22+$0xC6C0];
	v7 =	vadd.f32 v8, v7  }
0x30f: {  	v6 =	vmul.f32 v6, v23;
	v10 =	vmul.f32 v10, v17;
	v13 =	vld [tilespmem:s22+$0xE6C0];
	v48 =	vsub.f32 v48, v49  }
0x310: {  	v8 =	vld [tilespmem:s22+$0xC680];
	v23 =	vmul.f32 v9, v14;
	v9 =	vmul.f32 v9, v15;
	v5 =	vadd.f32 v5, v7  }
0x311: {  	v6 =	vadd.f32 v6, v10;
	v15 =	vmul.f32 v11, v15;
	v11 =	vmul.f32 v11, v14;
	v7 =	vld [tilespmem:s22+$0xE680]  }
0x312: {  	v53 =	vmul.f32 v50, v46;
	(xrf2) =	vadd.scan.msk.f32 $0xffff, v5;
	v5 =	vld [tilespmem:s22+$0xC690]  }
0x313: {  	v21 =	vld [tilespmem:s22+$0xC740];
	v61 =	vmul.f32 v48, v61;
	v6 =	vmul.f32 v6, v62;
	v9 =	vadd.f32 v11, v9  }
0x314: {  	v22 =	vld [tilespmem:s22+$0xE700];
	v10 =	vmul.f32 v13, v12;
	v11 =	vmul.f32 v19, v16  }
0x315: {  	v31 =	vld [tilespmem:s22+$0x10750];
	v9 =	vmul.f32 v9, v44;
	v44 =	vmul.f32 v47, v45  }
0x316: {  	v35 =	vld [tilespmem:s22+$0xC770];
	v63 =	vmul.f32 v7, v8;
	v7 =	vmul.f32 v7, v12  }
0x317: {  	v39 =	vld [tilespmem:s22+$0xE770];
	v8 =	vmul.f32 v13, v8;
	v13 =	vsub.f32 v23, v15;
	v15 =	vmul.f32 v18, v5  }
0x318: {  	v51 =	vld [tilespmem:s22+$0x106C0];
	v18 =	vmul.f32 v18, v16;
	v5 =	vmul.f32 v19, v5  }
0x319: {  	v52 =	vld [tilespmem:s22+$0x106D0];
	v10 =	vsub.f32 v63, v10;
	v19 =	vmul.f32 v22, v20;
	v22 =	vmul.f32 v22, v21  }
0x31a: {  	v54 =	vld [tilespmem:s22+$0x10760];
	v7 =	vadd.f32 v8, v7;
	v8 =	vmul.f32 v24, v21;
	v20 =	vmul.f32 v24, v20  }
0x31b: {  	v17 =	vld [tilespmem:s22+$0x10680];
	v13 =	vmul.f32 v13, v43;
	v11 =	vsub.f32 v15, v11;
	v15 =	vmul.f32 v28, v25  }
0x31c: {  	v49 =	vld [tilespmem:s22+$0xE6F0];
	v5 =	vadd.f32 v5, v18;
	v18 =	vmul.f32 v27, v26;
	v25 =	vmul.f32 v27, v25  }
0x31d: {  	v62 =	vld [tilespmem:s22+$0x10660];
	v8 =	vsub.f32 v19, v8;
	v19 =	vmul.f32 v56, v29;
	v56 =	vmul.f32 v56, v30  }
0x31e: {  	v14 =	vld [tilespmem:s22+$0x10690];
	v20 =	vadd.f32 v20, v22;
	v22 =	vmul.f32 v57, v30;
	v29 =	vmul.f32 v57, v29  }
0x31f: {  	v12 =	vld [tilespmem:s22+$0xC6B0];
	v57 =	vmul.f32 v58, v34;
	v9 =	vadd.f32 v9, v13;
	v13 =	vmul.f32 v47, v46  }
0x320: {  	v6 =	vadd.f32 v6, v61;
	v23 =	vld [tilespmem:s22+$0xC6F0];
	v10 =	vmul.f32 v10, v17;
	v7 =	vmul.f32 v7, v51  }
0x321: {  	v16 =	vld [tilespmem:s22+$0xE6B0];
	v15 =	vsub.f32 v15, v18;
	v18 =	vmul.f32 v58, v33;
	v58 =	vmul.f32 v59, v34  }
0x322: {  	v21 =	vld [tilespmem:s22+$0x10700];
	v33 =	vmul.f32 v59, v33;
	v19 =	vsub.f32 v19, v22;
	v22 =	vmul.f32 v60, v37  }
0x323: {  	v63 =	vld [tilespmem:s22+$0x106A0];
	v59 =	vmul.f32 v60, v38;
	v27 =	vadd.f32 v29, v56;
	v60 =	vmul.f32 v40, v38  }
0x324: {  	v30 =	vld [tilespmem:s22+$0xC730];
	v37 =	vmul.f32 v40, v37;
	v9 =	vadd.f32 v9, v6;
	v6 =	vmul.f32 v11, v14  }
0x325: {  	v17 =	vld [tilespmem:s22+$0x10720];
	v5 =	vmul.f32 v5, v52;
	v14 =	vmul.f32 v50, v45;
	v7 =	vadd.f32 v7, v10;
	v55, _, _ =	vpop (xrf2)  }
0x326: {  	[tilespmem:s22+$0x18780] =	vst v55;
	v55 =	vmul.f32 v28, v26;
	v28 =	vld [tilespmem:s22+$0x10740];
	v18 =	vsub.f32 v18, v58;
	v32 =	vadd.f32 v33, v57  }
0x327: {  	v10 =	vmul.f32 v49, v23;
	v26 =	vld [tilespmem:s22+$0x10710];
	v22 =	vsub.f32 v22, v60;
	v5 =	vadd.f32 v5, v6  }
0x328: {  	v38 =	vld [tilespmem:s22+$0x10620];
	v6 =	vmul.f32 v16, v12;
	v16 =	vmul.f32 v16, v23;
	v57 =	vadd.f32 v14, v13  }
0x329: {  	v11 =	vld [tilespmem:s22+$0x10630];
	v12 =	vmul.f32 v49, v12;
	v60 =	vmul.f32 v39, v35;
	v24 =	vadd.f32 v25, v55  }
0x32a: {  	v34 =	vld [tilespmem:s22+$0xE730];
	v61 =	vmul.f32 v39, v30;
	v58 =	vadd.f32 v5, v7;
	v5 =	vmul.f32 v8, v21  }
0x32b: {  	v55 =	vld [tilespmem:s22+$0x10670];
	v21 =	vsub.f32 v6, v10;
	v17 =	vmul.f32 v22, v17;
	v10 =	vmul.f32 v24, v31  }
0x32c: {  	v48 =	vld [tilespmem:s22+$0x106E0];
	v25 =	vsub.f32 v44, v53;
	v7 =	vmul.f32 v20, v28;
	v6 =	vmul.f32 v15, v26  }
0x32d: {  	v56 =	vld [tilespmem:s22+$0x106B0];
	v12 =	vadd.f32 v12, v16;
	v16 =	vmul.f32 v19, v38;
	v19 =	vmul.f32 v27, v62  }
0x32e: {  	v23 =	vld [tilespmem:s22+$0x106F0];
	v11 =	vmul.f32 v25, v11;
	v5 =	vadd.f32 v7, v5;
	v6 =	vadd.f32 v10, v6  }
0x32f: {  	s23 =	simm.s32 $0x200;
	v36 =	vadd.f32 v37, v59;
	v59 =	vld [tilespmem:s22+$0x10770];
	v15 =	vmul.f32 v34, v35;
	v7 =	vmul.f32 v34, v30  }
0x330: {  	v13 =	vld [tilespmem:s23+$0xE7B0];
	v22 =	vmul.f32 v57, v55;
	v62 =	vadd.f32 v6, v5;
	v5 =	vmul.f32 v18, v63  }
0x331: {  	v14 =	vld [tilespmem:s23+$0xE7F0];
	v18 =	vmul.f32 v32, v48;
	v26 =	vsub.f32 v7, v60;
	v7 =	vadd.f32 v19, v16  }
0x332: {  	v20 =	vld [tilespmem:s22+$0x10730];
	v16 =	vadd.f32 v61, v15;
	v19 =	vmul.f32 v36, v54;
	v11 =	vadd.f32 v22, v11  }
0x333: {  	v8 =	vld [tilespmem:s23+$0xC7B0];
	v15 =	vadd.f32 v18, v5;
	v18 =	vadd.f32 v7, v9  }
0x334: {  	v12 =	vmul.f32 v12, v23;
	v10 =	vld [tilespmem:s23+$0xC7F0];
	v17 =	vadd.f32 v19, v17;
	v19 =	vmul.f32 v21, v56  }
0x335: {  	v6 =	vld [tilespmem:s23+$0xC7A0];
	v11 =	vadd.f32 v11, v18  }
0x336: {  	v5 =	vld [tilespmem:s23+$0xC7E0];
	v63 =	vadd.f32 v15, v58;
	v12 =	vadd.f32 v12, v19  }
0x337: {  	v7 =	vld [tilespmem:s23+$0xE7A0];
	v20 =	vmul.f32 v26, v20;
	v21 =	vmul.f32 v16, v59;
	(xrf2) =	vadd.scan.msk.f32 $0xffff, v11  }
0x338: {  	v9 =	vld [tilespmem:s23+$0xE7E0];
	v12 =	vadd.f32 v12, v63  }
0x339: {  	v16 =	vld [tilespmem:s23+$0xC7C0];
	v22 =	vadd.f32 v17, v62;
	v18 =	vadd.f32 v21, v20  }
0x33a: {  	v15 =	vld [tilespmem:s23+$0xC780];
	(xrf2) =	vadd.scan.msk.f32 $0xffff, v12  }
0x33b: {  	v19 =	vld [tilespmem:s23+$0xE780];
	v11 =	vadd.f32 v18, v22  }
0x33c: {  	v21 =	vld [tilespmem:s23+$0xE7C0]  }
0x33d: {  	v17 =	vld [tilespmem:s23+$0xC790];
	(xrf2) =	vadd.scan.msk.f32 $0xffff, v11  }
0x33e: {  	v20 =	vld [tilespmem:s23+$0xE790]  }
0x33f: {  	v18 =	vld [tilespmem:s23+$0xC7D0]  }
0x340: {  	s24 =	simm.s32 $0x1000;
	v22 =	vld [tilespmem:s23+$0xE7D0];
	v12 =	vmul.f32 v14, v10;
	v11 =	vmul.f32 v13, v8  }
.LBB2_7:
0x341: {  	p1 =	seq.s32 s24, $0x7800;
	v23 =	vld [tilespmem:s23+$0xC600];
	v8 =	vmul.f32 v14, v8;
	v10 =	vmul.f32 v13, v10;
	v13, _, _ =	vpop (xrf2)  }
0x342: {  	v24 =	vmul.f32 v7, v6;
	v25 =	vmul.f32 v9, v5;
	v14 =	vld [tilespmem:s23+$0x10780];
	[tilespmem:s22+$0x18600] =	vst v13  }
0x343: {  	v26 =	vmul.f32 v19, v15;
	v27 =	vmul.f32 v21, v16;
	v13 =	vld [tilespmem:s23+$0x107C0]  }
0x344: {  	v15 =	vmul.f32 v21, v15;
	v16 =	vmul.f32 v19, v16;
	v19 =	vld [tilespmem:s23+$0x10790];
	v21, _, _ =	vpop (xrf2)  }
0x345: {  	v29 =	vmul.f32 v20, v17;
	v28 =	vld [tilespmem:s23+$0x107D0];
	v30 =	vmul.f32 v22, v18;
	[tilespmem:s22+$0x18680] =	vst v21  }
0x346: {  	v17 =	vmul.f32 v22, v17;
	v18 =	vmul.f32 v20, v18;
	v20 =	vld [tilespmem:s23+$0x107A0]  }
0x347: {  	v6 =	vmul.f32 v9, v6;
	v15 =	vadd.f32 v15, v16;
	v21 =	vsub.f32 v26, v27;
	v16 =	vld [tilespmem:s23+$0x107E0];
	v9, _, _ =	vpop (xrf2)  }
0x348: {  	v5 =	vmul.f32 v7, v5;
	v22 =	vsub.f32 v29, v30;
	v17 =	vadd.f32 v17, v18;
	v7 =	vld [tilespmem:s23+$0x107B0];
	[tilespmem:s22+$0x18700] =	vst v9;
	s22 =	smov.u32 s23  }
0x349: {  	v9 =	vmul.f32 v21, v14;
	v13 =	vmul.f32 v15, v13;
	v14 =	vsub.f32 v24, v25;
	v15 =	vld [tilespmem:s22+$0x107F0]  }
0x34a: {  	v5 =	vadd.f32 v6, v5;
	v19 =	vmul.f32 v22, v19;
	v18 =	vld [tilespmem:s22+$0xC640];
	v17 =	vmul.f32 v17, v28  }
0x34b: {  	v11 =	vsub.f32 v11, v12;
	v8 =	vadd.f32 v8, v10;
	v6 =	vld [tilespmem:s22+$0xE600];
	v14 =	vmul.f32 v14, v20  }
0x34c: {  	v9 =	vadd.f32 v13, v9;
	v10 =	vld [tilespmem:s22+$0xE640];
	v12 =	vadd.f32 v17, v19;
	v5 =	vmul.f32 v5, v16  }
0x34d: {  	v13 =	vld [tilespmem:s22+$0xC610];
	v7 =	vmul.f32 v11, v7  }
0x34e: {  	v11 =	vld [tilespmem:s22+$0xC650];
	v9 =	vadd.f32 v12, v9;
	v5 =	vadd.f32 v5, v14;
	v8 =	vmul.f32 v8, v15  }
0x34f: {  	v12 =	vld [tilespmem:s22+$0xE610]  }
0x350: {  	v14 =	vmul.f32 v6, v23;
	v15 =	vld [tilespmem:s22+$0xE650];
	v5 =	vadd.f32 v5, v9;
	v7 =	vadd.f32 v8, v7  }
0x351: {  	v8 =	vmul.f32 v10, v18;
	v9 =	vmul.f32 v10, v23;
	v10 =	vld [tilespmem:s22+$0xC680]  }
0x352: {  	v6 =	vmul.f32 v6, v18;
	v16 =	vld [tilespmem:s22+$0xC6C0];
	v5 =	vadd.f32 v7, v5  }
0x353: {  	v7 =	vsub.f32 v14, v8;
	v8 =	vld [tilespmem:s22+$0xE680]  }
0x354: {  	v6 =	vadd.f32 v9, v6;
	v9 =	vmul.f32 v12, v13;
	v12 =	vmul.f32 v12, v11;
	v14 =	vld [tilespmem:s22+$0xE6C0];
	(xrf2) =	vadd.scan.msk.f32 $0xffff, v5  }
0x355: {  	v5 =	vmul.f32 v15, v11;
	v11 =	vmul.f32 v15, v13;
	v13 =	vld [tilespmem:s22+$0xC690]  }
0x356: {  	v15 =	vld [tilespmem:s22+$0xC6D0]  }
0x357: {  	v5 =	vsub.f32 v9, v5;
	v9 =	vadd.f32 v11, v12;
	v11 =	vld [tilespmem:s22+$0xE690]  }
0x358: {  	v12 =	vmul.f32 v8, v10;
	v8 =	vmul.f32 v8, v16;
	v17 =	vld [tilespmem:s22+$0xE6D0]  }
0x359: {  	v16 =	vmul.f32 v14, v16;
	v10 =	vmul.f32 v14, v10;
	v14 =	vld [tilespmem:s22+$0xC700]  }
0x35a: {  	v18 =	vld [tilespmem:s22+$0xC740]  }
0x35b: {  	v12 =	vsub.f32 v12, v16;
	v8 =	vadd.f32 v10, v8;
	v10 =	vld [tilespmem:s22+$0xE700]  }
0x35c: {  	v16 =	vmul.f32 v11, v13;
	v11 =	vmul.f32 v11, v15;
	v19 =	vld [tilespmem:s22+$0xE740]  }
0x35d: {  	v15 =	vmul.f32 v17, v15;
	v13 =	vmul.f32 v17, v13;
	v17 =	vld [tilespmem:s22+$0xC710]  }
0x35e: {  	v20 =	vld [tilespmem:s22+$0xC750];
	v21, _, _ =	vpop (xrf2)  }
0x35f: {  	v15 =	vsub.f32 v16, v15;
	v11 =	vadd.f32 v13, v11;
	v13 =	vld [tilespmem:s22+$0xE710];
	[tilespmem:s22+$0x18780] =	vst v21  }
0x360: {  	v16 =	vmul.f32 v10, v14;
	v10 =	vmul.f32 v10, v18;
	v21 =	vld [tilespmem:s22+$0xE750]  }
0x361: {  	v22 =	vld [tilespmem:s22+$0xC620];
	v18 =	vmul.f32 v19, v18;
	v14 =	vmul.f32 v19, v14  }
0x362: {  	v19 =	vld [tilespmem:s22+$0xC660]  }
0x363: {  	v23 =	vld [tilespmem:s22+$0xE620];
	v16 =	vsub.f32 v16, v18;
	v10 =	vadd.f32 v14, v10  }
0x364: {  	v14 =	vld [tilespmem:s22+$0xE660];
	v18 =	vmul.f32 v13, v17;
	v13 =	vmul.f32 v13, v20  }
0x365: {  	v24 =	vld [tilespmem:s22+$0xC6A0];
	v20 =	vmul.f32 v21, v20;
	v17 =	vmul.f32 v21, v17  }
0x366: {  	v21 =	vld [tilespmem:s22+$0xC6E0]  }
0x367: {  	v25 =	vld [tilespmem:s22+$0xE6A0];
	v18 =	vsub.f32 v18, v20;
	v13 =	vadd.f32 v17, v13  }
0x368: {  	v17 =	vmul.f32 v23, v22;
	v20 =	vmul.f32 v23, v19;
	v23 =	vld [tilespmem:s22+$0xE6E0]  }
0x369: {  	v19 =	vmul.f32 v14, v19;
	v14 =	vmul.f32 v14, v22;
	v22 =	vld [tilespmem:s22+$0xC720]  }
0x36a: {  	v26 =	vld [tilespmem:s22+$0xC760]  }
0x36b: {  	v17 =	vsub.f32 v17, v19;
	v14 =	vadd.f32 v14, v20;
	v19 =	vld [tilespmem:s22+$0xE720]  }
0x36c: {  	v20 =	vmul.f32 v25, v24;
	v25 =	vmul.f32 v25, v21;
	v27 =	vld [tilespmem:s22+$0xE760]  }
0x36d: {  	v28 =	vld [tilespmem:s22+$0x10600];
	v21 =	vmul.f32 v23, v21;
	v23 =	vmul.f32 v23, v24  }
0x36e: {  	v24 =	vld [tilespmem:s22+$0x10640]  }
0x36f: {  	v29 =	vld [tilespmem:s22+$0x10610];
	v20 =	vsub.f32 v20, v21;
	v21 =	vadd.f32 v23, v25  }
0x370: {  	v23 =	vld [tilespmem:s22+$0x10650];
	v25 =	vmul.f32 v19, v22;
	v19 =	vmul.f32 v19, v26  }
0x371: {  	v30 =	vld [tilespmem:s22+$0xC630];
	v26 =	vmul.f32 v27, v26;
	v22 =	vmul.f32 v27, v22  }
0x372: {  	v7 =	vmul.f32 v7, v28;
	v27 =	vld [tilespmem:s22+$0xC670]  }
0x373: {  	v6 =	vmul.f32 v6, v24;
	v24 =	vld [tilespmem:s22+$0xE630];
	v25 =	vsub.f32 v25, v26;
	v19 =	vadd.f32 v22, v19  }
0x374: {  	v5 =	vmul.f32 v5, v29;
	v22 =	vld [tilespmem:s22+$0xE670]  }
0x375: {  	v6 =	vadd.f32 v6, v7;
	v7 =	vmul.f32 v9, v23;
	v9 =	vld [tilespmem:s22+$0x10680]  }
0x376: {  	v23 =	vld [tilespmem:s22+$0x106C0]  }
0x377: {  	v5 =	vadd.f32 v7, v5;
	v7 =	vld [tilespmem:s22+$0x10690]  }
0x378: {  	v26 =	vmul.f32 v24, v30;
	v24 =	vmul.f32 v24, v27;
	v28 =	vld [tilespmem:s22+$0x106D0]  }
0x379: {  	v5 =	vadd.f32 v5, v6;
	v6 =	vmul.f32 v22, v27;
	v22 =	vmul.f32 v22, v30;
	v27 =	vld [tilespmem:s22+$0xC6B0]  }
0x37a: {  	v9 =	vmul.f32 v12, v9;
	v12 =	vld [tilespmem:s22+$0xC6F0]  }
0x37b: {  	v6 =	vsub.f32 v26, v6;
	v22 =	vadd.f32 v22, v24;
	v8 =	vmul.f32 v8, v23;
	v23 =	vld [tilespmem:s22+$0xE6B0]  }
0x37c: {  	v7 =	vmul.f32 v15, v7;
	v15 =	vld [tilespmem:s22+$0xE6F0]  }
0x37d: {  	v8 =	vadd.f32 v8, v9;
	v9 =	vmul.f32 v11, v28;
	v11 =	vld [tilespmem:s22+$0x10700]  }
0x37e: {  	v24 =	vld [tilespmem:s22+$0x10740]  }
0x37f: {  	v7 =	vadd.f32 v9, v7;
	v9 =	vld [tilespmem:s22+$0x10710]  }
0x380: {  	v26 =	vmul.f32 v23, v27;
	v23 =	vmul.f32 v23, v12;
	v28 =	vld [tilespmem:s22+$0x10750]  }
0x381: {  	v7 =	vadd.f32 v7, v8;
	v8 =	vmul.f32 v15, v12;
	v12 =	vmul.f32 v15, v27;
	v15 =	vld [tilespmem:s22+$0xC730]  }
0x382: {  	v11 =	vmul.f32 v16, v11;
	v16 =	vld [tilespmem:s22+$0xC770]  }
0x383: {  	v26 =	vsub.f32 v26, v8;
	v12 =	vadd.f32 v12, v23;
	v8 =	vmul.f32 v10, v24;
	v10 =	vld [tilespmem:s22+$0xE730]  }
0x384: {  	v9 =	vmul.f32 v18, v9;
	v18 =	vld [tilespmem:s22+$0xE770]  }
0x385: {  	v23 =	vld [tilespmem:s22+$0x10620];
	v8 =	vadd.f32 v8, v11;
	v11 =	vmul.f32 v13, v28  }
0x386: {  	v13 =	vld [tilespmem:s22+$0x10660]  }
0x387: {  	v24 =	vld [tilespmem:s22+$0x106A0];
	v9 =	vadd.f32 v11, v9  }
0x388: {  	v11 =	vld [tilespmem:s22+$0x106E0];
	v27 =	vmul.f32 v10, v15;
	v10 =	vmul.f32 v10, v16  }
0x389: {  	v9 =	vadd.f32 v9, v8;
	v8 =	vld [tilespmem:s22+$0x10720];
	v16 =	vmul.f32 v18, v16;
	v15 =	vmul.f32 v18, v15  }
0x38a: {  	v17 =	vmul.f32 v17, v23;
	v18 =	vld [tilespmem:s22+$0x10760]  }
0x38b: {  	v13 =	vmul.f32 v14, v13;
	v14 =	vld [tilespmem:s22+$0x10630];
	v16 =	vsub.f32 v27, v16;
	v15 =	vadd.f32 v15, v10  }
0x38c: {  	v10 =	vld [tilespmem:s22+$0x10670];
	v20 =	vmul.f32 v20, v24  }
0x38d: {  	v13 =	vadd.f32 v13, v17;
	v11 =	vmul.f32 v21, v11;
	v17 =	vld [tilespmem:s22+$0x106B0]  }
0x38e: {  	v21 =	vld [tilespmem:s22+$0x106F0];
	v23 =	vmul.f32 v25, v8  }
0x38f: {  	v5 =	vadd.f32 v13, v5;
	v11 =	vadd.f32 v11, v20;
	v13 =	vmul.f32 v19, v18;
	v18 =	vld [tilespmem:s22+$0x10730]  }
0x390: {  	s23 =	sshra.s32 s24, $0x2;
	v6 =	vmul.f32 v6, v14;
	v19 =	vld [tilespmem:s22+$0x10770]  }
0x391: {  	v8 =	vld [tilespmem:s23+$0xC7B0];
	v14 =	vmul.f32 v22, v10;
	v11 =	vadd.f32 v11, v7;
	v7 =	vadd.f32 v13, v23  }
0x392: {  	v10 =	vld [tilespmem:s23+$0xC7F0];
	v17 =	vmul.f32 v26, v17  }
0x393: {  	v13 =	vld [tilespmem:s23+$0xE7B0];
	v20 =	vadd.f32 v14, v6;
	v12 =	vmul.f32 v12, v21;
	v21 =	vadd.f32 v7, v9  }
0x394: {  	v14 =	vld [tilespmem:s23+$0xE7F0];
	v9 =	vmul.f32 v16, v18  }
0x395: {  	v6 =	vld [tilespmem:s23+$0xC7A0];
	v16 =	vadd.f32 v20, v5;
	v12 =	vadd.f32 v12, v17;
	v15 =	vmul.f32 v15, v19  }
0x396: {  	v5 =	vld [tilespmem:s23+$0xC7E0]  }
0x397: {  	v7 =	vld [tilespmem:s23+$0xE7A0];
	v11 =	vadd.f32 v12, v11;
	v12 =	vadd.f32 v15, v9;
	(xrf2) =	vadd.scan.msk.f32 $0xffff, v16  }
0x398: {  	v9 =	vld [tilespmem:s23+$0xE7E0]  }
0x399: {  	v15 =	vld [tilespmem:s23+$0xC780];
	v12 =	vadd.f32 v12, v21  }
0x39a: {  	v16 =	vld [tilespmem:s23+$0xC7C0];
	(xrf2) =	vadd.scan.msk.f32 $0xffff, v11  }
0x39b: {  	v19 =	vld [tilespmem:s23+$0xE780]  }
.Ltmp2:
0x39c: {  	v21 =	vld [tilespmem:s23+$0xE7C0];
	(pc) =	sbr.rel @!p1 .LBB2_7-.Ltmp2, $4  }
0x39d: {  	v17 =	vld [tilespmem:s23+$0xC790];
	(xrf2) =	vadd.scan.msk.f32 $0xffff, v12  }
0x39e: {  	v18 =	vld [tilespmem:s23+$0xC7D0]  }
0x39f: {  	v20 =	vld [tilespmem:s23+$0xE790]  }
0x3a0: {  	s24 =	sadd.s32 $0x800, s24;
	v11 =	vmul.f32 v13, v8;
	v12 =	vmul.f32 v14, v10;
	v22 =	vld [tilespmem:s23+$0xE7D0]  }
0x3a1: {  	v23 =	vld [tilespmem:s23+$0xC600];
	v24, _, _ =	vpop (xrf2)  }
0x3a2: {  	v25 =	vld [tilespmem:s23+$0x10780];
	[tilespmem:s22+$0x18600] =	vst v24  }
0x3a3: {  	v8 =	vmul.f32 v14, v8;
	v10 =	vmul.f32 v13, v10;
	v24 =	vld [tilespmem:s23+$0x107C0]  }
0x3a4: {  	v14 =	vmul.f32 v7, v6;
	v29 =	vmul.f32 v19, v15;
	v13 =	vld [tilespmem:s23+$0x10790];
	v27, _, _ =	vpop (xrf2)  }
0x3a5: {  	v30 =	vmul.f32 v21, v16;
	v15 =	vmul.f32 v21, v15;
	v28 =	vld [tilespmem:s23+$0x107D0];
	[tilespmem:s22+$0x18680] =	vst v27  }
0x3a6: {  	v16 =	vmul.f32 v19, v16;
	v21 =	vmul.f32 v20, v17;
	v19 =	vld [tilespmem:s23+$0x107A0]  }
0x3a7: {  	v52 =	vmul.f32 v22, v18;
	v18 =	vmul.f32 v20, v18;
	v31 =	vld [tilespmem:s23+$0x107E0];
	v20, _, _ =	vpop (xrf2)  }
0x3a8: {  	v26 =	vmul.f32 v9, v5;
	v17 =	vmul.f32 v22, v17;
	v22 =	vld [tilespmem:s23+$0x107B0];
	[tilespmem:s22+$0x18700] =	vst v20  }
0x3a9: {  	v6 =	vmul.f32 v9, v6;
	v5 =	vmul.f32 v7, v5;
	v7 =	vld [tilespmem:s23+$0x107F0]  }
0x3aa: {  	v15 =	vadd.f32 v15, v16;
	v16 =	vadd.f32 v17, v18;
	v18 =	vld [tilespmem:s23+$0xC640]  }
0x3ab: {  	v5 =	vadd.f32 v6, v5;
	v9 =	vsub.f32 v21, v52;
	v6 =	vld [tilespmem:s23+$0xE600]  }
0x3ac: {  	v8 =	vadd.f32 v8, v10;
	v10 =	vld [tilespmem:s23+$0xE640]  }
0x3ad: {  	v9 =	vmul.f32 v9, v13;
	v13 =	vmul.f32 v16, v28;
	v16 =	vld [tilespmem:s23+$0xC6D0]  }
0x3ae: {  	v20 =	vld [tilespmem:s23+$0xC700]  }
0x3af: {  	v21 =	vld [tilespmem:s23+$0xC740]  }
0x3b0: {  	v53 =	vld [tilespmem:s23+$0xE740]  }
0x3b1: {  	v54 =	vld [tilespmem:s23+$0xC710]  }
0x3b2: {  	v55 =	vld [tilespmem:s23+$0xC750]  }
0x3b3: {  	v57 =	vld [tilespmem:s23+$0xE710]  }
0x3b4: {  	v58 =	vld [tilespmem:s23+$0xE750]  }
0x3b5: {  	v59 =	vld [tilespmem:s23+$0xC620]  }
0x3b6: {  	v60 =	vld [tilespmem:s23+$0xC660]  }
0x3b7: {  	v61 =	vld [tilespmem:s23+$0xE620]  }
0x3b8: {  	v32 =	vld [tilespmem:s23+$0xE660]  }
0x3b9: {  	v33 =	vld [tilespmem:s23+$0xC6A0]  }
0x3ba: {  	v34 =	vld [tilespmem:s23+$0xC6E0]  }
0x3bb: {  	v35 =	vld [tilespmem:s23+$0xE6A0]  }
0x3bc: {  	v36 =	vld [tilespmem:s23+$0xE6E0]  }
0x3bd: {  	v37 =	vld [tilespmem:s23+$0xC720]  }
0x3be: {  	v38 =	vld [tilespmem:s23+$0xC760]  }
0x3bf: {  	v39 =	vld [tilespmem:s23+$0xE720]  }
0x3c0: {  	v40 =	vld [tilespmem:s23+$0xE760]  }
0x3c1: {  	v41 =	vld [tilespmem:s23+$0x10600]  }
0x3c2: {  	v42 =	vld [tilespmem:s23+$0x10640]  }
0x3c3: {  	v45 =	vld [tilespmem:s23+$0x10610]  }
0x3c4: {  	v29 =	vsub.f32 v29, v30;
	v46 =	vld [tilespmem:s23+$0xC630]  }
0x3c5: {  	v47 =	vld [tilespmem:s23+$0xE630]  }
0x3c6: {  	v17 =	vmul.f32 v29, v25;
	v15 =	vmul.f32 v15, v24;
	v48 =	vld [tilespmem:s23+$0xC6B0]  }
0x3c7: {  	v49 =	vld [tilespmem:s23+$0xC6F0]  }
0x3c8: {  	v11 =	vsub.f32 v11, v12;
	v12 =	vadd.f32 v15, v17;
	v15 =	vld [tilespmem:s23+$0xC650]  }
0x3c9: {  	v14 =	vsub.f32 v14, v26;
	v17 =	vld [tilespmem:s23+$0xE690]  }
0x3ca: {  	v9 =	vadd.f32 v13, v9;
	v13 =	vld [tilespmem:s23+$0xC610]  }
0x3cb: {  	v14 =	vmul.f32 v14, v19;
	v5 =	vmul.f32 v5, v31;
	v19 =	vld [tilespmem:s23+$0xE6D0]  }
0x3cc: {  	v11 =	vmul.f32 v11, v22;
	v9 =	vadd.f32 v9, v12;
	v12 =	vld [tilespmem:s23+$0xE650]  }
0x3cd: {  	v5 =	vadd.f32 v5, v14;
	v7 =	vmul.f32 v8, v7;
	v8 =	vld [tilespmem:s23+$0xE610];
	v43 =	vmul.f32 v6, v23  }
0x3ce: {  	v14 =	vld [tilespmem:s23+$0xE6C0];
	v44 =	vmul.f32 v10, v18;
	v10 =	vmul.f32 v10, v23  }
0x3cf: {  	v6 =	vmul.f32 v6, v18;
	v5 =	vadd.f32 v5, v9;
	v9 =	vld [tilespmem:s23+$0xC680];
	v7 =	vadd.f32 v7, v11  }
0x3d0: {  	v63 =	vmul.f32 v57, v55;
	v25 =	vmul.f32 v58, v54;
	v11 =	vld [tilespmem:s23+$0xC6C0]  }
0x3d1: {  	v50 =	vmul.f32 v61, v60;
	v29 =	vmul.f32 v32, v59;
	v5 =	vadd.f32 v7, v5;
	v7 =	vld [tilespmem:s23+$0xE680]  }
0x3d2: {  	v18 =	vld [tilespmem:s23+$0x10650];
	v6 =	vadd.f32 v10, v6;
	v23 =	vmul.f32 v8, v13;
	v8 =	vmul.f32 v8, v15  }
0x3d3: {  	v15 =	vmul.f32 v12, v15;
	v12 =	vmul.f32 v12, v13;
	(xrf2) =	vadd.scan.msk.f32 $0xffff, v5;
	v5 =	vld [tilespmem:s23+$0xC690]  }
0x3d4: {  	v22 =	vld [tilespmem:s23+$0xE700];
	v24 =	vadd.f32 v25, v63;
	v63 =	vmul.f32 v47, v46;
	v6 =	vmul.f32 v6, v42  }
0x3d5: {  	v51 =	vld [tilespmem:s23+$0xE6B0];
	v10 =	vmul.f32 v14, v11;
	v8 =	vadd.f32 v12, v8;
	v12 =	vmul.f32 v19, v16  }
0x3d6: {  	v52 =	vld [tilespmem:s23+$0xE6F0];
	v62 =	vmul.f32 v7, v9;
	v7 =	vmul.f32 v7, v11  }
0x3d7: {  	v43 =	vsub.f32 v43, v44;
	v44 =	vld [tilespmem:s23+$0x10690];
	v9 =	vmul.f32 v14, v9;
	v8 =	vmul.f32 v8, v18  }
0x3d8: {  	v13 =	vld [tilespmem:s23+$0xC670];
	v14 =	vsub.f32 v23, v15;
	v15 =	vmul.f32 v17, v5;
	v17 =	vmul.f32 v17, v16  }
0x3d9: {  	v11 =	vld [tilespmem:s23+$0xE670];
	v5 =	vmul.f32 v19, v5;
	v19 =	vmul.f32 v22, v20  }
0x3da: {  	v23 =	vld [tilespmem:s23+$0x10680];
	v22 =	vmul.f32 v22, v21;
	v7 =	vadd.f32 v9, v7;
	v9 =	vmul.f32 v53, v21  }
0x3db: {  	v18 =	vld [tilespmem:s23+$0xC770];
	v10 =	vsub.f32 v62, v10;
	v20 =	vmul.f32 v53, v20;
	v53 =	vmul.f32 v35, v34  }
0x3dc: {  	v16 =	vld [tilespmem:s23+$0x106C0];
	v14 =	vmul.f32 v14, v45;
	v12 =	vsub.f32 v15, v12;
	v15 =	vmul.f32 v57, v54  }
0x3dd: {  	v21 =	vld [tilespmem:s23+$0x106D0];
	v5 =	vadd.f32 v5, v17;
	v17 =	vmul.f32 v58, v55;
	v9 =	vsub.f32 v19, v9  }
0x3de: {  	v62 =	vld [tilespmem:s23+$0xC730];
	v19 =	vmul.f32 v61, v59;
	v20 =	vadd.f32 v20, v22;
	v22 =	vmul.f32 v32, v60  }
0x3df: {  	v45 =	vld [tilespmem:s23+$0x10720];
	v55 =	vmul.f32 v36, v34;
	v57 =	vmul.f32 v39, v38  }
0x3e0: {  	v27 =	vadd.f32 v29, v50;
	v54 =	vld [tilespmem:s23+$0x10700];
	v59 =	vmul.f32 v40, v38;
	v61 =	vmul.f32 v43, v41  }
0x3e1: {  	v58 =	vld [tilespmem:s23+$0x10710];
	v8 =	vadd.f32 v8, v14;
	v14 =	vmul.f32 v47, v13;
	v10 =	vmul.f32 v10, v23  }
0x3e2: {  	v60 =	vld [tilespmem:s23+$0x10750];
	v13 =	vmul.f32 v11, v13;
	v11 =	vmul.f32 v11, v46;
	v15 =	vsub.f32 v15, v17  }
0x3e3: {  	v41 =	vld [tilespmem:s23+$0xE730];
	v17 =	vmul.f32 v35, v33;
	v33 =	vmul.f32 v36, v33;
	v19 =	vsub.f32 v19, v22  }
0x3e4: {  	v43 =	vld [tilespmem:s23+$0x106E0];
	v22 =	vmul.f32 v39, v37;
	v37 =	vmul.f32 v40, v37;
	v6 =	vadd.f32 v6, v61  }
0x3e5: {  	v23 =	vld [tilespmem:s23+$0xE770];
	v7 =	vmul.f32 v7, v16;
	v5 =	vmul.f32 v5, v21;
	v13 =	vsub.f32 v63, v13  }
0x3e6: {  	v56, _, _ =	vpop (xrf2);
	v16 =	vld [tilespmem:s23+$0x10620];
	v11 =	vadd.f32 v11, v14;
	v6 =	vadd.f32 v8, v6;
	v8 =	vmul.f32 v12, v44  }
0x3e7: {  	v21 =	vmul.f32 v51, v49;
	[tilespmem:s23+$0x18780] =	vst v56;
	v56 =	vld [tilespmem:s23+$0x10740];
	v17 =	vsub.f32 v17, v55;
	v32 =	vadd.f32 v33, v53  }
0x3e8: {  	v14 =	vmul.f32 v52, v49;
	v12 =	vld [tilespmem:s23+$0x10660];
	v7 =	vadd.f32 v7, v10;
	v5 =	vadd.f32 v5, v8  }
0x3e9: {  	v47 =	vld [tilespmem:s23+$0x10670];
	v22 =	vsub.f32 v22, v59;
	v44 =	vmul.f32 v52, v48;
	v8 =	vmul.f32 v51, v48  }
0x3ea: {  	v10 =	vld [tilespmem:s23+$0x106A0];
	v29 =	vmul.f32 v41, v18;
	v5 =	vadd.f32 v5, v7;
	v7 =	vmul.f32 v9, v54  }
0x3eb: {  	v46 =	vld [tilespmem:s23+$0x10630];
	v8 =	vsub.f32 v8, v14;
	v14 =	vmul.f32 v15, v58;
	v15 =	vmul.f32 v24, v60  }
0x3ec: {  	v42 =	vadd.f32 v37, v57;
	v16 =	vmul.f32 v19, v16;
	v19 =	vld [tilespmem:s23+$0x106F0];
	v9 =	vmul.f32 v20, v56  }
0x3ed: {  	v20 =	vld [tilespmem:s23+$0x10760];
	v12 =	vmul.f32 v27, v12;
	v14 =	vadd.f32 v15, v14;
	v15 =	vmul.f32 v23, v18  }
0x3ee: {  	v18 =	vmul.f32 v23, v62;
	v23 =	vld [tilespmem:s23+$0x106B0];
	v7 =	vadd.f32 v9, v7;
	v9 =	vmul.f32 v41, v62  }
0x3ef: {  	v11 =	vmul.f32 v11, v47;
	v10 =	vmul.f32 v17, v10;
	v17 =	vld [tilespmem:s23+$0x10730];
	v12 =	vadd.f32 v12, v16  }
0x3f0: {  	v7 =	vadd.f32 v14, v7;
	v14 =	vmul.f32 v32, v43;
	v9 =	vsub.f32 v9, v15;
	v15 =	vld [tilespmem:s23+$0x10770]  }
0x3f1: {  	v21 =	vadd.f32 v44, v21;
	v13 =	vmul.f32 v13, v46;
	v6 =	vadd.f32 v12, v6  }
0x3f2: {  	v12 =	vmul.f32 v42, v20;
	v10 =	vadd.f32 v14, v10;
	v14 =	vmul.f32 v22, v45  }
0x3f3: {  	v11 =	vadd.f32 v11, v13;
	v16 =	vadd.f32 v18, v29;
	v8 =	vmul.f32 v8, v23  }
0x3f4: {  	v5 =	vadd.f32 v10, v5;
	v10 =	vadd.f32 v12, v14;
	v12 =	vmul.f32 v21, v19  }
0x3f5: {  	v9 =	vmul.f32 v9, v17;
	v13 =	vmul.f32 v16, v15  }
0x3f6: {  	v6 =	vadd.f32 v11, v6;
	v8 =	vadd.f32 v12, v8  }
0x3f7: {  	v7 =	vadd.f32 v10, v7;
	v9 =	vadd.f32 v13, v9  }
0x3f8: {  	v5 =	vadd.f32 v8, v5  }
0x3f9: {  	(xrf2) =	vadd.scan.msk.f32 $0xffff, v6;
	v6 =	vadd.f32 v9, v7  }
0x3fa: {  	(xrf2) =	vadd.scan.msk.f32 $0xffff, v5  }
0x3fb: {  	(xrf2) =	vadd.scan.msk.f32 $0xffff, v6;
	_ =	sdelay $0x7  }
0x3fc: {  	v5, _, _ =	vpop (xrf2)  }
0x3fd: {  	[tilespmem:s23+$0x18600] =	vst v5;
	v5, _, _ =	vpop (xrf2)  }
0x3fe: {  	[tilespmem:s23+$0x18680] =	vst v5;
	v5, _, _ =	vpop (xrf2)  }
0x3ff: {  	[tilespmem:s23+$0x18700] =	vst v5  }
0x400: {  	v5 =	vld.idx.msk [tilespmem:v2+s3+$0x0], $0xffff;
	_ =	sdelay $0x4  }
0x401: {  	[tilespmem:s21+$0x1A680] =	vst v5  }
0x402: {  	v5 =	vld.idx.msk [tilespmem:v1+s3+$0x0], $0xffff;
	_ =	sdelay $0x4  }
0x403: {  	[tilespmem:s21+$0x1A690] =	vst v5  }
0x404: {  	v5 =	vld.idx.msk [tilespmem:v3+s3+$0x0], $0xffff;
	_ =	sdelay $0x4  }
0x405: {  	[tilespmem:s21+$0x1A6A0] =	vst v5  }
0x406: {  	v5 =	vld.idx.msk [tilespmem:v4+s3+$0x0], $0xffff;
	_ =	sdelay $0x4  }
0x407: {  	[tilespmem:s21+$0x1A6B0] =	vst v5  }
0x408: {  	_ =	swait.ge [sflag:s16], $0x2000  }
0x409: {  	[sflag:s16] =	ssyncset.done $0x0  }
0x40a: {  	[sflag:s16] =	ssyncadd.s32 $0xFFFFE000  }
0x40b: {  	_ =	swait.ge [sflag:s16], $0x2000  }
0x40c: {  	[sflag:s16] =	ssyncset.done $0x0  }
0x40d: {  	[sflag:s16] =	ssyncadd.s32 $0xFFFFE000  }
0x40e: {  	_ =	swait.ge [sflag:s16], $0x2000  }
0x40f: {  	s22 =	simm.s32 @p0 $0x180;
	[sflag:s16] =	ssyncset.done $0x0  }
0x410: {  	s23 =	simm.s32 @p0 $0xC600;
	s21 =	simm.s32 @p0 $0x40;
	[sflag:s16] =	ssyncadd.s32 $0xFFFFE000  }
0x411: {  	[tilespmem:s23], [sflag:$0x4] =	stream.indirect.gather @p0 [hbm4b:s1+s21], $0x80, s22, s21, $0xb8;
	[tilespmem:$0x1A800] =	vst v63  }
0x412: {  	s22 =	simm.s32 @p0 $0x380;
	s23 =	simm.s32 @p0 $0xE600  }
0x413: {  	[tilespmem:s23], [sflag:$0x4] =	stream.indirect.gather @p0 [hbm4b:s2+s21], $0x80, s22, s21, $0xb8;
	[tilespmem:$0x1A800] =	vst v63  }
0x414: {  	s22 =	simm.s32 @p0 $0x580;
	s23 =	simm.s32 @p0 $0x10600  }
0x415: {  	[tilespmem:s23], [sflag:$0x4] =	stream.indirect.gather @p0 [hbm4b:s1+s21], $0x80, s22, s21, $0xb8;
	[tilespmem:$0x1A800] =	vst v63  }
0x416: {  	s21 =	simm.s32 $0x0  }
0x417: {  	v5 =	vld [tilespmem:s21+$0x127B0]  }
0x418: {  	v6 =	vld [tilespmem:s21+$0x127F0]  }
0x419: {  	v7 =	vld [tilespmem:s21+$0x147B0]  }
0x41a: {  	v8 =	vld [tilespmem:s21+$0x147F0]  }
0x41b: {  	v9 =	vld [tilespmem:s21+$0x127A0]  }
0x41c: {  	v10 =	vld [tilespmem:s21+$0x127E0]  }
0x41d: {  	v11 =	vld [tilespmem:s21+$0x147A0]  }
0x41e: {  	v12 =	vld [tilespmem:s21+$0x147E0]  }
0x41f: {  	v13 =	vld [tilespmem:s21+$0x12780]  }
0x420: {  	v14 =	vld [tilespmem:s21+$0x127C0]  }
0x421: {  	v15 =	vld [tilespmem:s21+$0x14780]  }
0x422: {  	v16 =	vld [tilespmem:s21+$0x147C0]  }
0x423: {  	v17 =	vld [tilespmem:s21+$0x12790]  }
0x424: {  	v18 =	vld [tilespmem:s21+$0x127D0]  }
0x425: {  	v19 =	vld [tilespmem:s21+$0x14790]  }
0x426: {  	v20 =	vld [tilespmem:s21+$0x147D0]  }
0x427: {  	v23 =	vld [tilespmem:s21+$0x12600]  }
0x428: {  	v49 =	vld [tilespmem:s21+$0x167C0]  }
0x429: {  	v52 =	vld [tilespmem:s21+$0x16790]  }
0x42a: {  	v54 =	vld [tilespmem:s21+$0x167A0]  }
0x42b: {  	v24 =	vld [tilespmem:s21+$0x14740]  }
0x42c: {  	v25 =	vld [tilespmem:s21+$0x12710]  }
0x42d: {  	v26 =	vld [tilespmem:s21+$0x12750]  }
0x42e: {  	v28 =	vld [tilespmem:s21+$0x14710]  }
0x42f: {  	v27 =	vld [tilespmem:s21+$0x14750]  }
0x430: {  	v29 =	vld [tilespmem:s21+$0x12620]  }
0x431: {  	v30 =	vld [tilespmem:s21+$0x12660]  }
0x432: {  	v56 =	vld [tilespmem:s21+$0x14620]  }
0x433: {  	v57 =	vld [tilespmem:s21+$0x14660]  }
0x434: {  	v33 =	vld [tilespmem:s21+$0x126A0]  }
0x435: {  	v34 =	vld [tilespmem:s21+$0x126E0]  }
0x436: {  	v58 =	vld [tilespmem:s21+$0x146A0]  }
0x437: {  	v59 =	vld [tilespmem:s21+$0x146E0]  }
0x438: {  	v37 =	vld [tilespmem:s21+$0x12720]  }
0x439: {  	v38 =	vld [tilespmem:s21+$0x12760]  }
0x43a: {  	v60 =	vld [tilespmem:s21+$0x14720]  }
0x43b: {  	v40 =	vld [tilespmem:s21+$0x14760]  }
0x43c: {  	v61 =	vld [tilespmem:s21+$0x16600]  }
0x43d: {  	v62 =	vld [tilespmem:s21+$0x16640]  }
0x43e: {  	v43 =	vld [tilespmem:s21+$0x16610]  }
0x43f: {  	v44 =	vld [tilespmem:s21+$0x16650];
	v21 =	vmul.f32 v7, v5  }
0x440: {  	v45 =	vld [tilespmem:s21+$0x12630];
	v22 =	vmul.f32 v8, v6;
	v5 =	vmul.f32 v8, v5  }
0x441: {  	v46 =	vld [tilespmem:s21+$0x12670];
	v6 =	vmul.f32 v7, v6;
	v8 =	vmul.f32 v11, v9  }
0x442: {  	v47 =	vld [tilespmem:s21+$0x14630];
	v48 =	vmul.f32 v12, v10;
	v50 =	vmul.f32 v15, v13  }
0x443: {  	v7 =	vld [tilespmem:s21+$0x16780];
	v51 =	vmul.f32 v16, v14;
	v13 =	vmul.f32 v16, v13  }
0x444: {  	v14 =	vmul.f32 v15, v14;
	v15 =	vld [tilespmem:s21+$0x167D0];
	v16 =	vmul.f32 v19, v17  }
0x445: {  	v53 =	vmul.f32 v20, v18;
	v18 =	vmul.f32 v19, v18;
	v19 =	vld [tilespmem:s21+$0x167E0]  }
0x446: {  	v17 =	vmul.f32 v20, v17;
	v9 =	vmul.f32 v12, v9;
	v12 =	vld [tilespmem:s21+$0x167B0]  }
0x447: {  	v10 =	vmul.f32 v11, v10;
	v11 =	vld [tilespmem:s21+$0x167F0];
	v13 =	vadd.f32 v13, v14  }
0x448: {  	v14 =	vsub.f32 v16, v53;
	v16 =	vadd.f32 v17, v18;
	v17 =	vld [tilespmem:s21+$0x12640]  }
0x449: {  	v9 =	vadd.f32 v9, v10;
	v10 =	vld [tilespmem:s21+$0x14600]  }
0x44a: {  	v20 =	vsub.f32 v50, v51;
	v5 =	vadd.f32 v5, v6;
	v6 =	vld [tilespmem:s21+$0x14640]  }
0x44b: {  	v18 =	vld [tilespmem:s21+$0x14690];
	v13 =	vmul.f32 v13, v49  }
0x44c: {  	v50 =	vld [tilespmem:s21+$0x14670];
	v14 =	vmul.f32 v14, v52;
	v7 =	vmul.f32 v20, v7  }
0x44d: {  	v8 =	vsub.f32 v8, v48;
	v15 =	vmul.f32 v16, v15;
	v5 =	vmul.f32 v5, v11;
	v11 =	vld [tilespmem:s21+$0x14650]  }
0x44e: {  	v9 =	vmul.f32 v9, v19;
	v19 =	vld [tilespmem:s21+$0x146D0]  }
0x44f: {  	v8 =	vmul.f32 v8, v54;
	v7 =	vadd.f32 v13, v7;
	v13 =	vadd.f32 v15, v14;
	v14 =	vld [tilespmem:s21+$0x12610]  }
0x450: {  	v16 =	vsub.f32 v21, v22;
	v15 =	vld [tilespmem:s21+$0x12650]  }
0x451: {  	v8 =	vadd.f32 v9, v8;
	v9 =	vld [tilespmem:s21+$0x14610]  }
0x452: {  	v20 =	vld [tilespmem:s21+$0x12700];
	v12 =	vmul.f32 v16, v12;
	v7 =	vadd.f32 v13, v7  }
0x453: {  	v16 =	vld [tilespmem:s21+$0x126D0];
	v48 =	vmul.f32 v10, v23;
	v49 =	vmul.f32 v6, v17  }
0x454: {  	v5 =	vadd.f32 v5, v12;
	v12 =	vld [tilespmem:s21+$0x126C0];
	v7 =	vadd.f32 v8, v7  }
0x455: {  	v6 =	vmul.f32 v6, v23;
	v10 =	vmul.f32 v10, v17;
	v13 =	vld [tilespmem:s21+$0x146C0];
	v48 =	vsub.f32 v48, v49  }
0x456: {  	v8 =	vld [tilespmem:s21+$0x12680];
	v23 =	vmul.f32 v9, v14;
	v9 =	vmul.f32 v9, v15;
	v5 =	vadd.f32 v5, v7  }
0x457: {  	v6 =	vadd.f32 v6, v10;
	v15 =	vmul.f32 v11, v15;
	v11 =	vmul.f32 v11, v14;
	v7 =	vld [tilespmem:s21+$0x14680]  }
0x458: {  	v53 =	vmul.f32 v50, v46;
	(xrf2) =	vadd.scan.msk.f32 $0xffff, v5;
	v5 =	vld [tilespmem:s21+$0x12690]  }
0x459: {  	v21 =	vld [tilespmem:s21+$0x12740];
	v61 =	vmul.f32 v48, v61;
	v6 =	vmul.f32 v6, v62;
	v9 =	vadd.f32 v11, v9  }
0x45a: {  	v22 =	vld [tilespmem:s21+$0x14700];
	v10 =	vmul.f32 v13, v12;
	v11 =	vmul.f32 v19, v16  }
0x45b: {  	v31 =	vld [tilespmem:s21+$0x16750];
	v9 =	vmul.f32 v9, v44;
	v44 =	vmul.f32 v47, v45  }
0x45c: {  	v35 =	vld [tilespmem:s21+$0x12770];
	v63 =	vmul.f32 v7, v8;
	v7 =	vmul.f32 v7, v12  }
0x45d: {  	v39 =	vld [tilespmem:s21+$0x14770];
	v8 =	vmul.f32 v13, v8;
	v13 =	vsub.f32 v23, v15;
	v15 =	vmul.f32 v18, v5  }
0x45e: {  	v51 =	vld [tilespmem:s21+$0x166C0];
	v18 =	vmul.f32 v18, v16;
	v5 =	vmul.f32 v19, v5  }
0x45f: {  	v52 =	vld [tilespmem:s21+$0x166D0];
	v10 =	vsub.f32 v63, v10;
	v19 =	vmul.f32 v22, v20;
	v22 =	vmul.f32 v22, v21  }
0x460: {  	v54 =	vld [tilespmem:s21+$0x16760];
	v7 =	vadd.f32 v8, v7;
	v8 =	vmul.f32 v24, v21;
	v20 =	vmul.f32 v24, v20  }
0x461: {  	v17 =	vld [tilespmem:s21+$0x16680];
	v13 =	vmul.f32 v13, v43;
	v11 =	vsub.f32 v15, v11;
	v15 =	vmul.f32 v28, v25  }
0x462: {  	v49 =	vld [tilespmem:s21+$0x146F0];
	v5 =	vadd.f32 v5, v18;
	v18 =	vmul.f32 v27, v26;
	v25 =	vmul.f32 v27, v25  }
0x463: {  	v62 =	vld [tilespmem:s21+$0x16660];
	v8 =	vsub.f32 v19, v8;
	v19 =	vmul.f32 v56, v29;
	v56 =	vmul.f32 v56, v30  }
0x464: {  	v14 =	vld [tilespmem:s21+$0x16690];
	v20 =	vadd.f32 v20, v22;
	v22 =	vmul.f32 v57, v30;
	v29 =	vmul.f32 v57, v29  }
0x465: {  	v12 =	vld [tilespmem:s21+$0x126B0];
	v57 =	vmul.f32 v58, v34;
	v9 =	vadd.f32 v9, v13;
	v13 =	vmul.f32 v47, v46  }
0x466: {  	v6 =	vadd.f32 v6, v61;
	v23 =	vld [tilespmem:s21+$0x126F0];
	v10 =	vmul.f32 v10, v17;
	v7 =	vmul.f32 v7, v51  }
0x467: {  	v16 =	vld [tilespmem:s21+$0x146B0];
	v15 =	vsub.f32 v15, v18;
	v18 =	vmul.f32 v58, v33;
	v58 =	vmul.f32 v59, v34  }
0x468: {  	v21 =	vld [tilespmem:s21+$0x16700];
	v33 =	vmul.f32 v59, v33;
	v19 =	vsub.f32 v19, v22;
	v22 =	vmul.f32 v60, v37  }
0x469: {  	v63 =	vld [tilespmem:s21+$0x166A0];
	v59 =	vmul.f32 v60, v38;
	v27 =	vadd.f32 v29, v56;
	v60 =	vmul.f32 v40, v38  }
0x46a: {  	v30 =	vld [tilespmem:s21+$0x12730];
	v37 =	vmul.f32 v40, v37;
	v9 =	vadd.f32 v9, v6;
	v6 =	vmul.f32 v11, v14  }
0x46b: {  	v17 =	vld [tilespmem:s21+$0x16720];
	v5 =	vmul.f32 v5, v52;
	v14 =	vmul.f32 v50, v45;
	v7 =	vadd.f32 v7, v10;
	v55, _, _ =	vpop (xrf2)  }
0x46c: {  	[tilespmem:s21+$0x18780] =	vst v55;
	v55 =	vmul.f32 v28, v26;
	v28 =	vld [tilespmem:s21+$0x16740];
	v18 =	vsub.f32 v18, v58;
	v32 =	vadd.f32 v33, v57  }
0x46d: {  	v10 =	vmul.f32 v49, v23;
	v26 =	vld [tilespmem:s21+$0x16710];
	v22 =	vsub.f32 v22, v60;
	v5 =	vadd.f32 v5, v6  }
0x46e: {  	v38 =	vld [tilespmem:s21+$0x16620];
	v6 =	vmul.f32 v16, v12;
	v16 =	vmul.f32 v16, v23;
	v57 =	vadd.f32 v14, v13  }
0x46f: {  	v11 =	vld [tilespmem:s21+$0x16630];
	v12 =	vmul.f32 v49, v12;
	v60 =	vmul.f32 v39, v35;
	v24 =	vadd.f32 v25, v55  }
0x470: {  	v34 =	vld [tilespmem:s21+$0x14730];
	v61 =	vmul.f32 v39, v30;
	v58 =	vadd.f32 v5, v7;
	v5 =	vmul.f32 v8, v21  }
0x471: {  	v55 =	vld [tilespmem:s21+$0x16670];
	v21 =	vsub.f32 v6, v10;
	v17 =	vmul.f32 v22, v17;
	v10 =	vmul.f32 v24, v31  }
0x472: {  	v48 =	vld [tilespmem:s21+$0x166E0];
	v25 =	vsub.f32 v44, v53;
	v7 =	vmul.f32 v20, v28;
	v6 =	vmul.f32 v15, v26  }
0x473: {  	v56 =	vld [tilespmem:s21+$0x166B0];
	v12 =	vadd.f32 v12, v16;
	v16 =	vmul.f32 v19, v38;
	v19 =	vmul.f32 v27, v62  }
0x474: {  	v23 =	vld [tilespmem:s21+$0x166F0];
	v11 =	vmul.f32 v25, v11;
	v5 =	vadd.f32 v7, v5;
	v6 =	vadd.f32 v10, v6  }
0x475: {  	s22 =	simm.s32 $0x200;
	v36 =	vadd.f32 v37, v59;
	v59 =	vld [tilespmem:s21+$0x16770];
	v15 =	vmul.f32 v34, v35;
	v7 =	vmul.f32 v34, v30  }
0x476: {  	v13 =	vld [tilespmem:s22+$0x147B0];
	v22 =	vmul.f32 v57, v55;
	v62 =	vadd.f32 v6, v5;
	v5 =	vmul.f32 v18, v63  }
0x477: {  	v14 =	vld [tilespmem:s22+$0x147F0];
	v18 =	vmul.f32 v32, v48;
	v26 =	vsub.f32 v7, v60;
	v7 =	vadd.f32 v19, v16  }
0x478: {  	v20 =	vld [tilespmem:s21+$0x16730];
	v16 =	vadd.f32 v61, v15;
	v19 =	vmul.f32 v36, v54;
	v11 =	vadd.f32 v22, v11  }
0x479: {  	v8 =	vld [tilespmem:s22+$0x127B0];
	v15 =	vadd.f32 v18, v5;
	v18 =	vadd.f32 v7, v9  }
0x47a: {  	v12 =	vmul.f32 v12, v23;
	v10 =	vld [tilespmem:s22+$0x127F0];
	v17 =	vadd.f32 v19, v17;
	v19 =	vmul.f32 v21, v56  }
0x47b: {  	v6 =	vld [tilespmem:s22+$0x127A0];
	v11 =	vadd.f32 v11, v18  }
0x47c: {  	v5 =	vld [tilespmem:s22+$0x127E0];
	v63 =	vadd.f32 v15, v58;
	v12 =	vadd.f32 v12, v19  }
0x47d: {  	v7 =	vld [tilespmem:s22+$0x147A0];
	v20 =	vmul.f32 v26, v20;
	v21 =	vmul.f32 v16, v59;
	(xrf2) =	vadd.scan.msk.f32 $0xffff, v11  }
0x47e: {  	v9 =	vld [tilespmem:s22+$0x147E0];
	v12 =	vadd.f32 v12, v63  }
0x47f: {  	v16 =	vld [tilespmem:s22+$0x127C0];
	v22 =	vadd.f32 v17, v62;
	v18 =	vadd.f32 v21, v20  }
0x480: {  	v15 =	vld [tilespmem:s22+$0x12780];
	(xrf2) =	vadd.scan.msk.f32 $0xffff, v12  }
0x481: {  	v19 =	vld [tilespmem:s22+$0x14780];
	v11 =	vadd.f32 v18, v22  }
0x482: {  	v21 =	vld [tilespmem:s22+$0x147C0]  }
0x483: {  	v17 =	vld [tilespmem:s22+$0x12790];
	(xrf2) =	vadd.scan.msk.f32 $0xffff, v11  }
0x484: {  	v20 =	vld [tilespmem:s22+$0x14790]  }
0x485: {  	v18 =	vld [tilespmem:s22+$0x127D0]  }
0x486: {  	s23 =	simm.s32 $0x1000;
	v22 =	vld [tilespmem:s22+$0x147D0];
	v12 =	vmul.f32 v14, v10;
	v11 =	vmul.f32 v13, v8  }
.LBB2_9:
0x487: {  	p1 =	seq.s32 s23, $0x7800;
	v23 =	vld [tilespmem:s22+$0x12600];
	v8 =	vmul.f32 v14, v8;
	v10 =	vmul.f32 v13, v10;
	v13, _, _ =	vpop (xrf2)  }
0x488: {  	v24 =	vmul.f32 v7, v6;
	v25 =	vmul.f32 v9, v5;
	v14 =	vld [tilespmem:s22+$0x16780];
	[tilespmem:s21+$0x18600] =	vst v13  }
0x489: {  	v26 =	vmul.f32 v19, v15;
	v27 =	vmul.f32 v21, v16;
	v13 =	vld [tilespmem:s22+$0x167C0]  }
0x48a: {  	v15 =	vmul.f32 v21, v15;
	v16 =	vmul.f32 v19, v16;
	v19 =	vld [tilespmem:s22+$0x16790];
	v21, _, _ =	vpop (xrf2)  }
0x48b: {  	v29 =	vmul.f32 v20, v17;
	v28 =	vld [tilespmem:s22+$0x167D0];
	v30 =	vmul.f32 v22, v18;
	[tilespmem:s21+$0x18680] =	vst v21  }
0x48c: {  	v17 =	vmul.f32 v22, v17;
	v18 =	vmul.f32 v20, v18;
	v20 =	vld [tilespmem:s22+$0x167A0]  }
0x48d: {  	v6 =	vmul.f32 v9, v6;
	v15 =	vadd.f32 v15, v16;
	v21 =	vsub.f32 v26, v27;
	v16 =	vld [tilespmem:s22+$0x167E0];
	v9, _, _ =	vpop (xrf2)  }
0x48e: {  	v5 =	vmul.f32 v7, v5;
	v22 =	vsub.f32 v29, v30;
	v17 =	vadd.f32 v17, v18;
	v7 =	vld [tilespmem:s22+$0x167B0];
	[tilespmem:s21+$0x18700] =	vst v9;
	s21 =	smov.u32 s22  }
0x48f: {  	v9 =	vmul.f32 v21, v14;
	v13 =	vmul.f32 v15, v13;
	v14 =	vsub.f32 v24, v25;
	v15 =	vld [tilespmem:s21+$0x167F0]  }
0x490: {  	v5 =	vadd.f32 v6, v5;
	v19 =	vmul.f32 v22, v19;
	v18 =	vld [tilespmem:s21+$0x12640];
	v17 =	vmul.f32 v17, v28  }
0x491: {  	v11 =	vsub.f32 v11, v12;
	v8 =	vadd.f32 v8, v10;
	v6 =	vld [tilespmem:s21+$0x14600];
	v14 =	vmul.f32 v14, v20  }
0x492: {  	v9 =	vadd.f32 v13, v9;
	v10 =	vld [tilespmem:s21+$0x14640];
	v12 =	vadd.f32 v17, v19;
	v5 =	vmul.f32 v5, v16  }
0x493: {  	v13 =	vld [tilespmem:s21+$0x12610];
	v7 =	vmul.f32 v11, v7  }
0x494: {  	v11 =	vld [tilespmem:s21+$0x12650];
	v9 =	vadd.f32 v12, v9;
	v5 =	vadd.f32 v5, v14;
	v8 =	vmul.f32 v8, v15  }
0x495: {  	v12 =	vld [tilespmem:s21+$0x14610]  }
0x496: {  	v14 =	vmul.f32 v6, v23;
	v15 =	vld [tilespmem:s21+$0x14650];
	v5 =	vadd.f32 v5, v9;
	v7 =	vadd.f32 v8, v7  }
0x497: {  	v8 =	vmul.f32 v10, v18;
	v9 =	vmul.f32 v10, v23;
	v10 =	vld [tilespmem:s21+$0x12680]  }
0x498: {  	v6 =	vmul.f32 v6, v18;
	v16 =	vld [tilespmem:s21+$0x126C0];
	v5 =	vadd.f32 v7, v5  }
0x499: {  	v7 =	vsub.f32 v14, v8;
	v8 =	vld [tilespmem:s21+$0x14680]  }
0x49a: {  	v6 =	vadd.f32 v9, v6;
	v9 =	vmul.f32 v12, v13;
	v12 =	vmul.f32 v12, v11;
	v14 =	vld [tilespmem:s21+$0x146C0];
	(xrf2) =	vadd.scan.msk.f32 $0xffff, v5  }
0x49b: {  	v5 =	vmul.f32 v15, v11;
	v11 =	vmul.f32 v15, v13;
	v13 =	vld [tilespmem:s21+$0x12690]  }
0x49c: {  	v15 =	vld [tilespmem:s21+$0x126D0]  }
0x49d: {  	v5 =	vsub.f32 v9, v5;
	v9 =	vadd.f32 v11, v12;
	v11 =	vld [tilespmem:s21+$0x14690]  }
0x49e: {  	v12 =	vmul.f32 v8, v10;
	v8 =	vmul.f32 v8, v16;
	v17 =	vld [tilespmem:s21+$0x146D0]  }
0x49f: {  	v16 =	vmul.f32 v14, v16;
	v10 =	vmul.f32 v14, v10;
	v14 =	vld [tilespmem:s21+$0x12700]  }
0x4a0: {  	v18 =	vld [tilespmem:s21+$0x12740]  }
0x4a1: {  	v12 =	vsub.f32 v12, v16;
	v8 =	vadd.f32 v10, v8;
	v10 =	vld [tilespmem:s21+$0x14700]  }
0x4a2: {  	v16 =	vmul.f32 v11, v13;
	v11 =	vmul.f32 v11, v15;
	v19 =	vld [tilespmem:s21+$0x14740]  }
0x4a3: {  	v15 =	vmul.f32 v17, v15;
	v13 =	vmul.f32 v17, v13;
	v17 =	vld [tilespmem:s21+$0x12710]  }
0x4a4: {  	v20 =	vld [tilespmem:s21+$0x12750];
	v21, _, _ =	vpop (xrf2)  }
0x4a5: {  	v15 =	vsub.f32 v16, v15;
	v11 =	vadd.f32 v13, v11;
	v13 =	vld [tilespmem:s21+$0x14710];
	[tilespmem:s21+$0x18780] =	vst v21  }
0x4a6: {  	v16 =	vmul.f32 v10, v14;
	v10 =	vmul.f32 v10, v18;
	v21 =	vld [tilespmem:s21+$0x14750]  }
0x4a7: {  	v22 =	vld [tilespmem:s21+$0x12620];
	v18 =	vmul.f32 v19, v18;
	v14 =	vmul.f32 v19, v14  }
0x4a8: {  	v19 =	vld [tilespmem:s21+$0x12660]  }
0x4a9: {  	v23 =	vld [tilespmem:s21+$0x14620];
	v16 =	vsub.f32 v16, v18;
	v10 =	vadd.f32 v14, v10  }
0x4aa: {  	v14 =	vld [tilespmem:s21+$0x14660];
	v18 =	vmul.f32 v13, v17;
	v13 =	vmul.f32 v13, v20  }
0x4ab: {  	v24 =	vld [tilespmem:s21+$0x126A0];
	v20 =	vmul.f32 v21, v20;
	v17 =	vmul.f32 v21, v17  }
0x4ac: {  	v21 =	vld [tilespmem:s21+$0x126E0]  }
0x4ad: {  	v25 =	vld [tilespmem:s21+$0x146A0];
	v18 =	vsub.f32 v18, v20;
	v13 =	vadd.f32 v17, v13  }
0x4ae: {  	v17 =	vmul.f32 v23, v22;
	v20 =	vmul.f32 v23, v19;
	v23 =	vld [tilespmem:s21+$0x146E0]  }
0x4af: {  	v19 =	vmul.f32 v14, v19;
	v14 =	vmul.f32 v14, v22;
	v22 =	vld [tilespmem:s21+$0x12720]  }
0x4b0: {  	v26 =	vld [tilespmem:s21+$0x12760]  }
0x4b1: {  	v17 =	vsub.f32 v17, v19;
	v14 =	vadd.f32 v14, v20;
	v19 =	vld [tilespmem:s21+$0x14720]  }
0x4b2: {  	v20 =	vmul.f32 v25, v24;
	v25 =	vmul.f32 v25, v21;
	v27 =	vld [tilespmem:s21+$0x14760]  }
0x4b3: {  	v28 =	vld [tilespmem:s21+$0x16600];
	v21 =	vmul.f32 v23, v21;
	v23 =	vmul.f32 v23, v24  }
0x4b4: {  	v24 =	vld [tilespmem:s21+$0x16640]  }
0x4b5: {  	v29 =	vld [tilespmem:s21+$0x16610];
	v20 =	vsub.f32 v20, v21;
	v21 =	vadd.f32 v23, v25  }
0x4b6: {  	v23 =	vld [tilespmem:s21+$0x16650];
	v25 =	vmul.f32 v19, v22;
	v19 =	vmul.f32 v19, v26  }
0x4b7: {  	v30 =	vld [tilespmem:s21+$0x12630];
	v26 =	vmul.f32 v27, v26;
	v22 =	vmul.f32 v27, v22  }
0x4b8: {  	v7 =	vmul.f32 v7, v28;
	v27 =	vld [tilespmem:s21+$0x12670]  }
0x4b9: {  	v6 =	vmul.f32 v6, v24;
	v24 =	vld [tilespmem:s21+$0x14630];
	v25 =	vsub.f32 v25, v26;
	v19 =	vadd.f32 v22, v19  }
0x4ba: {  	v5 =	vmul.f32 v5, v29;
	v22 =	vld [tilespmem:s21+$0x14670]  }
0x4bb: {  	v6 =	vadd.f32 v6, v7;
	v7 =	vmul.f32 v9, v23;
	v9 =	vld [tilespmem:s21+$0x16680]  }
0x4bc: {  	v23 =	vld [tilespmem:s21+$0x166C0]  }
0x4bd: {  	v5 =	vadd.f32 v7, v5;
	v7 =	vld [tilespmem:s21+$0x16690]  }
0x4be: {  	v26 =	vmul.f32 v24, v30;
	v24 =	vmul.f32 v24, v27;
	v28 =	vld [tilespmem:s21+$0x166D0]  }
0x4bf: {  	v5 =	vadd.f32 v5, v6;
	v6 =	vmul.f32 v22, v27;
	v22 =	vmul.f32 v22, v30;
	v27 =	vld [tilespmem:s21+$0x126B0]  }
0x4c0: {  	v9 =	vmul.f32 v12, v9;
	v12 =	vld [tilespmem:s21+$0x126F0]  }
0x4c1: {  	v6 =	vsub.f32 v26, v6;
	v22 =	vadd.f32 v22, v24;
	v8 =	vmul.f32 v8, v23;
	v23 =	vld [tilespmem:s21+$0x146B0]  }
0x4c2: {  	v7 =	vmul.f32 v15, v7;
	v15 =	vld [tilespmem:s21+$0x146F0]  }
0x4c3: {  	v8 =	vadd.f32 v8, v9;
	v9 =	vmul.f32 v11, v28;
	v11 =	vld [tilespmem:s21+$0x16700]  }
0x4c4: {  	v24 =	vld [tilespmem:s21+$0x16740]  }
0x4c5: {  	v7 =	vadd.f32 v9, v7;
	v9 =	vld [tilespmem:s21+$0x16710]  }
0x4c6: {  	v26 =	vmul.f32 v23, v27;
	v23 =	vmul.f32 v23, v12;
	v28 =	vld [tilespmem:s21+$0x16750]  }
0x4c7: {  	v7 =	vadd.f32 v7, v8;
	v8 =	vmul.f32 v15, v12;
	v12 =	vmul.f32 v15, v27;
	v15 =	vld [tilespmem:s21+$0x12730]  }
0x4c8: {  	v11 =	vmul.f32 v16, v11;
	v16 =	vld [tilespmem:s21+$0x12770]  }
0x4c9: {  	v26 =	vsub.f32 v26, v8;
	v12 =	vadd.f32 v12, v23;
	v8 =	vmul.f32 v10, v24;
	v10 =	vld [tilespmem:s21+$0x14730]  }
0x4ca: {  	v9 =	vmul.f32 v18, v9;
	v18 =	vld [tilespmem:s21+$0x14770]  }
0x4cb: {  	v23 =	vld [tilespmem:s21+$0x16620];
	v8 =	vadd.f32 v8, v11;
	v11 =	vmul.f32 v13, v28  }
0x4cc: {  	v13 =	vld [tilespmem:s21+$0x16660]  }
0x4cd: {  	v24 =	vld [tilespmem:s21+$0x166A0];
	v9 =	vadd.f32 v11, v9  }
0x4ce: {  	v11 =	vld [tilespmem:s21+$0x166E0];
	v27 =	vmul.f32 v10, v15;
	v10 =	vmul.f32 v10, v16  }
0x4cf: {  	v9 =	vadd.f32 v9, v8;
	v8 =	vld [tilespmem:s21+$0x16720];
	v16 =	vmul.f32 v18, v16;
	v15 =	vmul.f32 v18, v15  }
0x4d0: {  	v17 =	vmul.f32 v17, v23;
	v18 =	vld [tilespmem:s21+$0x16760]  }
0x4d1: {  	v13 =	vmul.f32 v14, v13;
	v14 =	vld [tilespmem:s21+$0x16630];
	v16 =	vsub.f32 v27, v16;
	v15 =	vadd.f32 v15, v10  }
0x4d2: {  	v10 =	vld [tilespmem:s21+$0x16670];
	v20 =	vmul.f32 v20, v24  }
0x4d3: {  	v13 =	vadd.f32 v13, v17;
	v11 =	vmul.f32 v21, v11;
	v17 =	vld [tilespmem:s21+$0x166B0]  }
0x4d4: {  	v21 =	vld [tilespmem:s21+$0x166F0];
	v23 =	vmul.f32 v25, v8  }
0x4d5: {  	v5 =	vadd.f32 v13, v5;
	v11 =	vadd.f32 v11, v20;
	v13 =	vmul.f32 v19, v18;
	v18 =	vld [tilespmem:s21+$0x16730]  }
0x4d6: {  	s22 =	sshra.s32 s23, $0x2;
	v6 =	vmul.f32 v6, v14;
	v19 =	vld [tilespmem:s21+$0x16770]  }
0x4d7: {  	v8 =	vld [tilespmem:s22+$0x127B0];
	v14 =	vmul.f32 v22, v10;
	v11 =	vadd.f32 v11, v7;
	v7 =	vadd.f32 v13, v23  }
0x4d8: {  	v10 =	vld [tilespmem:s22+$0x127F0];
	v17 =	vmul.f32 v26, v17  }
0x4d9: {  	v13 =	vld [tilespmem:s22+$0x147B0];
	v20 =	vadd.f32 v14, v6;
	v12 =	vmul.f32 v12, v21;
	v21 =	vadd.f32 v7, v9  }
0x4da: {  	v14 =	vld [tilespmem:s22+$0x147F0];
	v9 =	vmul.f32 v16, v18  }
0x4db: {  	v6 =	vld [tilespmem:s22+$0x127A0];
	v16 =	vadd.f32 v20, v5;
	v12 =	vadd.f32 v12, v17;
	v15 =	vmul.f32 v15, v19  }
0x4dc: {  	v5 =	vld [tilespmem:s22+$0x127E0]  }
0x4dd: {  	v7 =	vld [tilespmem:s22+$0x147A0];
	v11 =	vadd.f32 v12, v11;
	v12 =	vadd.f32 v15, v9;
	(xrf2) =	vadd.scan.msk.f32 $0xffff, v16  }
0x4de: {  	v9 =	vld [tilespmem:s22+$0x147E0]  }
0x4df: {  	v15 =	vld [tilespmem:s22+$0x12780];
	v12 =	vadd.f32 v12, v21  }
0x4e0: {  	v16 =	vld [tilespmem:s22+$0x127C0];
	(xrf2) =	vadd.scan.msk.f32 $0xffff, v11  }
0x4e1: {  	v19 =	vld [tilespmem:s22+$0x14780]  }
.Ltmp3:
0x4e2: {  	v21 =	vld [tilespmem:s22+$0x147C0];
	(pc) =	sbr.rel @!p1 .LBB2_9-.Ltmp3, $4  }
0x4e3: {  	v17 =	vld [tilespmem:s22+$0x12790];
	(xrf2) =	vadd.scan.msk.f32 $0xffff, v12  }
0x4e4: {  	v18 =	vld [tilespmem:s22+$0x127D0]  }
0x4e5: {  	v20 =	vld [tilespmem:s22+$0x14790]  }
0x4e6: {  	s23 =	sadd.s32 $0x800, s23;
	v11 =	vmul.f32 v13, v8;
	v12 =	vmul.f32 v14, v10;
	v22 =	vld [tilespmem:s22+$0x147D0]  }
0x4e7: {  	v23 =	vld [tilespmem:s22+$0x12600];
	v24, _, _ =	vpop (xrf2)  }
0x4e8: {  	v25 =	vld [tilespmem:s22+$0x16780];
	[tilespmem:s21+$0x18600] =	vst v24  }
0x4e9: {  	v24 =	vld [tilespmem:s22+$0x167C0]  }
0x4ea: {  	v42 =	vld [tilespmem:s22+$0x16790];
	v27, _, _ =	vpop (xrf2)  }
0x4eb: {  	v28 =	vld [tilespmem:s22+$0x167D0];
	[tilespmem:s21+$0x18680] =	vst v27  }
0x4ec: {  	v46 =	vld [tilespmem:s22+$0x167A0]  }
0x4ed: {  	v31 =	vld [tilespmem:s22+$0x167E0];
	v51, _, _ =	vpop (xrf2)  }
0x4ee: {  	v52 =	vld [tilespmem:s22+$0x167B0];
	[tilespmem:s21+$0x18700] =	vst v51  }
0x4ef: {  	v8 =	vmul.f32 v14, v8;
	v10 =	vmul.f32 v13, v10;
	v57 =	vld [tilespmem:s22+$0x167F0]  }
0x4f0: {  	v50 =	vmul.f32 v20, v18;
	v48 =	vmul.f32 v22, v18;
	v18 =	vld [tilespmem:s22+$0x12640]  }
0x4f1: {  	v43 =	vmul.f32 v7, v6;
	v53 =	vmul.f32 v9, v6;
	v6 =	vld [tilespmem:s22+$0x14600]  }
0x4f2: {  	v8 =	vadd.f32 v8, v10;
	v10 =	vld [tilespmem:s22+$0x14640]  }
0x4f3: {  	v13 =	vld [tilespmem:s22+$0x12610]  }
0x4f4: {  	v61 =	vld [tilespmem:s22+$0x14650]  }
0x4f5: {  	v62 =	vld [tilespmem:s22+$0x14680]  }
0x4f6: {  	v30 =	vmul.f32 v21, v16;
	v47 =	vmul.f32 v20, v17;
	v63 =	vld [tilespmem:s22+$0x146C0]  }
0x4f7: {  	v45 =	vmul.f32 v19, v16;
	v49 =	vmul.f32 v22, v17;
	v16 =	vld [tilespmem:s22+$0x126D0]  }
0x4f8: {  	v54 =	vsub.f32 v47, v48;
	v48 =	vld [tilespmem:s22+$0x14690]  }
0x4f9: {  	v29 =	vmul.f32 v19, v15;
	v55 =	vadd.f32 v49, v50;
	v49 =	vld [tilespmem:s22+$0x146D0]  }
0x4fa: {  	v20 =	vld [tilespmem:s22+$0x12700]  }
0x4fb: {  	v29 =	vsub.f32 v29, v30;
	v50 =	vld [tilespmem:s22+$0x12740]  }
0x4fc: {  	v56 =	vmul.f32 v7, v5;
	v51 =	vld [tilespmem:s22+$0x14700]  }
0x4fd: {  	v58 =	vmul.f32 v29, v25;
	v25 =	vld [tilespmem:s22+$0x12710]  }
0x4fe: {  	v26 =	vmul.f32 v9, v5;
	v5 =	vadd.f32 v53, v56;
	v53 =	vld [tilespmem:s22+$0x12750]  }
0x4ff: {  	v59 =	vmul.f32 v55, v28;
	v55 =	vld [tilespmem:s22+$0x14710]  }
0x500: {  	v56 =	vld [tilespmem:s22+$0x14750]  }
0x501: {  	v32 =	vld [tilespmem:s22+$0x14660]  }
0x502: {  	v33 =	vld [tilespmem:s22+$0x126A0]  }
0x503: {  	v34 =	vld [tilespmem:s22+$0x126E0]  }
0x504: {  	v35 =	vld [tilespmem:s22+$0x146A0]  }
0x505: {  	v36 =	vld [tilespmem:s22+$0x146E0]  }
0x506: {  	v37 =	vld [tilespmem:s22+$0x12720]  }
0x507: {  	v38 =	vld [tilespmem:s22+$0x12760]  }
0x508: {  	v39 =	vld [tilespmem:s22+$0x14720]  }
0x509: {  	v44 =	vmul.f32 v21, v15;
	v40 =	vld [tilespmem:s22+$0x14760]  }
0x50a: {  	v41 =	vld [tilespmem:s22+$0x16600]  }
0x50b: {  	v15 =	vadd.f32 v44, v45;
	v9 =	vmul.f32 v54, v42;
	v42 =	vld [tilespmem:s22+$0x16640]  }
0x50c: {  	v45 =	vld [tilespmem:s22+$0x16610]  }
0x50d: {  	v15 =	vmul.f32 v15, v24;
	v47 =	vld [tilespmem:s22+$0x14630]  }
0x50e: {  	v14 =	vsub.f32 v43, v26;
	v21 =	vld [tilespmem:s22+$0x166D0]  }
0x50f: {  	v11 =	vsub.f32 v11, v12;
	v28 =	vld [tilespmem:s22+$0x126B0];
	v60 =	vadd.f32 v15, v58  }
0x510: {  	v26 =	vld [tilespmem:s22+$0x126F0];
	v14 =	vmul.f32 v14, v46;
	v9 =	vadd.f32 v59, v9;
	v5 =	vmul.f32 v5, v31  }
0x511: {  	v15 =	vld [tilespmem:s22+$0x12650];
	v11 =	vmul.f32 v11, v52;
	v7 =	vmul.f32 v8, v57  }
0x512: {  	v52 =	vld [tilespmem:s22+$0x14740];
	v9 =	vadd.f32 v9, v60;
	v43 =	vmul.f32 v6, v23;
	v44 =	vmul.f32 v10, v18  }
0x513: {  	v5 =	vadd.f32 v5, v14;
	v8 =	vld [tilespmem:s22+$0x14610];
	v10 =	vmul.f32 v10, v23;
	v6 =	vmul.f32 v6, v18  }
0x514: {  	v57 =	vld [tilespmem:s22+$0x12620]  }
0x515: {  	v12 =	vmul.f32 v61, v13;
	v5 =	vadd.f32 v5, v9;
	v9 =	vld [tilespmem:s22+$0x12680];
	v6 =	vadd.f32 v10, v6  }
0x516: {  	v17 =	vmul.f32 v48, v16;
	v22 =	vmul.f32 v51, v50;
	v7 =	vadd.f32 v7, v11;
	v11 =	vld [tilespmem:s22+$0x126C0]  }
0x517: {  	v30 =	vld [tilespmem:s22+$0x146F0];
	v50 =	vmul.f32 v52, v50;
	v6 =	vmul.f32 v6, v42  }
0x518: {  	v58 =	vld [tilespmem:s22+$0x12660];
	v5 =	vadd.f32 v7, v5;
	v60 =	vmul.f32 v8, v13;
	v8 =	vmul.f32 v8, v15  }
0x519: {  	v18 =	vld [tilespmem:s22+$0x16650];
	v15 =	vmul.f32 v61, v15;
	v29 =	vmul.f32 v32, v57  }
0x51a: {  	(xrf2) =	vadd.scan.msk.f32 $0xffff, v5;
	v5 =	vld [tilespmem:s22+$0x12690];
	v61 =	vmul.f32 v62, v9;
	v9 =	vmul.f32 v63, v9  }
0x51b: {  	v59 =	vld [tilespmem:s22+$0x14620];
	v7 =	vmul.f32 v62, v11;
	v62 =	vmul.f32 v63, v11;
	v14 =	vsub.f32 v60, v15  }
0x51c: {  	v46 =	vld [tilespmem:s22+$0x12630];
	v8 =	vadd.f32 v12, v8;
	v60 =	vmul.f32 v39, v37;
	v37 =	vmul.f32 v40, v37  }
0x51d: {  	v31 =	vld [tilespmem:s22+$0x146B0];
	v10 =	vsub.f32 v61, v62;
	v61 =	vmul.f32 v39, v38;
	v62 =	vmul.f32 v40, v38  }
0x51e: {  	v23 =	vld [tilespmem:s22+$0x16680];
	v14 =	vmul.f32 v14, v45;
	v8 =	vmul.f32 v8, v18  }
0x51f: {  	v43 =	vsub.f32 v43, v44;
	v44 =	vld [tilespmem:s22+$0x16690];
	v63 =	vmul.f32 v48, v5;
	v48 =	vmul.f32 v49, v16  }
0x520: {  	v13 =	vld [tilespmem:s22+$0x12670];
	v5 =	vmul.f32 v49, v5;
	v49 =	vmul.f32 v51, v20  }
0x521: {  	v11 =	vld [tilespmem:s22+$0x14670];
	v20 =	vmul.f32 v52, v20;
	v51 =	vmul.f32 v55, v25  }
0x522: {  	v39 =	vld [tilespmem:s22+$0x16710];
	v52 =	vmul.f32 v55, v53;
	v53 =	vmul.f32 v56, v53  }
0x523: {  	v7 =	vadd.f32 v9, v7;
	v38 =	vld [tilespmem:s22+$0x16750];
	v25 =	vmul.f32 v56, v25;
	v55 =	vmul.f32 v59, v58  }
0x524: {  	v16 =	vld [tilespmem:s22+$0x166C0];
	v56 =	vmul.f32 v32, v58;
	v8 =	vadd.f32 v8, v14;
	v12 =	vsub.f32 v63, v48  }
0x525: {  	v58 =	vmul.f32 v35, v34;
	v5 =	vadd.f32 v5, v17;
	v9 =	vsub.f32 v49, v50;
	v48 =	vld [tilespmem:s22+$0x12730]  }
0x526: {  	v10 =	vmul.f32 v10, v23;
	v20 =	vadd.f32 v20, v22;
	v15 =	vsub.f32 v51, v53;
	v49 =	vld [tilespmem:s22+$0x12770]  }
0x527: {  	v24 =	vadd.f32 v25, v52;
	v63 =	vmul.f32 v43, v41;
	v50 =	vmul.f32 v47, v46;
	v51 =	vld [tilespmem:s22+$0x14730]  }
0x528: {  	v27 =	vadd.f32 v29, v55;
	v52 =	vmul.f32 v47, v13;
	v53 =	vld [tilespmem:s22+$0x14770];
	v13 =	vmul.f32 v11, v13  }
0x529: {  	v22 =	vsub.f32 v60, v62;
	v11 =	vmul.f32 v11, v46;
	v60 =	vld [tilespmem:s22+$0x166E0];
	v62 =	vmul.f32 v30, v28  }
0x52a: {  	v41 =	vld [tilespmem:s22+$0x16760];
	v6 =	vadd.f32 v6, v63;
	v55 =	vmul.f32 v12, v44;
	v5 =	vmul.f32 v5, v21  }
0x52b: {  	v46 =	vld [tilespmem:s22+$0x16670];
	v13 =	vsub.f32 v50, v13;
	v42 =	vmul.f32 v15, v39;
	v43 =	vmul.f32 v24, v38;
	v54, _, _ =	vpop (xrf2)  }
0x52c: {  	v11 =	vadd.f32 v11, v52;
	v63 =	vld [tilespmem:s22+$0x16720];
	v7 =	vmul.f32 v7, v16;
	[tilespmem:s22+$0x18780] =	vst v54;
	v54 =	vmul.f32 v59, v57  }
0x52d: {  	v44 =	vld [tilespmem:s22+$0x16630];
	v57 =	vmul.f32 v35, v33;
	v59 =	vmul.f32 v36, v34;
	v6 =	vadd.f32 v8, v6  }
0x52e: {  	v35 =	vld [tilespmem:s22+$0x16700];
	v33 =	vmul.f32 v36, v33;
	v5 =	vadd.f32 v5, v55;
	v14 =	vadd.f32 v43, v42  }
0x52f: {  	v34 =	vld [tilespmem:s22+$0x16740];
	v7 =	vadd.f32 v7, v10;
	v45 =	vmul.f32 v51, v48;
	v29 =	vmul.f32 v51, v49  }
0x530: {  	v47 =	vmul.f32 v53, v49;
	v48 =	vmul.f32 v53, v48;
	v49 =	vld [tilespmem:s22+$0x166B0];
	v19 =	vsub.f32 v54, v56  }
0x531: {  	v11 =	vmul.f32 v11, v46;
	v17 =	vsub.f32 v57, v59;
	v32 =	vadd.f32 v33, v58;
	v54 =	vld [tilespmem:s22+$0x16620]  }
0x532: {  	v33 =	vadd.f32 v37, v61;
	v56 =	vld [tilespmem:s22+$0x16660];
	v58 =	vmul.f32 v31, v28;
	v61 =	vmul.f32 v30, v26  }
0x533: {  	v57 =	vld [tilespmem:s22+$0x166A0];
	v59 =	vmul.f32 v31, v26;
	v5 =	vadd.f32 v5, v7;
	v55 =	vmul.f32 v22, v63  }
0x534: {  	v50 =	vld [tilespmem:s22+$0x166F0];
	v13 =	vmul.f32 v13, v44;
	v8 =	vsub.f32 v58, v61;
	v51 =	vmul.f32 v32, v60  }
0x535: {  	v52 =	vld [tilespmem:s22+$0x16730];
	v21 =	vadd.f32 v62, v59;
	v36 =	vmul.f32 v9, v35;
	v37 =	vmul.f32 v20, v34  }
0x536: {  	v53 =	vld [tilespmem:s22+$0x16770];
	v9 =	vsub.f32 v45, v47;
	v11 =	vadd.f32 v11, v13;
	v8 =	vmul.f32 v8, v49  }
0x537: {  	v7 =	vadd.f32 v37, v36;
	v16 =	vmul.f32 v19, v54;
	v12 =	vmul.f32 v27, v56  }
0x538: {  	v10 =	vmul.f32 v17, v57;
	v54 =	vadd.f32 v48, v29;
	v56 =	vmul.f32 v33, v41  }
0x539: {  	v58 =	vmul.f32 v21, v50;
	v7 =	vadd.f32 v14, v7;
	v12 =	vadd.f32 v12, v16  }
0x53a: {  	v9 =	vmul.f32 v9, v52;
	v10 =	vadd.f32 v51, v10;
	v57 =	vadd.f32 v56, v55  }
0x53b: {  	v8 =	vadd.f32 v58, v8;
	v59 =	vmul.f32 v54, v53;
	v6 =	vadd.f32 v12, v6  }
0x53c: {  	v5 =	vadd.f32 v10, v5;
	v7 =	vadd.f32 v57, v7  }
0x53d: {  	v9 =	vadd.f32 v59, v9;
	v6 =	vadd.f32 v11, v6  }
0x53e: {  	v5 =	vadd.f32 v8, v5  }
0x53f: {  	v60 =	vadd.f32 v9, v7;
	(xrf2) =	vadd.scan.msk.f32 $0xffff, v6  }
0x540: {  	(xrf2) =	vadd.scan.msk.f32 $0xffff, v5  }
0x541: {  	(xrf2) =	vadd.scan.msk.f32 $0xffff, v60;
	_ =	sdelay $0x7  }
0x542: {  	v61, _, _ =	vpop (xrf2)  }
0x543: {  	[tilespmem:s22+$0x18600] =	vst v61;
	v62, _, _ =	vpop (xrf2)  }
0x544: {  	[tilespmem:s22+$0x18680] =	vst v62;
	v63, _, _ =	vpop (xrf2)  }
0x545: {  	[tilespmem:s22+$0x18700] =	vst v63  }
0x546: {  	v2 =	vld.idx.msk [tilespmem:v2+s3+$0x0], $0xffff;
	_ =	sdelay $0x3  }
0x547: {  	s20 =	sand.u32 $0x3FFFFFC0, s20  }
0x548: {  	[tilespmem:s20+$0x1A600] =	vst v2  }
0x549: {  	v1 =	vld.idx.msk [tilespmem:v1+s3+$0x0], $0xffff;
	_ =	sdelay $0x4  }
0x54a: {  	[tilespmem:s20+$0x1A610] =	vst v1  }
0x54b: {  	v1 =	vld.idx.msk [tilespmem:v3+s3+$0x0], $0xffff;
	_ =	sdelay $0x4  }
0x54c: {  	[tilespmem:s20+$0x1A620] =	vst v1  }
0x54d: {  	v1 =	vld.idx.msk [tilespmem:v4+s3+$0x0], $0xffff  }
.Ltmp4:
0x54e: {  	_ = 	snop;
	(pc) =	sbr.rel @p0 .LBB2_2-.Ltmp4, $2  }
0x54f: {  	_ =	sdelay $0x2  }
0x550: {  	p1 =	por $0x0, $0x0;
	s21 =	simm.s32 $0x1;
	[tilespmem:s20+$0x1A630] =	vst v1  }
0x551: {  	s19 =	sadd.s32 $0x1, s19  }
0x552: {  	p0 =	sne.s32 s19, s9  }
.Ltmp5:
0x553: {  	_ = 	snop;
	(pc) =	sbr.rel @p0 .LBB2_1-.Ltmp5, $4  }
0x554: {  	[hbm4b:s8+s4] =	stream.linear.scatter [tilespmem:s17], [sflag:$0x6], $0x200, $0x38;
	[tilespmem:$0x1A800] =	vst v63  }
0x555: {  	_ =	swait.ge [sflag:s18], $0x200  }
0x556: {  	[sflag:s18] =	ssyncset.done $0x0  }
0x557: {  	[sflag:s18] =	ssyncadd.s32 $0xFFFFFE00  }
0x558: {  	_ =	sfence.sel $0x180000  }
0x559: {  	[bflag:$0x0] =	sbarrier.arrive $0xFFFF  }
0x55a: {  	_ =	strace $0x90000047  }
0x55b: {  	s0 =	stileid.u32;
	[bflag:$0x2] =	sbarrier.arrive $0xFFFF  }
0x55c: {  	p0 =	sne.s32 s0, $0x0;
	s0 =	rddreg [dreg:$0x6]  }
0x55d: {  	s0 =	sadd.s32 @!p0 $0x100000, s0  }
0x55e: {  	[sflag:s0] =	ssyncadd.tile.s32 @!p0 $0x1;
	_ =	shalt  }
.Lfunc_end2:
_tile_overlayer_lowered:
.L_overlay_start_2:
0x55f: {  	(tag) =	ssettag $0x2  }
0x560: {  	s0 =	rddreg [dreg:$0x0];
	s2 =	stileid.u32  }
0x561: {  	s1 =	rddreg [dreg:$0x1];
	p0 =	sne.s32 s2, $0x0  }
0x562: {  	s3 =	rddreg [dreg:$0x2];
	[bflag:$0x3] =	sbarrier.arrive $0xFFFF;
	s2 =	simm.s32 @!p0 $0x1C06  }
0x563: {  	[timem:s3], [sflag:s2] =	dma.local @!p0 [hbm:s0], s1  }
0x564: {  	s0 =	simm.s32 @!p0 $0x6  }
0x565: {  	_ =	swait.ge @!p0 [sflag:s0], s1  }
0x566: {  	s1 =	ssub.s32 @!p0 $0x0, s1;
	[sflag:s0] =	ssyncset.done @!p0 $0x0  }
0x567: {  	[sflag:s0] =	ssyncadd.s32 @!p0 s1  }
0x568: {  	[bflag:$0x3] =	sbarrier.arrive $0xFFFF  }
0x569: {  	_ =	shalt  }

</sc_bundles>
